<compile_context>
chip_gen: v7x
topology: tpu7x:2x2x1
jax: 0.10.2.dev20260603
libtpu: 0.0.44.dev20260713+nightly
codegen_flags: <defaults>
</compile_context>

<pallas_src>
import functools

import jax
import jax.numpy as jnp
from jax import lax
from jax.experimental import pallas as pl
from jax.experimental.pallas import tpu as pltpu
from jax.experimental.pallas import tpu_sc as plsc

_B = 16384
_D = 128
_NPAIRS = 8
_CH = 128
_BB = 2048

_NBUF = 4
_SLICES = (8192, 8192)


@functools.cache
def _make_sc_gather(bsz, soff):
    info = plsc.get_sparse_core_info()
    nc, ns = info.num_cores, info.num_subcores
    nw = nc * ns
    rpw = bsz // nw
    ch = max(c for c in range(8, _CH + 1, 8) if rpw % c == 0)
    nch = rpw // ch
    nk = _NPAIRS * nch
    mesh = plsc.VectorSubcoreMesh(core_axis_name="c", subcore_axis_name="s")

    @functools.partial(
        pl.kernel,
        mesh=mesh,
        out_type=jax.ShapeDtypeStruct((_NPAIRS, bsz, _D), jnp.float32),
        scratch_types=[
            pltpu.VMEM((_NPAIRS, rpw), jnp.int32),
            *[pltpu.VMEM((ch, _D), jnp.float32) for _ in range(_NBUF)],
            pltpu.SemaphoreType.DMA,
            pltpu.SemaphoreType.DMA,
            pltpu.SemaphoreType.DMA,
        ],
    )
    def _sc_gather(e0, e1, e2, e3, i0, i1, i2, i3, i4, i5, i6, i7,
                   out_hbm, idx_slab, *bufs_sems):
        rows = bufs_sems[:_NBUF]
        isem, gsem, wsem = bufs_sems[_NBUF:_NBUF + 3]
        tables = [e0, e1, e2, e3]
        idxs = [i0, i1, i2, i3, i4, i5, i6, i7]
        wid = lax.axis_index("s") * nc + lax.axis_index("c")
        base = wid * rpw
        ih = [pltpu.async_copy(idxs[j].at[pl.ds(soff + base, rpw)],
                               idx_slab.at[j], isem)
              for j in range(_NPAIRS)]
        for h in ih:
            h.wait()

        gh, wh = {}, {}

        def start_g(k):
            j, c = divmod(k, nch)
            gh[k] = pltpu.async_copy(
                tables[j % 4].at[idx_slab.at[j, pl.ds(c * ch, ch)]],
                rows[k % _NBUF], gsem)

        def start_w(k):
            j, c = divmod(k, nch)
            wh[k] = pltpu.async_copy(
                rows[k % _NBUF], out_hbm.at[j, pl.ds(base + c * ch, ch)],
                wsem)

        waited = set()
        for k in range(_NBUF - 1):
            start_g(k)
        for k in range(nk):
            gh[k].wait()
            start_w(k)
            nxt = k + _NBUF - 1
            if nxt < nk:
                free = nxt - _NBUF
                if free >= 0:
                    wh[free].wait()
                    waited.add(free)
                start_g(nxt)
        for k in range(nk):
            if k not in waited:
                wh[k].wait()

    return _sc_gather


def _tc_body(g_ref, w1sd_ref, w1sim_ref, b1_ref, w2_ref, b2_ref, w3_ref,
             b3_ref, out_ref):
    eps2 = 1e-16
    f32 = jnp.float32
    mm = lambda a, b: lax.dot_general(
        a, b, (((1,), (0,)), ((), ())),
        preferred_element_type=f32, precision=lax.Precision.DEFAULT)
    acc = b1_ref[...] + jnp.zeros((_BB, 64), f32)
    for f in range(4):
        s = g_ref[f]
        d = g_ref[4 + f]
        acc = acc + mm(s, w1sd_ref[f]) + mm(d, w1sd_ref[4 + f])
        sd = jnp.sum(s * d, axis=1, keepdims=True)
        ss = jnp.sum(s * s, axis=1, keepdims=True)
        dd = jnp.sum(d * d, axis=1, keepdims=True)
        sim = sd * lax.rsqrt(jnp.maximum(ss, eps2) * jnp.maximum(dd, eps2))
        acc = acc + sim * w1sim_ref[f]
    h1 = jnp.maximum(acc, 0.0)
    h2 = jnp.maximum(mm(h1, w2_ref[...]) + b2_ref[...], 0.0)
    z = mm(h2, w3_ref[...]) + b3_ref[...]
    out_ref[...] = jax.nn.sigmoid(z)


def _tc_head(g, w1sd, w1sim, b1r, w2, b2r, w3, b3r, bsz):
    grid = (bsz // _BB,)
    full = lambda shape: pl.BlockSpec(shape, lambda i: (0,) * len(shape))
    return pl.pallas_call(
        _tc_body,
        grid=grid,
        in_specs=[
            pl.BlockSpec((_NPAIRS, _BB, _D), lambda i: (0, i, 0)),
            full((_NPAIRS, _D, 64)),
            full((4, 1, 64)),
            full((1, 64)),
            full((64, 32)),
            full((1, 32)),
            full((32, 1)),
            full((1, 1)),
        ],
        out_specs=pl.BlockSpec((_BB, 1), lambda i: (i, 0)),
        out_shape=jax.ShapeDtypeStruct((bsz, 1), jnp.float32),
    )(g, w1sd, w1sim, b1r, w2, b2r, w3, b3r)


def kernel(src_f0, dst_f0, emb_f0, src_f1, dst_f1, emb_f1,
           src_f2, dst_f2, emb_f2, src_f3, dst_f3, emb_f3,
           W1, b1, W2, b2, W3, b3):
    idxs = [i.astype(jnp.int32)
            for i in (src_f0, src_f1, src_f2, src_f3,
                      dst_f0, dst_f1, dst_f2, dst_f3)]
    w1sd = W1[:1024].reshape(_NPAIRS, _D, 64)
    w1sim = W1[1024:1028].reshape(4, 1, 64)
    offs = [sum(_SLICES[:s]) for s in range(len(_SLICES))]
    gs = [_make_sc_gather(bsz, soff)(emb_f0, emb_f1, emb_f2, emb_f3, *idxs)
          for bsz, soff in zip(_SLICES, offs)]
    outs = [_tc_head(g, w1sd, w1sim, b1.reshape(1, 64), W2,
                     b2.reshape(1, 32), W3, b3.reshape(1, 1), bsz)
            for g, bsz in zip(gs, _SLICES)]
    return jnp.concatenate(outs, axis=0).reshape(_B)

# --- scband reference (transcript-rebuilt; emitter-appended) ---
"""Pipeline reference for scband-categorical-embedding-model-6124623364553 (READ-ONLY COPY).

The authoritative reference and input builder live on the scoring server;
editing this copy changes nothing except your own understanding.
"""

import jax, jax.numpy as jnp
import numpy as np

FEATS = ["f0", "f1", "f2", "f3"]
VOCAB = 100000
DIM = 128
BATCH = 16384
TOTAL = len(FEATS) * DIM * 2 + len(FEATS)


def setup_inputs(seed: int = 0):
    key = jax.random.key(seed)
    ks = jax.random.split(key, 40)
    inp = {}
    i = 0
    for f in FEATS:
        inp["src_" + f] = jax.random.randint(ks[i], (BATCH,), 0, VOCAB)
        i += 1
        inp["dst_" + f] = jax.random.randint(ks[i], (BATCH,), 0, VOCAB)
        i += 1
        inp["emb_" + f] = jax.random.normal(ks[i], (VOCAB, DIM), dtype=jnp.float32) * 0.02
        i += 1
    inp["W1"] = jax.random.normal(ks[i], (TOTAL, 64), dtype=jnp.float32) / np.sqrt(TOTAL)
    i += 1
    inp["b1"] = jnp.zeros((64,), dtype=jnp.float32)
    inp["W2"] = jax.random.normal(ks[i], (64, 32), dtype=jnp.float32) / 8.0
    i += 1
    inp["b2"] = jnp.zeros((32,), dtype=jnp.float32)
    inp["W3"] = jax.random.normal(ks[i], (32, 1), dtype=jnp.float32) / np.sqrt(32.0)
    i += 1
    inp["b3"] = jnp.zeros((1,), dtype=jnp.float32)
    return inp


def _forward(embs, idx_s, idx_d, W1, b1, W2, b2, W3, b3):
    eps = 1e-8
    src_embs = []
    dst_embs = []
    sims = []
    for e, si, di in zip(embs, idx_s, idx_d):
        s = jnp.take(e, si, axis=0)
        d = jnp.take(e, di, axis=0)
        src_embs.append(s)
        dst_embs.append(d)
        sn = jnp.maximum(jnp.sqrt(jnp.sum(s * s, axis=1)), eps)
        dn = jnp.maximum(jnp.sqrt(jnp.sum(d * d, axis=1)), eps)
        sims.append((jnp.sum(s * d, axis=1) / (sn * dn))[:, None])
    feats = jnp.concatenate(src_embs + dst_embs + sims, axis=1)
    h = jnp.maximum(feats @ W1 + b1, 0.0)
    h = jnp.maximum(h @ W2 + b2, 0.0)
    return jax.nn.sigmoid(h @ W3 + b3).squeeze()


def reference(src_f0, dst_f0, emb_f0, src_f1, dst_f1, emb_f1,
              src_f2, dst_f2, emb_f2, src_f3, dst_f3, emb_f3,
              W1, b1, W2, b2, W3, b3):
    kw = {
        "src_f0": src_f0, "dst_f0": dst_f0, "emb_f0": emb_f0,
        "src_f1": src_f1, "dst_f1": dst_f1, "emb_f1": emb_f1,
        "src_f2": src_f2, "dst_f2": dst_f2, "emb_f2": emb_f2,
        "src_f3": src_f3, "dst_f3": dst_f3, "emb_f3": emb_f3,
    }
    embs = [kw["emb_" + f] for f in FEATS]
    idx_s = [kw["src_" + f] for f in FEATS]
    idx_d = [kw["dst_" + f] for f in FEATS]
    return _forward(embs, idx_s, idx_d, W1, b1, W2, b2, W3, b3)

if __name__ == "__main__":
    import jax
    _d = setup_inputs()
    print(jax.jit(kernel)(*tuple(_d.values())))

</pallas_src>

<mosaic_0001>
#map = affine_map<(d0, d1) -> (0, 0)>
#map1 = affine_map<(d0, d1) -> (0)>
#map2 = affine_map<(d0, d1) -> (0, 0, 0)>
module attributes {stable_mosaic.version = 14 : i64} {
  func.func @_sc_gather(%arg0: i32, %arg1: i32, %arg2: memref<100000x128xf32, #tpu.memory_space<hbm>>, %arg3: memref<100000x128xf32, #tpu.memory_space<hbm>>, %arg4: memref<100000x128xf32, #tpu.memory_space<hbm>>, %arg5: memref<100000x128xf32, #tpu.memory_space<hbm>>, %arg6: memref<16384xi32, #tpu.memory_space<hbm>>, %arg7: memref<16384xi32, #tpu.memory_space<hbm>>, %arg8: memref<16384xi32, #tpu.memory_space<hbm>>, %arg9: memref<16384xi32, #tpu.memory_space<hbm>>, %arg10: memref<16384xi32, #tpu.memory_space<hbm>>, %arg11: memref<16384xi32, #tpu.memory_space<hbm>>, %arg12: memref<16384xi32, #tpu.memory_space<hbm>>, %arg13: memref<16384xi32, #tpu.memory_space<hbm>>, %arg14: memref<8x8192x128xf32, #tpu.memory_space<hbm>>, %arg15: memref<8x256xi32, #tpu.memory_space<vmem>>, %arg16: memref<128x128xf32, #tpu.memory_space<vmem>>, %arg17: memref<128x128xf32, #tpu.memory_space<vmem>>, %arg18: memref<128x128xf32, #tpu.memory_space<vmem>>, %arg19: memref<128x128xf32, #tpu.memory_space<vmem>>, %arg20: memref<!tpu.dma_semaphore, #tpu.memory_space<semaphore_mem>>, %arg21: memref<!tpu.dma_semaphore, #tpu.memory_space<semaphore_mem>>, %arg22: memref<!tpu.dma_semaphore, #tpu.memory_space<semaphore_mem>>) attributes {dimension_semantics = [#tpu.dimension_semantics<core_parallel>, #tpu.dimension_semantics<subcore_parallel>], iteration_bounds = array<i64: 2, 16>, scalar_prefetch = 0 : i64, scratch_operands = 8 : i64, tpu.core_type = #tpu.core_type<sc_vector_subcore>, window_params = [{transform_indices = #map}, {transform_indices = #map}, {transform_indices = #map}, {transform_indices = #map}, {transform_indices = #map1}, {transform_indices = #map1}, {transform_indices = #map1}, {transform_indices = #map1}, {transform_indices = #map1}, {transform_indices = #map1}, {transform_indices = #map1}, {transform_indices = #map1}, {transform_indices = #map2}]} {
    %mul3A = arith.constant 2 : i32
    %mul3A_0 = arith.muli %arg1, %mul3A : i32
    %add3A = arith.addi %mul3A_0, %arg0 : i32
    %mul3A_1 = arith.constant 256 : i32
    %mul3A_2 = arith.muli %add3A, %mul3A_1 : i32
    %add3A_3 = arith.constant 0 : i32
    %add3A_4 = arith.addi %add3A_3, %mul3A_2 : i32
    %dma_start3A = arith.constant 0 : i32
    %dma_start3A_5 = arith.constant 0 : i32
    %dma_start3A_6 = tpu.memref_slice %arg15[%dma_start3A, %dma_start3A_5] : memref<8x256xi32, #tpu.memory_space<vmem>> -> memref<1x256xi32, #tpu.memory_space<vmem>>
    %dma_start3A_7 = tpu.memref_squeeze %dma_start3A_6 : memref<1x256xi32, #tpu.memory_space<vmem>> -> memref<256xi32, #tpu.memory_space<vmem>>
    %dma_start3A_8 = tpu.memref_slice %arg6[%add3A_4] : memref<16384xi32, #tpu.memory_space<hbm>> -> memref<256xi32, #tpu.memory_space<hbm>>
    %dma_start3A_9 = arith.constant 0 : i32
    %dma_start3A_10 = tpu.memref_slice %arg15[%dma_start3A, %dma_start3A_9] : memref<8x256xi32, #tpu.memory_space<vmem>> -> memref<1x256xi32, #tpu.memory_space<vmem>>
    %dma_start3A_11 = tpu.memref_squeeze %dma_start3A_10 : memref<1x256xi32, #tpu.memory_space<vmem>> -> memref<256xi32, #tpu.memory_space<vmem>>
    %dma_start3A_12 = tpu.memref_slice %arg6[%add3A_4] : memref<16384xi32, #tpu.memory_space<hbm>> -> memref<256xi32, #tpu.memory_space<hbm>>
    tpu.enqueue_dma source(%dma_start3A_12 : memref<256xi32, #tpu.memory_space<hbm>>) target(%dma_start3A_11 : memref<256xi32, #tpu.memory_space<vmem>>) target_semaphore(%arg20 : memref<!tpu.dma_semaphore, #tpu.memory_space<semaphore_mem>>)
    %add3A_13 = arith.constant 0 : i32
    %add3A_14 = arith.addi %add3A_13, %mul3A_2 : i32
    %dma_start3A_15 = arith.constant 1 : i32
    %dma_start3A_16 = arith.constant 0 : i32
    %dma_start3A_17 = tpu.memref_slice %arg15[%dma_start3A_15, %dma_start3A_16] : memref<8x256xi32, #tpu.memory_space<vmem>> -> memref<1x256xi32, #tpu.memory_space<vmem>>
    %dma_start3A_18 = tpu.memref_squeeze %dma_start3A_17 : memref<1x256xi32, #tpu.memory_space<vmem>> -> memref<256xi32, #tpu.memory_space<vmem>>
    %dma_start3A_19 = tpu.memref_slice %arg7[%add3A_14] : memref<16384xi32, #tpu.memory_space<hbm>> -> memref<256xi32, #tpu.memory_space<hbm>>
    %dma_start3A_20 = arith.constant 0 : i32
    %dma_start3A_21 = tpu.memref_slice %arg15[%dma_start3A_15, %dma_start3A_20] : memref<8x256xi32, #tpu.memory_space<vmem>> -> memref<1x256xi32, #tpu.memory_space<vmem>>
    %dma_start3A_22 = tpu.memref_squeeze %dma_start3A_21 : memref<1x256xi32, #tpu.memory_space<vmem>> -> memref<256xi32, #tpu.memory_space<vmem>>
    %dma_start3A_23 = tpu.memref_slice %arg7[%add3A_14] : memref<16384xi32, #tpu.memory_space<hbm>> -> memref<256xi32, #tpu.memory_space<hbm>>
    tpu.enqueue_dma source(%dma_start3A_23 : memref<256xi32, #tpu.memory_space<hbm>>) target(%dma_start3A_22 : memref<256xi32, #tpu.memory_space<vmem>>) target_semaphore(%arg20 : memref<!tpu.dma_semaphore, #tpu.memory_space<semaphore_mem>>)
    %add3A_24 = arith.constant 0 : i32
    %add3A_25 = arith.addi %add3A_24, %mul3A_2 : i32
    %dma_start3A_26 = arith.constant 2 : i32
    %dma_start3A_27 = arith.constant 0 : i32
    %dma_start3A_28 = tpu.memref_slice %arg15[%dma_start3A_26, %dma_start3A_27] : memref<8x256xi32, #tpu.memory_space<vmem>> -> memref<1x256xi32, #tpu.memory_space<vmem>>
    %dma_start3A_29 = tpu.memref_squeeze %dma_start3A_28 : memref<1x256xi32, #tpu.memory_space<vmem>> -> memref<256xi32, #tpu.memory_space<vmem>>
    %dma_start3A_30 = tpu.memref_slice %arg8[%add3A_25] : memref<16384xi32, #tpu.memory_space<hbm>> -> memref<256xi32, #tpu.memory_space<hbm>>
    %dma_start3A_31 = arith.constant 0 : i32
    %dma_start3A_32 = tpu.memref_slice %arg15[%dma_start3A_26, %dma_start3A_31] : memref<8x256xi32, #tpu.memory_space<vmem>> -> memref<1x256xi32, #tpu.memory_space<vmem>>
    %dma_start3A_33 = tpu.memref_squeeze %dma_start3A_32 : memref<1x256xi32, #tpu.memory_space<vmem>> -> memref<256xi32, #tpu.memory_space<vmem>>
    %dma_start3A_34 = tpu.memref_slice %arg8[%add3A_25] : memref<16384xi32, #tpu.memory_space<hbm>> -> memref<256xi32, #tpu.memory_space<hbm>>
    tpu.enqueue_dma source(%dma_start3A_34 : memref<256xi32, #tpu.memory_space<hbm>>) target(%dma_start3A_33 : memref<256xi32, #tpu.memory_space<vmem>>) target_semaphore(%arg20 : memref<!tpu.dma_semaphore, #tpu.memory_space<semaphore_mem>>)
    %add3A_35 = arith.constant 0 : i32
    %add3A_36 = arith.addi %add3A_35, %mul3A_2 : i32
    %dma_start3A_37 = arith.constant 3 : i32
    %dma_start3A_38 = arith.constant 0 : i32
    %dma_start3A_39 = tpu.memref_slice %arg15[%dma_start3A_37, %dma_start3A_38] : memref<8x256xi32, #tpu.memory_space<vmem>> -> memref<1x256xi32, #tpu.memory_space<vmem>>
    %dma_start3A_40 = tpu.memref_squeeze %dma_start3A_39 : memref<1x256xi32, #tpu.memory_space<vmem>> -> memref<256xi32, #tpu.memory_space<vmem>>
    %dma_start3A_41 = tpu.memref_slice %arg9[%add3A_36] : memref<16384xi32, #tpu.memory_space<hbm>> -> memref<256xi32, #tpu.memory_space<hbm>>
    %dma_start3A_42 = arith.constant 0 : i32
    %dma_start3A_43 = tpu.memref_slice %arg15[%dma_start3A_37, %dma_start3A_42] : memref<8x256xi32, #tpu.memory_space<vmem>> -> memref<1x256xi32, #tpu.memory_space<vmem>>
    %dma_start3A_44 = tpu.memref_squeeze %dma_start3A_43 : memref<1x256xi32, #tpu.memory_space<vmem>> -> memref<256xi32, #tpu.memory_space<vmem>>
    %dma_start3A_45 = tpu.memref_slice %arg9[%add3A_36] : memref<16384xi32, #tpu.memory_space<hbm>> -> memref<256xi32, #tpu.memory_space<hbm>>
    tpu.enqueue_dma source(%dma_start3A_45 : memref<256xi32, #tpu.memory_space<hbm>>) target(%dma_start3A_44 : memref<256xi32, #tpu.memory_space<vmem>>) target_semaphore(%arg20 : memref<!tpu.dma_semaphore, #tpu.memory_space<semaphore_mem>>)
    %add3A_46 = arith.constant 0 : i32
    %add3A_47 = arith.addi %add3A_46, %mul3A_2 : i32
    %dma_start3A_48 = arith.constant 4 : i32
    %dma_start3A_49 = arith.constant 0 : i32
    %dma_start3A_50 = tpu.memref_slice %arg15[%dma_start3A_48, %dma_start3A_49] : memref<8x256xi32, #tpu.memory_space<vmem>> -> memref<1x256xi32, #tpu.memory_space<vmem>>
    %dma_start3A_51 = tpu.memref_squeeze %dma_start3A_50 : memref<1x256xi32, #tpu.memory_space<vmem>> -> memref<256xi32, #tpu.memory_space<vmem>>
    %dma_start3A_52 = tpu.memref_slice %arg10[%add3A_47] : memref<16384xi32, #tpu.memory_space<hbm>> -> memref<256xi32, #tpu.memory_space<hbm>>
    %dma_start3A_53 = arith.constant 0 : i32
    %dma_start3A_54 = tpu.memref_slice %arg15[%dma_start3A_48, %dma_start3A_53] : memref<8x256xi32, #tpu.memory_space<vmem>> -> memref<1x256xi32, #tpu.memory_space<vmem>>
    %dma_start3A_55 = tpu.memref_squeeze %dma_start3A_54 : memref<1x256xi32, #tpu.memory_space<vmem>> -> memref<256xi32, #tpu.memory_space<vmem>>
    %dma_start3A_56 = tpu.memref_slice %arg10[%add3A_47] : memref<16384xi32, #tpu.memory_space<hbm>> -> memref<256xi32, #tpu.memory_space<hbm>>
    tpu.enqueue_dma source(%dma_start3A_56 : memref<256xi32, #tpu.memory_space<hbm>>) target(%dma_start3A_55 : memref<256xi32, #tpu.memory_space<vmem>>) target_semaphore(%arg20 : memref<!tpu.dma_semaphore, #tpu.memory_space<semaphore_mem>>)
    %add3A_57 = arith.constant 0 : i32
    %add3A_58 = arith.addi %add3A_57, %mul3A_2 : i32
    %dma_start3A_59 = arith.constant 5 : i32
    %dma_start3A_60 = arith.constant 0 : i32
    %dma_start3A_61 = tpu.memref_slice %arg15[%dma_start3A_59, %dma_start3A_60] : memref<8x256xi32, #tpu.memory_space<vmem>> -> memref<1x256xi32, #tpu.memory_space<vmem>>
    %dma_start3A_62 = tpu.memref_squeeze %dma_start3A_61 : memref<1x256xi32, #tpu.memory_space<vmem>> -> memref<256xi32, #tpu.memory_space<vmem>>
    %dma_start3A_63 = tpu.memref_slice %arg11[%add3A_58] : memref<16384xi32, #tpu.memory_space<hbm>> -> memref<256xi32, #tpu.memory_space<hbm>>
    %dma_start3A_64 = arith.constant 0 : i32
    %dma_start3A_65 = tpu.memref_slice %arg15[%dma_start3A_59, %dma_start3A_64] : memref<8x256xi32, #tpu.memory_space<vmem>> -> memref<1x256xi32, #tpu.memory_space<vmem>>
    %dma_start3A_66 = tpu.memref_squeeze %dma_start3A_65 : memref<1x256xi32, #tpu.memory_space<vmem>> -> memref<256xi32, #tpu.memory_space<vmem>>
    %dma_start3A_67 = tpu.memref_slice %arg11[%add3A_58] : memref<16384xi32, #tpu.memory_space<hbm>> -> memref<256xi32, #tpu.memory_space<hbm>>
    tpu.enqueue_dma source(%dma_start3A_67 : memref<256xi32, #tpu.memory_space<hbm>>) target(%dma_start3A_66 : memref<256xi32, #tpu.memory_space<vmem>>) target_semaphore(%arg20 : memref<!tpu.dma_semaphore, #tpu.memory_space<semaphore_mem>>)
    %add3A_68 = arith.constant 0 : i32
    %add3A_69 = arith.addi %add3A_68, %mul3A_2 : i32
    %dma_start3A_70 = arith.constant 6 : i32
    %dma_start3A_71 = arith.constant 0 : i32
    %dma_start3A_72 = tpu.memref_slice %arg15[%dma_start3A_70, %dma_start3A_71] : memref<8x256xi32, #tpu.memory_space<vmem>> -> memref<1x256xi32, #tpu.memory_space<vmem>>
    %dma_start3A_73 = tpu.memref_squeeze %dma_start3A_72 : memref<1x256xi32, #tpu.memory_space<vmem>> -> memref<256xi32, #tpu.memory_space<vmem>>
    %dma_start3A_74 = tpu.memref_slice %arg12[%add3A_69] : memref<16384xi32, #tpu.memory_space<hbm>> -> memref<256xi32, #tpu.memory_space<hbm>>
    %dma_start3A_75 = arith.constant 0 : i32
    %dma_start3A_76 = tpu.memref_slice %arg15[%dma_start3A_70, %dma_start3A_75] : memref<8x256xi32, #tpu.memory_space<vmem>> -> memref<1x256xi32, #tpu.memory_space<vmem>>
    %dma_start3A_77 = tpu.memref_squeeze %dma_start3A_76 : memref<1x256xi32, #tpu.memory_space<vmem>> -> memref<256xi32, #tpu.memory_space<vmem>>
    %dma_start3A_78 = tpu.memref_slice %arg12[%add3A_69] : memref<16384xi32, #tpu.memory_space<hbm>> -> memref<256xi32, #tpu.memory_space<hbm>>
    tpu.enqueue_dma source(%dma_start3A_78 : memref<256xi32, #tpu.memory_space<hbm>>) target(%dma_start3A_77 : memref<256xi32, #tpu.memory_space<vmem>>) target_semaphore(%arg20 : memref<!tpu.dma_semaphore, #tpu.memory_space<semaphore_mem>>)
    %add3A_79 = arith.constant 0 : i32
    %add3A_80 = arith.addi %add3A_79, %mul3A_2 : i32
    %dma_start3A_81 = arith.constant 7 : i32
    %dma_start3A_82 = arith.constant 0 : i32
    %dma_start3A_83 = tpu.memref_slice %arg15[%dma_start3A_81, %dma_start3A_82] : memref<8x256xi32, #tpu.memory_space<vmem>> -> memref<1x256xi32, #tpu.memory_space<vmem>>
    %dma_start3A_84 = tpu.memref_squeeze %dma_start3A_83 : memref<1x256xi32, #tpu.memory_space<vmem>> -> memref<256xi32, #tpu.memory_space<vmem>>
    %dma_start3A_85 = tpu.memref_slice %arg13[%add3A_80] : memref<16384xi32, #tpu.memory_space<hbm>> -> memref<256xi32, #tpu.memory_space<hbm>>
    %dma_start3A_86 = arith.constant 0 : i32
    %dma_start3A_87 = tpu.memref_slice %arg15[%dma_start3A_81, %dma_start3A_86] : memref<8x256xi32, #tpu.memory_space<vmem>> -> memref<1x256xi32, #tpu.memory_space<vmem>>
    %dma_start3A_88 = tpu.memref_squeeze %dma_start3A_87 : memref<1x256xi32, #tpu.memory_space<vmem>> -> memref<256xi32, #tpu.memory_space<vmem>>
    %dma_start3A_89 = tpu.memref_slice %arg13[%add3A_80] : memref<16384xi32, #tpu.memory_space<hbm>> -> memref<256xi32, #tpu.memory_space<hbm>>
    tpu.enqueue_dma source(%dma_start3A_89 : memref<256xi32, #tpu.memory_space<hbm>>) target(%dma_start3A_88 : memref<256xi32, #tpu.memory_space<vmem>>) target_semaphore(%arg20 : memref<!tpu.dma_semaphore, #tpu.memory_space<semaphore_mem>>)
    %dma_wait3A = arith.constant 0 : i32
    %dma_wait3A_90 = arith.constant 0 : i32
    %dma_wait3A_91 = tpu.memref_slice %arg15[%dma_wait3A, %dma_wait3A_90] : memref<8x256xi32, #tpu.memory_space<vmem>> -> memref<1x256xi32, #tpu.memory_space<vmem>>
    %dma_wait3A_92 = tpu.memref_squeeze %dma_wait3A_91 : memref<1x256xi32, #tpu.memory_space<vmem>> -> memref<256xi32, #tpu.memory_space<vmem>>
    %dma_wait3A_93 = tpu.memref_slice %arg6[%add3A_4] : memref<16384xi32, #tpu.memory_space<hbm>> -> memref<256xi32, #tpu.memory_space<hbm>>
    %dma_wait3A_94 = arith.constant 0 : i32
    %dma_wait3A_95 = tpu.memref_slice %arg15[%dma_wait3A, %dma_wait3A_94] : memref<8x256xi32, #tpu.memory_space<vmem>> -> memref<1x256xi32, #tpu.memory_space<vmem>>
    %dma_wait3A_96 = tpu.memref_squeeze %dma_wait3A_95 : memref<1x256xi32, #tpu.memory_space<vmem>> -> memref<256xi32, #tpu.memory_space<vmem>>
    %dma_wait3A_97 = tpu.memref_slice %arg6[%add3A_4] : memref<16384xi32, #tpu.memory_space<hbm>> -> memref<256xi32, #tpu.memory_space<hbm>>
    tpu.wait_dma2 semaphore(%arg20 : memref<!tpu.dma_semaphore, #tpu.memory_space<semaphore_mem>>) src(%dma_wait3A_97 : memref<256xi32, #tpu.memory_space<hbm>>) dst(%dma_wait3A_96 : memref<256xi32, #tpu.memory_space<vmem>>)
    %dma_wait3A_98 = arith.constant 1 : i32
    %dma_wait3A_99 = arith.constant 0 : i32
    %dma_wait3A_100 = tpu.memref_slice %arg15[%dma_wait3A_98, %dma_wait3A_99] : memref<8x256xi32, #tpu.memory_space<vmem>> -> memref<1x256xi32, #tpu.memory_space<vmem>>
    %dma_wait3A_101 = tpu.memref_squeeze %dma_wait3A_100 : memref<1x256xi32, #tpu.memory_space<vmem>> -> memref<256xi32, #tpu.memory_space<vmem>>
    %dma_wait3A_102 = tpu.memref_slice %arg7[%add3A_14] : memref<16384xi32, #tpu.memory_space<hbm>> -> memref<256xi32, #tpu.memory_space<hbm>>
    %dma_wait3A_103 = arith.constant 0 : i32
    %dma_wait3A_104 = tpu.memref_slice %arg15[%dma_wait3A_98, %dma_wait3A_103] : memref<8x256xi32, #tpu.memory_space<vmem>> -> memref<1x256xi32, #tpu.memory_space<vmem>>
    %dma_wait3A_105 = tpu.memref_squeeze %dma_wait3A_104 : memref<1x256xi32, #tpu.memory_space<vmem>> -> memref<256xi32, #tpu.memory_space<vmem>>
    %dma_wait3A_106 = tpu.memref_slice %arg7[%add3A_14] : memref<16384xi32, #tpu.memory_space<hbm>> -> memref<256xi32, #tpu.memory_space<hbm>>
    tpu.wait_dma2 semaphore(%arg20 : memref<!tpu.dma_semaphore, #tpu.memory_space<semaphore_mem>>) src(%dma_wait3A_106 : memref<256xi32, #tpu.memory_space<hbm>>) dst(%dma_wait3A_105 : memref<256xi32, #tpu.memory_space<vmem>>)
    %dma_wait3A_107 = arith.constant 2 : i32
    %dma_wait3A_108 = arith.constant 0 : i32
    %dma_wait3A_109 = tpu.memref_slice %arg15[%dma_wait3A_107, %dma_wait3A_108] : memref<8x256xi32, #tpu.memory_space<vmem>> -> memref<1x256xi32, #tpu.memory_space<vmem>>
    %dma_wait3A_110 = tpu.memref_squeeze %dma_wait3A_109 : memref<1x256xi32, #tpu.memory_space<vmem>> -> memref<256xi32, #tpu.memory_space<vmem>>
    %dma_wait3A_111 = tpu.memref_slice %arg8[%add3A_25] : memref<16384xi32, #tpu.memory_space<hbm>> -> memref<256xi32, #tpu.memory_space<hbm>>
    %dma_wait3A_112 = arith.constant 0 : i32
    %dma_wait3A_113 = tpu.memref_slice %arg15[%dma_wait3A_107, %dma_wait3A_112] : memref<8x256xi32, #tpu.memory_space<vmem>> -> memref<1x256xi32, #tpu.memory_space<vmem>>
    %dma_wait3A_114 = tpu.memref_squeeze %dma_wait3A_113 : memref<1x256xi32, #tpu.memory_space<vmem>> -> memref<256xi32, #tpu.memory_space<vmem>>
    %dma_wait3A_115 = tpu.memref_slice %arg8[%add3A_25] : memref<16384xi32, #tpu.memory_space<hbm>> -> memref<256xi32, #tpu.memory_space<hbm>>
    tpu.wait_dma2 semaphore(%arg20 : memref<!tpu.dma_semaphore, #tpu.memory_space<semaphore_mem>>) src(%dma_wait3A_115 : memref<256xi32, #tpu.memory_space<hbm>>) dst(%dma_wait3A_114 : memref<256xi32, #tpu.memory_space<vmem>>)
    %dma_wait3A_116 = arith.constant 3 : i32
    %dma_wait3A_117 = arith.constant 0 : i32
    %dma_wait3A_118 = tpu.memref_slice %arg15[%dma_wait3A_116, %dma_wait3A_117] : memref<8x256xi32, #tpu.memory_space<vmem>> -> memref<1x256xi32, #tpu.memory_space<vmem>>
    %dma_wait3A_119 = tpu.memref_squeeze %dma_wait3A_118 : memref<1x256xi32, #tpu.memory_space<vmem>> -> memref<256xi32, #tpu.memory_space<vmem>>
    %dma_wait3A_120 = tpu.memref_slice %arg9[%add3A_36] : memref<16384xi32, #tpu.memory_space<hbm>> -> memref<256xi32, #tpu.memory_space<hbm>>
    %dma_wait3A_121 = arith.constant 0 : i32
    %dma_wait3A_122 = tpu.memref_slice %arg15[%dma_wait3A_116, %dma_wait3A_121] : memref<8x256xi32, #tpu.memory_space<vmem>> -> memref<1x256xi32, #tpu.memory_space<vmem>>
    %dma_wait3A_123 = tpu.memref_squeeze %dma_wait3A_122 : memref<1x256xi32, #tpu.memory_space<vmem>> -> memref<256xi32, #tpu.memory_space<vmem>>
    %dma_wait3A_124 = tpu.memref_slice %arg9[%add3A_36] : memref<16384xi32, #tpu.memory_space<hbm>> -> memref<256xi32, #tpu.memory_space<hbm>>
    tpu.wait_dma2 semaphore(%arg20 : memref<!tpu.dma_semaphore, #tpu.memory_space<semaphore_mem>>) src(%dma_wait3A_124 : memref<256xi32, #tpu.memory_space<hbm>>) dst(%dma_wait3A_123 : memref<256xi32, #tpu.memory_space<vmem>>)
    %dma_wait3A_125 = arith.constant 4 : i32
    %dma_wait3A_126 = arith.constant 0 : i32
    %dma_wait3A_127 = tpu.memref_slice %arg15[%dma_wait3A_125, %dma_wait3A_126] : memref<8x256xi32, #tpu.memory_space<vmem>> -> memref<1x256xi32, #tpu.memory_space<vmem>>
    %dma_wait3A_128 = tpu.memref_squeeze %dma_wait3A_127 : memref<1x256xi32, #tpu.memory_space<vmem>> -> memref<256xi32, #tpu.memory_space<vmem>>
    %dma_wait3A_129 = tpu.memref_slice %arg10[%add3A_47] : memref<16384xi32, #tpu.memory_space<hbm>> -> memref<256xi32, #tpu.memory_space<hbm>>
    %dma_wait3A_130 = arith.constant 0 : i32
    %dma_wait3A_131 = tpu.memref_slice %arg15[%dma_wait3A_125, %dma_wait3A_130] : memref<8x256xi32, #tpu.memory_space<vmem>> -> memref<1x256xi32, #tpu.memory_space<vmem>>
    %dma_wait3A_132 = tpu.memref_squeeze %dma_wait3A_131 : memref<1x256xi32, #tpu.memory_space<vmem>> -> memref<256xi32, #tpu.memory_space<vmem>>
    %dma_wait3A_133 = tpu.memref_slice %arg10[%add3A_47] : memref<16384xi32, #tpu.memory_space<hbm>> -> memref<256xi32, #tpu.memory_space<hbm>>
    tpu.wait_dma2 semaphore(%arg20 : memref<!tpu.dma_semaphore, #tpu.memory_space<semaphore_mem>>) src(%dma_wait3A_133 : memref<256xi32, #tpu.memory_space<hbm>>) dst(%dma_wait3A_132 : memref<256xi32, #tpu.memory_space<vmem>>)
    %dma_wait3A_134 = arith.constant 5 : i32
    %dma_wait3A_135 = arith.constant 0 : i32
    %dma_wait3A_136 = tpu.memref_slice %arg15[%dma_wait3A_134, %dma_wait3A_135] : memref<8x256xi32, #tpu.memory_space<vmem>> -> memref<1x256xi32, #tpu.memory_space<vmem>>
    %dma_wait3A_137 = tpu.memref_squeeze %dma_wait3A_136 : memref<1x256xi32, #tpu.memory_space<vmem>> -> memref<256xi32, #tpu.memory_space<vmem>>
    %dma_wait3A_138 = tpu.memref_slice %arg11[%add3A_58] : memref<16384xi32, #tpu.memory_space<hbm>> -> memref<256xi32, #tpu.memory_space<hbm>>
    %dma_wait3A_139 = arith.constant 0 : i32
    %dma_wait3A_140 = tpu.memref_slice %arg15[%dma_wait3A_134, %dma_wait3A_139] : memref<8x256xi32, #tpu.memory_space<vmem>> -> memref<1x256xi32, #tpu.memory_space<vmem>>
    %dma_wait3A_141 = tpu.memref_squeeze %dma_wait3A_140 : memref<1x256xi32, #tpu.memory_space<vmem>> -> memref<256xi32, #tpu.memory_space<vmem>>
    %dma_wait3A_142 = tpu.memref_slice %arg11[%add3A_58] : memref<16384xi32, #tpu.memory_space<hbm>> -> memref<256xi32, #tpu.memory_space<hbm>>
    tpu.wait_dma2 semaphore(%arg20 : memref<!tpu.dma_semaphore, #tpu.memory_space<semaphore_mem>>) src(%dma_wait3A_142 : memref<256xi32, #tpu.memory_space<hbm>>) dst(%dma_wait3A_141 : memref<256xi32, #tpu.memory_space<vmem>>)
    %dma_wait3A_143 = arith.constant 6 : i32
    %dma_wait3A_144 = arith.constant 0 : i32
    %dma_wait3A_145 = tpu.memref_slice %arg15[%dma_wait3A_143, %dma_wait3A_144] : memref<8x256xi32, #tpu.memory_space<vmem>> -> memref<1x256xi32, #tpu.memory_space<vmem>>
    %dma_wait3A_146 = tpu.memref_squeeze %dma_wait3A_145 : memref<1x256xi32, #tpu.memory_space<vmem>> -> memref<256xi32, #tpu.memory_space<vmem>>
    %dma_wait3A_147 = tpu.memref_slice %arg12[%add3A_69] : memref<16384xi32, #tpu.memory_space<hbm>> -> memref<256xi32, #tpu.memory_space<hbm>>
    %dma_wait3A_148 = arith.constant 0 : i32
    %dma_wait3A_149 = tpu.memref_slice %arg15[%dma_wait3A_143, %dma_wait3A_148] : memref<8x256xi32, #tpu.memory_space<vmem>> -> memref<1x256xi32, #tpu.memory_space<vmem>>
    %dma_wait3A_150 = tpu.memref_squeeze %dma_wait3A_149 : memref<1x256xi32, #tpu.memory_space<vmem>> -> memref<256xi32, #tpu.memory_space<vmem>>
    %dma_wait3A_151 = tpu.memref_slice %arg12[%add3A_69] : memref<16384xi32, #tpu.memory_space<hbm>> -> memref<256xi32, #tpu.memory_space<hbm>>
    tpu.wait_dma2 semaphore(%arg20 : memref<!tpu.dma_semaphore, #tpu.memory_space<semaphore_mem>>) src(%dma_wait3A_151 : memref<256xi32, #tpu.memory_space<hbm>>) dst(%dma_wait3A_150 : memref<256xi32, #tpu.memory_space<vmem>>)
    %dma_wait3A_152 = arith.constant 7 : i32
    %dma_wait3A_153 = arith.constant 0 : i32
    %dma_wait3A_154 = tpu.memref_slice %arg15[%dma_wait3A_152, %dma_wait3A_153] : memref<8x256xi32, #tpu.memory_space<vmem>> -> memref<1x256xi32, #tpu.memory_space<vmem>>
    %dma_wait3A_155 = tpu.memref_squeeze %dma_wait3A_154 : memref<1x256xi32, #tpu.memory_space<vmem>> -> memref<256xi32, #tpu.memory_space<vmem>>
    %dma_wait3A_156 = tpu.memref_slice %arg13[%add3A_80] : memref<16384xi32, #tpu.memory_space<hbm>> -> memref<256xi32, #tpu.memory_space<hbm>>
    %dma_wait3A_157 = arith.constant 0 : i32
    %dma_wait3A_158 = tpu.memref_slice %arg15[%dma_wait3A_152, %dma_wait3A_157] : memref<8x256xi32, #tpu.memory_space<vmem>> -> memref<1x256xi32, #tpu.memory_space<vmem>>
    %dma_wait3A_159 = tpu.memref_squeeze %dma_wait3A_158 : memref<1x256xi32, #tpu.memory_space<vmem>> -> memref<256xi32, #tpu.memory_space<vmem>>
    %dma_wait3A_160 = tpu.memref_slice %arg13[%add3A_80] : memref<16384xi32, #tpu.memory_space<hbm>> -> memref<256xi32, #tpu.memory_space<hbm>>
    tpu.wait_dma2 semaphore(%arg20 : memref<!tpu.dma_semaphore, #tpu.memory_space<semaphore_mem>>) src(%dma_wait3A_160 : memref<256xi32, #tpu.memory_space<hbm>>) dst(%dma_wait3A_159 : memref<256xi32, #tpu.memory_space<vmem>>)
    %dma_start3A_161 = arith.constant 0 : i32
    %dma_start3A_162 = arith.constant 0 : i32
    %dma_start3A_163 = tpu.memref_slice %arg15[%dma_start3A_161, %dma_start3A_162] : memref<8x256xi32, #tpu.memory_space<vmem>> -> memref<1x128xi32, #tpu.memory_space<vmem>>
    %dma_start3A_164 = tpu.memref_squeeze %dma_start3A_163 : memref<1x128xi32, #tpu.memory_space<vmem>> -> memref<128xi32, #tpu.memory_space<vmem>>
    %dma_start3A_165 = arith.constant 0 : i32
    %dma_start3A_166 = arith.constant 0 : i32
    %dma_start3A_167 = tpu.memref_slice %arg2[%dma_start3A_165, %dma_start3A_166] : memref<100000x128xf32, #tpu.memory_space<hbm>> -> memref<100000x128xf32, #tpu.memory_space<hbm>>
    tpu.enqueue_indirect_dma source(%dma_start3A_167 : memref<100000x128xf32, #tpu.memory_space<hbm>>) target(%arg16 : memref<128x128xf32, #tpu.memory_space<vmem>>) offsets(%dma_start3A_164 : memref<128xi32, #tpu.memory_space<vmem>>) semaphore(%arg21 : memref<!tpu.dma_semaphore, #tpu.memory_space<semaphore_mem>>)
    %dma_start3A_168 = arith.constant 0 : i32
    %dma_start3A_169 = arith.constant 128 : i32
    %dma_start3A_170 = tpu.memref_slice %arg15[%dma_start3A_168, %dma_start3A_169] : memref<8x256xi32, #tpu.memory_space<vmem>> -> memref<1x128xi32, #tpu.memory_space<vmem>>
    %dma_start3A_171 = tpu.memref_squeeze %dma_start3A_170 : memref<1x128xi32, #tpu.memory_space<vmem>> -> memref<128xi32, #tpu.memory_space<vmem>>
    %dma_start3A_172 = arith.constant 0 : i32
    %dma_start3A_173 = arith.constant 0 : i32
    %dma_start3A_174 = tpu.memref_slice %arg2[%dma_start3A_172, %dma_start3A_173] : memref<100000x128xf32, #tpu.memory_space<hbm>> -> memref<100000x128xf32, #tpu.memory_space<hbm>>
    tpu.enqueue_indirect_dma source(%dma_start3A_174 : memref<100000x128xf32, #tpu.memory_space<hbm>>) target(%arg17 : memref<128x128xf32, #tpu.memory_space<vmem>>) offsets(%dma_start3A_171 : memref<128xi32, #tpu.memory_space<vmem>>) semaphore(%arg21 : memref<!tpu.dma_semaphore, #tpu.memory_space<semaphore_mem>>)
    %dma_start3A_175 = arith.constant 1 : i32
    %dma_start3A_176 = arith.constant 0 : i32
    %dma_start3A_177 = tpu.memref_slice %arg15[%dma_start3A_175, %dma_start3A_176] : memref<8x256xi32, #tpu.memory_space<vmem>> -> memref<1x128xi32, #tpu.memory_space<vmem>>
    %dma_start3A_178 = tpu.memref_squeeze %dma_start3A_177 : memref<1x128xi32, #tpu.memory_space<vmem>> -> memref<128xi32, #tpu.memory_space<vmem>>
    %dma_start3A_179 = arith.constant 0 : i32
    %dma_start3A_180 = arith.constant 0 : i32
    %dma_start3A_181 = tpu.memref_slice %arg3[%dma_start3A_179, %dma_start3A_180] : memref<100000x128xf32, #tpu.memory_space<hbm>> -> memref<100000x128xf32, #tpu.memory_space<hbm>>
    tpu.enqueue_indirect_dma source(%dma_start3A_181 : memref<100000x128xf32, #tpu.memory_space<hbm>>) target(%arg18 : memref<128x128xf32, #tpu.memory_space<vmem>>) offsets(%dma_start3A_178 : memref<128xi32, #tpu.memory_space<vmem>>) semaphore(%arg21 : memref<!tpu.dma_semaphore, #tpu.memory_space<semaphore_mem>>)
    %dma_wait3A_182 = arith.constant 0 : i32
    %dma_wait3A_183 = arith.constant 0 : i32
    %dma_wait3A_184 = tpu.memref_slice %arg15[%dma_wait3A_182, %dma_wait3A_183] : memref<8x256xi32, #tpu.memory_space<vmem>> -> memref<1x128xi32, #tpu.memory_space<vmem>>
    %dma_wait3A_185 = tpu.memref_squeeze %dma_wait3A_184 : memref<1x128xi32, #tpu.memory_space<vmem>> -> memref<128xi32, #tpu.memory_space<vmem>>
    %dma_wait3A_186 = arith.constant 0 : i32
    %dma_wait3A_187 = arith.constant 0 : i32
    %dma_wait3A_188 = tpu.memref_slice %arg2[%dma_wait3A_186, %dma_wait3A_187] : memref<100000x128xf32, #tpu.memory_space<hbm>> -> memref<100000x128xf32, #tpu.memory_space<hbm>>
    tpu.wait_indirect_dma semaphore(%arg21 : memref<!tpu.dma_semaphore, #tpu.memory_space<semaphore_mem>>) src(%dma_wait3A_188 : memref<100000x128xf32, #tpu.memory_space<hbm>>) dst(%arg16 : memref<128x128xf32, #tpu.memory_space<vmem>>)
    %add3A_189 = arith.constant 0 : i32
    %add3A_190 = arith.addi %mul3A_2, %add3A_189 : i32
    %dma_start3A_191 = arith.constant 0 : i32
    %dma_start3A_192 = arith.constant 0 : i32
    %dma_start3A_193 = tpu.memref_slice %arg14[%dma_start3A_191, %add3A_190, %dma_start3A_192] : memref<8x8192x128xf32, #tpu.memory_space<hbm>> -> memref<1x128x128xf32, #tpu.memory_space<hbm>>
    %dma_start3A_194 = tpu.memref_squeeze %dma_start3A_193 : memref<1x128x128xf32, #tpu.memory_space<hbm>> -> memref<128x128xf32, #tpu.memory_space<hbm>>
    %dma_start3A_195 = arith.constant 0 : i32
    %dma_start3A_196 = tpu.memref_slice %arg14[%dma_start3A_191, %add3A_190, %dma_start3A_195] : memref<8x8192x128xf32, #tpu.memory_space<hbm>> -> memref<1x128x128xf32, #tpu.memory_space<hbm>>
    %dma_start3A_197 = tpu.memref_squeeze %dma_start3A_196 : memref<1x128x128xf32, #tpu.memory_space<hbm>> -> memref<128x128xf32, #tpu.memory_space<hbm>>
    tpu.enqueue_dma source(%arg16 : memref<128x128xf32, #tpu.memory_space<vmem>>) target(%dma_start3A_197 : memref<128x128xf32, #tpu.memory_space<hbm>>) target_semaphore(%arg22 : memref<!tpu.dma_semaphore, #tpu.memory_space<semaphore_mem>>)
    %dma_start3A_198 = arith.constant 1 : i32
    %dma_start3A_199 = arith.constant 128 : i32
    %dma_start3A_200 = tpu.memref_slice %arg15[%dma_start3A_198, %dma_start3A_199] : memref<8x256xi32, #tpu.memory_space<vmem>> -> memref<1x128xi32, #tpu.memory_space<vmem>>
    %dma_start3A_201 = tpu.memref_squeeze %dma_start3A_200 : memref<1x128xi32, #tpu.memory_space<vmem>> -> memref<128xi32, #tpu.memory_space<vmem>>
    %dma_start3A_202 = arith.constant 0 : i32
    %dma_start3A_203 = arith.constant 0 : i32
    %dma_start3A_204 = tpu.memref_slice %arg3[%dma_start3A_202, %dma_start3A_203] : memref<100000x128xf32, #tpu.memory_space<hbm>> -> memref<100000x128xf32, #tpu.memory_space<hbm>>
    tpu.enqueue_indirect_dma source(%dma_start3A_204 : memref<100000x128xf32, #tpu.memory_space<hbm>>) target(%arg19 : memref<128x128xf32, #tpu.memory_space<vmem>>) offsets(%dma_start3A_201 : memref<128xi32, #tpu.memory_space<vmem>>) semaphore(%arg21 : memref<!tpu.dma_semaphore, #tpu.memory_space<semaphore_mem>>)
    %dma_wait3A_205 = arith.constant 0 : i32
    %dma_wait3A_206 = arith.constant 128 : i32
    %dma_wait3A_207 = tpu.memref_slice %arg15[%dma_wait3A_205, %dma_wait3A_206] : memref<8x256xi32, #tpu.memory_space<vmem>> -> memref<1x128xi32, #tpu.memory_space<vmem>>
    %dma_wait3A_208 = tpu.memref_squeeze %dma_wait3A_207 : memref<1x128xi32, #tpu.memory_space<vmem>> -> memref<128xi32, #tpu.memory_space<vmem>>
    %dma_wait3A_209 = arith.constant 0 : i32
    %dma_wait3A_210 = arith.constant 0 : i32
    %dma_wait3A_211 = tpu.memref_slice %arg2[%dma_wait3A_209, %dma_wait3A_210] : memref<100000x128xf32, #tpu.memory_space<hbm>> -> memref<100000x128xf32, #tpu.memory_space<hbm>>
    tpu.wait_indirect_dma semaphore(%arg21 : memref<!tpu.dma_semaphore, #tpu.memory_space<semaphore_mem>>) src(%dma_wait3A_211 : memref<100000x128xf32, #tpu.memory_space<hbm>>) dst(%arg17 : memref<128x128xf32, #tpu.memory_space<vmem>>)
    %add3A_212 = arith.constant 128 : i32
    %add3A_213 = arith.addi %mul3A_2, %add3A_212 : i32
    %dma_start3A_214 = arith.constant 0 : i32
    %dma_start3A_215 = arith.constant 0 : i32
    %dma_start3A_216 = tpu.memref_slice %arg14[%dma_start3A_214, %add3A_213, %dma_start3A_215] : memref<8x8192x128xf32, #tpu.memory_space<hbm>> -> memref<1x128x128xf32, #tpu.memory_space<hbm>>
    %dma_start3A_217 = tpu.memref_squeeze %dma_start3A_216 : memref<1x128x128xf32, #tpu.memory_space<hbm>> -> memref<128x128xf32, #tpu.memory_space<hbm>>
    %dma_start3A_218 = arith.constant 0 : i32
    %dma_start3A_219 = tpu.memref_slice %arg14[%dma_start3A_214, %add3A_213, %dma_start3A_218] : memref<8x8192x128xf32, #tpu.memory_space<hbm>> -> memref<1x128x128xf32, #tpu.memory_space<hbm>>
    %dma_start3A_220 = tpu.memref_squeeze %dma_start3A_219 : memref<1x128x128xf32, #tpu.memory_space<hbm>> -> memref<128x128xf32, #tpu.memory_space<hbm>>
    tpu.enqueue_dma source(%arg17 : memref<128x128xf32, #tpu.memory_space<vmem>>) target(%dma_start3A_220 : memref<128x128xf32, #tpu.memory_space<hbm>>) target_semaphore(%arg22 : memref<!tpu.dma_semaphore, #tpu.memory_space<semaphore_mem>>)
    %dma_wait3A_221 = arith.constant 0 : i32
    %dma_wait3A_222 = arith.constant 0 : i32
    %dma_wait3A_223 = tpu.memref_slice %arg14[%dma_wait3A_221, %add3A_190, %dma_wait3A_222] : memref<8x8192x128xf32, #tpu.memory_space<hbm>> -> memref<1x128x128xf32, #tpu.memory_space<hbm>>
    %dma_wait3A_224 = tpu.memref_squeeze %dma_wait3A_223 : memref<1x128x128xf32, #tpu.memory_space<hbm>> -> memref<128x128xf32, #tpu.memory_space<hbm>>
    %dma_wait3A_225 = arith.constant 0 : i32
    %dma_wait3A_226 = tpu.memref_slice %arg14[%dma_wait3A_221, %add3A_190, %dma_wait3A_225] : memref<8x8192x128xf32, #tpu.memory_space<hbm>> -> memref<1x128x128xf32, #tpu.memory_space<hbm>>
    %dma_wait3A_227 = tpu.memref_squeeze %dma_wait3A_226 : memref<1x128x128xf32, #tpu.memory_space<hbm>> -> memref<128x128xf32, #tpu.memory_space<hbm>>
    tpu.wait_dma2 semaphore(%arg22 : memref<!tpu.dma_semaphore, #tpu.memory_space<semaphore_mem>>) src(%arg16 : memref<128x128xf32, #tpu.memory_space<vmem>>) dst(%dma_wait3A_227 : memref<128x128xf32, #tpu.memory_space<hbm>>)
    %dma_start3A_228 = arith.constant 2 : i32
    %dma_start3A_229 = arith.constant 0 : i32
    %dma_start3A_230 = tpu.memref_slice %arg15[%dma_start3A_228, %dma_start3A_229] : memref<8x256xi32, #tpu.memory_space<vmem>> -> memref<1x128xi32, #tpu.memory_space<vmem>>
    %dma_start3A_231 = tpu.memref_squeeze %dma_start3A_230 : memref<1x128xi32, #tpu.memory_space<vmem>> -> memref<128xi32, #tpu.memory_space<vmem>>
    %dma_start3A_232 = arith.constant 0 : i32
    %dma_start3A_233 = arith.constant 0 : i32
    %dma_start3A_234 = tpu.memref_slice %arg4[%dma_start3A_232, %dma_start3A_233] : memref<100000x128xf32, #tpu.memory_space<hbm>> -> memref<100000x128xf32, #tpu.memory_space<hbm>>
    tpu.enqueue_indirect_dma source(%dma_start3A_234 : memref<100000x128xf32, #tpu.memory_space<hbm>>) target(%arg16 : memref<128x128xf32, #tpu.memory_space<vmem>>) offsets(%dma_start3A_231 : memref<128xi32, #tpu.memory_space<vmem>>) semaphore(%arg21 : memref<!tpu.dma_semaphore, #tpu.memory_space<semaphore_mem>>)
    %dma_wait3A_235 = arith.constant 1 : i32
    %dma_wait3A_236 = arith.constant 0 : i32
    %dma_wait3A_237 = tpu.memref_slice %arg15[%dma_wait3A_235, %dma_wait3A_236] : memref<8x256xi32, #tpu.memory_space<vmem>> -> memref<1x128xi32, #tpu.memory_space<vmem>>
    %dma_wait3A_238 = tpu.memref_squeeze %dma_wait3A_237 : memref<1x128xi32, #tpu.memory_space<vmem>> -> memref<128xi32, #tpu.memory_space<vmem>>
    %dma_wait3A_239 = arith.constant 0 : i32
    %dma_wait3A_240 = arith.constant 0 : i32
    %dma_wait3A_241 = tpu.memref_slice %arg3[%dma_wait3A_239, %dma_wait3A_240] : memref<100000x128xf32, #tpu.memory_space<hbm>> -> memref<100000x128xf32, #tpu.memory_space<hbm>>
    tpu.wait_indirect_dma semaphore(%arg21 : memref<!tpu.dma_semaphore, #tpu.memory_space<semaphore_mem>>) src(%dma_wait3A_241 : memref<100000x128xf32, #tpu.memory_space<hbm>>) dst(%arg18 : memref<128x128xf32, #tpu.memory_space<vmem>>)
    %add3A_242 = arith.constant 0 : i32
    %add3A_243 = arith.addi %mul3A_2, %add3A_242 : i32
    %dma_start3A_244 = arith.constant 1 : i32
    %dma_start3A_245 = arith.constant 0 : i32
    %dma_start3A_246 = tpu.memref_slice %arg14[%dma_start3A_244, %add3A_243, %dma_start3A_245] : memref<8x8192x128xf32, #tpu.memory_space<hbm>> -> memref<1x128x128xf32, #tpu.memory_space<hbm>>
    %dma_start3A_247 = tpu.memref_squeeze %dma_start3A_246 : memref<1x128x128xf32, #tpu.memory_space<hbm>> -> memref<128x128xf32, #tpu.memory_space<hbm>>
    %dma_start3A_248 = arith.constant 0 : i32
    %dma_start3A_249 = tpu.memref_slice %arg14[%dma_start3A_244, %add3A_243, %dma_start3A_248] : memref<8x8192x128xf32, #tpu.memory_space<hbm>> -> memref<1x128x128xf32, #tpu.memory_space<hbm>>
    %dma_start3A_250 = tpu.memref_squeeze %dma_start3A_249 : memref<1x128x128xf32, #tpu.memory_space<hbm>> -> memref<128x128xf32, #tpu.memory_space<hbm>>
    tpu.enqueue_dma source(%arg18 : memref<128x128xf32, #tpu.memory_space<vmem>>) target(%dma_start3A_250 : memref<128x128xf32, #tpu.memory_space<hbm>>) target_semaphore(%arg22 : memref<!tpu.dma_semaphore, #tpu.memory_space<semaphore_mem>>)
    %dma_wait3A_251 = arith.constant 0 : i32
    %dma_wait3A_252 = arith.constant 0 : i32
    %dma_wait3A_253 = tpu.memref_slice %arg14[%dma_wait3A_251, %add3A_213, %dma_wait3A_252] : memref<8x8192x128xf32, #tpu.memory_space<hbm>> -> memref<1x128x128xf32, #tpu.memory_space<hbm>>
    %dma_wait3A_254 = tpu.memref_squeeze %dma_wait3A_253 : memref<1x128x128xf32, #tpu.memory_space<hbm>> -> memref<128x128xf32, #tpu.memory_space<hbm>>
    %dma_wait3A_255 = arith.constant 0 : i32
    %dma_wait3A_256 = tpu.memref_slice %arg14[%dma_wait3A_251, %add3A_213, %dma_wait3A_255] : memref<8x8192x128xf32, #tpu.memory_space<hbm>> -> memref<1x128x128xf32, #tpu.memory_space<hbm>>
    %dma_wait3A_257 = tpu.memref_squeeze %dma_wait3A_256 : memref<1x128x128xf32, #tpu.memory_space<hbm>> -> memref<128x128xf32, #tpu.memory_space<hbm>>
    tpu.wait_dma2 semaphore(%arg22 : memref<!tpu.dma_semaphore, #tpu.memory_space<semaphore_mem>>) src(%arg17 : memref<128x128xf32, #tpu.memory_space<vmem>>) dst(%dma_wait3A_257 : memref<128x128xf32, #tpu.memory_space<hbm>>)
    %dma_start3A_258 = arith.constant 2 : i32
    %dma_start3A_259 = arith.constant 128 : i32
    %dma_start3A_260 = tpu.memref_slice %arg15[%dma_start3A_258, %dma_start3A_259] : memref<8x256xi32, #tpu.memory_space<vmem>> -> memref<1x128xi32, #tpu.memory_space<vmem>>
    %dma_start3A_261 = tpu.memref_squeeze %dma_start3A_260 : memref<1x128xi32, #tpu.memory_space<vmem>> -> memref<128xi32, #tpu.memory_space<vmem>>
    %dma_start3A_262 = arith.constant 0 : i32
    %dma_start3A_263 = arith.constant 0 : i32
    %dma_start3A_264 = tpu.memref_slice %arg4[%dma_start3A_262, %dma_start3A_263] : memref<100000x128xf32, #tpu.memory_space<hbm>> -> memref<100000x128xf32, #tpu.memory_space<hbm>>
    tpu.enqueue_indirect_dma source(%dma_start3A_264 : memref<100000x128xf32, #tpu.memory_space<hbm>>) target(%arg17 : memref<128x128xf32, #tpu.memory_space<vmem>>) offsets(%dma_start3A_261 : memref<128xi32, #tpu.memory_space<vmem>>) semaphore(%arg21 : memref<!tpu.dma_semaphore, #tpu.memory_space<semaphore_mem>>)
    %dma_wait3A_265 = arith.constant 1 : i32
    %dma_wait3A_266 = arith.constant 128 : i32
    %dma_wait3A_267 = tpu.memref_slice %arg15[%dma_wait3A_265, %dma_wait3A_266] : memref<8x256xi32, #tpu.memory_space<vmem>> -> memref<1x128xi32, #tpu.memory_space<vmem>>
    %dma_wait3A_268 = tpu.memref_squeeze %dma_wait3A_267 : memref<1x128xi32, #tpu.memory_space<vmem>> -> memref<128xi32, #tpu.memory_space<vmem>>
    %dma_wait3A_269 = arith.constant 0 : i32
    %dma_wait3A_270 = arith.constant 0 : i32
    %dma_wait3A_271 = tpu.memref_slice %arg3[%dma_wait3A_269, %dma_wait3A_270] : memref<100000x128xf32, #tpu.memory_space<hbm>> -> memref<100000x128xf32, #tpu.memory_space<hbm>>
    tpu.wait_indirect_dma semaphore(%arg21 : memref<!tpu.dma_semaphore, #tpu.memory_space<semaphore_mem>>) src(%dma_wait3A_271 : memref<100000x128xf32, #tpu.memory_space<hbm>>) dst(%arg19 : memref<128x128xf32, #tpu.memory_space<vmem>>)
    %add3A_272 = arith.constant 128 : i32
    %add3A_273 = arith.addi %mul3A_2, %add3A_272 : i32
    %dma_start3A_274 = arith.constant 1 : i32
    %dma_start3A_275 = arith.constant 0 : i32
    %dma_start3A_276 = tpu.memref_slice %arg14[%dma_start3A_274, %add3A_273, %dma_start3A_275] : memref<8x8192x128xf32, #tpu.memory_space<hbm>> -> memref<1x128x128xf32, #tpu.memory_space<hbm>>
    %dma_start3A_277 = tpu.memref_squeeze %dma_start3A_276 : memref<1x128x128xf32, #tpu.memory_space<hbm>> -> memref<128x128xf32, #tpu.memory_space<hbm>>
    %dma_start3A_278 = arith.constant 0 : i32
    %dma_start3A_279 = tpu.memref_slice %arg14[%dma_start3A_274, %add3A_273, %dma_start3A_278] : memref<8x8192x128xf32, #tpu.memory_space<hbm>> -> memref<1x128x128xf32, #tpu.memory_space<hbm>>
    %dma_start3A_280 = tpu.memref_squeeze %dma_start3A_279 : memref<1x128x128xf32, #tpu.memory_space<hbm>> -> memref<128x128xf32, #tpu.memory_space<hbm>>
    tpu.enqueue_dma source(%arg19 : memref<128x128xf32, #tpu.memory_space<vmem>>) target(%dma_start3A_280 : memref<128x128xf32, #tpu.memory_space<hbm>>) target_semaphore(%arg22 : memref<!tpu.dma_semaphore, #tpu.memory_space<semaphore_mem>>)
    %dma_wait3A_281 = arith.constant 1 : i32
    %dma_wait3A_282 = arith.constant 0 : i32
    %dma_wait3A_283 = tpu.memref_slice %arg14[%dma_wait3A_281, %add3A_243, %dma_wait3A_282] : memref<8x8192x128xf32, #tpu.memory_space<hbm>> -> memref<1x128x128xf32, #tpu.memory_space<hbm>>
    %dma_wait3A_284 = tpu.memref_squeeze %dma_wait3A_283 : memref<1x128x128xf32, #tpu.memory_space<hbm>> -> memref<128x128xf32, #tpu.memory_space<hbm>>
    %dma_wait3A_285 = arith.constant 0 : i32
    %dma_wait3A_286 = tpu.memref_slice %arg14[%dma_wait3A_281, %add3A_243, %dma_wait3A_285] : memref<8x8192x128xf32, #tpu.memory_space<hbm>> -> memref<1x128x128xf32, #tpu.memory_space<hbm>>
    %dma_wait3A_287 = tpu.memref_squeeze %dma_wait3A_286 : memref<1x128x128xf32, #tpu.memory_space<hbm>> -> memref<128x128xf32, #tpu.memory_space<hbm>>
    tpu.wait_dma2 semaphore(%arg22 : memref<!tpu.dma_semaphore, #tpu.memory_space<semaphore_mem>>) src(%arg18 : memref<128x128xf32, #tpu.memory_space<vmem>>) dst(%dma_wait3A_287 : memref<128x128xf32, #tpu.memory_space<hbm>>)
    %dma_start3A_288 = arith.constant 3 : i32
    %dma_start3A_289 = arith.constant 0 : i32
    %dma_start3A_290 = tpu.memref_slice %arg15[%dma_start3A_288, %dma_start3A_289] : memref<8x256xi32, #tpu.memory_space<vmem>> -> memref<1x128xi32, #tpu.memory_space<vmem>>
    %dma_start3A_291 = tpu.memref_squeeze %dma_start3A_290 : memref<1x128xi32, #tpu.memory_space<vmem>> -> memref<128xi32, #tpu.memory_space<vmem>>
    %dma_start3A_292 = arith.constant 0 : i32
    %dma_start3A_293 = arith.constant 0 : i32
    %dma_start3A_294 = tpu.memref_slice %arg5[%dma_start3A_292, %dma_start3A_293] : memref<100000x128xf32, #tpu.memory_space<hbm>> -> memref<100000x128xf32, #tpu.memory_space<hbm>>
    tpu.enqueue_indirect_dma source(%dma_start3A_294 : memref<100000x128xf32, #tpu.memory_space<hbm>>) target(%arg18 : memref<128x128xf32, #tpu.memory_space<vmem>>) offsets(%dma_start3A_291 : memref<128xi32, #tpu.memory_space<vmem>>) semaphore(%arg21 : memref<!tpu.dma_semaphore, #tpu.memory_space<semaphore_mem>>)
    %dma_wait3A_295 = arith.constant 2 : i32
    %dma_wait3A_296 = arith.constant 0 : i32
    %dma_wait3A_297 = tpu.memref_slice %arg15[%dma_wait3A_295, %dma_wait3A_296] : memref<8x256xi32, #tpu.memory_space<vmem>> -> memref<1x128xi32, #tpu.memory_space<vmem>>
    %dma_wait3A_298 = tpu.memref_squeeze %dma_wait3A_297 : memref<1x128xi32, #tpu.memory_space<vmem>> -> memref<128xi32, #tpu.memory_space<vmem>>
    %dma_wait3A_299 = arith.constant 0 : i32
    %dma_wait3A_300 = arith.constant 0 : i32
    %dma_wait3A_301 = tpu.memref_slice %arg4[%dma_wait3A_299, %dma_wait3A_300] : memref<100000x128xf32, #tpu.memory_space<hbm>> -> memref<100000x128xf32, #tpu.memory_space<hbm>>
    tpu.wait_indirect_dma semaphore(%arg21 : memref<!tpu.dma_semaphore, #tpu.memory_space<semaphore_mem>>) src(%dma_wait3A_301 : memref<100000x128xf32, #tpu.memory_space<hbm>>) dst(%arg16 : memref<128x128xf32, #tpu.memory_space<vmem>>)
    %add3A_302 = arith.constant 0 : i32
    %add3A_303 = arith.addi %mul3A_2, %add3A_302 : i32
    %dma_start3A_304 = arith.constant 2 : i32
    %dma_start3A_305 = arith.constant 0 : i32
    %dma_start3A_306 = tpu.memref_slice %arg14[%dma_start3A_304, %add3A_303, %dma_start3A_305] : memref<8x8192x128xf32, #tpu.memory_space<hbm>> -> memref<1x128x128xf32, #tpu.memory_space<hbm>>
    %dma_start3A_307 = tpu.memref_squeeze %dma_start3A_306 : memref<1x128x128xf32, #tpu.memory_space<hbm>> -> memref<128x128xf32, #tpu.memory_space<hbm>>
    %dma_start3A_308 = arith.constant 0 : i32
    %dma_start3A_309 = tpu.memref_slice %arg14[%dma_start3A_304, %add3A_303, %dma_start3A_308] : memref<8x8192x128xf32, #tpu.memory_space<hbm>> -> memref<1x128x128xf32, #tpu.memory_space<hbm>>
    %dma_start3A_310 = tpu.memref_squeeze %dma_start3A_309 : memref<1x128x128xf32, #tpu.memory_space<hbm>> -> memref<128x128xf32, #tpu.memory_space<hbm>>
    tpu.enqueue_dma source(%arg16 : memref<128x128xf32, #tpu.memory_space<vmem>>) target(%dma_start3A_310 : memref<128x128xf32, #tpu.memory_space<hbm>>) target_semaphore(%arg22 : memref<!tpu.dma_semaphore, #tpu.memory_space<semaphore_mem>>)
    %dma_wait3A_311 = arith.constant 1 : i32
    %dma_wait3A_312 = arith.constant 0 : i32
    %dma_wait3A_313 = tpu.memref_slice %arg14[%dma_wait3A_311, %add3A_273, %dma_wait3A_312] : memref<8x8192x128xf32, #tpu.memory_space<hbm>> -> memref<1x128x128xf32, #tpu.memory_space<hbm>>
    %dma_wait3A_314 = tpu.memref_squeeze %dma_wait3A_313 : memref<1x128x128xf32, #tpu.memory_space<hbm>> -> memref<128x128xf32, #tpu.memory_space<hbm>>
    %dma_wait3A_315 = arith.constant 0 : i32
    %dma_wait3A_316 = tpu.memref_slice %arg14[%dma_wait3A_311, %add3A_273, %dma_wait3A_315] : memref<8x8192x128xf32, #tpu.memory_space<hbm>> -> memref<1x128x128xf32, #tpu.memory_space<hbm>>
    %dma_wait3A_317 = tpu.memref_squeeze %dma_wait3A_316 : memref<1x128x128xf32, #tpu.memory_space<hbm>> -> memref<128x128xf32, #tpu.memory_space<hbm>>
    tpu.wait_dma2 semaphore(%arg22 : memref<!tpu.dma_semaphore, #tpu.memory_space<semaphore_mem>>) src(%arg19 : memref<128x128xf32, #tpu.memory_space<vmem>>) dst(%dma_wait3A_317 : memref<128x128xf32, #tpu.memory_space<hbm>>)
    %dma_start3A_318 = arith.constant 3 : i32
    %dma_start3A_319 = arith.constant 128 : i32
    %dma_start3A_320 = tpu.memref_slice %arg15[%dma_start3A_318, %dma_start3A_319] : memref<8x256xi32, #tpu.memory_space<vmem>> -> memref<1x128xi32, #tpu.memory_space<vmem>>
    %dma_start3A_321 = tpu.memref_squeeze %dma_start3A_320 : memref<1x128xi32, #tpu.memory_space<vmem>> -> memref<128xi32, #tpu.memory_space<vmem>>
    %dma_start3A_322 = arith.constant 0 : i32
    %dma_start3A_323 = arith.constant 0 : i32
    %dma_start3A_324 = tpu.memref_slice %arg5[%dma_start3A_322, %dma_start3A_323] : memref<100000x128xf32, #tpu.memory_space<hbm>> -> memref<100000x128xf32, #tpu.memory_space<hbm>>
    tpu.enqueue_indirect_dma source(%dma_start3A_324 : memref<100000x128xf32, #tpu.memory_space<hbm>>) target(%arg19 : memref<128x128xf32, #tpu.memory_space<vmem>>) offsets(%dma_start3A_321 : memref<128xi32, #tpu.memory_space<vmem>>) semaphore(%arg21 : memref<!tpu.dma_semaphore, #tpu.memory_space<semaphore_mem>>)
    %dma_wait3A_325 = arith.constant 2 : i32
    %dma_wait3A_326 = arith.constant 128 : i32
    %dma_wait3A_327 = tpu.memref_slice %arg15[%dma_wait3A_325, %dma_wait3A_326] : memref<8x256xi32, #tpu.memory_space<vmem>> -> memref<1x128xi32, #tpu.memory_space<vmem>>
    %dma_wait3A_328 = tpu.memref_squeeze %dma_wait3A_327 : memref<1x128xi32, #tpu.memory_space<vmem>> -> memref<128xi32, #tpu.memory_space<vmem>>
    %dma_wait3A_329 = arith.constant 0 : i32
    %dma_wait3A_330 = arith.constant 0 : i32
    %dma_wait3A_331 = tpu.memref_slice %arg4[%dma_wait3A_329, %dma_wait3A_330] : memref<100000x128xf32, #tpu.memory_space<hbm>> -> memref<100000x128xf32, #tpu.memory_space<hbm>>
    tpu.wait_indirect_dma semaphore(%arg21 : memref<!tpu.dma_semaphore, #tpu.memory_space<semaphore_mem>>) src(%dma_wait3A_331 : memref<100000x128xf32, #tpu.memory_space<hbm>>) dst(%arg17 : memref<128x128xf32, #tpu.memory_space<vmem>>)
    %add3A_332 = arith.constant 128 : i32
    %add3A_333 = arith.addi %mul3A_2, %add3A_332 : i32
    %dma_start3A_334 = arith.constant 2 : i32
    %dma_start3A_335 = arith.constant 0 : i32
    %dma_start3A_336 = tpu.memref_slice %arg14[%dma_start3A_334, %add3A_333, %dma_start3A_335] : memref<8x8192x128xf32, #tpu.memory_space<hbm>> -> memref<1x128x128xf32, #tpu.memory_space<hbm>>
    %dma_start3A_337 = tpu.memref_squeeze %dma_start3A_336 : memref<1x128x128xf32, #tpu.memory_space<hbm>> -> memref<128x128xf32, #tpu.memory_space<hbm>>
    %dma_start3A_338 = arith.constant 0 : i32
    %dma_start3A_339 = tpu.memref_slice %arg14[%dma_start3A_334, %add3A_333, %dma_start3A_338] : memref<8x8192x128xf32, #tpu.memory_space<hbm>> -> memref<1x128x128xf32, #tpu.memory_space<hbm>>
    %dma_start3A_340 = tpu.memref_squeeze %dma_start3A_339 : memref<1x128x128xf32, #tpu.memory_space<hbm>> -> memref<128x128xf32, #tpu.memory_space<hbm>>
    tpu.enqueue_dma source(%arg17 : memref<128x128xf32, #tpu.memory_space<vmem>>) target(%dma_start3A_340 : memref<128x128xf32, #tpu.memory_space<hbm>>) target_semaphore(%arg22 : memref<!tpu.dma_semaphore, #tpu.memory_space<semaphore_mem>>)
    %dma_wait3A_341 = arith.constant 2 : i32
    %dma_wait3A_342 = arith.constant 0 : i32
    %dma_wait3A_343 = tpu.memref_slice %arg14[%dma_wait3A_341, %add3A_303, %dma_wait3A_342] : memref<8x8192x128xf32, #tpu.memory_space<hbm>> -> memref<1x128x128xf32, #tpu.memory_space<hbm>>
    %dma_wait3A_344 = tpu.memref_squeeze %dma_wait3A_343 : memref<1x128x128xf32, #tpu.memory_space<hbm>> -> memref<128x128xf32, #tpu.memory_space<hbm>>
    %dma_wait3A_345 = arith.constant 0 : i32
    %dma_wait3A_346 = tpu.memref_slice %arg14[%dma_wait3A_341, %add3A_303, %dma_wait3A_345] : memref<8x8192x128xf32, #tpu.memory_space<hbm>> -> memref<1x128x128xf32, #tpu.memory_space<hbm>>
    %dma_wait3A_347 = tpu.memref_squeeze %dma_wait3A_346 : memref<1x128x128xf32, #tpu.memory_space<hbm>> -> memref<128x128xf32, #tpu.memory_space<hbm>>
    tpu.wait_dma2 semaphore(%arg22 : memref<!tpu.dma_semaphore, #tpu.memory_space<semaphore_mem>>) src(%arg16 : memref<128x128xf32, #tpu.memory_space<vmem>>) dst(%dma_wait3A_347 : memref<128x128xf32, #tpu.memory_space<hbm>>)
    %dma_start3A_348 = arith.constant 4 : i32
    %dma_start3A_349 = arith.constant 0 : i32
    %dma_start3A_350 = tpu.memref_slice %arg15[%dma_start3A_348, %dma_start3A_349] : memref<8x256xi32, #tpu.memory_space<vmem>> -> memref<1x128xi32, #tpu.memory_space<vmem>>
    %dma_start3A_351 = tpu.memref_squeeze %dma_start3A_350 : memref<1x128xi32, #tpu.memory_space<vmem>> -> memref<128xi32, #tpu.memory_space<vmem>>
    %dma_start3A_352 = arith.constant 0 : i32
    %dma_start3A_353 = arith.constant 0 : i32
    %dma_start3A_354 = tpu.memref_slice %arg2[%dma_start3A_352, %dma_start3A_353] : memref<100000x128xf32, #tpu.memory_space<hbm>> -> memref<100000x128xf32, #tpu.memory_space<hbm>>
    tpu.enqueue_indirect_dma source(%dma_start3A_354 : memref<100000x128xf32, #tpu.memory_space<hbm>>) target(%arg16 : memref<128x128xf32, #tpu.memory_space<vmem>>) offsets(%dma_start3A_351 : memref<128xi32, #tpu.memory_space<vmem>>) semaphore(%arg21 : memref<!tpu.dma_semaphore, #tpu.memory_space<semaphore_mem>>)
    %dma_wait3A_355 = arith.constant 3 : i32
    %dma_wait3A_356 = arith.constant 0 : i32
    %dma_wait3A_357 = tpu.memref_slice %arg15[%dma_wait3A_355, %dma_wait3A_356] : memref<8x256xi32, #tpu.memory_space<vmem>> -> memref<1x128xi32, #tpu.memory_space<vmem>>
    %dma_wait3A_358 = tpu.memref_squeeze %dma_wait3A_357 : memref<1x128xi32, #tpu.memory_space<vmem>> -> memref<128xi32, #tpu.memory_space<vmem>>
    %dma_wait3A_359 = arith.constant 0 : i32
    %dma_wait3A_360 = arith.constant 0 : i32
    %dma_wait3A_361 = tpu.memref_slice %arg5[%dma_wait3A_359, %dma_wait3A_360] : memref<100000x128xf32, #tpu.memory_space<hbm>> -> memref<100000x128xf32, #tpu.memory_space<hbm>>
    tpu.wait_indirect_dma semaphore(%arg21 : memref<!tpu.dma_semaphore, #tpu.memory_space<semaphore_mem>>) src(%dma_wait3A_361 : memref<100000x128xf32, #tpu.memory_space<hbm>>) dst(%arg18 : memref<128x128xf32, #tpu.memory_space<vmem>>)
    %add3A_362 = arith.constant 0 : i32
    %add3A_363 = arith.addi %mul3A_2, %add3A_362 : i32
    %dma_start3A_364 = arith.constant 3 : i32
    %dma_start3A_365 = arith.constant 0 : i32
    %dma_start3A_366 = tpu.memref_slice %arg14[%dma_start3A_364, %add3A_363, %dma_start3A_365] : memref<8x8192x128xf32, #tpu.memory_space<hbm>> -> memref<1x128x128xf32, #tpu.memory_space<hbm>>
    %dma_start3A_367 = tpu.memref_squeeze %dma_start3A_366 : memref<1x128x128xf32, #tpu.memory_space<hbm>> -> memref<128x128xf32, #tpu.memory_space<hbm>>
    %dma_start3A_368 = arith.constant 0 : i32
    %dma_start3A_369 = tpu.memref_slice %arg14[%dma_start3A_364, %add3A_363, %dma_start3A_368] : memref<8x8192x128xf32, #tpu.memory_space<hbm>> -> memref<1x128x128xf32, #tpu.memory_space<hbm>>
    %dma_start3A_370 = tpu.memref_squeeze %dma_start3A_369 : memref<1x128x128xf32, #tpu.memory_space<hbm>> -> memref<128x128xf32, #tpu.memory_space<hbm>>
    tpu.enqueue_dma source(%arg18 : memref<128x128xf32, #tpu.memory_space<vmem>>) target(%dma_start3A_370 : memref<128x128xf32, #tpu.memory_space<hbm>>) target_semaphore(%arg22 : memref<!tpu.dma_semaphore, #tpu.memory_space<semaphore_mem>>)
    %dma_wait3A_371 = arith.constant 2 : i32
    %dma_wait3A_372 = arith.constant 0 : i32
    %dma_wait3A_373 = tpu.memref_slice %arg14[%dma_wait3A_371, %add3A_333, %dma_wait3A_372] : memref<8x8192x128xf32, #tpu.memory_space<hbm>> -> memref<1x128x128xf32, #tpu.memory_space<hbm>>
    %dma_wait3A_374 = tpu.memref_squeeze %dma_wait3A_373 : memref<1x128x128xf32, #tpu.memory_space<hbm>> -> memref<128x128xf32, #tpu.memory_space<hbm>>
    %dma_wait3A_375 = arith.constant 0 : i32
    %dma_wait3A_376 = tpu.memref_slice %arg14[%dma_wait3A_371, %add3A_333, %dma_wait3A_375] : memref<8x8192x128xf32, #tpu.memory_space<hbm>> -> memref<1x128x128xf32, #tpu.memory_space<hbm>>
    %dma_wait3A_377 = tpu.memref_squeeze %dma_wait3A_376 : memref<1x128x128xf32, #tpu.memory_space<hbm>> -> memref<128x128xf32, #tpu.memory_space<hbm>>
    tpu.wait_dma2 semaphore(%arg22 : memref<!tpu.dma_semaphore, #tpu.memory_space<semaphore_mem>>) src(%arg17 : memref<128x128xf32, #tpu.memory_space<vmem>>) dst(%dma_wait3A_377 : memref<128x128xf32, #tpu.memory_space<hbm>>)
    %dma_start3A_378 = arith.constant 4 : i32
    %dma_start3A_379 = arith.constant 128 : i32
    %dma_start3A_380 = tpu.memref_slice %arg15[%dma_start3A_378, %dma_start3A_379] : memref<8x256xi32, #tpu.memory_space<vmem>> -> memref<1x128xi32, #tpu.memory_space<vmem>>
    %dma_start3A_381 = tpu.memref_squeeze %dma_start3A_380 : memref<1x128xi32, #tpu.memory_space<vmem>> -> memref<128xi32, #tpu.memory_space<vmem>>
    %dma_start3A_382 = arith.constant 0 : i32
    %dma_start3A_383 = arith.constant 0 : i32
    %dma_start3A_384 = tpu.memref_slice %arg2[%dma_start3A_382, %dma_start3A_383] : memref<100000x128xf32, #tpu.memory_space<hbm>> -> memref<100000x128xf32, #tpu.memory_space<hbm>>
    tpu.enqueue_indirect_dma source(%dma_start3A_384 : memref<100000x128xf32, #tpu.memory_space<hbm>>) target(%arg17 : memref<128x128xf32, #tpu.memory_space<vmem>>) offsets(%dma_start3A_381 : memref<128xi32, #tpu.memory_space<vmem>>) semaphore(%arg21 : memref<!tpu.dma_semaphore, #tpu.memory_space<semaphore_mem>>)
    %dma_wait3A_385 = arith.constant 3 : i32
    %dma_wait3A_386 = arith.constant 128 : i32
    %dma_wait3A_387 = tpu.memref_slice %arg15[%dma_wait3A_385, %dma_wait3A_386] : memref<8x256xi32, #tpu.memory_space<vmem>> -> memref<1x128xi32, #tpu.memory_space<vmem>>
    %dma_wait3A_388 = tpu.memref_squeeze %dma_wait3A_387 : memref<1x128xi32, #tpu.memory_space<vmem>> -> memref<128xi32, #tpu.memory_space<vmem>>
    %dma_wait3A_389 = arith.constant 0 : i32
    %dma_wait3A_390 = arith.constant 0 : i32
    %dma_wait3A_391 = tpu.memref_slice %arg5[%dma_wait3A_389, %dma_wait3A_390] : memref<100000x128xf32, #tpu.memory_space<hbm>> -> memref<100000x128xf32, #tpu.memory_space<hbm>>
    tpu.wait_indirect_dma semaphore(%arg21 : memref<!tpu.dma_semaphore, #tpu.memory_space<semaphore_mem>>) src(%dma_wait3A_391 : memref<100000x128xf32, #tpu.memory_space<hbm>>) dst(%arg19 : memref<128x128xf32, #tpu.memory_space<vmem>>)
    %add3A_392 = arith.constant 128 : i32
    %add3A_393 = arith.addi %mul3A_2, %add3A_392 : i32
    %dma_start3A_394 = arith.constant 3 : i32
    %dma_start3A_395 = arith.constant 0 : i32
    %dma_start3A_396 = tpu.memref_slice %arg14[%dma_start3A_394, %add3A_393, %dma_start3A_395] : memref<8x8192x128xf32, #tpu.memory_space<hbm>> -> memref<1x128x128xf32, #tpu.memory_space<hbm>>
    %dma_start3A_397 = tpu.memref_squeeze %dma_start3A_396 : memref<1x128x128xf32, #tpu.memory_space<hbm>> -> memref<128x128xf32, #tpu.memory_space<hbm>>
    %dma_start3A_398 = arith.constant 0 : i32
    %dma_start3A_399 = tpu.memref_slice %arg14[%dma_start3A_394, %add3A_393, %dma_start3A_398] : memref<8x8192x128xf32, #tpu.memory_space<hbm>> -> memref<1x128x128xf32, #tpu.memory_space<hbm>>
    %dma_start3A_400 = tpu.memref_squeeze %dma_start3A_399 : memref<1x128x128xf32, #tpu.memory_space<hbm>> -> memref<128x128xf32, #tpu.memory_space<hbm>>
    tpu.enqueue_dma source(%arg19 : memref<128x128xf32, #tpu.memory_space<vmem>>) target(%dma_start3A_400 : memref<128x128xf32, #tpu.memory_space<hbm>>) target_semaphore(%arg22 : memref<!tpu.dma_semaphore, #tpu.memory_space<semaphore_mem>>)
    %dma_wait3A_401 = arith.constant 3 : i32
    %dma_wait3A_402 = arith.constant 0 : i32
    %dma_wait3A_403 = tpu.memref_slice %arg14[%dma_wait3A_401, %add3A_363, %dma_wait3A_402] : memref<8x8192x128xf32, #tpu.memory_space<hbm>> -> memref<1x128x128xf32, #tpu.memory_space<hbm>>
    %dma_wait3A_404 = tpu.memref_squeeze %dma_wait3A_403 : memref<1x128x128xf32, #tpu.memory_space<hbm>> -> memref<128x128xf32, #tpu.memory_space<hbm>>
    %dma_wait3A_405 = arith.constant 0 : i32
    %dma_wait3A_406 = tpu.memref_slice %arg14[%dma_wait3A_401, %add3A_363, %dma_wait3A_405] : memref<8x8192x128xf32, #tpu.memory_space<hbm>> -> memref<1x128x128xf32, #tpu.memory_space<hbm>>
    %dma_wait3A_407 = tpu.memref_squeeze %dma_wait3A_406 : memref<1x128x128xf32, #tpu.memory_space<hbm>> -> memref<128x128xf32, #tpu.memory_space<hbm>>
    tpu.wait_dma2 semaphore(%arg22 : memref<!tpu.dma_semaphore, #tpu.memory_space<semaphore_mem>>) src(%arg18 : memref<128x128xf32, #tpu.memory_space<vmem>>) dst(%dma_wait3A_407 : memref<128x128xf32, #tpu.memory_space<hbm>>)
    %dma_start3A_408 = arith.constant 5 : i32
    %dma_start3A_409 = arith.constant 0 : i32
    %dma_start3A_410 = tpu.memref_slice %arg15[%dma_start3A_408, %dma_start3A_409] : memref<8x256xi32, #tpu.memory_space<vmem>> -> memref<1x128xi32, #tpu.memory_space<vmem>>
    %dma_start3A_411 = tpu.memref_squeeze %dma_start3A_410 : memref<1x128xi32, #tpu.memory_space<vmem>> -> memref<128xi32, #tpu.memory_space<vmem>>
    %dma_start3A_412 = arith.constant 0 : i32
    %dma_start3A_413 = arith.constant 0 : i32
    %dma_start3A_414 = tpu.memref_slice %arg3[%dma_start3A_412, %dma_start3A_413] : memref<100000x128xf32, #tpu.memory_space<hbm>> -> memref<100000x128xf32, #tpu.memory_space<hbm>>
    tpu.enqueue_indirect_dma source(%dma_start3A_414 : memref<100000x128xf32, #tpu.memory_space<hbm>>) target(%arg18 : memref<128x128xf32, #tpu.memory_space<vmem>>) offsets(%dma_start3A_411 : memref<128xi32, #tpu.memory_space<vmem>>) semaphore(%arg21 : memref<!tpu.dma_semaphore, #tpu.memory_space<semaphore_mem>>)
    %dma_wait3A_415 = arith.constant 4 : i32
    %dma_wait3A_416 = arith.constant 0 : i32
    %dma_wait3A_417 = tpu.memref_slice %arg15[%dma_wait3A_415, %dma_wait3A_416] : memref<8x256xi32, #tpu.memory_space<vmem>> -> memref<1x128xi32, #tpu.memory_space<vmem>>
    %dma_wait3A_418 = tpu.memref_squeeze %dma_wait3A_417 : memref<1x128xi32, #tpu.memory_space<vmem>> -> memref<128xi32, #tpu.memory_space<vmem>>
    %dma_wait3A_419 = arith.constant 0 : i32
    %dma_wait3A_420 = arith.constant 0 : i32
    %dma_wait3A_421 = tpu.memref_slice %arg2[%dma_wait3A_419, %dma_wait3A_420] : memref<100000x128xf32, #tpu.memory_space<hbm>> -> memref<100000x128xf32, #tpu.memory_space<hbm>>
    tpu.wait_indirect_dma semaphore(%arg21 : memref<!tpu.dma_semaphore, #tpu.memory_space<semaphore_mem>>) src(%dma_wait3A_421 : memref<100000x128xf32, #tpu.memory_space<hbm>>) dst(%arg16 : memref<128x128xf32, #tpu.memory_space<vmem>>)
    %add3A_422 = arith.constant 0 : i32
    %add3A_423 = arith.addi %mul3A_2, %add3A_422 : i32
    %dma_start3A_424 = arith.constant 4 : i32
    %dma_start3A_425 = arith.constant 0 : i32
    %dma_start3A_426 = tpu.memref_slice %arg14[%dma_start3A_424, %add3A_423, %dma_start3A_425] : memref<8x8192x128xf32, #tpu.memory_space<hbm>> -> memref<1x128x128xf32, #tpu.memory_space<hbm>>
    %dma_start3A_427 = tpu.memref_squeeze %dma_start3A_426 : memref<1x128x128xf32, #tpu.memory_space<hbm>> -> memref<128x128xf32, #tpu.memory_space<hbm>>
    %dma_start3A_428 = arith.constant 0 : i32
    %dma_start3A_429 = tpu.memref_slice %arg14[%dma_start3A_424, %add3A_423, %dma_start3A_428] : memref<8x8192x128xf32, #tpu.memory_space<hbm>> -> memref<1x128x128xf32, #tpu.memory_space<hbm>>
    %dma_start3A_430 = tpu.memref_squeeze %dma_start3A_429 : memref<1x128x128xf32, #tpu.memory_space<hbm>> -> memref<128x128xf32, #tpu.memory_space<hbm>>
    tpu.enqueue_dma source(%arg16 : memref<128x128xf32, #tpu.memory_space<vmem>>) target(%dma_start3A_430 : memref<128x128xf32, #tpu.memory_space<hbm>>) target_semaphore(%arg22 : memref<!tpu.dma_semaphore, #tpu.memory_space<semaphore_mem>>)
    %dma_wait3A_431 = arith.constant 3 : i32
    %dma_wait3A_432 = arith.constant 0 : i32
    %dma_wait3A_433 = tpu.memref_slice %arg14[%dma_wait3A_431, %add3A_393, %dma_wait3A_432] : memref<8x8192x128xf32, #tpu.memory_space<hbm>> -> memref<1x128x128xf32, #tpu.memory_space<hbm>>
    %dma_wait3A_434 = tpu.memref_squeeze %dma_wait3A_433 : memref<1x128x128xf32, #tpu.memory_space<hbm>> -> memref<128x128xf32, #tpu.memory_space<hbm>>
    %dma_wait3A_435 = arith.constant 0 : i32
    %dma_wait3A_436 = tpu.memref_slice %arg14[%dma_wait3A_431, %add3A_393, %dma_wait3A_435] : memref<8x8192x128xf32, #tpu.memory_space<hbm>> -> memref<1x128x128xf32, #tpu.memory_space<hbm>>
    %dma_wait3A_437 = tpu.memref_squeeze %dma_wait3A_436 : memref<1x128x128xf32, #tpu.memory_space<hbm>> -> memref<128x128xf32, #tpu.memory_space<hbm>>
    tpu.wait_dma2 semaphore(%arg22 : memref<!tpu.dma_semaphore, #tpu.memory_space<semaphore_mem>>) src(%arg19 : memref<128x128xf32, #tpu.memory_space<vmem>>) dst(%dma_wait3A_437 : memref<128x128xf32, #tpu.memory_space<hbm>>)
    %dma_start3A_438 = arith.constant 5 : i32
    %dma_start3A_439 = arith.constant 128 : i32
    %dma_start3A_440 = tpu.memref_slice %arg15[%dma_start3A_438, %dma_start3A_439] : memref<8x256xi32, #tpu.memory_space<vmem>> -> memref<1x128xi32, #tpu.memory_space<vmem>>
    %dma_start3A_441 = tpu.memref_squeeze %dma_start3A_440 : memref<1x128xi32, #tpu.memory_space<vmem>> -> memref<128xi32, #tpu.memory_space<vmem>>
    %dma_start3A_442 = arith.constant 0 : i32
    %dma_start3A_443 = arith.constant 0 : i32
    %dma_start3A_444 = tpu.memref_slice %arg3[%dma_start3A_442, %dma_start3A_443] : memref<100000x128xf32, #tpu.memory_space<hbm>> -> memref<100000x128xf32, #tpu.memory_space<hbm>>
    tpu.enqueue_indirect_dma source(%dma_start3A_444 : memref<100000x128xf32, #tpu.memory_space<hbm>>) target(%arg19 : memref<128x128xf32, #tpu.memory_space<vmem>>) offsets(%dma_start3A_441 : memref<128xi32, #tpu.memory_space<vmem>>) semaphore(%arg21 : memref<!tpu.dma_semaphore, #tpu.memory_space<semaphore_mem>>)
    %dma_wait3A_445 = arith.constant 4 : i32
    %dma_wait3A_446 = arith.constant 128 : i32
    %dma_wait3A_447 = tpu.memref_slice %arg15[%dma_wait3A_445, %dma_wait3A_446] : memref<8x256xi32, #tpu.memory_space<vmem>> -> memref<1x128xi32, #tpu.memory_space<vmem>>
    %dma_wait3A_448 = tpu.memref_squeeze %dma_wait3A_447 : memref<1x128xi32, #tpu.memory_space<vmem>> -> memref<128xi32, #tpu.memory_space<vmem>>
    %dma_wait3A_449 = arith.constant 0 : i32
    %dma_wait3A_450 = arith.constant 0 : i32
    %dma_wait3A_451 = tpu.memref_slice %arg2[%dma_wait3A_449, %dma_wait3A_450] : memref<100000x128xf32, #tpu.memory_space<hbm>> -> memref<100000x128xf32, #tpu.memory_space<hbm>>
    tpu.wait_indirect_dma semaphore(%arg21 : memref<!tpu.dma_semaphore, #tpu.memory_space<semaphore_mem>>) src(%dma_wait3A_451 : memref<100000x128xf32, #tpu.memory_space<hbm>>) dst(%arg17 : memref<128x128xf32, #tpu.memory_space<vmem>>)
    %add3A_452 = arith.constant 128 : i32
    %add3A_453 = arith.addi %mul3A_2, %add3A_452 : i32
    %dma_start3A_454 = arith.constant 4 : i32
    %dma_start3A_455 = arith.constant 0 : i32
    %dma_start3A_456 = tpu.memref_slice %arg14[%dma_start3A_454, %add3A_453, %dma_start3A_455] : memref<8x8192x128xf32, #tpu.memory_space<hbm>> -> memref<1x128x128xf32, #tpu.memory_space<hbm>>
    %dma_start3A_457 = tpu.memref_squeeze %dma_start3A_456 : memref<1x128x128xf32, #tpu.memory_space<hbm>> -> memref<128x128xf32, #tpu.memory_space<hbm>>
    %dma_start3A_458 = arith.constant 0 : i32
    %dma_start3A_459 = tpu.memref_slice %arg14[%dma_start3A_454, %add3A_453, %dma_start3A_458] : memref<8x8192x128xf32, #tpu.memory_space<hbm>> -> memref<1x128x128xf32, #tpu.memory_space<hbm>>
    %dma_start3A_460 = tpu.memref_squeeze %dma_start3A_459 : memref<1x128x128xf32, #tpu.memory_space<hbm>> -> memref<128x128xf32, #tpu.memory_space<hbm>>
    tpu.enqueue_dma source(%arg17 : memref<128x128xf32, #tpu.memory_space<vmem>>) target(%dma_start3A_460 : memref<128x128xf32, #tpu.memory_space<hbm>>) target_semaphore(%arg22 : memref<!tpu.dma_semaphore, #tpu.memory_space<semaphore_mem>>)
    %dma_wait3A_461 = arith.constant 4 : i32
    %dma_wait3A_462 = arith.constant 0 : i32
    %dma_wait3A_463 = tpu.memref_slice %arg14[%dma_wait3A_461, %add3A_423, %dma_wait3A_462] : memref<8x8192x128xf32, #tpu.memory_space<hbm>> -> memref<1x128x128xf32, #tpu.memory_space<hbm>>
    %dma_wait3A_464 = tpu.memref_squeeze %dma_wait3A_463 : memref<1x128x128xf32, #tpu.memory_space<hbm>> -> memref<128x128xf32, #tpu.memory_space<hbm>>
    %dma_wait3A_465 = arith.constant 0 : i32
    %dma_wait3A_466 = tpu.memref_slice %arg14[%dma_wait3A_461, %add3A_423, %dma_wait3A_465] : memref<8x8192x128xf32, #tpu.memory_space<hbm>> -> memref<1x128x128xf32, #tpu.memory_space<hbm>>
    %dma_wait3A_467 = tpu.memref_squeeze %dma_wait3A_466 : memref<1x128x128xf32, #tpu.memory_space<hbm>> -> memref<128x128xf32, #tpu.memory_space<hbm>>
    tpu.wait_dma2 semaphore(%arg22 : memref<!tpu.dma_semaphore, #tpu.memory_space<semaphore_mem>>) src(%arg16 : memref<128x128xf32, #tpu.memory_space<vmem>>) dst(%dma_wait3A_467 : memref<128x128xf32, #tpu.memory_space<hbm>>)
    %dma_start3A_468 = arith.constant 6 : i32
    %dma_start3A_469 = arith.constant 0 : i32
    %dma_start3A_470 = tpu.memref_slice %arg15[%dma_start3A_468, %dma_start3A_469] : memref<8x256xi32, #tpu.memory_space<vmem>> -> memref<1x128xi32, #tpu.memory_space<vmem>>
    %dma_start3A_471 = tpu.memref_squeeze %dma_start3A_470 : memref<1x128xi32, #tpu.memory_space<vmem>> -> memref<128xi32, #tpu.memory_space<vmem>>
    %dma_start3A_472 = arith.constant 0 : i32
    %dma_start3A_473 = arith.constant 0 : i32
    %dma_start3A_474 = tpu.memref_slice %arg4[%dma_start3A_472, %dma_start3A_473] : memref<100000x128xf32, #tpu.memory_space<hbm>> -> memref<100000x128xf32, #tpu.memory_space<hbm>>
    tpu.enqueue_indirect_dma source(%dma_start3A_474 : memref<100000x128xf32, #tpu.memory_space<hbm>>) target(%arg16 : memref<128x128xf32, #tpu.memory_space<vmem>>) offsets(%dma_start3A_471 : memref<128xi32, #tpu.memory_space<vmem>>) semaphore(%arg21 : memref<!tpu.dma_semaphore, #tpu.memory_space<semaphore_mem>>)
    %dma_wait3A_475 = arith.constant 5 : i32
    %dma_wait3A_476 = arith.constant 0 : i32
    %dma_wait3A_477 = tpu.memref_slice %arg15[%dma_wait3A_475, %dma_wait3A_476] : memref<8x256xi32, #tpu.memory_space<vmem>> -> memref<1x128xi32, #tpu.memory_space<vmem>>
    %dma_wait3A_478 = tpu.memref_squeeze %dma_wait3A_477 : memref<1x128xi32, #tpu.memory_space<vmem>> -> memref<128xi32, #tpu.memory_space<vmem>>
    %dma_wait3A_479 = arith.constant 0 : i32
    %dma_wait3A_480 = arith.constant 0 : i32
    %dma_wait3A_481 = tpu.memref_slice %arg3[%dma_wait3A_479, %dma_wait3A_480] : memref<100000x128xf32, #tpu.memory_space<hbm>> -> memref<100000x128xf32, #tpu.memory_space<hbm>>
    tpu.wait_indirect_dma semaphore(%arg21 : memref<!tpu.dma_semaphore, #tpu.memory_space<semaphore_mem>>) src(%dma_wait3A_481 : memref<100000x128xf32, #tpu.memory_space<hbm>>) dst(%arg18 : memref<128x128xf32, #tpu.memory_space<vmem>>)
    %add3A_482 = arith.constant 0 : i32
    %add3A_483 = arith.addi %mul3A_2, %add3A_482 : i32
    %dma_start3A_484 = arith.constant 5 : i32
    %dma_start3A_485 = arith.constant 0 : i32
    %dma_start3A_486 = tpu.memref_slice %arg14[%dma_start3A_484, %add3A_483, %dma_start3A_485] : memref<8x8192x128xf32, #tpu.memory_space<hbm>> -> memref<1x128x128xf32, #tpu.memory_space<hbm>>
    %dma_start3A_487 = tpu.memref_squeeze %dma_start3A_486 : memref<1x128x128xf32, #tpu.memory_space<hbm>> -> memref<128x128xf32, #tpu.memory_space<hbm>>
    %dma_start3A_488 = arith.constant 0 : i32
    %dma_start3A_489 = tpu.memref_slice %arg14[%dma_start3A_484, %add3A_483, %dma_start3A_488] : memref<8x8192x128xf32, #tpu.memory_space<hbm>> -> memref<1x128x128xf32, #tpu.memory_space<hbm>>
    %dma_start3A_490 = tpu.memref_squeeze %dma_start3A_489 : memref<1x128x128xf32, #tpu.memory_space<hbm>> -> memref<128x128xf32, #tpu.memory_space<hbm>>
    tpu.enqueue_dma source(%arg18 : memref<128x128xf32, #tpu.memory_space<vmem>>) target(%dma_start3A_490 : memref<128x128xf32, #tpu.memory_space<hbm>>) target_semaphore(%arg22 : memref<!tpu.dma_semaphore, #tpu.memory_space<semaphore_mem>>)
    %dma_wait3A_491 = arith.constant 4 : i32
    %dma_wait3A_492 = arith.constant 0 : i32
    %dma_wait3A_493 = tpu.memref_slice %arg14[%dma_wait3A_491, %add3A_453, %dma_wait3A_492] : memref<8x8192x128xf32, #tpu.memory_space<hbm>> -> memref<1x128x128xf32, #tpu.memory_space<hbm>>
    %dma_wait3A_494 = tpu.memref_squeeze %dma_wait3A_493 : memref<1x128x128xf32, #tpu.memory_space<hbm>> -> memref<128x128xf32, #tpu.memory_space<hbm>>
    %dma_wait3A_495 = arith.constant 0 : i32
    %dma_wait3A_496 = tpu.memref_slice %arg14[%dma_wait3A_491, %add3A_453, %dma_wait3A_495] : memref<8x8192x128xf32, #tpu.memory_space<hbm>> -> memref<1x128x128xf32, #tpu.memory_space<hbm>>
    %dma_wait3A_497 = tpu.memref_squeeze %dma_wait3A_496 : memref<1x128x128xf32, #tpu.memory_space<hbm>> -> memref<128x128xf32, #tpu.memory_space<hbm>>
    tpu.wait_dma2 semaphore(%arg22 : memref<!tpu.dma_semaphore, #tpu.memory_space<semaphore_mem>>) src(%arg17 : memref<128x128xf32, #tpu.memory_space<vmem>>) dst(%dma_wait3A_497 : memref<128x128xf32, #tpu.memory_space<hbm>>)
    %dma_start3A_498 = arith.constant 6 : i32
    %dma_start3A_499 = arith.constant 128 : i32
    %dma_start3A_500 = tpu.memref_slice %arg15[%dma_start3A_498, %dma_start3A_499] : memref<8x256xi32, #tpu.memory_space<vmem>> -> memref<1x128xi32, #tpu.memory_space<vmem>>
    %dma_start3A_501 = tpu.memref_squeeze %dma_start3A_500 : memref<1x128xi32, #tpu.memory_space<vmem>> -> memref<128xi32, #tpu.memory_space<vmem>>
    %dma_start3A_502 = arith.constant 0 : i32
    %dma_start3A_503 = arith.constant 0 : i32
    %dma_start3A_504 = tpu.memref_slice %arg4[%dma_start3A_502, %dma_start3A_503] : memref<100000x128xf32, #tpu.memory_space<hbm>> -> memref<100000x128xf32, #tpu.memory_space<hbm>>
    tpu.enqueue_indirect_dma source(%dma_start3A_504 : memref<100000x128xf32, #tpu.memory_space<hbm>>) target(%arg17 : memref<128x128xf32, #tpu.memory_space<vmem>>) offsets(%dma_start3A_501 : memref<128xi32, #tpu.memory_space<vmem>>) semaphore(%arg21 : memref<!tpu.dma_semaphore, #tpu.memory_space<semaphore_mem>>)
    %dma_wait3A_505 = arith.constant 5 : i32
    %dma_wait3A_506 = arith.constant 128 : i32
    %dma_wait3A_507 = tpu.memref_slice %arg15[%dma_wait3A_505, %dma_wait3A_506] : memref<8x256xi32, #tpu.memory_space<vmem>> -> memref<1x128xi32, #tpu.memory_space<vmem>>
    %dma_wait3A_508 = tpu.memref_squeeze %dma_wait3A_507 : memref<1x128xi32, #tpu.memory_space<vmem>> -> memref<128xi32, #tpu.memory_space<vmem>>
    %dma_wait3A_509 = arith.constant 0 : i32
    %dma_wait3A_510 = arith.constant 0 : i32
    %dma_wait3A_511 = tpu.memref_slice %arg3[%dma_wait3A_509, %dma_wait3A_510] : memref<100000x128xf32, #tpu.memory_space<hbm>> -> memref<100000x128xf32, #tpu.memory_space<hbm>>
    tpu.wait_indirect_dma semaphore(%arg21 : memref<!tpu.dma_semaphore, #tpu.memory_space<semaphore_mem>>) src(%dma_wait3A_511 : memref<100000x128xf32, #tpu.memory_space<hbm>>) dst(%arg19 : memref<128x128xf32, #tpu.memory_space<vmem>>)
    %add3A_512 = arith.constant 128 : i32
    %add3A_513 = arith.addi %mul3A_2, %add3A_512 : i32
    %dma_start3A_514 = arith.constant 5 : i32
    %dma_start3A_515 = arith.constant 0 : i32
    %dma_start3A_516 = tpu.memref_slice %arg14[%dma_start3A_514, %add3A_513, %dma_start3A_515] : memref<8x8192x128xf32, #tpu.memory_space<hbm>> -> memref<1x128x128xf32, #tpu.memory_space<hbm>>
    %dma_start3A_517 = tpu.memref_squeeze %dma_start3A_516 : memref<1x128x128xf32, #tpu.memory_space<hbm>> -> memref<128x128xf32, #tpu.memory_space<hbm>>
    %dma_start3A_518 = arith.constant 0 : i32
    %dma_start3A_519 = tpu.memref_slice %arg14[%dma_start3A_514, %add3A_513, %dma_start3A_518] : memref<8x8192x128xf32, #tpu.memory_space<hbm>> -> memref<1x128x128xf32, #tpu.memory_space<hbm>>
    %dma_start3A_520 = tpu.memref_squeeze %dma_start3A_519 : memref<1x128x128xf32, #tpu.memory_space<hbm>> -> memref<128x128xf32, #tpu.memory_space<hbm>>
    tpu.enqueue_dma source(%arg19 : memref<128x128xf32, #tpu.memory_space<vmem>>) target(%dma_start3A_520 : memref<128x128xf32, #tpu.memory_space<hbm>>) target_semaphore(%arg22 : memref<!tpu.dma_semaphore, #tpu.memory_space<semaphore_mem>>)
    %dma_wait3A_521 = arith.constant 5 : i32
    %dma_wait3A_522 = arith.constant 0 : i32
    %dma_wait3A_523 = tpu.memref_slice %arg14[%dma_wait3A_521, %add3A_483, %dma_wait3A_522] : memref<8x8192x128xf32, #tpu.memory_space<hbm>> -> memref<1x128x128xf32, #tpu.memory_space<hbm>>
    %dma_wait3A_524 = tpu.memref_squeeze %dma_wait3A_523 : memref<1x128x128xf32, #tpu.memory_space<hbm>> -> memref<128x128xf32, #tpu.memory_space<hbm>>
    %dma_wait3A_525 = arith.constant 0 : i32
    %dma_wait3A_526 = tpu.memref_slice %arg14[%dma_wait3A_521, %add3A_483, %dma_wait3A_525] : memref<8x8192x128xf32, #tpu.memory_space<hbm>> -> memref<1x128x128xf32, #tpu.memory_space<hbm>>
    %dma_wait3A_527 = tpu.memref_squeeze %dma_wait3A_526 : memref<1x128x128xf32, #tpu.memory_space<hbm>> -> memref<128x128xf32, #tpu.memory_space<hbm>>
    tpu.wait_dma2 semaphore(%arg22 : memref<!tpu.dma_semaphore, #tpu.memory_space<semaphore_mem>>) src(%arg18 : memref<128x128xf32, #tpu.memory_space<vmem>>) dst(%dma_wait3A_527 : memref<128x128xf32, #tpu.memory_space<hbm>>)
    %dma_start3A_528 = arith.constant 7 : i32
    %dma_start3A_529 = arith.constant 0 : i32
    %dma_start3A_530 = tpu.memref_slice %arg15[%dma_start3A_528, %dma_start3A_529] : memref<8x256xi32, #tpu.memory_space<vmem>> -> memref<1x128xi32, #tpu.memory_space<vmem>>
    %dma_start3A_531 = tpu.memref_squeeze %dma_start3A_530 : memref<1x128xi32, #tpu.memory_space<vmem>> -> memref<128xi32, #tpu.memory_space<vmem>>
    %dma_start3A_532 = arith.constant 0 : i32
    %dma_start3A_533 = arith.constant 0 : i32
    %dma_start3A_534 = tpu.memref_slice %arg5[%dma_start3A_532, %dma_start3A_533] : memref<100000x128xf32, #tpu.memory_space<hbm>> -> memref<100000x128xf32, #tpu.memory_space<hbm>>
    tpu.enqueue_indirect_dma source(%dma_start3A_534 : memref<100000x128xf32, #tpu.memory_space<hbm>>) target(%arg18 : memref<128x128xf32, #tpu.memory_space<vmem>>) offsets(%dma_start3A_531 : memref<128xi32, #tpu.memory_space<vmem>>) semaphore(%arg21 : memref<!tpu.dma_semaphore, #tpu.memory_space<semaphore_mem>>)
    %dma_wait3A_535 = arith.constant 6 : i32
    %dma_wait3A_536 = arith.constant 0 : i32
    %dma_wait3A_537 = tpu.memref_slice %arg15[%dma_wait3A_535, %dma_wait3A_536] : memref<8x256xi32, #tpu.memory_space<vmem>> -> memref<1x128xi32, #tpu.memory_space<vmem>>
    %dma_wait3A_538 = tpu.memref_squeeze %dma_wait3A_537 : memref<1x128xi32, #tpu.memory_space<vmem>> -> memref<128xi32, #tpu.memory_space<vmem>>
    %dma_wait3A_539 = arith.constant 0 : i32
    %dma_wait3A_540 = arith.constant 0 : i32
    %dma_wait3A_541 = tpu.memref_slice %arg4[%dma_wait3A_539, %dma_wait3A_540] : memref<100000x128xf32, #tpu.memory_space<hbm>> -> memref<100000x128xf32, #tpu.memory_space<hbm>>
    tpu.wait_indirect_dma semaphore(%arg21 : memref<!tpu.dma_semaphore, #tpu.memory_space<semaphore_mem>>) src(%dma_wait3A_541 : memref<100000x128xf32, #tpu.memory_space<hbm>>) dst(%arg16 : memref<128x128xf32, #tpu.memory_space<vmem>>)
    %add3A_542 = arith.constant 0 : i32
    %add3A_543 = arith.addi %mul3A_2, %add3A_542 : i32
    %dma_start3A_544 = arith.constant 6 : i32
    %dma_start3A_545 = arith.constant 0 : i32
    %dma_start3A_546 = tpu.memref_slice %arg14[%dma_start3A_544, %add3A_543, %dma_start3A_545] : memref<8x8192x128xf32, #tpu.memory_space<hbm>> -> memref<1x128x128xf32, #tpu.memory_space<hbm>>
    %dma_start3A_547 = tpu.memref_squeeze %dma_start3A_546 : memref<1x128x128xf32, #tpu.memory_space<hbm>> -> memref<128x128xf32, #tpu.memory_space<hbm>>
    %dma_start3A_548 = arith.constant 0 : i32
    %dma_start3A_549 = tpu.memref_slice %arg14[%dma_start3A_544, %add3A_543, %dma_start3A_548] : memref<8x8192x128xf32, #tpu.memory_space<hbm>> -> memref<1x128x128xf32, #tpu.memory_space<hbm>>
    %dma_start3A_550 = tpu.memref_squeeze %dma_start3A_549 : memref<1x128x128xf32, #tpu.memory_space<hbm>> -> memref<128x128xf32, #tpu.memory_space<hbm>>
    tpu.enqueue_dma source(%arg16 : memref<128x128xf32, #tpu.memory_space<vmem>>) target(%dma_start3A_550 : memref<128x128xf32, #tpu.memory_space<hbm>>) target_semaphore(%arg22 : memref<!tpu.dma_semaphore, #tpu.memory_space<semaphore_mem>>)
    %dma_wait3A_551 = arith.constant 5 : i32
    %dma_wait3A_552 = arith.constant 0 : i32
    %dma_wait3A_553 = tpu.memref_slice %arg14[%dma_wait3A_551, %add3A_513, %dma_wait3A_552] : memref<8x8192x128xf32, #tpu.memory_space<hbm>> -> memref<1x128x128xf32, #tpu.memory_space<hbm>>
    %dma_wait3A_554 = tpu.memref_squeeze %dma_wait3A_553 : memref<1x128x128xf32, #tpu.memory_space<hbm>> -> memref<128x128xf32, #tpu.memory_space<hbm>>
    %dma_wait3A_555 = arith.constant 0 : i32
    %dma_wait3A_556 = tpu.memref_slice %arg14[%dma_wait3A_551, %add3A_513, %dma_wait3A_555] : memref<8x8192x128xf32, #tpu.memory_space<hbm>> -> memref<1x128x128xf32, #tpu.memory_space<hbm>>
    %dma_wait3A_557 = tpu.memref_squeeze %dma_wait3A_556 : memref<1x128x128xf32, #tpu.memory_space<hbm>> -> memref<128x128xf32, #tpu.memory_space<hbm>>
    tpu.wait_dma2 semaphore(%arg22 : memref<!tpu.dma_semaphore, #tpu.memory_space<semaphore_mem>>) src(%arg19 : memref<128x128xf32, #tpu.memory_space<vmem>>) dst(%dma_wait3A_557 : memref<128x128xf32, #tpu.memory_space<hbm>>)
    %dma_start3A_558 = arith.constant 7 : i32
    %dma_start3A_559 = arith.constant 128 : i32
    %dma_start3A_560 = tpu.memref_slice %arg15[%dma_start3A_558, %dma_start3A_559] : memref<8x256xi32, #tpu.memory_space<vmem>> -> memref<1x128xi32, #tpu.memory_space<vmem>>
    %dma_start3A_561 = tpu.memref_squeeze %dma_start3A_560 : memref<1x128xi32, #tpu.memory_space<vmem>> -> memref<128xi32, #tpu.memory_space<vmem>>
    %dma_start3A_562 = arith.constant 0 : i32
    %dma_start3A_563 = arith.constant 0 : i32
    %dma_start3A_564 = tpu.memref_slice %arg5[%dma_start3A_562, %dma_start3A_563] : memref<100000x128xf32, #tpu.memory_space<hbm>> -> memref<100000x128xf32, #tpu.memory_space<hbm>>
    tpu.enqueue_indirect_dma source(%dma_start3A_564 : memref<100000x128xf32, #tpu.memory_space<hbm>>) target(%arg19 : memref<128x128xf32, #tpu.memory_space<vmem>>) offsets(%dma_start3A_561 : memref<128xi32, #tpu.memory_space<vmem>>) semaphore(%arg21 : memref<!tpu.dma_semaphore, #tpu.memory_space<semaphore_mem>>)
    %dma_wait3A_565 = arith.constant 6 : i32
    %dma_wait3A_566 = arith.constant 128 : i32
    %dma_wait3A_567 = tpu.memref_slice %arg15[%dma_wait3A_565, %dma_wait3A_566] : memref<8x256xi32, #tpu.memory_space<vmem>> -> memref<1x128xi32, #tpu.memory_space<vmem>>
    %dma_wait3A_568 = tpu.memref_squeeze %dma_wait3A_567 : memref<1x128xi32, #tpu.memory_space<vmem>> -> memref<128xi32, #tpu.memory_space<vmem>>
    %dma_wait3A_569 = arith.constant 0 : i32
    %dma_wait3A_570 = arith.constant 0 : i32
    %dma_wait3A_571 = tpu.memref_slice %arg4[%dma_wait3A_569, %dma_wait3A_570] : memref<100000x128xf32, #tpu.memory_space<hbm>> -> memref<100000x128xf32, #tpu.memory_space<hbm>>
    tpu.wait_indirect_dma semaphore(%arg21 : memref<!tpu.dma_semaphore, #tpu.memory_space<semaphore_mem>>) src(%dma_wait3A_571 : memref<100000x128xf32, #tpu.memory_space<hbm>>) dst(%arg17 : memref<128x128xf32, #tpu.memory_space<vmem>>)
    %add3A_572 = arith.constant 128 : i32
    %add3A_573 = arith.addi %mul3A_2, %add3A_572 : i32
    %dma_start3A_574 = arith.constant 6 : i32
    %dma_start3A_575 = arith.constant 0 : i32
    %dma_start3A_576 = tpu.memref_slice %arg14[%dma_start3A_574, %add3A_573, %dma_start3A_575] : memref<8x8192x128xf32, #tpu.memory_space<hbm>> -> memref<1x128x128xf32, #tpu.memory_space<hbm>>
    %dma_start3A_577 = tpu.memref_squeeze %dma_start3A_576 : memref<1x128x128xf32, #tpu.memory_space<hbm>> -> memref<128x128xf32, #tpu.memory_space<hbm>>
    %dma_start3A_578 = arith.constant 0 : i32
    %dma_start3A_579 = tpu.memref_slice %arg14[%dma_start3A_574, %add3A_573, %dma_start3A_578] : memref<8x8192x128xf32, #tpu.memory_space<hbm>> -> memref<1x128x128xf32, #tpu.memory_space<hbm>>
    %dma_start3A_580 = tpu.memref_squeeze %dma_start3A_579 : memref<1x128x128xf32, #tpu.memory_space<hbm>> -> memref<128x128xf32, #tpu.memory_space<hbm>>
    tpu.enqueue_dma source(%arg17 : memref<128x128xf32, #tpu.memory_space<vmem>>) target(%dma_start3A_580 : memref<128x128xf32, #tpu.memory_space<hbm>>) target_semaphore(%arg22 : memref<!tpu.dma_semaphore, #tpu.memory_space<semaphore_mem>>)
    %dma_wait3A_581 = arith.constant 7 : i32
    %dma_wait3A_582 = arith.constant 0 : i32
    %dma_wait3A_583 = tpu.memref_slice %arg15[%dma_wait3A_581, %dma_wait3A_582] : memref<8x256xi32, #tpu.memory_space<vmem>> -> memref<1x128xi32, #tpu.memory_space<vmem>>
    %dma_wait3A_584 = tpu.memref_squeeze %dma_wait3A_583 : memref<1x128xi32, #tpu.memory_space<vmem>> -> memref<128xi32, #tpu.memory_space<vmem>>
    %dma_wait3A_585 = arith.constant 0 : i32
    %dma_wait3A_586 = arith.constant 0 : i32
    %dma_wait3A_587 = tpu.memref_slice %arg5[%dma_wait3A_585, %dma_wait3A_586] : memref<100000x128xf32, #tpu.memory_space<hbm>> -> memref<100000x128xf32, #tpu.memory_space<hbm>>
    tpu.wait_indirect_dma semaphore(%arg21 : memref<!tpu.dma_semaphore, #tpu.memory_space<semaphore_mem>>) src(%dma_wait3A_587 : memref<100000x128xf32, #tpu.memory_space<hbm>>) dst(%arg18 : memref<128x128xf32, #tpu.memory_space<vmem>>)
    %add3A_588 = arith.constant 0 : i32
    %add3A_589 = arith.addi %mul3A_2, %add3A_588 : i32
    %dma_start3A_590 = arith.constant 7 : i32
    %dma_start3A_591 = arith.constant 0 : i32
    %dma_start3A_592 = tpu.memref_slice %arg14[%dma_start3A_590, %add3A_589, %dma_start3A_591] : memref<8x8192x128xf32, #tpu.memory_space<hbm>> -> memref<1x128x128xf32, #tpu.memory_space<hbm>>
    %dma_start3A_593 = tpu.memref_squeeze %dma_start3A_592 : memref<1x128x128xf32, #tpu.memory_space<hbm>> -> memref<128x128xf32, #tpu.memory_space<hbm>>
    %dma_start3A_594 = arith.constant 0 : i32
    %dma_start3A_595 = tpu.memref_slice %arg14[%dma_start3A_590, %add3A_589, %dma_start3A_594] : memref<8x8192x128xf32, #tpu.memory_space<hbm>> -> memref<1x128x128xf32, #tpu.memory_space<hbm>>
    %dma_start3A_596 = tpu.memref_squeeze %dma_start3A_595 : memref<1x128x128xf32, #tpu.memory_space<hbm>> -> memref<128x128xf32, #tpu.memory_space<hbm>>
    tpu.enqueue_dma source(%arg18 : memref<128x128xf32, #tpu.memory_space<vmem>>) target(%dma_start3A_596 : memref<128x128xf32, #tpu.memory_space<hbm>>) target_semaphore(%arg22 : memref<!tpu.dma_semaphore, #tpu.memory_space<semaphore_mem>>)
    %dma_wait3A_597 = arith.constant 7 : i32
    %dma_wait3A_598 = arith.constant 128 : i32
    %dma_wait3A_599 = tpu.memref_slice %arg15[%dma_wait3A_597, %dma_wait3A_598] : memref<8x256xi32, #tpu.memory_space<vmem>> -> memref<1x128xi32, #tpu.memory_space<vmem>>
    %dma_wait3A_600 = tpu.memref_squeeze %dma_wait3A_599 : memref<1x128xi32, #tpu.memory_space<vmem>> -> memref<128xi32, #tpu.memory_space<vmem>>
    %dma_wait3A_601 = arith.constant 0 : i32
    %dma_wait3A_602 = arith.constant 0 : i32
    %dma_wait3A_603 = tpu.memref_slice %arg5[%dma_wait3A_601, %dma_wait3A_602] : memref<100000x128xf32, #tpu.memory_space<hbm>> -> memref<100000x128xf32, #tpu.memory_space<hbm>>
    tpu.wait_indirect_dma semaphore(%arg21 : memref<!tpu.dma_semaphore, #tpu.memory_space<semaphore_mem>>) src(%dma_wait3A_603 : memref<100000x128xf32, #tpu.memory_space<hbm>>) dst(%arg19 : memref<128x128xf32, #tpu.memory_space<vmem>>)
    %add3A_604 = arith.constant 128 : i32
    %add3A_605 = arith.addi %mul3A_2, %add3A_604 : i32
    %dma_start3A_606 = arith.constant 7 : i32
    %dma_start3A_607 = arith.constant 0 : i32
    %dma_start3A_608 = tpu.memref_slice %arg14[%dma_start3A_606, %add3A_605, %dma_start3A_607] : memref<8x8192x128xf32, #tpu.memory_space<hbm>> -> memref<1x128x128xf32, #tpu.memory_space<hbm>>
    %dma_start3A_609 = tpu.memref_squeeze %dma_start3A_608 : memref<1x128x128xf32, #tpu.memory_space<hbm>> -> memref<128x128xf32, #tpu.memory_space<hbm>>
    %dma_start3A_610 = arith.constant 0 : i32
    %dma_start3A_611 = tpu.memref_slice %arg14[%dma_start3A_606, %add3A_605, %dma_start3A_610] : memref<8x8192x128xf32, #tpu.memory_space<hbm>> -> memref<1x128x128xf32, #tpu.memory_space<hbm>>
    %dma_start3A_612 = tpu.memref_squeeze %dma_start3A_611 : memref<1x128x128xf32, #tpu.memory_space<hbm>> -> memref<128x128xf32, #tpu.memory_space<hbm>>
    tpu.enqueue_dma source(%arg19 : memref<128x128xf32, #tpu.memory_space<vmem>>) target(%dma_start3A_612 : memref<128x128xf32, #tpu.memory_space<hbm>>) target_semaphore(%arg22 : memref<!tpu.dma_semaphore, #tpu.memory_space<semaphore_mem>>)
    %dma_wait3A_613 = arith.constant 6 : i32
    %dma_wait3A_614 = arith.constant 0 : i32
    %dma_wait3A_615 = tpu.memref_slice %arg14[%dma_wait3A_613, %add3A_543, %dma_wait3A_614] : memref<8x8192x128xf32, #tpu.memory_space<hbm>> -> memref<1x128x128xf32, #tpu.memory_space<hbm>>
    %dma_wait3A_616 = tpu.memref_squeeze %dma_wait3A_615 : memref<1x128x128xf32, #tpu.memory_space<hbm>> -> memref<128x128xf32, #tpu.memory_space<hbm>>
    %dma_wait3A_617 = arith.constant 0 : i32
    %dma_wait3A_618 = tpu.memref_slice %arg14[%dma_wait3A_613, %add3A_543, %dma_wait3A_617] : memref<8x8192x128xf32, #tpu.memory_space<hbm>> -> memref<1x128x128xf32, #tpu.memory_space<hbm>>
    %dma_wait3A_619 = tpu.memref_squeeze %dma_wait3A_618 : memref<1x128x128xf32, #tpu.memory_space<hbm>> -> memref<128x128xf32, #tpu.memory_space<hbm>>
    tpu.wait_dma2 semaphore(%arg22 : memref<!tpu.dma_semaphore, #tpu.memory_space<semaphore_mem>>) src(%arg16 : memref<128x128xf32, #tpu.memory_space<vmem>>) dst(%dma_wait3A_619 : memref<128x128xf32, #tpu.memory_space<hbm>>)
    %dma_wait3A_620 = arith.constant 6 : i32
    %dma_wait3A_621 = arith.constant 0 : i32
    %dma_wait3A_622 = tpu.memref_slice %arg14[%dma_wait3A_620, %add3A_573, %dma_wait3A_621] : memref<8x8192x128xf32, #tpu.memory_space<hbm>> -> memref<1x128x128xf32, #tpu.memory_space<hbm>>
    %dma_wait3A_623 = tpu.memref_squeeze %dma_wait3A_622 : memref<1x128x128xf32, #tpu.memory_space<hbm>> -> memref<128x128xf32, #tpu.memory_space<hbm>>
    %dma_wait3A_624 = arith.constant 0 : i32
    %dma_wait3A_625 = tpu.memref_slice %arg14[%dma_wait3A_620, %add3A_573, %dma_wait3A_624] : memref<8x8192x128xf32, #tpu.memory_space<hbm>> -> memref<1x128x128xf32, #tpu.memory_space<hbm>>
    %dma_wait3A_626 = tpu.memref_squeeze %dma_wait3A_625 : memref<1x128x128xf32, #tpu.memory_space<hbm>> -> memref<128x128xf32, #tpu.memory_space<hbm>>
    tpu.wait_dma2 semaphore(%arg22 : memref<!tpu.dma_semaphore, #tpu.memory_space<semaphore_mem>>) src(%arg17 : memref<128x128xf32, #tpu.memory_space<vmem>>) dst(%dma_wait3A_626 : memref<128x128xf32, #tpu.memory_space<hbm>>)
    %dma_wait3A_627 = arith.constant 7 : i32
    %dma_wait3A_628 = arith.constant 0 : i32
    %dma_wait3A_629 = tpu.memref_slice %arg14[%dma_wait3A_627, %add3A_589, %dma_wait3A_628] : memref<8x8192x128xf32, #tpu.memory_space<hbm>> -> memref<1x128x128xf32, #tpu.memory_space<hbm>>
    %dma_wait3A_630 = tpu.memref_squeeze %dma_wait3A_629 : memref<1x128x128xf32, #tpu.memory_space<hbm>> -> memref<128x128xf32, #tpu.memory_space<hbm>>
    %dma_wait3A_631 = arith.constant 0 : i32
    %dma_wait3A_632 = tpu.memref_slice %arg14[%dma_wait3A_627, %add3A_589, %dma_wait3A_631] : memref<8x8192x128xf32, #tpu.memory_space<hbm>> -> memref<1x128x128xf32, #tpu.memory_space<hbm>>
    %dma_wait3A_633 = tpu.memref_squeeze %dma_wait3A_632 : memref<1x128x128xf32, #tpu.memory_space<hbm>> -> memref<128x128xf32, #tpu.memory_space<hbm>>
    tpu.wait_dma2 semaphore(%arg22 : memref<!tpu.dma_semaphore, #tpu.memory_space<semaphore_mem>>) src(%arg18 : memref<128x128xf32, #tpu.memory_space<vmem>>) dst(%dma_wait3A_633 : memref<128x128xf32, #tpu.memory_space<hbm>>)
    %dma_wait3A_634 = arith.constant 7 : i32
    %dma_wait3A_635 = arith.constant 0 : i32
    %dma_wait3A_636 = tpu.memref_slice %arg14[%dma_wait3A_634, %add3A_605, %dma_wait3A_635] : memref<8x8192x128xf32, #tpu.memory_space<hbm>> -> memref<1x128x128xf32, #tpu.memory_space<hbm>>
    %dma_wait3A_637 = tpu.memref_squeeze %dma_wait3A_636 : memref<1x128x128xf32, #tpu.memory_space<hbm>> -> memref<128x128xf32, #tpu.memory_space<hbm>>
    %dma_wait3A_638 = arith.constant 0 : i32
    %dma_wait3A_639 = tpu.memref_slice %arg14[%dma_wait3A_634, %add3A_605, %dma_wait3A_638] : memref<8x8192x128xf32, #tpu.memory_space<hbm>> -> memref<1x128x128xf32, #tpu.memory_space<hbm>>
    %dma_wait3A_640 = tpu.memref_squeeze %dma_wait3A_639 : memref<1x128x128xf32, #tpu.memory_space<hbm>> -> memref<128x128xf32, #tpu.memory_space<hbm>>
    tpu.wait_dma2 semaphore(%arg22 : memref<!tpu.dma_semaphore, #tpu.memory_space<semaphore_mem>>) src(%arg19 : memref<128x128xf32, #tpu.memory_space<vmem>>) dst(%dma_wait3A_640 : memref<128x128xf32, #tpu.memory_space<hbm>>)
    return
  }
}

#map = affine_map<(d0, d1) -> (0, 0)>
#map1 = affine_map<(d0, d1) -> (0)>
#map2 = affine_map<(d0, d1) -> (0, 0, 0)>
module attributes {stable_mosaic.version = 14 : i64} {
  func.func @_sc_gather(%arg0: i32, %arg1: i32, %arg2: memref<100000x128xf32, #tpu.memory_space<hbm>>, %arg3: memref<100000x128xf32, #tpu.memory_space<hbm>>, %arg4: memref<100000x128xf32, #tpu.memory_space<hbm>>, %arg5: memref<100000x128xf32, #tpu.memory_space<hbm>>, %arg6: memref<16384xi32, #tpu.memory_space<hbm>>, %arg7: memref<16384xi32, #tpu.memory_space<hbm>>, %arg8: memref<16384xi32, #tpu.memory_space<hbm>>, %arg9: memref<16384xi32, #tpu.memory_space<hbm>>, %arg10: memref<16384xi32, #tpu.memory_space<hbm>>, %arg11: memref<16384xi32, #tpu.memory_space<hbm>>, %arg12: memref<16384xi32, #tpu.memory_space<hbm>>, %arg13: memref<16384xi32, #tpu.memory_space<hbm>>, %arg14: memref<8x8192x128xf32, #tpu.memory_space<hbm>>, %arg15: memref<8x256xi32, #tpu.memory_space<vmem>>, %arg16: memref<128x128xf32, #tpu.memory_space<vmem>>, %arg17: memref<128x128xf32, #tpu.memory_space<vmem>>, %arg18: memref<128x128xf32, #tpu.memory_space<vmem>>, %arg19: memref<128x128xf32, #tpu.memory_space<vmem>>, %arg20: memref<!tpu.dma_semaphore, #tpu.memory_space<semaphore_mem>>, %arg21: memref<!tpu.dma_semaphore, #tpu.memory_space<semaphore_mem>>, %arg22: memref<!tpu.dma_semaphore, #tpu.memory_space<semaphore_mem>>) attributes {dimension_semantics = [#tpu.dimension_semantics<core_parallel>, #tpu.dimension_semantics<subcore_parallel>], iteration_bounds = array<i64: 2, 16>, scalar_prefetch = 0 : i64, scratch_operands = 8 : i64, tpu.core_type = #tpu.core_type<sc_vector_subcore>, window_params = [{transform_indices = #map}, {transform_indices = #map}, {transform_indices = #map}, {transform_indices = #map}, {transform_indices = #map1}, {transform_indices = #map1}, {transform_indices = #map1}, {transform_indices = #map1}, {transform_indices = #map1}, {transform_indices = #map1}, {transform_indices = #map1}, {transform_indices = #map1}, {transform_indices = #map2}]} {
    %mul3A = arith.constant 2 : i32
    %mul3A_0 = arith.muli %arg1, %mul3A : i32
    %add3A = arith.addi %mul3A_0, %arg0 : i32
    %mul3A_1 = arith.constant 256 : i32
    %mul3A_2 = arith.muli %add3A, %mul3A_1 : i32
    %add3A_3 = arith.constant 8192 : i32
    %add3A_4 = arith.addi %add3A_3, %mul3A_2 : i32
    %dma_start3A = arith.constant 0 : i32
    %dma_start3A_5 = arith.constant 0 : i32
    %dma_start3A_6 = tpu.memref_slice %arg15[%dma_start3A, %dma_start3A_5] : memref<8x256xi32, #tpu.memory_space<vmem>> -> memref<1x256xi32, #tpu.memory_space<vmem>>
    %dma_start3A_7 = tpu.memref_squeeze %dma_start3A_6 : memref<1x256xi32, #tpu.memory_space<vmem>> -> memref<256xi32, #tpu.memory_space<vmem>>
    %dma_start3A_8 = tpu.memref_slice %arg6[%add3A_4] : memref<16384xi32, #tpu.memory_space<hbm>> -> memref<256xi32, #tpu.memory_space<hbm>>
    %dma_start3A_9 = arith.constant 0 : i32
    %dma_start3A_10 = tpu.memref_slice %arg15[%dma_start3A, %dma_start3A_9] : memref<8x256xi32, #tpu.memory_space<vmem>> -> memref<1x256xi32, #tpu.memory_space<vmem>>
    %dma_start3A_11 = tpu.memref_squeeze %dma_start3A_10 : memref<1x256xi32, #tpu.memory_space<vmem>> -> memref<256xi32, #tpu.memory_space<vmem>>
    %dma_start3A_12 = tpu.memref_slice %arg6[%add3A_4] : memref<16384xi32, #tpu.memory_space<hbm>> -> memref<256xi32, #tpu.memory_space<hbm>>
    tpu.enqueue_dma source(%dma_start3A_12 : memref<256xi32, #tpu.memory_space<hbm>>) target(%dma_start3A_11 : memref<256xi32, #tpu.memory_space<vmem>>) target_semaphore(%arg20 : memref<!tpu.dma_semaphore, #tpu.memory_space<semaphore_mem>>)
    %add3A_13 = arith.constant 8192 : i32
    %add3A_14 = arith.addi %add3A_13, %mul3A_2 : i32
    %dma_start3A_15 = arith.constant 1 : i32
    %dma_start3A_16 = arith.constant 0 : i32
    %dma_start3A_17 = tpu.memref_slice %arg15[%dma_start3A_15, %dma_start3A_16] : memref<8x256xi32, #tpu.memory_space<vmem>> -> memref<1x256xi32, #tpu.memory_space<vmem>>
    %dma_start3A_18 = tpu.memref_squeeze %dma_start3A_17 : memref<1x256xi32, #tpu.memory_space<vmem>> -> memref<256xi32, #tpu.memory_space<vmem>>
    %dma_start3A_19 = tpu.memref_slice %arg7[%add3A_14] : memref<16384xi32, #tpu.memory_space<hbm>> -> memref<256xi32, #tpu.memory_space<hbm>>
    %dma_start3A_20 = arith.constant 0 : i32
    %dma_start3A_21 = tpu.memref_slice %arg15[%dma_start3A_15, %dma_start3A_20] : memref<8x256xi32, #tpu.memory_space<vmem>> -> memref<1x256xi32, #tpu.memory_space<vmem>>
    %dma_start3A_22 = tpu.memref_squeeze %dma_start3A_21 : memref<1x256xi32, #tpu.memory_space<vmem>> -> memref<256xi32, #tpu.memory_space<vmem>>
    %dma_start3A_23 = tpu.memref_slice %arg7[%add3A_14] : memref<16384xi32, #tpu.memory_space<hbm>> -> memref<256xi32, #tpu.memory_space<hbm>>
    tpu.enqueue_dma source(%dma_start3A_23 : memref<256xi32, #tpu.memory_space<hbm>>) target(%dma_start3A_22 : memref<256xi32, #tpu.memory_space<vmem>>) target_semaphore(%arg20 : memref<!tpu.dma_semaphore, #tpu.memory_space<semaphore_mem>>)
    %add3A_24 = arith.constant 8192 : i32
    %add3A_25 = arith.addi %add3A_24, %mul3A_2 : i32
    %dma_start3A_26 = arith.constant 2 : i32
    %dma_start3A_27 = arith.constant 0 : i32
    %dma_start3A_28 = tpu.memref_slice %arg15[%dma_start3A_26, %dma_start3A_27] : memref<8x256xi32, #tpu.memory_space<vmem>> -> memref<1x256xi32, #tpu.memory_space<vmem>>
    %dma_start3A_29 = tpu.memref_squeeze %dma_start3A_28 : memref<1x256xi32, #tpu.memory_space<vmem>> -> memref<256xi32, #tpu.memory_space<vmem>>
    %dma_start3A_30 = tpu.memref_slice %arg8[%add3A_25] : memref<16384xi32, #tpu.memory_space<hbm>> -> memref<256xi32, #tpu.memory_space<hbm>>
    %dma_start3A_31 = arith.constant 0 : i32
    %dma_start3A_32 = tpu.memref_slice %arg15[%dma_start3A_26, %dma_start3A_31] : memref<8x256xi32, #tpu.memory_space<vmem>> -> memref<1x256xi32, #tpu.memory_space<vmem>>
    %dma_start3A_33 = tpu.memref_squeeze %dma_start3A_32 : memref<1x256xi32, #tpu.memory_space<vmem>> -> memref<256xi32, #tpu.memory_space<vmem>>
    %dma_start3A_34 = tpu.memref_slice %arg8[%add3A_25] : memref<16384xi32, #tpu.memory_space<hbm>> -> memref<256xi32, #tpu.memory_space<hbm>>
    tpu.enqueue_dma source(%dma_start3A_34 : memref<256xi32, #tpu.memory_space<hbm>>) target(%dma_start3A_33 : memref<256xi32, #tpu.memory_space<vmem>>) target_semaphore(%arg20 : memref<!tpu.dma_semaphore, #tpu.memory_space<semaphore_mem>>)
    %add3A_35 = arith.constant 8192 : i32
    %add3A_36 = arith.addi %add3A_35, %mul3A_2 : i32
    %dma_start3A_37 = arith.constant 3 : i32
    %dma_start3A_38 = arith.constant 0 : i32
    %dma_start3A_39 = tpu.memref_slice %arg15[%dma_start3A_37, %dma_start3A_38] : memref<8x256xi32, #tpu.memory_space<vmem>> -> memref<1x256xi32, #tpu.memory_space<vmem>>
    %dma_start3A_40 = tpu.memref_squeeze %dma_start3A_39 : memref<1x256xi32, #tpu.memory_space<vmem>> -> memref<256xi32, #tpu.memory_space<vmem>>
    %dma_start3A_41 = tpu.memref_slice %arg9[%add3A_36] : memref<16384xi32, #tpu.memory_space<hbm>> -> memref<256xi32, #tpu.memory_space<hbm>>
    %dma_start3A_42 = arith.constant 0 : i32
    %dma_start3A_43 = tpu.memref_slice %arg15[%dma_start3A_37, %dma_start3A_42] : memref<8x256xi32, #tpu.memory_space<vmem>> -> memref<1x256xi32, #tpu.memory_space<vmem>>
    %dma_start3A_44 = tpu.memref_squeeze %dma_start3A_43 : memref<1x256xi32, #tpu.memory_space<vmem>> -> memref<256xi32, #tpu.memory_space<vmem>>
    %dma_start3A_45 = tpu.memref_slice %arg9[%add3A_36] : memref<16384xi32, #tpu.memory_space<hbm>> -> memref<256xi32, #tpu.memory_space<hbm>>
    tpu.enqueue_dma source(%dma_start3A_45 : memref<256xi32, #tpu.memory_space<hbm>>) target(%dma_start3A_44 : memref<256xi32, #tpu.memory_space<vmem>>) target_semaphore(%arg20 : memref<!tpu.dma_semaphore, #tpu.memory_space<semaphore_mem>>)
    %add3A_46 = arith.constant 8192 : i32
    %add3A_47 = arith.addi %add3A_46, %mul3A_2 : i32
    %dma_start3A_48 = arith.constant 4 : i32
    %dma_start3A_49 = arith.constant 0 : i32
    %dma_start3A_50 = tpu.memref_slice %arg15[%dma_start3A_48, %dma_start3A_49] : memref<8x256xi32, #tpu.memory_space<vmem>> -> memref<1x256xi32, #tpu.memory_space<vmem>>
    %dma_start3A_51 = tpu.memref_squeeze %dma_start3A_50 : memref<1x256xi32, #tpu.memory_space<vmem>> -> memref<256xi32, #tpu.memory_space<vmem>>
    %dma_start3A_52 = tpu.memref_slice %arg10[%add3A_47] : memref<16384xi32, #tpu.memory_space<hbm>> -> memref<256xi32, #tpu.memory_space<hbm>>
    %dma_start3A_53 = arith.constant 0 : i32
    %dma_start3A_54 = tpu.memref_slice %arg15[%dma_start3A_48, %dma_start3A_53] : memref<8x256xi32, #tpu.memory_space<vmem>> -> memref<1x256xi32, #tpu.memory_space<vmem>>
    %dma_start3A_55 = tpu.memref_squeeze %dma_start3A_54 : memref<1x256xi32, #tpu.memory_space<vmem>> -> memref<256xi32, #tpu.memory_space<vmem>>
    %dma_start3A_56 = tpu.memref_slice %arg10[%add3A_47] : memref<16384xi32, #tpu.memory_space<hbm>> -> memref<256xi32, #tpu.memory_space<hbm>>
    tpu.enqueue_dma source(%dma_start3A_56 : memref<256xi32, #tpu.memory_space<hbm>>) target(%dma_start3A_55 : memref<256xi32, #tpu.memory_space<vmem>>) target_semaphore(%arg20 : memref<!tpu.dma_semaphore, #tpu.memory_space<semaphore_mem>>)
    %add3A_57 = arith.constant 8192 : i32
    %add3A_58 = arith.addi %add3A_57, %mul3A_2 : i32
    %dma_start3A_59 = arith.constant 5 : i32
    %dma_start3A_60 = arith.constant 0 : i32
    %dma_start3A_61 = tpu.memref_slice %arg15[%dma_start3A_59, %dma_start3A_60] : memref<8x256xi32, #tpu.memory_space<vmem>> -> memref<1x256xi32, #tpu.memory_space<vmem>>
    %dma_start3A_62 = tpu.memref_squeeze %dma_start3A_61 : memref<1x256xi32, #tpu.memory_space<vmem>> -> memref<256xi32, #tpu.memory_space<vmem>>
    %dma_start3A_63 = tpu.memref_slice %arg11[%add3A_58] : memref<16384xi32, #tpu.memory_space<hbm>> -> memref<256xi32, #tpu.memory_space<hbm>>
    %dma_start3A_64 = arith.constant 0 : i32
    %dma_start3A_65 = tpu.memref_slice %arg15[%dma_start3A_59, %dma_start3A_64] : memref<8x256xi32, #tpu.memory_space<vmem>> -> memref<1x256xi32, #tpu.memory_space<vmem>>
    %dma_start3A_66 = tpu.memref_squeeze %dma_start3A_65 : memref<1x256xi32, #tpu.memory_space<vmem>> -> memref<256xi32, #tpu.memory_space<vmem>>
    %dma_start3A_67 = tpu.memref_slice %arg11[%add3A_58] : memref<16384xi32, #tpu.memory_space<hbm>> -> memref<256xi32, #tpu.memory_space<hbm>>
    tpu.enqueue_dma source(%dma_start3A_67 : memref<256xi32, #tpu.memory_space<hbm>>) target(%dma_start3A_66 : memref<256xi32, #tpu.memory_space<vmem>>) target_semaphore(%arg20 : memref<!tpu.dma_semaphore, #tpu.memory_space<semaphore_mem>>)
    %add3A_68 = arith.constant 8192 : i32
    %add3A_69 = arith.addi %add3A_68, %mul3A_2 : i32
    %dma_start3A_70 = arith.constant 6 : i32
    %dma_start3A_71 = arith.constant 0 : i32
    %dma_start3A_72 = tpu.memref_slice %arg15[%dma_start3A_70, %dma_start3A_71] : memref<8x256xi32, #tpu.memory_space<vmem>> -> memref<1x256xi32, #tpu.memory_space<vmem>>
    %dma_start3A_73 = tpu.memref_squeeze %dma_start3A_72 : memref<1x256xi32, #tpu.memory_space<vmem>> -> memref<256xi32, #tpu.memory_space<vmem>>
    %dma_start3A_74 = tpu.memref_slice %arg12[%add3A_69] : memref<16384xi32, #tpu.memory_space<hbm>> -> memref<256xi32, #tpu.memory_space<hbm>>
    %dma_start3A_75 = arith.constant 0 : i32
    %dma_start3A_76 = tpu.memref_slice %arg15[%dma_start3A_70, %dma_start3A_75] : memref<8x256xi32, #tpu.memory_space<vmem>> -> memref<1x256xi32, #tpu.memory_space<vmem>>
    %dma_start3A_77 = tpu.memref_squeeze %dma_start3A_76 : memref<1x256xi32, #tpu.memory_space<vmem>> -> memref<256xi32, #tpu.memory_space<vmem>>
    %dma_start3A_78 = tpu.memref_slice %arg12[%add3A_69] : memref<16384xi32, #tpu.memory_space<hbm>> -> memref<256xi32, #tpu.memory_space<hbm>>
    tpu.enqueue_dma source(%dma_start3A_78 : memref<256xi32, #tpu.memory_space<hbm>>) target(%dma_start3A_77 : memref<256xi32, #tpu.memory_space<vmem>>) target_semaphore(%arg20 : memref<!tpu.dma_semaphore, #tpu.memory_space<semaphore_mem>>)
    %add3A_79 = arith.constant 8192 : i32
    %add3A_80 = arith.addi %add3A_79, %mul3A_2 : i32
    %dma_start3A_81 = arith.constant 7 : i32
    %dma_start3A_82 = arith.constant 0 : i32
    %dma_start3A_83 = tpu.memref_slice %arg15[%dma_start3A_81, %dma_start3A_82] : memref<8x256xi32, #tpu.memory_space<vmem>> -> memref<1x256xi32, #tpu.memory_space<vmem>>
    %dma_start3A_84 = tpu.memref_squeeze %dma_start3A_83 : memref<1x256xi32, #tpu.memory_space<vmem>> -> memref<256xi32, #tpu.memory_space<vmem>>
    %dma_start3A_85 = tpu.memref_slice %arg13[%add3A_80] : memref<16384xi32, #tpu.memory_space<hbm>> -> memref<256xi32, #tpu.memory_space<hbm>>
    %dma_start3A_86 = arith.constant 0 : i32
    %dma_start3A_87 = tpu.memref_slice %arg15[%dma_start3A_81, %dma_start3A_86] : memref<8x256xi32, #tpu.memory_space<vmem>> -> memref<1x256xi32, #tpu.memory_space<vmem>>
    %dma_start3A_88 = tpu.memref_squeeze %dma_start3A_87 : memref<1x256xi32, #tpu.memory_space<vmem>> -> memref<256xi32, #tpu.memory_space<vmem>>
    %dma_start3A_89 = tpu.memref_slice %arg13[%add3A_80] : memref<16384xi32, #tpu.memory_space<hbm>> -> memref<256xi32, #tpu.memory_space<hbm>>
    tpu.enqueue_dma source(%dma_start3A_89 : memref<256xi32, #tpu.memory_space<hbm>>) target(%dma_start3A_88 : memref<256xi32, #tpu.memory_space<vmem>>) target_semaphore(%arg20 : memref<!tpu.dma_semaphore, #tpu.memory_space<semaphore_mem>>)
    %dma_wait3A = arith.constant 0 : i32
    %dma_wait3A_90 = arith.constant 0 : i32
    %dma_wait3A_91 = tpu.memref_slice %arg15[%dma_wait3A, %dma_wait3A_90] : memref<8x256xi32, #tpu.memory_space<vmem>> -> memref<1x256xi32, #tpu.memory_space<vmem>>
    %dma_wait3A_92 = tpu.memref_squeeze %dma_wait3A_91 : memref<1x256xi32, #tpu.memory_space<vmem>> -> memref<256xi32, #tpu.memory_space<vmem>>
    %dma_wait3A_93 = tpu.memref_slice %arg6[%add3A_4] : memref<16384xi32, #tpu.memory_space<hbm>> -> memref<256xi32, #tpu.memory_space<hbm>>
    %dma_wait3A_94 = arith.constant 0 : i32
    %dma_wait3A_95 = tpu.memref_slice %arg15[%dma_wait3A, %dma_wait3A_94] : memref<8x256xi32, #tpu.memory_space<vmem>> -> memref<1x256xi32, #tpu.memory_space<vmem>>
    %dma_wait3A_96 = tpu.memref_squeeze %dma_wait3A_95 : memref<1x256xi32, #tpu.memory_space<vmem>> -> memref<256xi32, #tpu.memory_space<vmem>>
    %dma_wait3A_97 = tpu.memref_slice %arg6[%add3A_4] : memref<16384xi32, #tpu.memory_space<hbm>> -> memref<256xi32, #tpu.memory_space<hbm>>
    tpu.wait_dma2 semaphore(%arg20 : memref<!tpu.dma_semaphore, #tpu.memory_space<semaphore_mem>>) src(%dma_wait3A_97 : memref<256xi32, #tpu.memory_space<hbm>>) dst(%dma_wait3A_96 : memref<256xi32, #tpu.memory_space<vmem>>)
    %dma_wait3A_98 = arith.constant 1 : i32
    %dma_wait3A_99 = arith.constant 0 : i32
    %dma_wait3A_100 = tpu.memref_slice %arg15[%dma_wait3A_98, %dma_wait3A_99] : memref<8x256xi32, #tpu.memory_space<vmem>> -> memref<1x256xi32, #tpu.memory_space<vmem>>
    %dma_wait3A_101 = tpu.memref_squeeze %dma_wait3A_100 : memref<1x256xi32, #tpu.memory_space<vmem>> -> memref<256xi32, #tpu.memory_space<vmem>>
    %dma_wait3A_102 = tpu.memref_slice %arg7[%add3A_14] : memref<16384xi32, #tpu.memory_space<hbm>> -> memref<256xi32, #tpu.memory_space<hbm>>
    %dma_wait3A_103 = arith.constant 0 : i32
    %dma_wait3A_104 = tpu.memref_slice %arg15[%dma_wait3A_98, %dma_wait3A_103] : memref<8x256xi32, #tpu.memory_space<vmem>> -> memref<1x256xi32, #tpu.memory_space<vmem>>
    %dma_wait3A_105 = tpu.memref_squeeze %dma_wait3A_104 : memref<1x256xi32, #tpu.memory_space<vmem>> -> memref<256xi32, #tpu.memory_space<vmem>>
    %dma_wait3A_106 = tpu.memref_slice %arg7[%add3A_14] : memref<16384xi32, #tpu.memory_space<hbm>> -> memref<256xi32, #tpu.memory_space<hbm>>
    tpu.wait_dma2 semaphore(%arg20 : memref<!tpu.dma_semaphore, #tpu.memory_space<semaphore_mem>>) src(%dma_wait3A_106 : memref<256xi32, #tpu.memory_space<hbm>>) dst(%dma_wait3A_105 : memref<256xi32, #tpu.memory_space<vmem>>)
    %dma_wait3A_107 = arith.constant 2 : i32
    %dma_wait3A_108 = arith.constant 0 : i32
    %dma_wait3A_109 = tpu.memref_slice %arg15[%dma_wait3A_107, %dma_wait3A_108] : memref<8x256xi32, #tpu.memory_space<vmem>> -> memref<1x256xi32, #tpu.memory_space<vmem>>
    %dma_wait3A_110 = tpu.memref_squeeze %dma_wait3A_109 : memref<1x256xi32, #tpu.memory_space<vmem>> -> memref<256xi32, #tpu.memory_space<vmem>>
    %dma_wait3A_111 = tpu.memref_slice %arg8[%add3A_25] : memref<16384xi32, #tpu.memory_space<hbm>> -> memref<256xi32, #tpu.memory_space<hbm>>
    %dma_wait3A_112 = arith.constant 0 : i32
    %dma_wait3A_113 = tpu.memref_slice %arg15[%dma_wait3A_107, %dma_wait3A_112] : memref<8x256xi32, #tpu.memory_space<vmem>> -> memref<1x256xi32, #tpu.memory_space<vmem>>
    %dma_wait3A_114 = tpu.memref_squeeze %dma_wait3A_113 : memref<1x256xi32, #tpu.memory_space<vmem>> -> memref<256xi32, #tpu.memory_space<vmem>>
    %dma_wait3A_115 = tpu.memref_slice %arg8[%add3A_25] : memref<16384xi32, #tpu.memory_space<hbm>> -> memref<256xi32, #tpu.memory_space<hbm>>
    tpu.wait_dma2 semaphore(%arg20 : memref<!tpu.dma_semaphore, #tpu.memory_space<semaphore_mem>>) src(%dma_wait3A_115 : memref<256xi32, #tpu.memory_space<hbm>>) dst(%dma_wait3A_114 : memref<256xi32, #tpu.memory_space<vmem>>)
    %dma_wait3A_116 = arith.constant 3 : i32
    %dma_wait3A_117 = arith.constant 0 : i32
    %dma_wait3A_118 = tpu.memref_slice %arg15[%dma_wait3A_116, %dma_wait3A_117] : memref<8x256xi32, #tpu.memory_space<vmem>> -> memref<1x256xi32, #tpu.memory_space<vmem>>
    %dma_wait3A_119 = tpu.memref_squeeze %dma_wait3A_118 : memref<1x256xi32, #tpu.memory_space<vmem>> -> memref<256xi32, #tpu.memory_space<vmem>>
    %dma_wait3A_120 = tpu.memref_slice %arg9[%add3A_36] : memref<16384xi32, #tpu.memory_space<hbm>> -> memref<256xi32, #tpu.memory_space<hbm>>
    %dma_wait3A_121 = arith.constant 0 : i32
    %dma_wait3A_122 = tpu.memref_slice %arg15[%dma_wait3A_116, %dma_wait3A_121] : memref<8x256xi32, #tpu.memory_space<vmem>> -> memref<1x256xi32, #tpu.memory_space<vmem>>
    %dma_wait3A_123 = tpu.memref_squeeze %dma_wait3A_122 : memref<1x256xi32, #tpu.memory_space<vmem>> -> memref<256xi32, #tpu.memory_space<vmem>>
    %dma_wait3A_124 = tpu.memref_slice %arg9[%add3A_36] : memref<16384xi32, #tpu.memory_space<hbm>> -> memref<256xi32, #tpu.memory_space<hbm>>
    tpu.wait_dma2 semaphore(%arg20 : memref<!tpu.dma_semaphore, #tpu.memory_space<semaphore_mem>>) src(%dma_wait3A_124 : memref<256xi32, #tpu.memory_space<hbm>>) dst(%dma_wait3A_123 : memref<256xi32, #tpu.memory_space<vmem>>)
    %dma_wait3A_125 = arith.constant 4 : i32
    %dma_wait3A_126 = arith.constant 0 : i32
    %dma_wait3A_127 = tpu.memref_slice %arg15[%dma_wait3A_125, %dma_wait3A_126] : memref<8x256xi32, #tpu.memory_space<vmem>> -> memref<1x256xi32, #tpu.memory_space<vmem>>
    %dma_wait3A_128 = tpu.memref_squeeze %dma_wait3A_127 : memref<1x256xi32, #tpu.memory_space<vmem>> -> memref<256xi32, #tpu.memory_space<vmem>>
    %dma_wait3A_129 = tpu.memref_slice %arg10[%add3A_47] : memref<16384xi32, #tpu.memory_space<hbm>> -> memref<256xi32, #tpu.memory_space<hbm>>
    %dma_wait3A_130 = arith.constant 0 : i32
    %dma_wait3A_131 = tpu.memref_slice %arg15[%dma_wait3A_125, %dma_wait3A_130] : memref<8x256xi32, #tpu.memory_space<vmem>> -> memref<1x256xi32, #tpu.memory_space<vmem>>
    %dma_wait3A_132 = tpu.memref_squeeze %dma_wait3A_131 : memref<1x256xi32, #tpu.memory_space<vmem>> -> memref<256xi32, #tpu.memory_space<vmem>>
    %dma_wait3A_133 = tpu.memref_slice %arg10[%add3A_47] : memref<16384xi32, #tpu.memory_space<hbm>> -> memref<256xi32, #tpu.memory_space<hbm>>
    tpu.wait_dma2 semaphore(%arg20 : memref<!tpu.dma_semaphore, #tpu.memory_space<semaphore_mem>>) src(%dma_wait3A_133 : memref<256xi32, #tpu.memory_space<hbm>>) dst(%dma_wait3A_132 : memref<256xi32, #tpu.memory_space<vmem>>)
    %dma_wait3A_134 = arith.constant 5 : i32
    %dma_wait3A_135 = arith.constant 0 : i32
    %dma_wait3A_136 = tpu.memref_slice %arg15[%dma_wait3A_134, %dma_wait3A_135] : memref<8x256xi32, #tpu.memory_space<vmem>> -> memref<1x256xi32, #tpu.memory_space<vmem>>
    %dma_wait3A_137 = tpu.memref_squeeze %dma_wait3A_136 : memref<1x256xi32, #tpu.memory_space<vmem>> -> memref<256xi32, #tpu.memory_space<vmem>>
    %dma_wait3A_138 = tpu.memref_slice %arg11[%add3A_58] : memref<16384xi32, #tpu.memory_space<hbm>> -> memref<256xi32, #tpu.memory_space<hbm>>
    %dma_wait3A_139 = arith.constant 0 : i32
    %dma_wait3A_140 = tpu.memref_slice %arg15[%dma_wait3A_134, %dma_wait3A_139] : memref<8x256xi32, #tpu.memory_space<vmem>> -> memref<1x256xi32, #tpu.memory_space<vmem>>
    %dma_wait3A_141 = tpu.memref_squeeze %dma_wait3A_140 : memref<1x256xi32, #tpu.memory_space<vmem>> -> memref<256xi32, #tpu.memory_space<vmem>>
    %dma_wait3A_142 = tpu.memref_slice %arg11[%add3A_58] : memref<16384xi32, #tpu.memory_space<hbm>> -> memref<256xi32, #tpu.memory_space<hbm>>
    tpu.wait_dma2 semaphore(%arg20 : memref<!tpu.dma_semaphore, #tpu.memory_space<semaphore_mem>>) src(%dma_wait3A_142 : memref<256xi32, #tpu.memory_space<hbm>>) dst(%dma_wait3A_141 : memref<256xi32, #tpu.memory_space<vmem>>)
    %dma_wait3A_143 = arith.constant 6 : i32
    %dma_wait3A_144 = arith.constant 0 : i32
    %dma_wait3A_145 = tpu.memref_slice %arg15[%dma_wait3A_143, %dma_wait3A_144] : memref<8x256xi32, #tpu.memory_space<vmem>> -> memref<1x256xi32, #tpu.memory_space<vmem>>
    %dma_wait3A_146 = tpu.memref_squeeze %dma_wait3A_145 : memref<1x256xi32, #tpu.memory_space<vmem>> -> memref<256xi32, #tpu.memory_space<vmem>>
    %dma_wait3A_147 = tpu.memref_slice %arg12[%add3A_69] : memref<16384xi32, #tpu.memory_space<hbm>> -> memref<256xi32, #tpu.memory_space<hbm>>
    %dma_wait3A_148 = arith.constant 0 : i32
    %dma_wait3A_149 = tpu.memref_slice %arg15[%dma_wait3A_143, %dma_wait3A_148] : memref<8x256xi32, #tpu.memory_space<vmem>> -> memref<1x256xi32, #tpu.memory_space<vmem>>
    %dma_wait3A_150 = tpu.memref_squeeze %dma_wait3A_149 : memref<1x256xi32, #tpu.memory_space<vmem>> -> memref<256xi32, #tpu.memory_space<vmem>>
    %dma_wait3A_151 = tpu.memref_slice %arg12[%add3A_69] : memref<16384xi32, #tpu.memory_space<hbm>> -> memref<256xi32, #tpu.memory_space<hbm>>
    tpu.wait_dma2 semaphore(%arg20 : memref<!tpu.dma_semaphore, #tpu.memory_space<semaphore_mem>>) src(%dma_wait3A_151 : memref<256xi32, #tpu.memory_space<hbm>>) dst(%dma_wait3A_150 : memref<256xi32, #tpu.memory_space<vmem>>)
    %dma_wait3A_152 = arith.constant 7 : i32
    %dma_wait3A_153 = arith.constant 0 : i32
    %dma_wait3A_154 = tpu.memref_slice %arg15[%dma_wait3A_152, %dma_wait3A_153] : memref<8x256xi32, #tpu.memory_space<vmem>> -> memref<1x256xi32, #tpu.memory_space<vmem>>
    %dma_wait3A_155 = tpu.memref_squeeze %dma_wait3A_154 : memref<1x256xi32, #tpu.memory_space<vmem>> -> memref<256xi32, #tpu.memory_space<vmem>>
    %dma_wait3A_156 = tpu.memref_slice %arg13[%add3A_80] : memref<16384xi32, #tpu.memory_space<hbm>> -> memref<256xi32, #tpu.memory_space<hbm>>
    %dma_wait3A_157 = arith.constant 0 : i32
    %dma_wait3A_158 = tpu.memref_slice %arg15[%dma_wait3A_152, %dma_wait3A_157] : memref<8x256xi32, #tpu.memory_space<vmem>> -> memref<1x256xi32, #tpu.memory_space<vmem>>
    %dma_wait3A_159 = tpu.memref_squeeze %dma_wait3A_158 : memref<1x256xi32, #tpu.memory_space<vmem>> -> memref<256xi32, #tpu.memory_space<vmem>>
    %dma_wait3A_160 = tpu.memref_slice %arg13[%add3A_80] : memref<16384xi32, #tpu.memory_space<hbm>> -> memref<256xi32, #tpu.memory_space<hbm>>
    tpu.wait_dma2 semaphore(%arg20 : memref<!tpu.dma_semaphore, #tpu.memory_space<semaphore_mem>>) src(%dma_wait3A_160 : memref<256xi32, #tpu.memory_space<hbm>>) dst(%dma_wait3A_159 : memref<256xi32, #tpu.memory_space<vmem>>)
    %dma_start3A_161 = arith.constant 0 : i32
    %dma_start3A_162 = arith.constant 0 : i32
    %dma_start3A_163 = tpu.memref_slice %arg15[%dma_start3A_161, %dma_start3A_162] : memref<8x256xi32, #tpu.memory_space<vmem>> -> memref<1x128xi32, #tpu.memory_space<vmem>>
    %dma_start3A_164 = tpu.memref_squeeze %dma_start3A_163 : memref<1x128xi32, #tpu.memory_space<vmem>> -> memref<128xi32, #tpu.memory_space<vmem>>
    %dma_start3A_165 = arith.constant 0 : i32
    %dma_start3A_166 = arith.constant 0 : i32
    %dma_start3A_167 = tpu.memref_slice %arg2[%dma_start3A_165, %dma_start3A_166] : memref<100000x128xf32, #tpu.memory_space<hbm>> -> memref<100000x128xf32, #tpu.memory_space<hbm>>
    tpu.enqueue_indirect_dma source(%dma_start3A_167 : memref<100000x128xf32, #tpu.memory_space<hbm>>) target(%arg16 : memref<128x128xf32, #tpu.memory_space<vmem>>) offsets(%dma_start3A_164 : memref<128xi32, #tpu.memory_space<vmem>>) semaphore(%arg21 : memref<!tpu.dma_semaphore, #tpu.memory_space<semaphore_mem>>)
    %dma_start3A_168 = arith.constant 0 : i32
    %dma_start3A_169 = arith.constant 128 : i32
    %dma_start3A_170 = tpu.memref_slice %arg15[%dma_start3A_168, %dma_start3A_169] : memref<8x256xi32, #tpu.memory_space<vmem>> -> memref<1x128xi32, #tpu.memory_space<vmem>>
    %dma_start3A_171 = tpu.memref_squeeze %dma_start3A_170 : memref<1x128xi32, #tpu.memory_space<vmem>> -> memref<128xi32, #tpu.memory_space<vmem>>
    %dma_start3A_172 = arith.constant 0 : i32
    %dma_start3A_173 = arith.constant 0 : i32
    %dma_start3A_174 = tpu.memref_slice %arg2[%dma_start3A_172, %dma_start3A_173] : memref<100000x128xf32, #tpu.memory_space<hbm>> -> memref<100000x128xf32, #tpu.memory_space<hbm>>
    tpu.enqueue_indirect_dma source(%dma_start3A_174 : memref<100000x128xf32, #tpu.memory_space<hbm>>) target(%arg17 : memref<128x128xf32, #tpu.memory_space<vmem>>) offsets(%dma_start3A_171 : memref<128xi32, #tpu.memory_space<vmem>>) semaphore(%arg21 : memref<!tpu.dma_semaphore, #tpu.memory_space<semaphore_mem>>)
    %dma_start3A_175 = arith.constant 1 : i32
    %dma_start3A_176 = arith.constant 0 : i32
    %dma_start3A_177 = tpu.memref_slice %arg15[%dma_start3A_175, %dma_start3A_176] : memref<8x256xi32, #tpu.memory_space<vmem>> -> memref<1x128xi32, #tpu.memory_space<vmem>>
    %dma_start3A_178 = tpu.memref_squeeze %dma_start3A_177 : memref<1x128xi32, #tpu.memory_space<vmem>> -> memref<128xi32, #tpu.memory_space<vmem>>
    %dma_start3A_179 = arith.constant 0 : i32
    %dma_start3A_180 = arith.constant 0 : i32
    %dma_start3A_181 = tpu.memref_slice %arg3[%dma_start3A_179, %dma_start3A_180] : memref<100000x128xf32, #tpu.memory_space<hbm>> -> memref<100000x128xf32, #tpu.memory_space<hbm>>
    tpu.enqueue_indirect_dma source(%dma_start3A_181 : memref<100000x128xf32, #tpu.memory_space<hbm>>) target(%arg18 : memref<128x128xf32, #tpu.memory_space<vmem>>) offsets(%dma_start3A_178 : memref<128xi32, #tpu.memory_space<vmem>>) semaphore(%arg21 : memref<!tpu.dma_semaphore, #tpu.memory_space<semaphore_mem>>)
    %dma_wait3A_182 = arith.constant 0 : i32
    %dma_wait3A_183 = arith.constant 0 : i32
    %dma_wait3A_184 = tpu.memref_slice %arg15[%dma_wait3A_182, %dma_wait3A_183] : memref<8x256xi32, #tpu.memory_space<vmem>> -> memref<1x128xi32, #tpu.memory_space<vmem>>
    %dma_wait3A_185 = tpu.memref_squeeze %dma_wait3A_184 : memref<1x128xi32, #tpu.memory_space<vmem>> -> memref<128xi32, #tpu.memory_space<vmem>>
    %dma_wait3A_186 = arith.constant 0 : i32
    %dma_wait3A_187 = arith.constant 0 : i32
    %dma_wait3A_188 = tpu.memref_slice %arg2[%dma_wait3A_186, %dma_wait3A_187] : memref<100000x128xf32, #tpu.memory_space<hbm>> -> memref<100000x128xf32, #tpu.memory_space<hbm>>
    tpu.wait_indirect_dma semaphore(%arg21 : memref<!tpu.dma_semaphore, #tpu.memory_space<semaphore_mem>>) src(%dma_wait3A_188 : memref<100000x128xf32, #tpu.memory_space<hbm>>) dst(%arg16 : memref<128x128xf32, #tpu.memory_space<vmem>>)
    %add3A_189 = arith.constant 0 : i32
    %add3A_190 = arith.addi %mul3A_2, %add3A_189 : i32
    %dma_start3A_191 = arith.constant 0 : i32
    %dma_start3A_192 = arith.constant 0 : i32
    %dma_start3A_193 = tpu.memref_slice %arg14[%dma_start3A_191, %add3A_190, %dma_start3A_192] : memref<8x8192x128xf32, #tpu.memory_space<hbm>> -> memref<1x128x128xf32, #tpu.memory_space<hbm>>
    %dma_start3A_194 = tpu.memref_squeeze %dma_start3A_193 : memref<1x128x128xf32, #tpu.memory_space<hbm>> -> memref<128x128xf32, #tpu.memory_space<hbm>>
    %dma_start3A_195 = arith.constant 0 : i32
    %dma_start3A_196 = tpu.memref_slice %arg14[%dma_start3A_191, %add3A_190, %dma_start3A_195] : memref<8x8192x128xf32, #tpu.memory_space<hbm>> -> memref<1x128x128xf32, #tpu.memory_space<hbm>>
    %dma_start3A_197 = tpu.memref_squeeze %dma_start3A_196 : memref<1x128x128xf32, #tpu.memory_space<hbm>> -> memref<128x128xf32, #tpu.memory_space<hbm>>
    tpu.enqueue_dma source(%arg16 : memref<128x128xf32, #tpu.memory_space<vmem>>) target(%dma_start3A_197 : memref<128x128xf32, #tpu.memory_space<hbm>>) target_semaphore(%arg22 : memref<!tpu.dma_semaphore, #tpu.memory_space<semaphore_mem>>)
    %dma_start3A_198 = arith.constant 1 : i32
    %dma_start3A_199 = arith.constant 128 : i32
    %dma_start3A_200 = tpu.memref_slice %arg15[%dma_start3A_198, %dma_start3A_199] : memref<8x256xi32, #tpu.memory_space<vmem>> -> memref<1x128xi32, #tpu.memory_space<vmem>>
    %dma_start3A_201 = tpu.memref_squeeze %dma_start3A_200 : memref<1x128xi32, #tpu.memory_space<vmem>> -> memref<128xi32, #tpu.memory_space<vmem>>
    %dma_start3A_202 = arith.constant 0 : i32
    %dma_start3A_203 = arith.constant 0 : i32
    %dma_start3A_204 = tpu.memref_slice %arg3[%dma_start3A_202, %dma_start3A_203] : memref<100000x128xf32, #tpu.memory_space<hbm>> -> memref<100000x128xf32, #tpu.memory_space<hbm>>
    tpu.enqueue_indirect_dma source(%dma_start3A_204 : memref<100000x128xf32, #tpu.memory_space<hbm>>) target(%arg19 : memref<128x128xf32, #tpu.memory_space<vmem>>) offsets(%dma_start3A_201 : memref<128xi32, #tpu.memory_space<vmem>>) semaphore(%arg21 : memref<!tpu.dma_semaphore, #tpu.memory_space<semaphore_mem>>)
    %dma_wait3A_205 = arith.constant 0 : i32
    %dma_wait3A_206 = arith.constant 128 : i32
    %dma_wait3A_207 = tpu.memref_slice %arg15[%dma_wait3A_205, %dma_wait3A_206] : memref<8x256xi32, #tpu.memory_space<vmem>> -> memref<1x128xi32, #tpu.memory_space<vmem>>
    %dma_wait3A_208 = tpu.memref_squeeze %dma_wait3A_207 : memref<1x128xi32, #tpu.memory_space<vmem>> -> memref<128xi32, #tpu.memory_space<vmem>>
    %dma_wait3A_209 = arith.constant 0 : i32
    %dma_wait3A_210 = arith.constant 0 : i32
    %dma_wait3A_211 = tpu.memref_slice %arg2[%dma_wait3A_209, %dma_wait3A_210] : memref<100000x128xf32, #tpu.memory_space<hbm>> -> memref<100000x128xf32, #tpu.memory_space<hbm>>
    tpu.wait_indirect_dma semaphore(%arg21 : memref<!tpu.dma_semaphore, #tpu.memory_space<semaphore_mem>>) src(%dma_wait3A_211 : memref<100000x128xf32, #tpu.memory_space<hbm>>) dst(%arg17 : memref<128x128xf32, #tpu.memory_space<vmem>>)
    %add3A_212 = arith.constant 128 : i32
    %add3A_213 = arith.addi %mul3A_2, %add3A_212 : i32
    %dma_start3A_214 = arith.constant 0 : i32
    %dma_start3A_215 = arith.constant 0 : i32
    %dma_start3A_216 = tpu.memref_slice %arg14[%dma_start3A_214, %add3A_213, %dma_start3A_215] : memref<8x8192x128xf32, #tpu.memory_space<hbm>> -> memref<1x128x128xf32, #tpu.memory_space<hbm>>
    %dma_start3A_217 = tpu.memref_squeeze %dma_start3A_216 : memref<1x128x128xf32, #tpu.memory_space<hbm>> -> memref<128x128xf32, #tpu.memory_space<hbm>>
    %dma_start3A_218 = arith.constant 0 : i32
    %dma_start3A_219 = tpu.memref_slice %arg14[%dma_start3A_214, %add3A_213, %dma_start3A_218] : memref<8x8192x128xf32, #tpu.memory_space<hbm>> -> memref<1x128x128xf32, #tpu.memory_space<hbm>>
    %dma_start3A_220 = tpu.memref_squeeze %dma_start3A_219 : memref<1x128x128xf32, #tpu.memory_space<hbm>> -> memref<128x128xf32, #tpu.memory_space<hbm>>
    tpu.enqueue_dma source(%arg17 : memref<128x128xf32, #tpu.memory_space<vmem>>) target(%dma_start3A_220 : memref<128x128xf32, #tpu.memory_space<hbm>>) target_semaphore(%arg22 : memref<!tpu.dma_semaphore, #tpu.memory_space<semaphore_mem>>)
    %dma_wait3A_221 = arith.constant 0 : i32
    %dma_wait3A_222 = arith.constant 0 : i32
    %dma_wait3A_223 = tpu.memref_slice %arg14[%dma_wait3A_221, %add3A_190, %dma_wait3A_222] : memref<8x8192x128xf32, #tpu.memory_space<hbm>> -> memref<1x128x128xf32, #tpu.memory_space<hbm>>
    %dma_wait3A_224 = tpu.memref_squeeze %dma_wait3A_223 : memref<1x128x128xf32, #tpu.memory_space<hbm>> -> memref<128x128xf32, #tpu.memory_space<hbm>>
    %dma_wait3A_225 = arith.constant 0 : i32
    %dma_wait3A_226 = tpu.memref_slice %arg14[%dma_wait3A_221, %add3A_190, %dma_wait3A_225] : memref<8x8192x128xf32, #tpu.memory_space<hbm>> -> memref<1x128x128xf32, #tpu.memory_space<hbm>>
    %dma_wait3A_227 = tpu.memref_squeeze %dma_wait3A_226 : memref<1x128x128xf32, #tpu.memory_space<hbm>> -> memref<128x128xf32, #tpu.memory_space<hbm>>
    tpu.wait_dma2 semaphore(%arg22 : memref<!tpu.dma_semaphore, #tpu.memory_space<semaphore_mem>>) src(%arg16 : memref<128x128xf32, #tpu.memory_space<vmem>>) dst(%dma_wait3A_227 : memref<128x128xf32, #tpu.memory_space<hbm>>)
    %dma_start3A_228 = arith.constant 2 : i32
    %dma_start3A_229 = arith.constant 0 : i32
    %dma_start3A_230 = tpu.memref_slice %arg15[%dma_start3A_228, %dma_start3A_229] : memref<8x256xi32, #tpu.memory_space<vmem>> -> memref<1x128xi32, #tpu.memory_space<vmem>>
    %dma_start3A_231 = tpu.memref_squeeze %dma_start3A_230 : memref<1x128xi32, #tpu.memory_space<vmem>> -> memref<128xi32, #tpu.memory_space<vmem>>
    %dma_start3A_232 = arith.constant 0 : i32
    %dma_start3A_233 = arith.constant 0 : i32
    %dma_start3A_234 = tpu.memref_slice %arg4[%dma_start3A_232, %dma_start3A_233] : memref<100000x128xf32, #tpu.memory_space<hbm>> -> memref<100000x128xf32, #tpu.memory_space<hbm>>
    tpu.enqueue_indirect_dma source(%dma_start3A_234 : memref<100000x128xf32, #tpu.memory_space<hbm>>) target(%arg16 : memref<128x128xf32, #tpu.memory_space<vmem>>) offsets(%dma_start3A_231 : memref<128xi32, #tpu.memory_space<vmem>>) semaphore(%arg21 : memref<!tpu.dma_semaphore, #tpu.memory_space<semaphore_mem>>)
    %dma_wait3A_235 = arith.constant 1 : i32
    %dma_wait3A_236 = arith.constant 0 : i32
    %dma_wait3A_237 = tpu.memref_slice %arg15[%dma_wait3A_235, %dma_wait3A_236] : memref<8x256xi32, #tpu.memory_space<vmem>> -> memref<1x128xi32, #tpu.memory_space<vmem>>
    %dma_wait3A_238 = tpu.memref_squeeze %dma_wait3A_237 : memref<1x128xi32, #tpu.memory_space<vmem>> -> memref<128xi32, #tpu.memory_space<vmem>>
    %dma_wait3A_239 = arith.constant 0 : i32
    %dma_wait3A_240 = arith.constant 0 : i32
    %dma_wait3A_241 = tpu.memref_slice %arg3[%dma_wait3A_239, %dma_wait3A_240] : memref<100000x128xf32, #tpu.memory_space<hbm>> -> memref<100000x128xf32, #tpu.memory_space<hbm>>
    tpu.wait_indirect_dma semaphore(%arg21 : memref<!tpu.dma_semaphore, #tpu.memory_space<semaphore_mem>>) src(%dma_wait3A_241 : memref<100000x128xf32, #tpu.memory_space<hbm>>) dst(%arg18 : memref<128x128xf32, #tpu.memory_space<vmem>>)
    %add3A_242 = arith.constant 0 : i32
    %add3A_243 = arith.addi %mul3A_2, %add3A_242 : i32
    %dma_start3A_244 = arith.constant 1 : i32
    %dma_start3A_245 = arith.constant 0 : i32
    %dma_start3A_246 = tpu.memref_slice %arg14[%dma_start3A_244, %add3A_243, %dma_start3A_245] : memref<8x8192x128xf32, #tpu.memory_space<hbm>> -> memref<1x128x128xf32, #tpu.memory_space<hbm>>
    %dma_start3A_247 = tpu.memref_squeeze %dma_start3A_246 : memref<1x128x128xf32, #tpu.memory_space<hbm>> -> memref<128x128xf32, #tpu.memory_space<hbm>>
    %dma_start3A_248 = arith.constant 0 : i32
    %dma_start3A_249 = tpu.memref_slice %arg14[%dma_start3A_244, %add3A_243, %dma_start3A_248] : memref<8x8192x128xf32, #tpu.memory_space<hbm>> -> memref<1x128x128xf32, #tpu.memory_space<hbm>>
    %dma_start3A_250 = tpu.memref_squeeze %dma_start3A_249 : memref<1x128x128xf32, #tpu.memory_space<hbm>> -> memref<128x128xf32, #tpu.memory_space<hbm>>
    tpu.enqueue_dma source(%arg18 : memref<128x128xf32, #tpu.memory_space<vmem>>) target(%dma_start3A_250 : memref<128x128xf32, #tpu.memory_space<hbm>>) target_semaphore(%arg22 : memref<!tpu.dma_semaphore, #tpu.memory_space<semaphore_mem>>)
    %dma_wait3A_251 = arith.constant 0 : i32
    %dma_wait3A_252 = arith.constant 0 : i32
    %dma_wait3A_253 = tpu.memref_slice %arg14[%dma_wait3A_251, %add3A_213, %dma_wait3A_252] : memref<8x8192x128xf32, #tpu.memory_space<hbm>> -> memref<1x128x128xf32, #tpu.memory_space<hbm>>
    %dma_wait3A_254 = tpu.memref_squeeze %dma_wait3A_253 : memref<1x128x128xf32, #tpu.memory_space<hbm>> -> memref<128x128xf32, #tpu.memory_space<hbm>>
    %dma_wait3A_255 = arith.constant 0 : i32
    %dma_wait3A_256 = tpu.memref_slice %arg14[%dma_wait3A_251, %add3A_213, %dma_wait3A_255] : memref<8x8192x128xf32, #tpu.memory_space<hbm>> -> memref<1x128x128xf32, #tpu.memory_space<hbm>>
    %dma_wait3A_257 = tpu.memref_squeeze %dma_wait3A_256 : memref<1x128x128xf32, #tpu.memory_space<hbm>> -> memref<128x128xf32, #tpu.memory_space<hbm>>
    tpu.wait_dma2 semaphore(%arg22 : memref<!tpu.dma_semaphore, #tpu.memory_space<semaphore_mem>>) src(%arg17 : memref<128x128xf32, #tpu.memory_space<vmem>>) dst(%dma_wait3A_257 : memref<128x128xf32, #tpu.memory_space<hbm>>)
    %dma_start3A_258 = arith.constant 2 : i32
    %dma_start3A_259 = arith.constant 128 : i32
    %dma_start3A_260 = tpu.memref_slice %arg15[%dma_start3A_258, %dma_start3A_259] : memref<8x256xi32, #tpu.memory_space<vmem>> -> memref<1x128xi32, #tpu.memory_space<vmem>>
    %dma_start3A_261 = tpu.memref_squeeze %dma_start3A_260 : memref<1x128xi32, #tpu.memory_space<vmem>> -> memref<128xi32, #tpu.memory_space<vmem>>
    %dma_start3A_262 = arith.constant 0 : i32
    %dma_start3A_263 = arith.constant 0 : i32
    %dma_start3A_264 = tpu.memref_slice %arg4[%dma_start3A_262, %dma_start3A_263] : memref<100000x128xf32, #tpu.memory_space<hbm>> -> memref<100000x128xf32, #tpu.memory_space<hbm>>
    tpu.enqueue_indirect_dma source(%dma_start3A_264 : memref<100000x128xf32, #tpu.memory_space<hbm>>) target(%arg17 : memref<128x128xf32, #tpu.memory_space<vmem>>) offsets(%dma_start3A_261 : memref<128xi32, #tpu.memory_space<vmem>>) semaphore(%arg21 : memref<!tpu.dma_semaphore, #tpu.memory_space<semaphore_mem>>)
    %dma_wait3A_265 = arith.constant 1 : i32
    %dma_wait3A_266 = arith.constant 128 : i32
    %dma_wait3A_267 = tpu.memref_slice %arg15[%dma_wait3A_265, %dma_wait3A_266] : memref<8x256xi32, #tpu.memory_space<vmem>> -> memref<1x128xi32, #tpu.memory_space<vmem>>
    %dma_wait3A_268 = tpu.memref_squeeze %dma_wait3A_267 : memref<1x128xi32, #tpu.memory_space<vmem>> -> memref<128xi32, #tpu.memory_space<vmem>>
    %dma_wait3A_269 = arith.constant 0 : i32
    %dma_wait3A_270 = arith.constant 0 : i32
    %dma_wait3A_271 = tpu.memref_slice %arg3[%dma_wait3A_269, %dma_wait3A_270] : memref<100000x128xf32, #tpu.memory_space<hbm>> -> memref<100000x128xf32, #tpu.memory_space<hbm>>
    tpu.wait_indirect_dma semaphore(%arg21 : memref<!tpu.dma_semaphore, #tpu.memory_space<semaphore_mem>>) src(%dma_wait3A_271 : memref<100000x128xf32, #tpu.memory_space<hbm>>) dst(%arg19 : memref<128x128xf32, #tpu.memory_space<vmem>>)
    %add3A_272 = arith.constant 128 : i32
    %add3A_273 = arith.addi %mul3A_2, %add3A_272 : i32
    %dma_start3A_274 = arith.constant 1 : i32
    %dma_start3A_275 = arith.constant 0 : i32
    %dma_start3A_276 = tpu.memref_slice %arg14[%dma_start3A_274, %add3A_273, %dma_start3A_275] : memref<8x8192x128xf32, #tpu.memory_space<hbm>> -> memref<1x128x128xf32, #tpu.memory_space<hbm>>
    %dma_start3A_277 = tpu.memref_squeeze %dma_start3A_276 : memref<1x128x128xf32, #tpu.memory_space<hbm>> -> memref<128x128xf32, #tpu.memory_space<hbm>>
    %dma_start3A_278 = arith.constant 0 : i32
    %dma_start3A_279 = tpu.memref_slice %arg14[%dma_start3A_274, %add3A_273, %dma_start3A_278] : memref<8x8192x128xf32, #tpu.memory_space<hbm>> -> memref<1x128x128xf32, #tpu.memory_space<hbm>>
    %dma_start3A_280 = tpu.memref_squeeze %dma_start3A_279 : memref<1x128x128xf32, #tpu.memory_space<hbm>> -> memref<128x128xf32, #tpu.memory_space<hbm>>
    tpu.enqueue_dma source(%arg19 : memref<128x128xf32, #tpu.memory_space<vmem>>) target(%dma_start3A_280 : memref<128x128xf32, #tpu.memory_space<hbm>>) target_semaphore(%arg22 : memref<!tpu.dma_semaphore, #tpu.memory_space<semaphore_mem>>)
    %dma_wait3A_281 = arith.constant 1 : i32
    %dma_wait3A_282 = arith.constant 0 : i32
    %dma_wait3A_283 = tpu.memref_slice %arg14[%dma_wait3A_281, %add3A_243, %dma_wait3A_282] : memref<8x8192x128xf32, #tpu.memory_space<hbm>> -> memref<1x128x128xf32, #tpu.memory_space<hbm>>
    %dma_wait3A_284 = tpu.memref_squeeze %dma_wait3A_283 : memref<1x128x128xf32, #tpu.memory_space<hbm>> -> memref<128x128xf32, #tpu.memory_space<hbm>>
    %dma_wait3A_285 = arith.constant 0 : i32
    %dma_wait3A_286 = tpu.memref_slice %arg14[%dma_wait3A_281, %add3A_243, %dma_wait3A_285] : memref<8x8192x128xf32, #tpu.memory_space<hbm>> -> memref<1x128x128xf32, #tpu.memory_space<hbm>>
    %dma_wait3A_287 = tpu.memref_squeeze %dma_wait3A_286 : memref<1x128x128xf32, #tpu.memory_space<hbm>> -> memref<128x128xf32, #tpu.memory_space<hbm>>
    tpu.wait_dma2 semaphore(%arg22 : memref<!tpu.dma_semaphore, #tpu.memory_space<semaphore_mem>>) src(%arg18 : memref<128x128xf32, #tpu.memory_space<vmem>>) dst(%dma_wait3A_287 : memref<128x128xf32, #tpu.memory_space<hbm>>)
    %dma_start3A_288 = arith.constant 3 : i32
    %dma_start3A_289 = arith.constant 0 : i32
    %dma_start3A_290 = tpu.memref_slice %arg15[%dma_start3A_288, %dma_start3A_289] : memref<8x256xi32, #tpu.memory_space<vmem>> -> memref<1x128xi32, #tpu.memory_space<vmem>>
    %dma_start3A_291 = tpu.memref_squeeze %dma_start3A_290 : memref<1x128xi32, #tpu.memory_space<vmem>> -> memref<128xi32, #tpu.memory_space<vmem>>
    %dma_start3A_292 = arith.constant 0 : i32
    %dma_start3A_293 = arith.constant 0 : i32
    %dma_start3A_294 = tpu.memref_slice %arg5[%dma_start3A_292, %dma_start3A_293] : memref<100000x128xf32, #tpu.memory_space<hbm>> -> memref<100000x128xf32, #tpu.memory_space<hbm>>
    tpu.enqueue_indirect_dma source(%dma_start3A_294 : memref<100000x128xf32, #tpu.memory_space<hbm>>) target(%arg18 : memref<128x128xf32, #tpu.memory_space<vmem>>) offsets(%dma_start3A_291 : memref<128xi32, #tpu.memory_space<vmem>>) semaphore(%arg21 : memref<!tpu.dma_semaphore, #tpu.memory_space<semaphore_mem>>)
    %dma_wait3A_295 = arith.constant 2 : i32
    %dma_wait3A_296 = arith.constant 0 : i32
    %dma_wait3A_297 = tpu.memref_slice %arg15[%dma_wait3A_295, %dma_wait3A_296] : memref<8x256xi32, #tpu.memory_space<vmem>> -> memref<1x128xi32, #tpu.memory_space<vmem>>
    %dma_wait3A_298 = tpu.memref_squeeze %dma_wait3A_297 : memref<1x128xi32, #tpu.memory_space<vmem>> -> memref<128xi32, #tpu.memory_space<vmem>>
    %dma_wait3A_299 = arith.constant 0 : i32
    %dma_wait3A_300 = arith.constant 0 : i32
    %dma_wait3A_301 = tpu.memref_slice %arg4[%dma_wait3A_299, %dma_wait3A_300] : memref<100000x128xf32, #tpu.memory_space<hbm>> -> memref<100000x128xf32, #tpu.memory_space<hbm>>
    tpu.wait_indirect_dma semaphore(%arg21 : memref<!tpu.dma_semaphore, #tpu.memory_space<semaphore_mem>>) src(%dma_wait3A_301 : memref<100000x128xf32, #tpu.memory_space<hbm>>) dst(%arg16 : memref<128x128xf32, #tpu.memory_space<vmem>>)
    %add3A_302 = arith.constant 0 : i32
    %add3A_303 = arith.addi %mul3A_2, %add3A_302 : i32
    %dma_start3A_304 = arith.constant 2 : i32
    %dma_start3A_305 = arith.constant 0 : i32
    %dma_start3A_306 = tpu.memref_slice %arg14[%dma_start3A_304, %add3A_303, %dma_start3A_305] : memref<8x8192x128xf32, #tpu.memory_space<hbm>> -> memref<1x128x128xf32, #tpu.memory_space<hbm>>
    %dma_start3A_307 = tpu.memref_squeeze %dma_start3A_306 : memref<1x128x128xf32, #tpu.memory_space<hbm>> -> memref<128x128xf32, #tpu.memory_space<hbm>>
    %dma_start3A_308 = arith.constant 0 : i32
    %dma_start3A_309 = tpu.memref_slice %arg14[%dma_start3A_304, %add3A_303, %dma_start3A_308] : memref<8x8192x128xf32, #tpu.memory_space<hbm>> -> memref<1x128x128xf32, #tpu.memory_space<hbm>>
    %dma_start3A_310 = tpu.memref_squeeze %dma_start3A_309 : memref<1x128x128xf32, #tpu.memory_space<hbm>> -> memref<128x128xf32, #tpu.memory_space<hbm>>
    tpu.enqueue_dma source(%arg16 : memref<128x128xf32, #tpu.memory_space<vmem>>) target(%dma_start3A_310 : memref<128x128xf32, #tpu.memory_space<hbm>>) target_semaphore(%arg22 : memref<!tpu.dma_semaphore, #tpu.memory_space<semaphore_mem>>)
    %dma_wait3A_311 = arith.constant 1 : i32
    %dma_wait3A_312 = arith.constant 0 : i32
    %dma_wait3A_313 = tpu.memref_slice %arg14[%dma_wait3A_311, %add3A_273, %dma_wait3A_312] : memref<8x8192x128xf32, #tpu.memory_space<hbm>> -> memref<1x128x128xf32, #tpu.memory_space<hbm>>
    %dma_wait3A_314 = tpu.memref_squeeze %dma_wait3A_313 : memref<1x128x128xf32, #tpu.memory_space<hbm>> -> memref<128x128xf32, #tpu.memory_space<hbm>>
    %dma_wait3A_315 = arith.constant 0 : i32
    %dma_wait3A_316 = tpu.memref_slice %arg14[%dma_wait3A_311, %add3A_273, %dma_wait3A_315] : memref<8x8192x128xf32, #tpu.memory_space<hbm>> -> memref<1x128x128xf32, #tpu.memory_space<hbm>>
    %dma_wait3A_317 = tpu.memref_squeeze %dma_wait3A_316 : memref<1x128x128xf32, #tpu.memory_space<hbm>> -> memref<128x128xf32, #tpu.memory_space<hbm>>
    tpu.wait_dma2 semaphore(%arg22 : memref<!tpu.dma_semaphore, #tpu.memory_space<semaphore_mem>>) src(%arg19 : memref<128x128xf32, #tpu.memory_space<vmem>>) dst(%dma_wait3A_317 : memref<128x128xf32, #tpu.memory_space<hbm>>)
    %dma_start3A_318 = arith.constant 3 : i32
    %dma_start3A_319 = arith.constant 128 : i32
    %dma_start3A_320 = tpu.memref_slice %arg15[%dma_start3A_318, %dma_start3A_319] : memref<8x256xi32, #tpu.memory_space<vmem>> -> memref<1x128xi32, #tpu.memory_space<vmem>>
    %dma_start3A_321 = tpu.memref_squeeze %dma_start3A_320 : memref<1x128xi32, #tpu.memory_space<vmem>> -> memref<128xi32, #tpu.memory_space<vmem>>
    %dma_start3A_322 = arith.constant 0 : i32
    %dma_start3A_323 = arith.constant 0 : i32
    %dma_start3A_324 = tpu.memref_slice %arg5[%dma_start3A_322, %dma_start3A_323] : memref<100000x128xf32, #tpu.memory_space<hbm>> -> memref<100000x128xf32, #tpu.memory_space<hbm>>
    tpu.enqueue_indirect_dma source(%dma_start3A_324 : memref<100000x128xf32, #tpu.memory_space<hbm>>) target(%arg19 : memref<128x128xf32, #tpu.memory_space<vmem>>) offsets(%dma_start3A_321 : memref<128xi32, #tpu.memory_space<vmem>>) semaphore(%arg21 : memref<!tpu.dma_semaphore, #tpu.memory_space<semaphore_mem>>)
    %dma_wait3A_325 = arith.constant 2 : i32
    %dma_wait3A_326 = arith.constant 128 : i32
    %dma_wait3A_327 = tpu.memref_slice %arg15[%dma_wait3A_325, %dma_wait3A_326] : memref<8x256xi32, #tpu.memory_space<vmem>> -> memref<1x128xi32, #tpu.memory_space<vmem>>
    %dma_wait3A_328 = tpu.memref_squeeze %dma_wait3A_327 : memref<1x128xi32, #tpu.memory_space<vmem>> -> memref<128xi32, #tpu.memory_space<vmem>>
    %dma_wait3A_329 = arith.constant 0 : i32
    %dma_wait3A_330 = arith.constant 0 : i32
    %dma_wait3A_331 = tpu.memref_slice %arg4[%dma_wait3A_329, %dma_wait3A_330] : memref<100000x128xf32, #tpu.memory_space<hbm>> -> memref<100000x128xf32, #tpu.memory_space<hbm>>
    tpu.wait_indirect_dma semaphore(%arg21 : memref<!tpu.dma_semaphore, #tpu.memory_space<semaphore_mem>>) src(%dma_wait3A_331 : memref<100000x128xf32, #tpu.memory_space<hbm>>) dst(%arg17 : memref<128x128xf32, #tpu.memory_space<vmem>>)
    %add3A_332 = arith.constant 128 : i32
    %add3A_333 = arith.addi %mul3A_2, %add3A_332 : i32
    %dma_start3A_334 = arith.constant 2 : i32
    %dma_start3A_335 = arith.constant 0 : i32
    %dma_start3A_336 = tpu.memref_slice %arg14[%dma_start3A_334, %add3A_333, %dma_start3A_335] : memref<8x8192x128xf32, #tpu.memory_space<hbm>> -> memref<1x128x128xf32, #tpu.memory_space<hbm>>
    %dma_start3A_337 = tpu.memref_squeeze %dma_start3A_336 : memref<1x128x128xf32, #tpu.memory_space<hbm>> -> memref<128x128xf32, #tpu.memory_space<hbm>>
    %dma_start3A_338 = arith.constant 0 : i32
    %dma_start3A_339 = tpu.memref_slice %arg14[%dma_start3A_334, %add3A_333, %dma_start3A_338] : memref<8x8192x128xf32, #tpu.memory_space<hbm>> -> memref<1x128x128xf32, #tpu.memory_space<hbm>>
    %dma_start3A_340 = tpu.memref_squeeze %dma_start3A_339 : memref<1x128x128xf32, #tpu.memory_space<hbm>> -> memref<128x128xf32, #tpu.memory_space<hbm>>
    tpu.enqueue_dma source(%arg17 : memref<128x128xf32, #tpu.memory_space<vmem>>) target(%dma_start3A_340 : memref<128x128xf32, #tpu.memory_space<hbm>>) target_semaphore(%arg22 : memref<!tpu.dma_semaphore, #tpu.memory_space<semaphore_mem>>)
    %dma_wait3A_341 = arith.constant 2 : i32
    %dma_wait3A_342 = arith.constant 0 : i32
    %dma_wait3A_343 = tpu.memref_slice %arg14[%dma_wait3A_341, %add3A_303, %dma_wait3A_342] : memref<8x8192x128xf32, #tpu.memory_space<hbm>> -> memref<1x128x128xf32, #tpu.memory_space<hbm>>
    %dma_wait3A_344 = tpu.memref_squeeze %dma_wait3A_343 : memref<1x128x128xf32, #tpu.memory_space<hbm>> -> memref<128x128xf32, #tpu.memory_space<hbm>>
    %dma_wait3A_345 = arith.constant 0 : i32
    %dma_wait3A_346 = tpu.memref_slice %arg14[%dma_wait3A_341, %add3A_303, %dma_wait3A_345] : memref<8x8192x128xf32, #tpu.memory_space<hbm>> -> memref<1x128x128xf32, #tpu.memory_space<hbm>>
    %dma_wait3A_347 = tpu.memref_squeeze %dma_wait3A_346 : memref<1x128x128xf32, #tpu.memory_space<hbm>> -> memref<128x128xf32, #tpu.memory_space<hbm>>
    tpu.wait_dma2 semaphore(%arg22 : memref<!tpu.dma_semaphore, #tpu.memory_space<semaphore_mem>>) src(%arg16 : memref<128x128xf32, #tpu.memory_space<vmem>>) dst(%dma_wait3A_347 : memref<128x128xf32, #tpu.memory_space<hbm>>)
    %dma_start3A_348 = arith.constant 4 : i32
    %dma_start3A_349 = arith.constant 0 : i32
    %dma_start3A_350 = tpu.memref_slice %arg15[%dma_start3A_348, %dma_start3A_349] : memref<8x256xi32, #tpu.memory_space<vmem>> -> memref<1x128xi32, #tpu.memory_space<vmem>>
    %dma_start3A_351 = tpu.memref_squeeze %dma_start3A_350 : memref<1x128xi32, #tpu.memory_space<vmem>> -> memref<128xi32, #tpu.memory_space<vmem>>
    %dma_start3A_352 = arith.constant 0 : i32
    %dma_start3A_353 = arith.constant 0 : i32
    %dma_start3A_354 = tpu.memref_slice %arg2[%dma_start3A_352, %dma_start3A_353] : memref<100000x128xf32, #tpu.memory_space<hbm>> -> memref<100000x128xf32, #tpu.memory_space<hbm>>
    tpu.enqueue_indirect_dma source(%dma_start3A_354 : memref<100000x128xf32, #tpu.memory_space<hbm>>) target(%arg16 : memref<128x128xf32, #tpu.memory_space<vmem>>) offsets(%dma_start3A_351 : memref<128xi32, #tpu.memory_space<vmem>>) semaphore(%arg21 : memref<!tpu.dma_semaphore, #tpu.memory_space<semaphore_mem>>)
    %dma_wait3A_355 = arith.constant 3 : i32
    %dma_wait3A_356 = arith.constant 0 : i32
    %dma_wait3A_357 = tpu.memref_slice %arg15[%dma_wait3A_355, %dma_wait3A_356] : memref<8x256xi32, #tpu.memory_space<vmem>> -> memref<1x128xi32, #tpu.memory_space<vmem>>
    %dma_wait3A_358 = tpu.memref_squeeze %dma_wait3A_357 : memref<1x128xi32, #tpu.memory_space<vmem>> -> memref<128xi32, #tpu.memory_space<vmem>>
    %dma_wait3A_359 = arith.constant 0 : i32
    %dma_wait3A_360 = arith.constant 0 : i32
    %dma_wait3A_361 = tpu.memref_slice %arg5[%dma_wait3A_359, %dma_wait3A_360] : memref<100000x128xf32, #tpu.memory_space<hbm>> -> memref<100000x128xf32, #tpu.memory_space<hbm>>
    tpu.wait_indirect_dma semaphore(%arg21 : memref<!tpu.dma_semaphore, #tpu.memory_space<semaphore_mem>>) src(%dma_wait3A_361 : memref<100000x128xf32, #tpu.memory_space<hbm>>) dst(%arg18 : memref<128x128xf32, #tpu.memory_space<vmem>>)
    %add3A_362 = arith.constant 0 : i32
    %add3A_363 = arith.addi %mul3A_2, %add3A_362 : i32
    %dma_start3A_364 = arith.constant 3 : i32
    %dma_start3A_365 = arith.constant 0 : i32
    %dma_start3A_366 = tpu.memref_slice %arg14[%dma_start3A_364, %add3A_363, %dma_start3A_365] : memref<8x8192x128xf32, #tpu.memory_space<hbm>> -> memref<1x128x128xf32, #tpu.memory_space<hbm>>
    %dma_start3A_367 = tpu.memref_squeeze %dma_start3A_366 : memref<1x128x128xf32, #tpu.memory_space<hbm>> -> memref<128x128xf32, #tpu.memory_space<hbm>>
    %dma_start3A_368 = arith.constant 0 : i32
    %dma_start3A_369 = tpu.memref_slice %arg14[%dma_start3A_364, %add3A_363, %dma_start3A_368] : memref<8x8192x128xf32, #tpu.memory_space<hbm>> -> memref<1x128x128xf32, #tpu.memory_space<hbm>>
    %dma_start3A_370 = tpu.memref_squeeze %dma_start3A_369 : memref<1x128x128xf32, #tpu.memory_space<hbm>> -> memref<128x128xf32, #tpu.memory_space<hbm>>
    tpu.enqueue_dma source(%arg18 : memref<128x128xf32, #tpu.memory_space<vmem>>) target(%dma_start3A_370 : memref<128x128xf32, #tpu.memory_space<hbm>>) target_semaphore(%arg22 : memref<!tpu.dma_semaphore, #tpu.memory_space<semaphore_mem>>)
    %dma_wait3A_371 = arith.constant 2 : i32
    %dma_wait3A_372 = arith.constant 0 : i32
    %dma_wait3A_373 = tpu.memref_slice %arg14[%dma_wait3A_371, %add3A_333, %dma_wait3A_372] : memref<8x8192x128xf32, #tpu.memory_space<hbm>> -> memref<1x128x128xf32, #tpu.memory_space<hbm>>
    %dma_wait3A_374 = tpu.memref_squeeze %dma_wait3A_373 : memref<1x128x128xf32, #tpu.memory_space<hbm>> -> memref<128x128xf32, #tpu.memory_space<hbm>>
    %dma_wait3A_375 = arith.constant 0 : i32
    %dma_wait3A_376 = tpu.memref_slice %arg14[%dma_wait3A_371, %add3A_333, %dma_wait3A_375] : memref<8x8192x128xf32, #tpu.memory_space<hbm>> -> memref<1x128x128xf32, #tpu.memory_space<hbm>>
    %dma_wait3A_377 = tpu.memref_squeeze %dma_wait3A_376 : memref<1x128x128xf32, #tpu.memory_space<hbm>> -> memref<128x128xf32, #tpu.memory_space<hbm>>
    tpu.wait_dma2 semaphore(%arg22 : memref<!tpu.dma_semaphore, #tpu.memory_space<semaphore_mem>>) src(%arg17 : memref<128x128xf32, #tpu.memory_space<vmem>>) dst(%dma_wait3A_377 : memref<128x128xf32, #tpu.memory_space<hbm>>)
    %dma_start3A_378 = arith.constant 4 : i32
    %dma_start3A_379 = arith.constant 128 : i32
    %dma_start3A_380 = tpu.memref_slice %arg15[%dma_start3A_378, %dma_start3A_379] : memref<8x256xi32, #tpu.memory_space<vmem>> -> memref<1x128xi32, #tpu.memory_space<vmem>>
    %dma_start3A_381 = tpu.memref_squeeze %dma_start3A_380 : memref<1x128xi32, #tpu.memory_space<vmem>> -> memref<128xi32, #tpu.memory_space<vmem>>
    %dma_start3A_382 = arith.constant 0 : i32
    %dma_start3A_383 = arith.constant 0 : i32
    %dma_start3A_384 = tpu.memref_slice %arg2[%dma_start3A_382, %dma_start3A_383] : memref<100000x128xf32, #tpu.memory_space<hbm>> -> memref<100000x128xf32, #tpu.memory_space<hbm>>
    tpu.enqueue_indirect_dma source(%dma_start3A_384 : memref<100000x128xf32, #tpu.memory_space<hbm>>) target(%arg17 : memref<128x128xf32, #tpu.memory_space<vmem>>) offsets(%dma_start3A_381 : memref<128xi32, #tpu.memory_space<vmem>>) semaphore(%arg21 : memref<!tpu.dma_semaphore, #tpu.memory_space<semaphore_mem>>)
    %dma_wait3A_385 = arith.constant 3 : i32
    %dma_wait3A_386 = arith.constant 128 : i32
    %dma_wait3A_387 = tpu.memref_slice %arg15[%dma_wait3A_385, %dma_wait3A_386] : memref<8x256xi32, #tpu.memory_space<vmem>> -> memref<1x128xi32, #tpu.memory_space<vmem>>
    %dma_wait3A_388 = tpu.memref_squeeze %dma_wait3A_387 : memref<1x128xi32, #tpu.memory_space<vmem>> -> memref<128xi32, #tpu.memory_space<vmem>>
    %dma_wait3A_389 = arith.constant 0 : i32
    %dma_wait3A_390 = arith.constant 0 : i32
    %dma_wait3A_391 = tpu.memref_slice %arg5[%dma_wait3A_389, %dma_wait3A_390] : memref<100000x128xf32, #tpu.memory_space<hbm>> -> memref<100000x128xf32, #tpu.memory_space<hbm>>
    tpu.wait_indirect_dma semaphore(%arg21 : memref<!tpu.dma_semaphore, #tpu.memory_space<semaphore_mem>>) src(%dma_wait3A_391 : memref<100000x128xf32, #tpu.memory_space<hbm>>) dst(%arg19 : memref<128x128xf32, #tpu.memory_space<vmem>>)
    %add3A_392 = arith.constant 128 : i32
    %add3A_393 = arith.addi %mul3A_2, %add3A_392 : i32
    %dma_start3A_394 = arith.constant 3 : i32
    %dma_start3A_395 = arith.constant 0 : i32
    %dma_start3A_396 = tpu.memref_slice %arg14[%dma_start3A_394, %add3A_393, %dma_start3A_395] : memref<8x8192x128xf32, #tpu.memory_space<hbm>> -> memref<1x128x128xf32, #tpu.memory_space<hbm>>
    %dma_start3A_397 = tpu.memref_squeeze %dma_start3A_396 : memref<1x128x128xf32, #tpu.memory_space<hbm>> -> memref<128x128xf32, #tpu.memory_space<hbm>>
    %dma_start3A_398 = arith.constant 0 : i32
    %dma_start3A_399 = tpu.memref_slice %arg14[%dma_start3A_394, %add3A_393, %dma_start3A_398] : memref<8x8192x128xf32, #tpu.memory_space<hbm>> -> memref<1x128x128xf32, #tpu.memory_space<hbm>>
    %dma_start3A_400 = tpu.memref_squeeze %dma_start3A_399 : memref<1x128x128xf32, #tpu.memory_space<hbm>> -> memref<128x128xf32, #tpu.memory_space<hbm>>
    tpu.enqueue_dma source(%arg19 : memref<128x128xf32, #tpu.memory_space<vmem>>) target(%dma_start3A_400 : memref<128x128xf32, #tpu.memory_space<hbm>>) target_semaphore(%arg22 : memref<!tpu.dma_semaphore, #tpu.memory_space<semaphore_mem>>)
    %dma_wait3A_401 = arith.constant 3 : i32
    %dma_wait3A_402 = arith.constant 0 : i32
    %dma_wait3A_403 = tpu.memref_slice %arg14[%dma_wait3A_401, %add3A_363, %dma_wait3A_402] : memref<8x8192x128xf32, #tpu.memory_space<hbm>> -> memref<1x128x128xf32, #tpu.memory_space<hbm>>
    %dma_wait3A_404 = tpu.memref_squeeze %dma_wait3A_403 : memref<1x128x128xf32, #tpu.memory_space<hbm>> -> memref<128x128xf32, #tpu.memory_space<hbm>>
    %dma_wait3A_405 = arith.constant 0 : i32
    %dma_wait3A_406 = tpu.memref_slice %arg14[%dma_wait3A_401, %add3A_363, %dma_wait3A_405] : memref<8x8192x128xf32, #tpu.memory_space<hbm>> -> memref<1x128x128xf32, #tpu.memory_space<hbm>>
    %dma_wait3A_407 = tpu.memref_squeeze %dma_wait3A_406 : memref<1x128x128xf32, #tpu.memory_space<hbm>> -> memref<128x128xf32, #tpu.memory_space<hbm>>
    tpu.wait_dma2 semaphore(%arg22 : memref<!tpu.dma_semaphore, #tpu.memory_space<semaphore_mem>>) src(%arg18 : memref<128x128xf32, #tpu.memory_space<vmem>>) dst(%dma_wait3A_407 : memref<128x128xf32, #tpu.memory_space<hbm>>)
    %dma_start3A_408 = arith.constant 5 : i32
    %dma_start3A_409 = arith.constant 0 : i32
    %dma_start3A_410 = tpu.memref_slice %arg15[%dma_start3A_408, %dma_start3A_409] : memref<8x256xi32, #tpu.memory_space<vmem>> -> memref<1x128xi32, #tpu.memory_space<vmem>>
    %dma_start3A_411 = tpu.memref_squeeze %dma_start3A_410 : memref<1x128xi32, #tpu.memory_space<vmem>> -> memref<128xi32, #tpu.memory_space<vmem>>
    %dma_start3A_412 = arith.constant 0 : i32
    %dma_start3A_413 = arith.constant 0 : i32
    %dma_start3A_414 = tpu.memref_slice %arg3[%dma_start3A_412, %dma_start3A_413] : memref<100000x128xf32, #tpu.memory_space<hbm>> -> memref<100000x128xf32, #tpu.memory_space<hbm>>
    tpu.enqueue_indirect_dma source(%dma_start3A_414 : memref<100000x128xf32, #tpu.memory_space<hbm>>) target(%arg18 : memref<128x128xf32, #tpu.memory_space<vmem>>) offsets(%dma_start3A_411 : memref<128xi32, #tpu.memory_space<vmem>>) semaphore(%arg21 : memref<!tpu.dma_semaphore, #tpu.memory_space<semaphore_mem>>)
    %dma_wait3A_415 = arith.constant 4 : i32
    %dma_wait3A_416 = arith.constant 0 : i32
    %dma_wait3A_417 = tpu.memref_slice %arg15[%dma_wait3A_415, %dma_wait3A_416] : memref<8x256xi32, #tpu.memory_space<vmem>> -> memref<1x128xi32, #tpu.memory_space<vmem>>
    %dma_wait3A_418 = tpu.memref_squeeze %dma_wait3A_417 : memref<1x128xi32, #tpu.memory_space<vmem>> -> memref<128xi32, #tpu.memory_space<vmem>>
    %dma_wait3A_419 = arith.constant 0 : i32
    %dma_wait3A_420 = arith.constant 0 : i32
    %dma_wait3A_421 = tpu.memref_slice %arg2[%dma_wait3A_419, %dma_wait3A_420] : memref<100000x128xf32, #tpu.memory_space<hbm>> -> memref<100000x128xf32, #tpu.memory_space<hbm>>
    tpu.wait_indirect_dma semaphore(%arg21 : memref<!tpu.dma_semaphore, #tpu.memory_space<semaphore_mem>>) src(%dma_wait3A_421 : memref<100000x128xf32, #tpu.memory_space<hbm>>) dst(%arg16 : memref<128x128xf32, #tpu.memory_space<vmem>>)
    %add3A_422 = arith.constant 0 : i32
    %add3A_423 = arith.addi %mul3A_2, %add3A_422 : i32
    %dma_start3A_424 = arith.constant 4 : i32
    %dma_start3A_425 = arith.constant 0 : i32
    %dma_start3A_426 = tpu.memref_slice %arg14[%dma_start3A_424, %add3A_423, %dma_start3A_425] : memref<8x8192x128xf32, #tpu.memory_space<hbm>> -> memref<1x128x128xf32, #tpu.memory_space<hbm>>
    %dma_start3A_427 = tpu.memref_squeeze %dma_start3A_426 : memref<1x128x128xf32, #tpu.memory_space<hbm>> -> memref<128x128xf32, #tpu.memory_space<hbm>>
    %dma_start3A_428 = arith.constant 0 : i32
    %dma_start3A_429 = tpu.memref_slice %arg14[%dma_start3A_424, %add3A_423, %dma_start3A_428] : memref<8x8192x128xf32, #tpu.memory_space<hbm>> -> memref<1x128x128xf32, #tpu.memory_space<hbm>>
    %dma_start3A_430 = tpu.memref_squeeze %dma_start3A_429 : memref<1x128x128xf32, #tpu.memory_space<hbm>> -> memref<128x128xf32, #tpu.memory_space<hbm>>
    tpu.enqueue_dma source(%arg16 : memref<128x128xf32, #tpu.memory_space<vmem>>) target(%dma_start3A_430 : memref<128x128xf32, #tpu.memory_space<hbm>>) target_semaphore(%arg22 : memref<!tpu.dma_semaphore, #tpu.memory_space<semaphore_mem>>)
    %dma_wait3A_431 = arith.constant 3 : i32
    %dma_wait3A_432 = arith.constant 0 : i32
    %dma_wait3A_433 = tpu.memref_slice %arg14[%dma_wait3A_431, %add3A_393, %dma_wait3A_432] : memref<8x8192x128xf32, #tpu.memory_space<hbm>> -> memref<1x128x128xf32, #tpu.memory_space<hbm>>
    %dma_wait3A_434 = tpu.memref_squeeze %dma_wait3A_433 : memref<1x128x128xf32, #tpu.memory_space<hbm>> -> memref<128x128xf32, #tpu.memory_space<hbm>>
    %dma_wait3A_435 = arith.constant 0 : i32
    %dma_wait3A_436 = tpu.memref_slice %arg14[%dma_wait3A_431, %add3A_393, %dma_wait3A_435] : memref<8x8192x128xf32, #tpu.memory_space<hbm>> -> memref<1x128x128xf32, #tpu.memory_space<hbm>>
    %dma_wait3A_437 = tpu.memref_squeeze %dma_wait3A_436 : memref<1x128x128xf32, #tpu.memory_space<hbm>> -> memref<128x128xf32, #tpu.memory_space<hbm>>
    tpu.wait_dma2 semaphore(%arg22 : memref<!tpu.dma_semaphore, #tpu.memory_space<semaphore_mem>>) src(%arg19 : memref<128x128xf32, #tpu.memory_space<vmem>>) dst(%dma_wait3A_437 : memref<128x128xf32, #tpu.memory_space<hbm>>)
    %dma_start3A_438 = arith.constant 5 : i32
    %dma_start3A_439 = arith.constant 128 : i32
    %dma_start3A_440 = tpu.memref_slice %arg15[%dma_start3A_438, %dma_start3A_439] : memref<8x256xi32, #tpu.memory_space<vmem>> -> memref<1x128xi32, #tpu.memory_space<vmem>>
    %dma_start3A_441 = tpu.memref_squeeze %dma_start3A_440 : memref<1x128xi32, #tpu.memory_space<vmem>> -> memref<128xi32, #tpu.memory_space<vmem>>
    %dma_start3A_442 = arith.constant 0 : i32
    %dma_start3A_443 = arith.constant 0 : i32
    %dma_start3A_444 = tpu.memref_slice %arg3[%dma_start3A_442, %dma_start3A_443] : memref<100000x128xf32, #tpu.memory_space<hbm>> -> memref<100000x128xf32, #tpu.memory_space<hbm>>
    tpu.enqueue_indirect_dma source(%dma_start3A_444 : memref<100000x128xf32, #tpu.memory_space<hbm>>) target(%arg19 : memref<128x128xf32, #tpu.memory_space<vmem>>) offsets(%dma_start3A_441 : memref<128xi32, #tpu.memory_space<vmem>>) semaphore(%arg21 : memref<!tpu.dma_semaphore, #tpu.memory_space<semaphore_mem>>)
    %dma_wait3A_445 = arith.constant 4 : i32
    %dma_wait3A_446 = arith.constant 128 : i32
    %dma_wait3A_447 = tpu.memref_slice %arg15[%dma_wait3A_445, %dma_wait3A_446] : memref<8x256xi32, #tpu.memory_space<vmem>> -> memref<1x128xi32, #tpu.memory_space<vmem>>
    %dma_wait3A_448 = tpu.memref_squeeze %dma_wait3A_447 : memref<1x128xi32, #tpu.memory_space<vmem>> -> memref<128xi32, #tpu.memory_space<vmem>>
    %dma_wait3A_449 = arith.constant 0 : i32
    %dma_wait3A_450 = arith.constant 0 : i32
    %dma_wait3A_451 = tpu.memref_slice %arg2[%dma_wait3A_449, %dma_wait3A_450] : memref<100000x128xf32, #tpu.memory_space<hbm>> -> memref<100000x128xf32, #tpu.memory_space<hbm>>
    tpu.wait_indirect_dma semaphore(%arg21 : memref<!tpu.dma_semaphore, #tpu.memory_space<semaphore_mem>>) src(%dma_wait3A_451 : memref<100000x128xf32, #tpu.memory_space<hbm>>) dst(%arg17 : memref<128x128xf32, #tpu.memory_space<vmem>>)
    %add3A_452 = arith.constant 128 : i32
    %add3A_453 = arith.addi %mul3A_2, %add3A_452 : i32
    %dma_start3A_454 = arith.constant 4 : i32
    %dma_start3A_455 = arith.constant 0 : i32
    %dma_start3A_456 = tpu.memref_slice %arg14[%dma_start3A_454, %add3A_453, %dma_start3A_455] : memref<8x8192x128xf32, #tpu.memory_space<hbm>> -> memref<1x128x128xf32, #tpu.memory_space<hbm>>
    %dma_start3A_457 = tpu.memref_squeeze %dma_start3A_456 : memref<1x128x128xf32, #tpu.memory_space<hbm>> -> memref<128x128xf32, #tpu.memory_space<hbm>>
    %dma_start3A_458 = arith.constant 0 : i32
    %dma_start3A_459 = tpu.memref_slice %arg14[%dma_start3A_454, %add3A_453, %dma_start3A_458] : memref<8x8192x128xf32, #tpu.memory_space<hbm>> -> memref<1x128x128xf32, #tpu.memory_space<hbm>>
    %dma_start3A_460 = tpu.memref_squeeze %dma_start3A_459 : memref<1x128x128xf32, #tpu.memory_space<hbm>> -> memref<128x128xf32, #tpu.memory_space<hbm>>
    tpu.enqueue_dma source(%arg17 : memref<128x128xf32, #tpu.memory_space<vmem>>) target(%dma_start3A_460 : memref<128x128xf32, #tpu.memory_space<hbm>>) target_semaphore(%arg22 : memref<!tpu.dma_semaphore, #tpu.memory_space<semaphore_mem>>)
    %dma_wait3A_461 = arith.constant 4 : i32
    %dma_wait3A_462 = arith.constant 0 : i32
    %dma_wait3A_463 = tpu.memref_slice %arg14[%dma_wait3A_461, %add3A_423, %dma_wait3A_462] : memref<8x8192x128xf32, #tpu.memory_space<hbm>> -> memref<1x128x128xf32, #tpu.memory_space<hbm>>
    %dma_wait3A_464 = tpu.memref_squeeze %dma_wait3A_463 : memref<1x128x128xf32, #tpu.memory_space<hbm>> -> memref<128x128xf32, #tpu.memory_space<hbm>>
    %dma_wait3A_465 = arith.constant 0 : i32
    %dma_wait3A_466 = tpu.memref_slice %arg14[%dma_wait3A_461, %add3A_423, %dma_wait3A_465] : memref<8x8192x128xf32, #tpu.memory_space<hbm>> -> memref<1x128x128xf32, #tpu.memory_space<hbm>>
    %dma_wait3A_467 = tpu.memref_squeeze %dma_wait3A_466 : memref<1x128x128xf32, #tpu.memory_space<hbm>> -> memref<128x128xf32, #tpu.memory_space<hbm>>
    tpu.wait_dma2 semaphore(%arg22 : memref<!tpu.dma_semaphore, #tpu.memory_space<semaphore_mem>>) src(%arg16 : memref<128x128xf32, #tpu.memory_space<vmem>>) dst(%dma_wait3A_467 : memref<128x128xf32, #tpu.memory_space<hbm>>)
    %dma_start3A_468 = arith.constant 6 : i32
    %dma_start3A_469 = arith.constant 0 : i32
    %dma_start3A_470 = tpu.memref_slice %arg15[%dma_start3A_468, %dma_start3A_469] : memref<8x256xi32, #tpu.memory_space<vmem>> -> memref<1x128xi32, #tpu.memory_space<vmem>>
    %dma_start3A_471 = tpu.memref_squeeze %dma_start3A_470 : memref<1x128xi32, #tpu.memory_space<vmem>> -> memref<128xi32, #tpu.memory_space<vmem>>
    %dma_start3A_472 = arith.constant 0 : i32
    %dma_start3A_473 = arith.constant 0 : i32
    %dma_start3A_474 = tpu.memref_slice %arg4[%dma_start3A_472, %dma_start3A_473] : memref<100000x128xf32, #tpu.memory_space<hbm>> -> memref<100000x128xf32, #tpu.memory_space<hbm>>
    tpu.enqueue_indirect_dma source(%dma_start3A_474 : memref<100000x128xf32, #tpu.memory_space<hbm>>) target(%arg16 : memref<128x128xf32, #tpu.memory_space<vmem>>) offsets(%dma_start3A_471 : memref<128xi32, #tpu.memory_space<vmem>>) semaphore(%arg21 : memref<!tpu.dma_semaphore, #tpu.memory_space<semaphore_mem>>)
    %dma_wait3A_475 = arith.constant 5 : i32
    %dma_wait3A_476 = arith.constant 0 : i32
    %dma_wait3A_477 = tpu.memref_slice %arg15[%dma_wait3A_475, %dma_wait3A_476] : memref<8x256xi32, #tpu.memory_space<vmem>> -> memref<1x128xi32, #tpu.memory_space<vmem>>
    %dma_wait3A_478 = tpu.memref_squeeze %dma_wait3A_477 : memref<1x128xi32, #tpu.memory_space<vmem>> -> memref<128xi32, #tpu.memory_space<vmem>>
    %dma_wait3A_479 = arith.constant 0 : i32
    %dma_wait3A_480 = arith.constant 0 : i32
    %dma_wait3A_481 = tpu.memref_slice %arg3[%dma_wait3A_479, %dma_wait3A_480] : memref<100000x128xf32, #tpu.memory_space<hbm>> -> memref<100000x128xf32, #tpu.memory_space<hbm>>
    tpu.wait_indirect_dma semaphore(%arg21 : memref<!tpu.dma_semaphore, #tpu.memory_space<semaphore_mem>>) src(%dma_wait3A_481 : memref<100000x128xf32, #tpu.memory_space<hbm>>) dst(%arg18 : memref<128x128xf32, #tpu.memory_space<vmem>>)
    %add3A_482 = arith.constant 0 : i32
    %add3A_483 = arith.addi %mul3A_2, %add3A_482 : i32
    %dma_start3A_484 = arith.constant 5 : i32
    %dma_start3A_485 = arith.constant 0 : i32
    %dma_start3A_486 = tpu.memref_slice %arg14[%dma_start3A_484, %add3A_483, %dma_start3A_485] : memref<8x8192x128xf32, #tpu.memory_space<hbm>> -> memref<1x128x128xf32, #tpu.memory_space<hbm>>
    %dma_start3A_487 = tpu.memref_squeeze %dma_start3A_486 : memref<1x128x128xf32, #tpu.memory_space<hbm>> -> memref<128x128xf32, #tpu.memory_space<hbm>>
    %dma_start3A_488 = arith.constant 0 : i32
    %dma_start3A_489 = tpu.memref_slice %arg14[%dma_start3A_484, %add3A_483, %dma_start3A_488] : memref<8x8192x128xf32, #tpu.memory_space<hbm>> -> memref<1x128x128xf32, #tpu.memory_space<hbm>>
    %dma_start3A_490 = tpu.memref_squeeze %dma_start3A_489 : memref<1x128x128xf32, #tpu.memory_space<hbm>> -> memref<128x128xf32, #tpu.memory_space<hbm>>
    tpu.enqueue_dma source(%arg18 : memref<128x128xf32, #tpu.memory_space<vmem>>) target(%dma_start3A_490 : memref<128x128xf32, #tpu.memory_space<hbm>>) target_semaphore(%arg22 : memref<!tpu.dma_semaphore, #tpu.memory_space<semaphore_mem>>)
    %dma_wait3A_491 = arith.constant 4 : i32
    %dma_wait3A_492 = arith.constant 0 : i32
    %dma_wait3A_493 = tpu.memref_slice %arg14[%dma_wait3A_491, %add3A_453, %dma_wait3A_492] : memref<8x8192x128xf32, #tpu.memory_space<hbm>> -> memref<1x128x128xf32, #tpu.memory_space<hbm>>
    %dma_wait3A_494 = tpu.memref_squeeze %dma_wait3A_493 : memref<1x128x128xf32, #tpu.memory_space<hbm>> -> memref<128x128xf32, #tpu.memory_space<hbm>>
    %dma_wait3A_495 = arith.constant 0 : i32
    %dma_wait3A_496 = tpu.memref_slice %arg14[%dma_wait3A_491, %add3A_453, %dma_wait3A_495] : memref<8x8192x128xf32, #tpu.memory_space<hbm>> -> memref<1x128x128xf32, #tpu.memory_space<hbm>>
    %dma_wait3A_497 = tpu.memref_squeeze %dma_wait3A_496 : memref<1x128x128xf32, #tpu.memory_space<hbm>> -> memref<128x128xf32, #tpu.memory_space<hbm>>
    tpu.wait_dma2 semaphore(%arg22 : memref<!tpu.dma_semaphore, #tpu.memory_space<semaphore_mem>>) src(%arg17 : memref<128x128xf32, #tpu.memory_space<vmem>>) dst(%dma_wait3A_497 : memref<128x128xf32, #tpu.memory_space<hbm>>)
    %dma_start3A_498 = arith.constant 6 : i32
    %dma_start3A_499 = arith.constant 128 : i32
    %dma_start3A_500 = tpu.memref_slice %arg15[%dma_start3A_498, %dma_start3A_499] : memref<8x256xi32, #tpu.memory_space<vmem>> -> memref<1x128xi32, #tpu.memory_space<vmem>>
    %dma_start3A_501 = tpu.memref_squeeze %dma_start3A_500 : memref<1x128xi32, #tpu.memory_space<vmem>> -> memref<128xi32, #tpu.memory_space<vmem>>
    %dma_start3A_502 = arith.constant 0 : i32
    %dma_start3A_503 = arith.constant 0 : i32
    %dma_start3A_504 = tpu.memref_slice %arg4[%dma_start3A_502, %dma_start3A_503] : memref<100000x128xf32, #tpu.memory_space<hbm>> -> memref<100000x128xf32, #tpu.memory_space<hbm>>
    tpu.enqueue_indirect_dma source(%dma_start3A_504 : memref<100000x128xf32, #tpu.memory_space<hbm>>) target(%arg17 : memref<128x128xf32, #tpu.memory_space<vmem>>) offsets(%dma_start3A_501 : memref<128xi32, #tpu.memory_space<vmem>>) semaphore(%arg21 : memref<!tpu.dma_semaphore, #tpu.memory_space<semaphore_mem>>)
    %dma_wait3A_505 = arith.constant 5 : i32
    %dma_wait3A_506 = arith.constant 128 : i32
    %dma_wait3A_507 = tpu.memref_slice %arg15[%dma_wait3A_505, %dma_wait3A_506] : memref<8x256xi32, #tpu.memory_space<vmem>> -> memref<1x128xi32, #tpu.memory_space<vmem>>
    %dma_wait3A_508 = tpu.memref_squeeze %dma_wait3A_507 : memref<1x128xi32, #tpu.memory_space<vmem>> -> memref<128xi32, #tpu.memory_space<vmem>>
    %dma_wait3A_509 = arith.constant 0 : i32
    %dma_wait3A_510 = arith.constant 0 : i32
    %dma_wait3A_511 = tpu.memref_slice %arg3[%dma_wait3A_509, %dma_wait3A_510] : memref<100000x128xf32, #tpu.memory_space<hbm>> -> memref<100000x128xf32, #tpu.memory_space<hbm>>
    tpu.wait_indirect_dma semaphore(%arg21 : memref<!tpu.dma_semaphore, #tpu.memory_space<semaphore_mem>>) src(%dma_wait3A_511 : memref<100000x128xf32, #tpu.memory_space<hbm>>) dst(%arg19 : memref<128x128xf32, #tpu.memory_space<vmem>>)
    %add3A_512 = arith.constant 128 : i32
    %add3A_513 = arith.addi %mul3A_2, %add3A_512 : i32
    %dma_start3A_514 = arith.constant 5 : i32
    %dma_start3A_515 = arith.constant 0 : i32
    %dma_start3A_516 = tpu.memref_slice %arg14[%dma_start3A_514, %add3A_513, %dma_start3A_515] : memref<8x8192x128xf32, #tpu.memory_space<hbm>> -> memref<1x128x128xf32, #tpu.memory_space<hbm>>
    %dma_start3A_517 = tpu.memref_squeeze %dma_start3A_516 : memref<1x128x128xf32, #tpu.memory_space<hbm>> -> memref<128x128xf32, #tpu.memory_space<hbm>>
    %dma_start3A_518 = arith.constant 0 : i32
    %dma_start3A_519 = tpu.memref_slice %arg14[%dma_start3A_514, %add3A_513, %dma_start3A_518] : memref<8x8192x128xf32, #tpu.memory_space<hbm>> -> memref<1x128x128xf32, #tpu.memory_space<hbm>>
    %dma_start3A_520 = tpu.memref_squeeze %dma_start3A_519 : memref<1x128x128xf32, #tpu.memory_space<hbm>> -> memref<128x128xf32, #tpu.memory_space<hbm>>
    tpu.enqueue_dma source(%arg19 : memref<128x128xf32, #tpu.memory_space<vmem>>) target(%dma_start3A_520 : memref<128x128xf32, #tpu.memory_space<hbm>>) target_semaphore(%arg22 : memref<!tpu.dma_semaphore, #tpu.memory_space<semaphore_mem>>)
    %dma_wait3A_521 = arith.constant 5 : i32
    %dma_wait3A_522 = arith.constant 0 : i32
    %dma_wait3A_523 = tpu.memref_slice %arg14[%dma_wait3A_521, %add3A_483, %dma_wait3A_522] : memref<8x8192x128xf32, #tpu.memory_space<hbm>> -> memref<1x128x128xf32, #tpu.memory_space<hbm>>
    %dma_wait3A_524 = tpu.memref_squeeze %dma_wait3A_523 : memref<1x128x128xf32, #tpu.memory_space<hbm>> -> memref<128x128xf32, #tpu.memory_space<hbm>>
    %dma_wait3A_525 = arith.constant 0 : i32
    %dma_wait3A_526 = tpu.memref_slice %arg14[%dma_wait3A_521, %add3A_483, %dma_wait3A_525] : memref<8x8192x128xf32, #tpu.memory_space<hbm>> -> memref<1x128x128xf32, #tpu.memory_space<hbm>>
    %dma_wait3A_527 = tpu.memref_squeeze %dma_wait3A_526 : memref<1x128x128xf32, #tpu.memory_space<hbm>> -> memref<128x128xf32, #tpu.memory_space<hbm>>
    tpu.wait_dma2 semaphore(%arg22 : memref<!tpu.dma_semaphore, #tpu.memory_space<semaphore_mem>>) src(%arg18 : memref<128x128xf32, #tpu.memory_space<vmem>>) dst(%dma_wait3A_527 : memref<128x128xf32, #tpu.memory_space<hbm>>)
    %dma_start3A_528 = arith.constant 7 : i32
    %dma_start3A_529 = arith.constant 0 : i32
    %dma_start3A_530 = tpu.memref_slice %arg15[%dma_start3A_528, %dma_start3A_529] : memref<8x256xi32, #tpu.memory_space<vmem>> -> memref<1x128xi32, #tpu.memory_space<vmem>>
    %dma_start3A_531 = tpu.memref_squeeze %dma_start3A_530 : memref<1x128xi32, #tpu.memory_space<vmem>> -> memref<128xi32, #tpu.memory_space<vmem>>
    %dma_start3A_532 = arith.constant 0 : i32
    %dma_start3A_533 = arith.constant 0 : i32
    %dma_start3A_534 = tpu.memref_slice %arg5[%dma_start3A_532, %dma_start3A_533] : memref<100000x128xf32, #tpu.memory_space<hbm>> -> memref<100000x128xf32, #tpu.memory_space<hbm>>
    tpu.enqueue_indirect_dma source(%dma_start3A_534 : memref<100000x128xf32, #tpu.memory_space<hbm>>) target(%arg18 : memref<128x128xf32, #tpu.memory_space<vmem>>) offsets(%dma_start3A_531 : memref<128xi32, #tpu.memory_space<vmem>>) semaphore(%arg21 : memref<!tpu.dma_semaphore, #tpu.memory_space<semaphore_mem>>)
    %dma_wait3A_535 = arith.constant 6 : i32
    %dma_wait3A_536 = arith.constant 0 : i32
    %dma_wait3A_537 = tpu.memref_slice %arg15[%dma_wait3A_535, %dma_wait3A_536] : memref<8x256xi32, #tpu.memory_space<vmem>> -> memref<1x128xi32, #tpu.memory_space<vmem>>
    %dma_wait3A_538 = tpu.memref_squeeze %dma_wait3A_537 : memref<1x128xi32, #tpu.memory_space<vmem>> -> memref<128xi32, #tpu.memory_space<vmem>>
    %dma_wait3A_539 = arith.constant 0 : i32
    %dma_wait3A_540 = arith.constant 0 : i32
    %dma_wait3A_541 = tpu.memref_slice %arg4[%dma_wait3A_539, %dma_wait3A_540] : memref<100000x128xf32, #tpu.memory_space<hbm>> -> memref<100000x128xf32, #tpu.memory_space<hbm>>
    tpu.wait_indirect_dma semaphore(%arg21 : memref<!tpu.dma_semaphore, #tpu.memory_space<semaphore_mem>>) src(%dma_wait3A_541 : memref<100000x128xf32, #tpu.memory_space<hbm>>) dst(%arg16 : memref<128x128xf32, #tpu.memory_space<vmem>>)
    %add3A_542 = arith.constant 0 : i32
    %add3A_543 = arith.addi %mul3A_2, %add3A_542 : i32
    %dma_start3A_544 = arith.constant 6 : i32
    %dma_start3A_545 = arith.constant 0 : i32
    %dma_start3A_546 = tpu.memref_slice %arg14[%dma_start3A_544, %add3A_543, %dma_start3A_545] : memref<8x8192x128xf32, #tpu.memory_space<hbm>> -> memref<1x128x128xf32, #tpu.memory_space<hbm>>
    %dma_start3A_547 = tpu.memref_squeeze %dma_start3A_546 : memref<1x128x128xf32, #tpu.memory_space<hbm>> -> memref<128x128xf32, #tpu.memory_space<hbm>>
    %dma_start3A_548 = arith.constant 0 : i32
    %dma_start3A_549 = tpu.memref_slice %arg14[%dma_start3A_544, %add3A_543, %dma_start3A_548] : memref<8x8192x128xf32, #tpu.memory_space<hbm>> -> memref<1x128x128xf32, #tpu.memory_space<hbm>>
    %dma_start3A_550 = tpu.memref_squeeze %dma_start3A_549 : memref<1x128x128xf32, #tpu.memory_space<hbm>> -> memref<128x128xf32, #tpu.memory_space<hbm>>
    tpu.enqueue_dma source(%arg16 : memref<128x128xf32, #tpu.memory_space<vmem>>) target(%dma_start3A_550 : memref<128x128xf32, #tpu.memory_space<hbm>>) target_semaphore(%arg22 : memref<!tpu.dma_semaphore, #tpu.memory_space<semaphore_mem>>)
    %dma_wait3A_551 = arith.constant 5 : i32
    %dma_wait3A_552 = arith.constant 0 : i32
    %dma_wait3A_553 = tpu.memref_slice %arg14[%dma_wait3A_551, %add3A_513, %dma_wait3A_552] : memref<8x8192x128xf32, #tpu.memory_space<hbm>> -> memref<1x128x128xf32, #tpu.memory_space<hbm>>
    %dma_wait3A_554 = tpu.memref_squeeze %dma_wait3A_553 : memref<1x128x128xf32, #tpu.memory_space<hbm>> -> memref<128x128xf32, #tpu.memory_space<hbm>>
    %dma_wait3A_555 = arith.constant 0 : i32
    %dma_wait3A_556 = tpu.memref_slice %arg14[%dma_wait3A_551, %add3A_513, %dma_wait3A_555] : memref<8x8192x128xf32, #tpu.memory_space<hbm>> -> memref<1x128x128xf32, #tpu.memory_space<hbm>>
    %dma_wait3A_557 = tpu.memref_squeeze %dma_wait3A_556 : memref<1x128x128xf32, #tpu.memory_space<hbm>> -> memref<128x128xf32, #tpu.memory_space<hbm>>
    tpu.wait_dma2 semaphore(%arg22 : memref<!tpu.dma_semaphore, #tpu.memory_space<semaphore_mem>>) src(%arg19 : memref<128x128xf32, #tpu.memory_space<vmem>>) dst(%dma_wait3A_557 : memref<128x128xf32, #tpu.memory_space<hbm>>)
    %dma_start3A_558 = arith.constant 7 : i32
    %dma_start3A_559 = arith.constant 128 : i32
    %dma_start3A_560 = tpu.memref_slice %arg15[%dma_start3A_558, %dma_start3A_559] : memref<8x256xi32, #tpu.memory_space<vmem>> -> memref<1x128xi32, #tpu.memory_space<vmem>>
    %dma_start3A_561 = tpu.memref_squeeze %dma_start3A_560 : memref<1x128xi32, #tpu.memory_space<vmem>> -> memref<128xi32, #tpu.memory_space<vmem>>
    %dma_start3A_562 = arith.constant 0 : i32
    %dma_start3A_563 = arith.constant 0 : i32
    %dma_start3A_564 = tpu.memref_slice %arg5[%dma_start3A_562, %dma_start3A_563] : memref<100000x128xf32, #tpu.memory_space<hbm>> -> memref<100000x128xf32, #tpu.memory_space<hbm>>
    tpu.enqueue_indirect_dma source(%dma_start3A_564 : memref<100000x128xf32, #tpu.memory_space<hbm>>) target(%arg19 : memref<128x128xf32, #tpu.memory_space<vmem>>) offsets(%dma_start3A_561 : memref<128xi32, #tpu.memory_space<vmem>>) semaphore(%arg21 : memref<!tpu.dma_semaphore, #tpu.memory_space<semaphore_mem>>)
    %dma_wait3A_565 = arith.constant 6 : i32
    %dma_wait3A_566 = arith.constant 128 : i32
    %dma_wait3A_567 = tpu.memref_slice %arg15[%dma_wait3A_565, %dma_wait3A_566] : memref<8x256xi32, #tpu.memory_space<vmem>> -> memref<1x128xi32, #tpu.memory_space<vmem>>
    %dma_wait3A_568 = tpu.memref_squeeze %dma_wait3A_567 : memref<1x128xi32, #tpu.memory_space<vmem>> -> memref<128xi32, #tpu.memory_space<vmem>>
    %dma_wait3A_569 = arith.constant 0 : i32
    %dma_wait3A_570 = arith.constant 0 : i32
    %dma_wait3A_571 = tpu.memref_slice %arg4[%dma_wait3A_569, %dma_wait3A_570] : memref<100000x128xf32, #tpu.memory_space<hbm>> -> memref<100000x128xf32, #tpu.memory_space<hbm>>
    tpu.wait_indirect_dma semaphore(%arg21 : memref<!tpu.dma_semaphore, #tpu.memory_space<semaphore_mem>>) src(%dma_wait3A_571 : memref<100000x128xf32, #tpu.memory_space<hbm>>) dst(%arg17 : memref<128x128xf32, #tpu.memory_space<vmem>>)
    %add3A_572 = arith.constant 128 : i32
    %add3A_573 = arith.addi %mul3A_2, %add3A_572 : i32
    %dma_start3A_574 = arith.constant 6 : i32
    %dma_start3A_575 = arith.constant 0 : i32
    %dma_start3A_576 = tpu.memref_slice %arg14[%dma_start3A_574, %add3A_573, %dma_start3A_575] : memref<8x8192x128xf32, #tpu.memory_space<hbm>> -> memref<1x128x128xf32, #tpu.memory_space<hbm>>
    %dma_start3A_577 = tpu.memref_squeeze %dma_start3A_576 : memref<1x128x128xf32, #tpu.memory_space<hbm>> -> memref<128x128xf32, #tpu.memory_space<hbm>>
    %dma_start3A_578 = arith.constant 0 : i32
    %dma_start3A_579 = tpu.memref_slice %arg14[%dma_start3A_574, %add3A_573, %dma_start3A_578] : memref<8x8192x128xf32, #tpu.memory_space<hbm>> -> memref<1x128x128xf32, #tpu.memory_space<hbm>>
    %dma_start3A_580 = tpu.memref_squeeze %dma_start3A_579 : memref<1x128x128xf32, #tpu.memory_space<hbm>> -> memref<128x128xf32, #tpu.memory_space<hbm>>
    tpu.enqueue_dma source(%arg17 : memref<128x128xf32, #tpu.memory_space<vmem>>) target(%dma_start3A_580 : memref<128x128xf32, #tpu.memory_space<hbm>>) target_semaphore(%arg22 : memref<!tpu.dma_semaphore, #tpu.memory_space<semaphore_mem>>)
    %dma_wait3A_581 = arith.constant 7 : i32
    %dma_wait3A_582 = arith.constant 0 : i32
    %dma_wait3A_583 = tpu.memref_slice %arg15[%dma_wait3A_581, %dma_wait3A_582] : memref<8x256xi32, #tpu.memory_space<vmem>> -> memref<1x128xi32, #tpu.memory_space<vmem>>
    %dma_wait3A_584 = tpu.memref_squeeze %dma_wait3A_583 : memref<1x128xi32, #tpu.memory_space<vmem>> -> memref<128xi32, #tpu.memory_space<vmem>>
    %dma_wait3A_585 = arith.constant 0 : i32
    %dma_wait3A_586 = arith.constant 0 : i32
    %dma_wait3A_587 = tpu.memref_slice %arg5[%dma_wait3A_585, %dma_wait3A_586] : memref<100000x128xf32, #tpu.memory_space<hbm>> -> memref<100000x128xf32, #tpu.memory_space<hbm>>
    tpu.wait_indirect_dma semaphore(%arg21 : memref<!tpu.dma_semaphore, #tpu.memory_space<semaphore_mem>>) src(%dma_wait3A_587 : memref<100000x128xf32, #tpu.memory_space<hbm>>) dst(%arg18 : memref<128x128xf32, #tpu.memory_space<vmem>>)
    %add3A_588 = arith.constant 0 : i32
    %add3A_589 = arith.addi %mul3A_2, %add3A_588 : i32
    %dma_start3A_590 = arith.constant 7 : i32
    %dma_start3A_591 = arith.constant 0 : i32
    %dma_start3A_592 = tpu.memref_slice %arg14[%dma_start3A_590, %add3A_589, %dma_start3A_591] : memref<8x8192x128xf32, #tpu.memory_space<hbm>> -> memref<1x128x128xf32, #tpu.memory_space<hbm>>
    %dma_start3A_593 = tpu.memref_squeeze %dma_start3A_592 : memref<1x128x128xf32, #tpu.memory_space<hbm>> -> memref<128x128xf32, #tpu.memory_space<hbm>>
    %dma_start3A_594 = arith.constant 0 : i32
    %dma_start3A_595 = tpu.memref_slice %arg14[%dma_start3A_590, %add3A_589, %dma_start3A_594] : memref<8x8192x128xf32, #tpu.memory_space<hbm>> -> memref<1x128x128xf32, #tpu.memory_space<hbm>>
    %dma_start3A_596 = tpu.memref_squeeze %dma_start3A_595 : memref<1x128x128xf32, #tpu.memory_space<hbm>> -> memref<128x128xf32, #tpu.memory_space<hbm>>
    tpu.enqueue_dma source(%arg18 : memref<128x128xf32, #tpu.memory_space<vmem>>) target(%dma_start3A_596 : memref<128x128xf32, #tpu.memory_space<hbm>>) target_semaphore(%arg22 : memref<!tpu.dma_semaphore, #tpu.memory_space<semaphore_mem>>)
    %dma_wait3A_597 = arith.constant 7 : i32
    %dma_wait3A_598 = arith.constant 128 : i32
    %dma_wait3A_599 = tpu.memref_slice %arg15[%dma_wait3A_597, %dma_wait3A_598] : memref<8x256xi32, #tpu.memory_space<vmem>> -> memref<1x128xi32, #tpu.memory_space<vmem>>
    %dma_wait3A_600 = tpu.memref_squeeze %dma_wait3A_599 : memref<1x128xi32, #tpu.memory_space<vmem>> -> memref<128xi32, #tpu.memory_space<vmem>>
    %dma_wait3A_601 = arith.constant 0 : i32
    %dma_wait3A_602 = arith.constant 0 : i32
    %dma_wait3A_603 = tpu.memref_slice %arg5[%dma_wait3A_601, %dma_wait3A_602] : memref<100000x128xf32, #tpu.memory_space<hbm>> -> memref<100000x128xf32, #tpu.memory_space<hbm>>
    tpu.wait_indirect_dma semaphore(%arg21 : memref<!tpu.dma_semaphore, #tpu.memory_space<semaphore_mem>>) src(%dma_wait3A_603 : memref<100000x128xf32, #tpu.memory_space<hbm>>) dst(%arg19 : memref<128x128xf32, #tpu.memory_space<vmem>>)
    %add3A_604 = arith.constant 128 : i32
    %add3A_605 = arith.addi %mul3A_2, %add3A_604 : i32
    %dma_start3A_606 = arith.constant 7 : i32
    %dma_start3A_607 = arith.constant 0 : i32
    %dma_start3A_608 = tpu.memref_slice %arg14[%dma_start3A_606, %add3A_605, %dma_start3A_607] : memref<8x8192x128xf32, #tpu.memory_space<hbm>> -> memref<1x128x128xf32, #tpu.memory_space<hbm>>
    %dma_start3A_609 = tpu.memref_squeeze %dma_start3A_608 : memref<1x128x128xf32, #tpu.memory_space<hbm>> -> memref<128x128xf32, #tpu.memory_space<hbm>>
    %dma_start3A_610 = arith.constant 0 : i32
    %dma_start3A_611 = tpu.memref_slice %arg14[%dma_start3A_606, %add3A_605, %dma_start3A_610] : memref<8x8192x128xf32, #tpu.memory_space<hbm>> -> memref<1x128x128xf32, #tpu.memory_space<hbm>>
    %dma_start3A_612 = tpu.memref_squeeze %dma_start3A_611 : memref<1x128x128xf32, #tpu.memory_space<hbm>> -> memref<128x128xf32, #tpu.memory_space<hbm>>
    tpu.enqueue_dma source(%arg19 : memref<128x128xf32, #tpu.memory_space<vmem>>) target(%dma_start3A_612 : memref<128x128xf32, #tpu.memory_space<hbm>>) target_semaphore(%arg22 : memref<!tpu.dma_semaphore, #tpu.memory_space<semaphore_mem>>)
    %dma_wait3A_613 = arith.constant 6 : i32
    %dma_wait3A_614 = arith.constant 0 : i32
    %dma_wait3A_615 = tpu.memref_slice %arg14[%dma_wait3A_613, %add3A_543, %dma_wait3A_614] : memref<8x8192x128xf32, #tpu.memory_space<hbm>> -> memref<1x128x128xf32, #tpu.memory_space<hbm>>
    %dma_wait3A_616 = tpu.memref_squeeze %dma_wait3A_615 : memref<1x128x128xf32, #tpu.memory_space<hbm>> -> memref<128x128xf32, #tpu.memory_space<hbm>>
    %dma_wait3A_617 = arith.constant 0 : i32
    %dma_wait3A_618 = tpu.memref_slice %arg14[%dma_wait3A_613, %add3A_543, %dma_wait3A_617] : memref<8x8192x128xf32, #tpu.memory_space<hbm>> -> memref<1x128x128xf32, #tpu.memory_space<hbm>>
    %dma_wait3A_619 = tpu.memref_squeeze %dma_wait3A_618 : memref<1x128x128xf32, #tpu.memory_space<hbm>> -> memref<128x128xf32, #tpu.memory_space<hbm>>
    tpu.wait_dma2 semaphore(%arg22 : memref<!tpu.dma_semaphore, #tpu.memory_space<semaphore_mem>>) src(%arg16 : memref<128x128xf32, #tpu.memory_space<vmem>>) dst(%dma_wait3A_619 : memref<128x128xf32, #tpu.memory_space<hbm>>)
    %dma_wait3A_620 = arith.constant 6 : i32
    %dma_wait3A_621 = arith.constant 0 : i32
    %dma_wait3A_622 = tpu.memref_slice %arg14[%dma_wait3A_620, %add3A_573, %dma_wait3A_621] : memref<8x8192x128xf32, #tpu.memory_space<hbm>> -> memref<1x128x128xf32, #tpu.memory_space<hbm>>
    %dma_wait3A_623 = tpu.memref_squeeze %dma_wait3A_622 : memref<1x128x128xf32, #tpu.memory_space<hbm>> -> memref<128x128xf32, #tpu.memory_space<hbm>>
    %dma_wait3A_624 = arith.constant 0 : i32
    %dma_wait3A_625 = tpu.memref_slice %arg14[%dma_wait3A_620, %add3A_573, %dma_wait3A_624] : memref<8x8192x128xf32, #tpu.memory_space<hbm>> -> memref<1x128x128xf32, #tpu.memory_space<hbm>>
    %dma_wait3A_626 = tpu.memref_squeeze %dma_wait3A_625 : memref<1x128x128xf32, #tpu.memory_space<hbm>> -> memref<128x128xf32, #tpu.memory_space<hbm>>
    tpu.wait_dma2 semaphore(%arg22 : memref<!tpu.dma_semaphore, #tpu.memory_space<semaphore_mem>>) src(%arg17 : memref<128x128xf32, #tpu.memory_space<vmem>>) dst(%dma_wait3A_626 : memref<128x128xf32, #tpu.memory_space<hbm>>)
    %dma_wait3A_627 = arith.constant 7 : i32
    %dma_wait3A_628 = arith.constant 0 : i32
    %dma_wait3A_629 = tpu.memref_slice %arg14[%dma_wait3A_627, %add3A_589, %dma_wait3A_628] : memref<8x8192x128xf32, #tpu.memory_space<hbm>> -> memref<1x128x128xf32, #tpu.memory_space<hbm>>
    %dma_wait3A_630 = tpu.memref_squeeze %dma_wait3A_629 : memref<1x128x128xf32, #tpu.memory_space<hbm>> -> memref<128x128xf32, #tpu.memory_space<hbm>>
    %dma_wait3A_631 = arith.constant 0 : i32
    %dma_wait3A_632 = tpu.memref_slice %arg14[%dma_wait3A_627, %add3A_589, %dma_wait3A_631] : memref<8x8192x128xf32, #tpu.memory_space<hbm>> -> memref<1x128x128xf32, #tpu.memory_space<hbm>>
    %dma_wait3A_633 = tpu.memref_squeeze %dma_wait3A_632 : memref<1x128x128xf32, #tpu.memory_space<hbm>> -> memref<128x128xf32, #tpu.memory_space<hbm>>
    tpu.wait_dma2 semaphore(%arg22 : memref<!tpu.dma_semaphore, #tpu.memory_space<semaphore_mem>>) src(%arg18 : memref<128x128xf32, #tpu.memory_space<vmem>>) dst(%dma_wait3A_633 : memref<128x128xf32, #tpu.memory_space<hbm>>)
    %dma_wait3A_634 = arith.constant 7 : i32
    %dma_wait3A_635 = arith.constant 0 : i32
    %dma_wait3A_636 = tpu.memref_slice %arg14[%dma_wait3A_634, %add3A_605, %dma_wait3A_635] : memref<8x8192x128xf32, #tpu.memory_space<hbm>> -> memref<1x128x128xf32, #tpu.memory_space<hbm>>
    %dma_wait3A_637 = tpu.memref_squeeze %dma_wait3A_636 : memref<1x128x128xf32, #tpu.memory_space<hbm>> -> memref<128x128xf32, #tpu.memory_space<hbm>>
    %dma_wait3A_638 = arith.constant 0 : i32
    %dma_wait3A_639 = tpu.memref_slice %arg14[%dma_wait3A_634, %add3A_605, %dma_wait3A_638] : memref<8x8192x128xf32, #tpu.memory_space<hbm>> -> memref<1x128x128xf32, #tpu.memory_space<hbm>>
    %dma_wait3A_640 = tpu.memref_squeeze %dma_wait3A_639 : memref<1x128x128xf32, #tpu.memory_space<hbm>> -> memref<128x128xf32, #tpu.memory_space<hbm>>
    tpu.wait_dma2 semaphore(%arg22 : memref<!tpu.dma_semaphore, #tpu.memory_space<semaphore_mem>>) src(%arg19 : memref<128x128xf32, #tpu.memory_space<vmem>>) dst(%dma_wait3A_640 : memref<128x128xf32, #tpu.memory_space<hbm>>)
    return
  }
}

module attributes {stable_mosaic.version = 14 : i64} {
  func.func @_tc_body(%arg0: i32, %arg1: memref<8x2048x128xf32, #tpu.memory_space<vmem>>, %arg2: memref<8x128x64xf32, #tpu.memory_space<vmem>>, %arg3: memref<4x1x64xf32, #tpu.memory_space<vmem>>, %arg4: memref<1x64xf32, #tpu.memory_space<vmem>>, %arg5: memref<64x32xf32, #tpu.memory_space<vmem>>, %arg6: memref<1x32xf32, #tpu.memory_space<vmem>>, %arg7: memref<32x1xf32, #tpu.memory_space<vmem>>, %arg8: memref<1x1xf32, #tpu.memory_space<vmem>>, %arg9: memref<2048x1xf32, #tpu.memory_space<vmem>>) attributes {dimension_semantics = [#tpu.dimension_semantics<arbitrary>], iteration_bounds = array<i64: 4>, scalar_prefetch = 0 : i64, scratch_operands = 0 : i64, tpu.core_type = #tpu.core_type<tc>, window_params = [{transform_indices = @transform_0, window_bounds = array<i64: 8, 2048, 128>}, {pipeline_mode = #tpu.pipeline_mode<synchronous>, transform_indices = @transform_1, window_bounds = array<i64: 8, 128, 64>}, {pipeline_mode = #tpu.pipeline_mode<synchronous>, transform_indices = @transform_2, window_bounds = array<i64: 4, 1, 64>}, {pipeline_mode = #tpu.pipeline_mode<synchronous>, transform_indices = @transform_3, window_bounds = array<i64: 1, 64>}, {pipeline_mode = #tpu.pipeline_mode<synchronous>, transform_indices = @transform_4, window_bounds = array<i64: 64, 32>}, {pipeline_mode = #tpu.pipeline_mode<synchronous>, transform_indices = @transform_5, window_bounds = array<i64: 1, 32>}, {pipeline_mode = #tpu.pipeline_mode<synchronous>, transform_indices = @transform_6, window_bounds = array<i64: 32, 1>}, {pipeline_mode = #tpu.pipeline_mode<synchronous>, transform_indices = @transform_7, window_bounds = array<i64: 1, 1>}, {transform_indices = @transform_8, window_bounds = array<i64: 2048, 1>}]} {
    %get3A = arith.constant 0 : index
    %get3A_0 = arith.constant 0 : index
    %get3A_1 = vector.load %arg4[%get3A, %get3A_0] : memref<1x64xf32, #tpu.memory_space<vmem>>, vector<1x64xf32>
    %broadcast_in_dim3A = arith.constant 0.000000e+00 : f32
    %broadcast_in_dim3A_2 = vector.broadcast %broadcast_in_dim3A : f32 to vector<2048x64xf32>
    %add3A = vector.broadcast %get3A_1 : vector<1x64xf32> to vector<2048x64xf32>
    %add3A_3 = arith.addf %add3A, %broadcast_in_dim3A_2 : vector<2048x64xf32>
    %get3A_4 = arith.constant 0 : index
    %get3A_5 = arith.constant 0 : index
    %get3A_6 = arith.constant 0 : index
    %get3A_7 = vector.load %arg1[%get3A_4, %get3A_5, %get3A_6] : memref<8x2048x128xf32, #tpu.memory_space<vmem>>, vector<1x2048x128xf32>
    %get3A_8 = vector.shape_cast %get3A_7 : vector<1x2048x128xf32> to vector<2048x128xf32>
    %get3A_9 = arith.constant 4 : index
    %get3A_10 = arith.constant 0 : index
    %get3A_11 = arith.constant 0 : index
    %get3A_12 = vector.load %arg1[%get3A_9, %get3A_10, %get3A_11] : memref<8x2048x128xf32, #tpu.memory_space<vmem>>, vector<1x2048x128xf32>
    %get3A_13 = vector.shape_cast %get3A_12 : vector<1x2048x128xf32> to vector<2048x128xf32>
    %get3A_14 = arith.constant 0 : index
    %get3A_15 = arith.constant 0 : index
    %get3A_16 = arith.constant 0 : index
    %get3A_17 = vector.load %arg2[%get3A_14, %get3A_15, %get3A_16] : memref<8x128x64xf32, #tpu.memory_space<vmem>>, vector<1x128x64xf32>
    %get3A_18 = vector.shape_cast %get3A_17 : vector<1x128x64xf32> to vector<128x64xf32>
    %dot_general3A = arith.constant dense<0.000000e+00> : vector<2048x64xf32>
    %dot_general3A_19 = tpu.matmul %get3A_8, %get3A_18, %dot_general3A {dimension_numbers = #tpu.dot_dimension_numbers<[1], [0], [0], [1], [0, 0, 1, 1], [], []>, transpose_lhs_hint = false} : vector<2048x128xf32>, vector<128x64xf32>, vector<2048x64xf32> -> vector<2048x64xf32>
    %add3A_20 = arith.addf %add3A_3, %dot_general3A_19 : vector<2048x64xf32>
    %get3A_21 = arith.constant 4 : index
    %get3A_22 = arith.constant 0 : index
    %get3A_23 = arith.constant 0 : index
    %get3A_24 = vector.load %arg2[%get3A_21, %get3A_22, %get3A_23] : memref<8x128x64xf32, #tpu.memory_space<vmem>>, vector<1x128x64xf32>
    %get3A_25 = vector.shape_cast %get3A_24 : vector<1x128x64xf32> to vector<128x64xf32>
    %dot_general3A_26 = arith.constant dense<0.000000e+00> : vector<2048x64xf32>
    %dot_general3A_27 = tpu.matmul %get3A_13, %get3A_25, %dot_general3A_26 {dimension_numbers = #tpu.dot_dimension_numbers<[1], [0], [0], [1], [0, 0, 1, 1], [], []>, transpose_lhs_hint = false} : vector<2048x128xf32>, vector<128x64xf32>, vector<2048x64xf32> -> vector<2048x64xf32>
    %add3A_28 = arith.addf %add3A_20, %dot_general3A_27 : vector<2048x64xf32>
    %mul3A = arith.mulf %get3A_8, %get3A_13 : vector<2048x128xf32>
    %reduce_sum3A = arith.constant dense<0.000000e+00> : vector<2048xf32>
    %reduce_sum3A_29 = vector.multi_reduction <add>, %mul3A, %reduce_sum3A [1] : vector<2048x128xf32> to vector<2048xf32>
    %broadcast_in_dim3A_30 = vector.shape_cast %reduce_sum3A_29 : vector<2048xf32> to vector<2048x1xf32>
    %mul3A_31 = arith.mulf %get3A_8, %get3A_8 : vector<2048x128xf32>
    %reduce_sum3A_32 = arith.constant dense<0.000000e+00> : vector<2048xf32>
    %reduce_sum3A_33 = vector.multi_reduction <add>, %mul3A_31, %reduce_sum3A_32 [1] : vector<2048x128xf32> to vector<2048xf32>
    %broadcast_in_dim3A_34 = vector.shape_cast %reduce_sum3A_33 : vector<2048xf32> to vector<2048x1xf32>
    %mul3A_35 = arith.mulf %get3A_13, %get3A_13 : vector<2048x128xf32>
    %reduce_sum3A_36 = arith.constant dense<0.000000e+00> : vector<2048xf32>
    %reduce_sum3A_37 = vector.multi_reduction <add>, %mul3A_35, %reduce_sum3A_36 [1] : vector<2048x128xf32> to vector<2048xf32>
    %broadcast_in_dim3A_38 = vector.shape_cast %reduce_sum3A_37 : vector<2048xf32> to vector<2048x1xf32>
    %max3A = arith.constant 1.000000e-16 : f32
    %max3A_39 = vector.broadcast %max3A : f32 to vector<2048x1xf32>
    %max3A_40 = arith.maximumf %broadcast_in_dim3A_34, %max3A_39 : vector<2048x1xf32>
    %max3A_41 = arith.constant 1.000000e-16 : f32
    %max3A_42 = vector.broadcast %max3A_41 : f32 to vector<2048x1xf32>
    %max3A_43 = arith.maximumf %broadcast_in_dim3A_38, %max3A_42 : vector<2048x1xf32>
    %mul3A_44 = arith.mulf %max3A_40, %max3A_43 : vector<2048x1xf32>
    %rsqrt3A = math.rsqrt %mul3A_44 : vector<2048x1xf32>
    %mul3A_45 = arith.mulf %broadcast_in_dim3A_30, %rsqrt3A : vector<2048x1xf32>
    %get3A_46 = arith.constant 0 : index
    %get3A_47 = arith.constant 0 : index
    %get3A_48 = arith.constant 0 : index
    %get3A_49 = vector.load %arg3[%get3A_46, %get3A_47, %get3A_48] : memref<4x1x64xf32, #tpu.memory_space<vmem>>, vector<1x1x64xf32>
    %get3A_50 = vector.shape_cast %get3A_49 : vector<1x1x64xf32> to vector<1x64xf32>
    %mul3A_51 = vector.broadcast %mul3A_45 : vector<2048x1xf32> to vector<2048x64xf32>
    %mul3A_52 = vector.broadcast %get3A_50 : vector<1x64xf32> to vector<2048x64xf32>
    %mul3A_53 = arith.mulf %mul3A_51, %mul3A_52 : vector<2048x64xf32>
    %add3A_54 = arith.addf %add3A_28, %mul3A_53 : vector<2048x64xf32>
    %get3A_55 = arith.constant 1 : index
    %get3A_56 = arith.constant 0 : index
    %get3A_57 = arith.constant 0 : index
    %get3A_58 = vector.load %arg1[%get3A_55, %get3A_56, %get3A_57] : memref<8x2048x128xf32, #tpu.memory_space<vmem>>, vector<1x2048x128xf32>
    %get3A_59 = vector.shape_cast %get3A_58 : vector<1x2048x128xf32> to vector<2048x128xf32>
    %get3A_60 = arith.constant 5 : index
    %get3A_61 = arith.constant 0 : index
    %get3A_62 = arith.constant 0 : index
    %get3A_63 = vector.load %arg1[%get3A_60, %get3A_61, %get3A_62] : memref<8x2048x128xf32, #tpu.memory_space<vmem>>, vector<1x2048x128xf32>
    %get3A_64 = vector.shape_cast %get3A_63 : vector<1x2048x128xf32> to vector<2048x128xf32>
    %get3A_65 = arith.constant 1 : index
    %get3A_66 = arith.constant 0 : index
    %get3A_67 = arith.constant 0 : index
    %get3A_68 = vector.load %arg2[%get3A_65, %get3A_66, %get3A_67] : memref<8x128x64xf32, #tpu.memory_space<vmem>>, vector<1x128x64xf32>
    %get3A_69 = vector.shape_cast %get3A_68 : vector<1x128x64xf32> to vector<128x64xf32>
    %dot_general3A_70 = arith.constant dense<0.000000e+00> : vector<2048x64xf32>
    %dot_general3A_71 = tpu.matmul %get3A_59, %get3A_69, %dot_general3A_70 {dimension_numbers = #tpu.dot_dimension_numbers<[1], [0], [0], [1], [0, 0, 1, 1], [], []>, transpose_lhs_hint = false} : vector<2048x128xf32>, vector<128x64xf32>, vector<2048x64xf32> -> vector<2048x64xf32>
    %add3A_72 = arith.addf %add3A_54, %dot_general3A_71 : vector<2048x64xf32>
    %get3A_73 = arith.constant 5 : index
    %get3A_74 = arith.constant 0 : index
    %get3A_75 = arith.constant 0 : index
    %get3A_76 = vector.load %arg2[%get3A_73, %get3A_74, %get3A_75] : memref<8x128x64xf32, #tpu.memory_space<vmem>>, vector<1x128x64xf32>
    %get3A_77 = vector.shape_cast %get3A_76 : vector<1x128x64xf32> to vector<128x64xf32>
    %dot_general3A_78 = arith.constant dense<0.000000e+00> : vector<2048x64xf32>
    %dot_general3A_79 = tpu.matmul %get3A_64, %get3A_77, %dot_general3A_78 {dimension_numbers = #tpu.dot_dimension_numbers<[1], [0], [0], [1], [0, 0, 1, 1], [], []>, transpose_lhs_hint = false} : vector<2048x128xf32>, vector<128x64xf32>, vector<2048x64xf32> -> vector<2048x64xf32>
    %add3A_80 = arith.addf %add3A_72, %dot_general3A_79 : vector<2048x64xf32>
    %mul3A_81 = arith.mulf %get3A_59, %get3A_64 : vector<2048x128xf32>
    %reduce_sum3A_82 = arith.constant dense<0.000000e+00> : vector<2048xf32>
    %reduce_sum3A_83 = vector.multi_reduction <add>, %mul3A_81, %reduce_sum3A_82 [1] : vector<2048x128xf32> to vector<2048xf32>
    %broadcast_in_dim3A_84 = vector.shape_cast %reduce_sum3A_83 : vector<2048xf32> to vector<2048x1xf32>
    %mul3A_85 = arith.mulf %get3A_59, %get3A_59 : vector<2048x128xf32>
    %reduce_sum3A_86 = arith.constant dense<0.000000e+00> : vector<2048xf32>
    %reduce_sum3A_87 = vector.multi_reduction <add>, %mul3A_85, %reduce_sum3A_86 [1] : vector<2048x128xf32> to vector<2048xf32>
    %broadcast_in_dim3A_88 = vector.shape_cast %reduce_sum3A_87 : vector<2048xf32> to vector<2048x1xf32>
    %mul3A_89 = arith.mulf %get3A_64, %get3A_64 : vector<2048x128xf32>
    %reduce_sum3A_90 = arith.constant dense<0.000000e+00> : vector<2048xf32>
    %reduce_sum3A_91 = vector.multi_reduction <add>, %mul3A_89, %reduce_sum3A_90 [1] : vector<2048x128xf32> to vector<2048xf32>
    %broadcast_in_dim3A_92 = vector.shape_cast %reduce_sum3A_91 : vector<2048xf32> to vector<2048x1xf32>
    %max3A_93 = arith.constant 1.000000e-16 : f32
    %max3A_94 = vector.broadcast %max3A_93 : f32 to vector<2048x1xf32>
    %max3A_95 = arith.maximumf %broadcast_in_dim3A_88, %max3A_94 : vector<2048x1xf32>
    %max3A_96 = arith.constant 1.000000e-16 : f32
    %max3A_97 = vector.broadcast %max3A_96 : f32 to vector<2048x1xf32>
    %max3A_98 = arith.maximumf %broadcast_in_dim3A_92, %max3A_97 : vector<2048x1xf32>
    %mul3A_99 = arith.mulf %max3A_95, %max3A_98 : vector<2048x1xf32>
    %rsqrt3A_100 = math.rsqrt %mul3A_99 : vector<2048x1xf32>
    %mul3A_101 = arith.mulf %broadcast_in_dim3A_84, %rsqrt3A_100 : vector<2048x1xf32>
    %get3A_102 = arith.constant 1 : index
    %get3A_103 = arith.constant 0 : index
    %get3A_104 = arith.constant 0 : index
    %get3A_105 = vector.load %arg3[%get3A_102, %get3A_103, %get3A_104] : memref<4x1x64xf32, #tpu.memory_space<vmem>>, vector<1x1x64xf32>
    %get3A_106 = vector.shape_cast %get3A_105 : vector<1x1x64xf32> to vector<1x64xf32>
    %mul3A_107 = vector.broadcast %mul3A_101 : vector<2048x1xf32> to vector<2048x64xf32>
    %mul3A_108 = vector.broadcast %get3A_106 : vector<1x64xf32> to vector<2048x64xf32>
    %mul3A_109 = arith.mulf %mul3A_107, %mul3A_108 : vector<2048x64xf32>
    %add3A_110 = arith.addf %add3A_80, %mul3A_109 : vector<2048x64xf32>
    %get3A_111 = arith.constant 2 : index
    %get3A_112 = arith.constant 0 : index
    %get3A_113 = arith.constant 0 : index
    %get3A_114 = vector.load %arg1[%get3A_111, %get3A_112, %get3A_113] : memref<8x2048x128xf32, #tpu.memory_space<vmem>>, vector<1x2048x128xf32>
    %get3A_115 = vector.shape_cast %get3A_114 : vector<1x2048x128xf32> to vector<2048x128xf32>
    %get3A_116 = arith.constant 6 : index
    %get3A_117 = arith.constant 0 : index
    %get3A_118 = arith.constant 0 : index
    %get3A_119 = vector.load %arg1[%get3A_116, %get3A_117, %get3A_118] : memref<8x2048x128xf32, #tpu.memory_space<vmem>>, vector<1x2048x128xf32>
    %get3A_120 = vector.shape_cast %get3A_119 : vector<1x2048x128xf32> to vector<2048x128xf32>
    %get3A_121 = arith.constant 2 : index
    %get3A_122 = arith.constant 0 : index
    %get3A_123 = arith.constant 0 : index
    %get3A_124 = vector.load %arg2[%get3A_121, %get3A_122, %get3A_123] : memref<8x128x64xf32, #tpu.memory_space<vmem>>, vector<1x128x64xf32>
    %get3A_125 = vector.shape_cast %get3A_124 : vector<1x128x64xf32> to vector<128x64xf32>
    %dot_general3A_126 = arith.constant dense<0.000000e+00> : vector<2048x64xf32>
    %dot_general3A_127 = tpu.matmul %get3A_115, %get3A_125, %dot_general3A_126 {dimension_numbers = #tpu.dot_dimension_numbers<[1], [0], [0], [1], [0, 0, 1, 1], [], []>, transpose_lhs_hint = false} : vector<2048x128xf32>, vector<128x64xf32>, vector<2048x64xf32> -> vector<2048x64xf32>
    %add3A_128 = arith.addf %add3A_110, %dot_general3A_127 : vector<2048x64xf32>
    %get3A_129 = arith.constant 6 : index
    %get3A_130 = arith.constant 0 : index
    %get3A_131 = arith.constant 0 : index
    %get3A_132 = vector.load %arg2[%get3A_129, %get3A_130, %get3A_131] : memref<8x128x64xf32, #tpu.memory_space<vmem>>, vector<1x128x64xf32>
    %get3A_133 = vector.shape_cast %get3A_132 : vector<1x128x64xf32> to vector<128x64xf32>
    %dot_general3A_134 = arith.constant dense<0.000000e+00> : vector<2048x64xf32>
    %dot_general3A_135 = tpu.matmul %get3A_120, %get3A_133, %dot_general3A_134 {dimension_numbers = #tpu.dot_dimension_numbers<[1], [0], [0], [1], [0, 0, 1, 1], [], []>, transpose_lhs_hint = false} : vector<2048x128xf32>, vector<128x64xf32>, vector<2048x64xf32> -> vector<2048x64xf32>
    %add3A_136 = arith.addf %add3A_128, %dot_general3A_135 : vector<2048x64xf32>
    %mul3A_137 = arith.mulf %get3A_115, %get3A_120 : vector<2048x128xf32>
    %reduce_sum3A_138 = arith.constant dense<0.000000e+00> : vector<2048xf32>
    %reduce_sum3A_139 = vector.multi_reduction <add>, %mul3A_137, %reduce_sum3A_138 [1] : vector<2048x128xf32> to vector<2048xf32>
    %broadcast_in_dim3A_140 = vector.shape_cast %reduce_sum3A_139 : vector<2048xf32> to vector<2048x1xf32>
    %mul3A_141 = arith.mulf %get3A_115, %get3A_115 : vector<2048x128xf32>
    %reduce_sum3A_142 = arith.constant dense<0.000000e+00> : vector<2048xf32>
    %reduce_sum3A_143 = vector.multi_reduction <add>, %mul3A_141, %reduce_sum3A_142 [1] : vector<2048x128xf32> to vector<2048xf32>
    %broadcast_in_dim3A_144 = vector.shape_cast %reduce_sum3A_143 : vector<2048xf32> to vector<2048x1xf32>
    %mul3A_145 = arith.mulf %get3A_120, %get3A_120 : vector<2048x128xf32>
    %reduce_sum3A_146 = arith.constant dense<0.000000e+00> : vector<2048xf32>
    %reduce_sum3A_147 = vector.multi_reduction <add>, %mul3A_145, %reduce_sum3A_146 [1] : vector<2048x128xf32> to vector<2048xf32>
    %broadcast_in_dim3A_148 = vector.shape_cast %reduce_sum3A_147 : vector<2048xf32> to vector<2048x1xf32>
    %max3A_149 = arith.constant 1.000000e-16 : f32
    %max3A_150 = vector.broadcast %max3A_149 : f32 to vector<2048x1xf32>
    %max3A_151 = arith.maximumf %broadcast_in_dim3A_144, %max3A_150 : vector<2048x1xf32>
    %max3A_152 = arith.constant 1.000000e-16 : f32
    %max3A_153 = vector.broadcast %max3A_152 : f32 to vector<2048x1xf32>
    %max3A_154 = arith.maximumf %broadcast_in_dim3A_148, %max3A_153 : vector<2048x1xf32>
    %mul3A_155 = arith.mulf %max3A_151, %max3A_154 : vector<2048x1xf32>
    %rsqrt3A_156 = math.rsqrt %mul3A_155 : vector<2048x1xf32>
    %mul3A_157 = arith.mulf %broadcast_in_dim3A_140, %rsqrt3A_156 : vector<2048x1xf32>
    %get3A_158 = arith.constant 2 : index
    %get3A_159 = arith.constant 0 : index
    %get3A_160 = arith.constant 0 : index
    %get3A_161 = vector.load %arg3[%get3A_158, %get3A_159, %get3A_160] : memref<4x1x64xf32, #tpu.memory_space<vmem>>, vector<1x1x64xf32>
    %get3A_162 = vector.shape_cast %get3A_161 : vector<1x1x64xf32> to vector<1x64xf32>
    %mul3A_163 = vector.broadcast %mul3A_157 : vector<2048x1xf32> to vector<2048x64xf32>
    %mul3A_164 = vector.broadcast %get3A_162 : vector<1x64xf32> to vector<2048x64xf32>
    %mul3A_165 = arith.mulf %mul3A_163, %mul3A_164 : vector<2048x64xf32>
    %add3A_166 = arith.addf %add3A_136, %mul3A_165 : vector<2048x64xf32>
    %get3A_167 = arith.constant 3 : index
    %get3A_168 = arith.constant 0 : index
    %get3A_169 = arith.constant 0 : index
    %get3A_170 = vector.load %arg1[%get3A_167, %get3A_168, %get3A_169] : memref<8x2048x128xf32, #tpu.memory_space<vmem>>, vector<1x2048x128xf32>
    %get3A_171 = vector.shape_cast %get3A_170 : vector<1x2048x128xf32> to vector<2048x128xf32>
    %get3A_172 = arith.constant 7 : index
    %get3A_173 = arith.constant 0 : index
    %get3A_174 = arith.constant 0 : index
    %get3A_175 = vector.load %arg1[%get3A_172, %get3A_173, %get3A_174] : memref<8x2048x128xf32, #tpu.memory_space<vmem>>, vector<1x2048x128xf32>
    %get3A_176 = vector.shape_cast %get3A_175 : vector<1x2048x128xf32> to vector<2048x128xf32>
    %get3A_177 = arith.constant 3 : index
    %get3A_178 = arith.constant 0 : index
    %get3A_179 = arith.constant 0 : index
    %get3A_180 = vector.load %arg2[%get3A_177, %get3A_178, %get3A_179] : memref<8x128x64xf32, #tpu.memory_space<vmem>>, vector<1x128x64xf32>
    %get3A_181 = vector.shape_cast %get3A_180 : vector<1x128x64xf32> to vector<128x64xf32>
    %dot_general3A_182 = arith.constant dense<0.000000e+00> : vector<2048x64xf32>
    %dot_general3A_183 = tpu.matmul %get3A_171, %get3A_181, %dot_general3A_182 {dimension_numbers = #tpu.dot_dimension_numbers<[1], [0], [0], [1], [0, 0, 1, 1], [], []>, transpose_lhs_hint = false} : vector<2048x128xf32>, vector<128x64xf32>, vector<2048x64xf32> -> vector<2048x64xf32>
    %add3A_184 = arith.addf %add3A_166, %dot_general3A_183 : vector<2048x64xf32>
    %get3A_185 = arith.constant 7 : index
    %get3A_186 = arith.constant 0 : index
    %get3A_187 = arith.constant 0 : index
    %get3A_188 = vector.load %arg2[%get3A_185, %get3A_186, %get3A_187] : memref<8x128x64xf32, #tpu.memory_space<vmem>>, vector<1x128x64xf32>
    %get3A_189 = vector.shape_cast %get3A_188 : vector<1x128x64xf32> to vector<128x64xf32>
    %dot_general3A_190 = arith.constant dense<0.000000e+00> : vector<2048x64xf32>
    %dot_general3A_191 = tpu.matmul %get3A_176, %get3A_189, %dot_general3A_190 {dimension_numbers = #tpu.dot_dimension_numbers<[1], [0], [0], [1], [0, 0, 1, 1], [], []>, transpose_lhs_hint = false} : vector<2048x128xf32>, vector<128x64xf32>, vector<2048x64xf32> -> vector<2048x64xf32>
    %add3A_192 = arith.addf %add3A_184, %dot_general3A_191 : vector<2048x64xf32>
    %mul3A_193 = arith.mulf %get3A_171, %get3A_176 : vector<2048x128xf32>
    %reduce_sum3A_194 = arith.constant dense<0.000000e+00> : vector<2048xf32>
    %reduce_sum3A_195 = vector.multi_reduction <add>, %mul3A_193, %reduce_sum3A_194 [1] : vector<2048x128xf32> to vector<2048xf32>
    %broadcast_in_dim3A_196 = vector.shape_cast %reduce_sum3A_195 : vector<2048xf32> to vector<2048x1xf32>
    %mul3A_197 = arith.mulf %get3A_171, %get3A_171 : vector<2048x128xf32>
    %reduce_sum3A_198 = arith.constant dense<0.000000e+00> : vector<2048xf32>
    %reduce_sum3A_199 = vector.multi_reduction <add>, %mul3A_197, %reduce_sum3A_198 [1] : vector<2048x128xf32> to vector<2048xf32>
    %broadcast_in_dim3A_200 = vector.shape_cast %reduce_sum3A_199 : vector<2048xf32> to vector<2048x1xf32>
    %mul3A_201 = arith.mulf %get3A_176, %get3A_176 : vector<2048x128xf32>
    %reduce_sum3A_202 = arith.constant dense<0.000000e+00> : vector<2048xf32>
    %reduce_sum3A_203 = vector.multi_reduction <add>, %mul3A_201, %reduce_sum3A_202 [1] : vector<2048x128xf32> to vector<2048xf32>
    %broadcast_in_dim3A_204 = vector.shape_cast %reduce_sum3A_203 : vector<2048xf32> to vector<2048x1xf32>
    %max3A_205 = arith.constant 1.000000e-16 : f32
    %max3A_206 = vector.broadcast %max3A_205 : f32 to vector<2048x1xf32>
    %max3A_207 = arith.maximumf %broadcast_in_dim3A_200, %max3A_206 : vector<2048x1xf32>
    %max3A_208 = arith.constant 1.000000e-16 : f32
    %max3A_209 = vector.broadcast %max3A_208 : f32 to vector<2048x1xf32>
    %max3A_210 = arith.maximumf %broadcast_in_dim3A_204, %max3A_209 : vector<2048x1xf32>
    %mul3A_211 = arith.mulf %max3A_207, %max3A_210 : vector<2048x1xf32>
    %rsqrt3A_212 = math.rsqrt %mul3A_211 : vector<2048x1xf32>
    %mul3A_213 = arith.mulf %broadcast_in_dim3A_196, %rsqrt3A_212 : vector<2048x1xf32>
    %get3A_214 = arith.constant 3 : index
    %get3A_215 = arith.constant 0 : index
    %get3A_216 = arith.constant 0 : index
    %get3A_217 = vector.load %arg3[%get3A_214, %get3A_215, %get3A_216] : memref<4x1x64xf32, #tpu.memory_space<vmem>>, vector<1x1x64xf32>
    %get3A_218 = vector.shape_cast %get3A_217 : vector<1x1x64xf32> to vector<1x64xf32>
    %mul3A_219 = vector.broadcast %mul3A_213 : vector<2048x1xf32> to vector<2048x64xf32>
    %mul3A_220 = vector.broadcast %get3A_218 : vector<1x64xf32> to vector<2048x64xf32>
    %mul3A_221 = arith.mulf %mul3A_219, %mul3A_220 : vector<2048x64xf32>
    %add3A_222 = arith.addf %add3A_192, %mul3A_221 : vector<2048x64xf32>
    %max3A_223 = arith.constant 0.000000e+00 : f32
    %max3A_224 = vector.broadcast %max3A_223 : f32 to vector<2048x64xf32>
    %max3A_225 = arith.maximumf %add3A_222, %max3A_224 : vector<2048x64xf32>
    %get3A_226 = arith.constant 0 : index
    %get3A_227 = arith.constant 0 : index
    %get3A_228 = vector.load %arg5[%get3A_226, %get3A_227] : memref<64x32xf32, #tpu.memory_space<vmem>>, vector<64x32xf32>
    %dot_general3A_229 = arith.constant dense<0.000000e+00> : vector<2048x32xf32>
    %dot_general3A_230 = tpu.matmul %max3A_225, %get3A_228, %dot_general3A_229 {dimension_numbers = #tpu.dot_dimension_numbers<[1], [0], [0], [1], [0, 0, 1, 1], [], []>, transpose_lhs_hint = false} : vector<2048x64xf32>, vector<64x32xf32>, vector<2048x32xf32> -> vector<2048x32xf32>
    %get3A_231 = arith.constant 0 : index
    %get3A_232 = arith.constant 0 : index
    %get3A_233 = vector.load %arg6[%get3A_231, %get3A_232] : memref<1x32xf32, #tpu.memory_space<vmem>>, vector<1x32xf32>
    %add3A_234 = vector.broadcast %get3A_233 : vector<1x32xf32> to vector<2048x32xf32>
    %add3A_235 = arith.addf %dot_general3A_230, %add3A_234 : vector<2048x32xf32>
    %max3A_236 = arith.constant 0.000000e+00 : f32
    %max3A_237 = vector.broadcast %max3A_236 : f32 to vector<2048x32xf32>
    %max3A_238 = arith.maximumf %add3A_235, %max3A_237 : vector<2048x32xf32>
    %get3A_239 = arith.constant 0 : index
    %get3A_240 = arith.constant 0 : index
    %get3A_241 = vector.load %arg7[%get3A_239, %get3A_240] : memref<32x1xf32, #tpu.memory_space<vmem>>, vector<32x1xf32>
    %dot_general3A_242 = arith.constant dense<0.000000e+00> : vector<2048x1xf32>
    %dot_general3A_243 = tpu.matmul %max3A_238, %get3A_241, %dot_general3A_242 {dimension_numbers = #tpu.dot_dimension_numbers<[1], [0], [0], [1], [0, 0, 1, 1], [], []>, transpose_lhs_hint = false} : vector<2048x32xf32>, vector<32x1xf32>, vector<2048x1xf32> -> vector<2048x1xf32>
    %get3A_244 = arith.constant 0 : index
    %get3A_245 = arith.constant 0 : index
    %get3A_246 = vector.load %arg8[%get3A_244, %get3A_245] : memref<1x1xf32, #tpu.memory_space<vmem>>, vector<1x1xf32>
    %add3A_247 = vector.broadcast %get3A_246 : vector<1x1xf32> to vector<2048x1xf32>
    %add3A_248 = arith.addf %dot_general3A_243, %add3A_247 : vector<2048x1xf32>
    %logistic3A = arith.negf %add3A_248 : vector<2048x1xf32>
    %logistic3A_249 = math.exp %logistic3A : vector<2048x1xf32>
    %logistic3A_250 = arith.constant 1.000000e+00 : f32
    %logistic3A_251 = vector.broadcast %logistic3A_250 : f32 to vector<2048x1xf32>
    %logistic3A_252 = arith.addf %logistic3A_251, %logistic3A_249 : vector<2048x1xf32>
    %logistic3A_253 = arith.divf %logistic3A_251, %logistic3A_252 : vector<2048x1xf32>
    %swap3A = arith.constant 0 : index
    %swap3A_254 = arith.constant 0 : index
    %swap3A_255 = vector.load %arg9[%swap3A, %swap3A_254] : memref<2048x1xf32, #tpu.memory_space<vmem>>, vector<2048x1xf32>
    tpu.vector_store %arg9[%swap3A, %swap3A_254], %logistic3A_253 {strides = array<i32>} : memref<2048x1xf32, #tpu.memory_space<vmem>>, vector<2048x1xf32>,
    return
  }
  func.func @transform_0(%arg0: i32) -> (i32, i32, i32) {
    %c0_i32 = arith.constant 0 : i32
    %c0_i32_0 = arith.constant 0 : i32
    %c0_i32_1 = arith.constant 0 : i32
    return %c0_i32, %arg0, %c0_i32_0 : i32, i32, i32
  }
  func.func @transform_1(%arg0: i32) -> (i32, i32, i32) {
    %c0_i32 = arith.constant 0 : i32
    %c0_i32_0 = arith.constant 0 : i32
    %c0_i32_1 = arith.constant 0 : i32
    %c0_i32_2 = arith.constant 0 : i32
    return %c0_i32, %c0_i32_0, %c0_i32_1 : i32, i32, i32
  }
  func.func @transform_2(%arg0: i32) -> (i32, i32, i32) {
    %c0_i32 = arith.constant 0 : i32
    %c0_i32_0 = arith.constant 0 : i32
    %c0_i32_1 = arith.constant 0 : i32
    %c0_i32_2 = arith.constant 0 : i32
    return %c0_i32, %c0_i32_0, %c0_i32_1 : i32, i32, i32
  }
  func.func @transform_3(%arg0: i32) -> (i32, i32) {
    %c0_i32 = arith.constant 0 : i32
    %c0_i32_0 = arith.constant 0 : i32
    %c0_i32_1 = arith.constant 0 : i32
    return %c0_i32, %c0_i32_0 : i32, i32
  }
  func.func @transform_4(%arg0: i32) -> (i32, i32) {
    %c0_i32 = arith.constant 0 : i32
    %c0_i32_0 = arith.constant 0 : i32
    %c0_i32_1 = arith.constant 0 : i32
    return %c0_i32, %c0_i32_0 : i32, i32
  }
  func.func @transform_5(%arg0: i32) -> (i32, i32) {
    %c0_i32 = arith.constant 0 : i32
    %c0_i32_0 = arith.constant 0 : i32
    %c0_i32_1 = arith.constant 0 : i32
    return %c0_i32, %c0_i32_0 : i32, i32
  }
  func.func @transform_6(%arg0: i32) -> (i32, i32) {
    %c0_i32 = arith.constant 0 : i32
    %c0_i32_0 = arith.constant 0 : i32
    %c0_i32_1 = arith.constant 0 : i32
    return %c0_i32, %c0_i32_0 : i32, i32
  }
  func.func @transform_7(%arg0: i32) -> (i32, i32) {
    %c0_i32 = arith.constant 0 : i32
    %c0_i32_0 = arith.constant 0 : i32
    %c0_i32_1 = arith.constant 0 : i32
    return %c0_i32, %c0_i32_0 : i32, i32
  }
  func.func @transform_8(%arg0: i32) -> (i32, i32) {
    %c0_i32 = arith.constant 0 : i32
    %c0_i32_0 = arith.constant 0 : i32
    return %arg0, %c0_i32 : i32, i32
  }
}

</mosaic_0001>

<sc_bundles>
// kernel: kernel.6.cloned.1.call-start
scs
__scs_entry_jumppad:
0x0: {  	(pc) =	sbr.rel $0x88, $3  }
0x1: {  	(tag) =	ssettag $0x0;
	lr =	simm.s32 $0x1  }
0x2: {  	[smem:$0x3F8F] =	sst lr;
	_ =	strace $0xD0000000  }
0x3: {  	_ = 	snop  }
0x4: {  	_ = 	snop  }
0x5: {  	_ = 	snop  }
0x6: {  	_ = 	snop  }
0x7: {  	_ = 	snop  }
__scs_overlays_trampoline_lowered:
0x8: {  	[smem:$0x3F9E] =	sst s0  }
0x9: {  	[smem:$0x3F9F] =	sst s1  }
0xa: {  	[smem:$0x3FA0] =	sst s2  }
0xb: {  	[smem:$0x3FA1] =	sst s3  }
0xc: {  	[smem:$0x3FA2] =	sst s4  }
0xd: {  	[smem:$0x3FA3] =	sst s5  }
0xe: {  	[smem:$0x3FA4] =	sst s6  }
0xf: {  	[smem:$0x3FA5] =	sst s7  }
0x10: {  	[smem:$0x3FA6] =	sst s8  }
0x11: {  	[smem:$0x3FA7] =	sst s9;
	s0 =	simm.s32 @!p0 $0x0  }
0x12: {  	s1 =	sld [smem:$0x3F8D];
	s0 =	simm.s32 @p0 $0x1  }
0x13: {  	[smem:$0x3FA8] =	sst s0;
	s0 =	simm.s32 @!p1 $0x0  }
0x14: {  	s2 =	sld [smem:$0x3F8C];
	s0 =	simm.s32 @p1 $0x1  }
0x15: {  	[smem:$0x3FA9] =	sst s0;
	s0 =	simm.s32 @!p2 $0x0  }
0x16: {  	s3 =	sld [smem:$0x3FDB];
	s0 =	simm.s32 @p2 $0x1  }
0x17: {  	s4 =	simm.s32 $0x1BF5;
	[smem:$0x3FAB] =	sst s0  }
0x18: {  	s0 =	sld [smem:$0x3F8E];
	_ =	swait.ge [sflag:s4], $0x0  }
0x19: {  	s7 =	sld [smem:$0x3F8F]  }
0x1a: {  	s8 =	sadd.s32 $0xFFFFE003, lr  }
0x1b: {  	s9 =	sadd.s32 $0xFFFFFEF7, lr;
	s5 =	simm.s32 $0xFFFFFFFF;
	p2 =	slt.u32 s8, $0xFFFFF086  }
0x1c: {  	p1 =	slt.u32 s9, $0xF7A;
	s5 =	simm.s32 @!p2 $0x0  }
0x1d: {  	s5 =	simm.s32 @p1 $0x1;
	p0 =	seq.s32 s7, s2  }
0x1e: {  	s7 =	smul.u32 @!p0 $0xF7A, s2;
	p2 =	seq.s32 @!p0 s5, $0x0  }
0x1f: {  	s9 =	smul.u32 $0xF7A, s1;
	s8 =	simm.s32 @!p0 $0x1BF5;
	p2 =	por !p2, p0  }
0x20: {  	[sflag:s8] =	ssyncset.s32 @!p0 $0xFFFFF086;
	s6 =	sadd.s32 @!p0 s3, s7;
	s7 =	simm.s32 @!p0 $0x108  }
0x21: {  	s3 =	sadd.s32 s3, s9;
	s6 =	sadd.s32 @!p0 $0x88, s6;
	s7 =	simm.s32 @p2 $0x1082  }
0x22: {  	[simem:s7], [sflag:s8] =	dma.local @!p0 [hbm:s6], $0xF7A  }
0x23: {  	s9 =	sor.u32 $0xD0000000, s2;
	s6 =	simm.s32 $0x108;
	_ =	swait.ge @!p0 [sflag:s8], $0x0  }
0x24: {  	s3 =	sadd.s32 $0x88, s3;
	s6 =	simm.s32 @!p1 $0x1082;
	[sflag:s4] =	ssyncset.s32 $0xFFFFF086  }
0x25: {  	[simem:s6], [sflag:s4] =	dma.local [hbm:s3], $0xF7A  }
0x26: {  	[smem:$0x3F8F] =	sst s1;
	(tag) =	ssettag s2;
	_ =	strace s9  }
0x27: {  	s1 =	sld [smem:$0x3F9F]  }
0x28: {  	s2 =	sld [smem:$0x3FA0]  }
0x29: {  	s4 =	sld [smem:$0x3FA2]  }
0x2a: {  	p0 =	seq.s32 s5, $0x0;
	s5 =	sld [smem:$0x3FA3]  }
0x2b: {  	s6 =	sld [smem:$0x3FA4]  }
0x2c: {  	s7 =	sld [smem:$0x3FA5]  }
0x2d: {  	s3 =	simm.s32 $0x108;
	s8 =	sld [smem:$0x3FA6]  }
0x2e: {  	s3 =	simm.s32 @!p0 $0x1082;
	s9 =	sld [smem:$0x3FA7]  }
0x2f: {  	lr =	sadd.s32 s0, s3;
	s0 =	sld [smem:$0x3F9E]  }
0x30: {  	s3 =	sld [smem:$0x3FA1]  }
0x31: {  	[smem:$0x3FAA] =	sst s10  }
0x32: {  	s10 =	sld [smem:$0x3FA8];
	_ =	sdelay $0x3  }
0x33: {  	p0 =	seq.s32 s10, $0x1;
	s10 =	sld [smem:$0x3FAA];
	_ =	sdelay $0x3  }
0x34: {  	[smem:$0x3FAA] =	sst s10  }
0x35: {  	s10 =	sld [smem:$0x3FA9];
	_ =	sdelay $0x3  }
0x36: {  	p1 =	seq.s32 s10, $0x1;
	s10 =	sld [smem:$0x3FAA];
	_ =	sdelay $0x3  }
0x37: {  	[smem:$0x3FAA] =	sst s10  }
0x38: {  	s10 =	sld [smem:$0x3FAB]  }
0x39: {  	_ = 	snop;
	(pc) =	sbr.ind lr, $3  }
0x3a: {  	_ = 	snop  }
0x3b: {  	_ = 	snop  }
0x3c: {  	p2 =	seq.s32 s10, $0x1;
	s10 =	sld [smem:$0x3FAA]  }
0x3d: {  	_ =	shalt  }
0x3e: {  	_ =	shalt  }
0x3f: {  	_ =	shalt  }
0x40: {  	_ =	shalt  }
0x41: {  	_ =	shalt  }
0x42: {  	_ =	shalt  }
0x43: {  	_ =	shalt  }
0x44: {  	_ =	shalt  }
0x45: {  	_ =	shalt  }
0x46: {  	_ =	shalt  }
0x47: {  	_ =	shalt  }
0x48: {  	_ =	shalt  }
0x49: {  	_ =	shalt  }
0x4a: {  	_ =	shalt  }
0x4b: {  	_ =	shalt  }
0x4c: {  	_ =	shalt  }
0x4d: {  	_ =	shalt  }
0x4e: {  	_ =	shalt  }
0x4f: {  	_ =	shalt  }
0x50: {  	_ =	shalt  }
0x51: {  	_ =	shalt  }
0x52: {  	_ =	shalt  }
0x53: {  	_ =	shalt  }
0x54: {  	_ =	shalt  }
0x55: {  	_ =	shalt  }
0x56: {  	_ =	shalt  }
0x57: {  	_ =	shalt  }
0x58: {  	_ =	shalt  }
0x59: {  	_ =	shalt  }
0x5a: {  	_ =	shalt  }
0x5b: {  	_ =	shalt  }
0x5c: {  	_ =	shalt  }
0x5d: {  	_ =	shalt  }
0x5e: {  	_ =	shalt  }
0x5f: {  	_ =	shalt  }
0x60: {  	_ =	shalt  }
0x61: {  	_ =	shalt  }
0x62: {  	_ =	shalt  }
0x63: {  	_ =	shalt  }
0x64: {  	_ =	shalt  }
0x65: {  	_ =	shalt  }
0x66: {  	_ =	shalt  }
0x67: {  	_ =	shalt  }
0x68: {  	_ =	shalt  }
0x69: {  	_ =	shalt  }
0x6a: {  	_ =	shalt  }
0x6b: {  	_ =	shalt  }
0x6c: {  	_ =	shalt  }
0x6d: {  	_ =	shalt  }
0x6e: {  	_ =	shalt  }
0x6f: {  	_ =	shalt  }
0x70: {  	_ =	shalt  }
0x71: {  	_ =	shalt  }
0x72: {  	_ =	shalt  }
0x73: {  	_ =	shalt  }
0x74: {  	_ =	shalt  }
0x75: {  	_ =	shalt  }
0x76: {  	_ =	shalt  }
0x77: {  	_ =	shalt  }
0x78: {  	_ =	shalt  }
0x79: {  	_ =	shalt  }
0x7a: {  	_ =	shalt  }
0x7b: {  	_ =	shalt  }
0x7c: {  	_ =	shalt  }
0x7d: {  	_ =	shalt  }
0x7e: {  	_ =	shalt  }
0x7f: {  	_ =	shalt  }
0x80: {  	_ =	shalt  }
0x81: {  	_ =	shalt  }
0x82: {  	_ =	shalt  }
0x83: {  	_ =	shalt  }
0x84: {  	_ =	shalt  }
0x85: {  	_ =	shalt  }
0x86: {  	_ =	shalt  }
0x87: {  	_ =	shalt  }
.Lfunc_end0:
.L_simem_size_0:
called_computation_lowered:
.L_overlay_start_0:
0x88: {  	s2 =	sld [smem:$0x3FD9]  }
0x89: {  	s3 =	sld [smem:$0x3FFE];
	_ =	sdelay $0x1  }
0x8a: {  	s1 =	srdreg.scid  }
0x8b: {  	s0 =	sand.u32 $0x1, s1  }
0x8c: {  	s18 =	sshll.u32 s0, $0xA;
	s2 =	sadd.s32 s3, s2  }
0x8d: {  	s2 =	sadd.s32 s2, s18  }
0x8e: {  	[smem:$0x3FB6] =	sst s2  }
0x8f: {  	_ = 	snop  }
0x90: {  	s5 =	sld [smem:$0x3FC9]  }
0x91: {  	s2 =	sld [smem:$0x3FC8]  }
0x92: {  	s10 =	sld [smem:$0x3FC7]  }
0x93: {  	s7 =	sld [smem:$0x3FC6]  }
0x94: {  	s4 =	sld [smem:$0x3FC5]  }
0x95: {  	s12 =	sld [smem:$0x3FC4]  }
0x96: {  	s9 =	sld [smem:$0x3FC3]  }
0x97: {  	s6 =	sld [smem:$0x3FC2]  }
0x98: {  	s13 =	sld [smem:$0x3FC1]  }
0x99: {  	s11 =	sld [smem:$0x3FC0]  }
0x9a: {  	s8 =	sld [smem:$0x3FBF]  }
0x9b: {  	s14 =	sld [smem:$0x3FBE];
	(tm) =	ssettm $0x1  }
0x9c: {  	s19 =	sld [smem:$0x3FFB];
	_ =	sdelay $0x3  }
0x9d: {  	_ =	strace s19  }
0x9e: {  	s3 =	sld [smem:$0x3FFC];
	_ =	sdelay $0x3  }
0x9f: {  	_ =	strace s3  }
0xa0: {  	s3 =	sld [smem:$0x3FFD];
	_ =	sdelay $0x3  }
0xa1: {  	_ =	strace s3  }
0xa2: {  	_ =	strace $0x8FFFFFFF  }
0xa3: {  	s20 =	sld [smem:$0x3FDB];
	_ =	sdelay $0x1  }
0xa4: {  	s15 =	simm.s32 $_scs_section_size  }
0xa5: {  	s16 =	simm.s32 $_size__tile_overlayer_lowered;
	s17 =	simm.s32 $_tile_overlayer_lowered  }
0xa6: {  	s22 =	simm.s32 $0x0;
	s21 =	sshll.u32 s17, $0x1;
	s15 =	sadd.s32 s15, s20  }
0xa7: {  	s16 =	sshll.u32 s16, $0x1;
	s18 =	simm.s32 $0x1BFF;
	s17 =	sadd.s32 s21, s15  }
0xa8: {  	[timem:s22], [sflag:s18] =	dma.local [hbm:s17], s16  }
0xa9: {  	_ =	swait.ge [sflag:s18], s16  }
0xaa: {  	s16 =	ssub.s32 $0x0, s16;
	[sflag:s18] =	ssyncset.done $0x0  }
0xab: {  	[sflag:s18] =	ssyncadd.s32 s16;
	_ =	sdelay $0x1  }
0xac: {  	s23 =	simm.s32 $0x1B8B  }
0xad: {  	_ =	swait.ge [sflag:s23], $0x1  }
0xae: {  	[sflag:s23] =	ssyncset.done $0x0  }
0xaf: {  	[sflag:s23] =	ssyncadd.s32 $0xFFFFFFFF  }
0xb0: {  	s16 =	sld [smem:$0x0]  }
0xb1: {  	s17 =	sand.u32 $0xFFFFFFFE, s1  }
0xb2: {  	p0 =	sne.s32 s1, s17  }
0xb3: {  	s17 =	sshll.u32 @p0 s17, $0xE  }
0xb4: {  	s17 =	sadd.s32 @p0 $0x11B8D, s17;
	s18 =	sshll.u32 @p0 s16, $0x11  }
0xb5: {  	s17 =	sor.u32 @p0 s18, s17  }
0xb6: {  	[sflag:s17] =	ssyncadd.remote.s32 @p0 $0x1;
	_ =	sdelay $0x1  }
0xb7: {  	s17 =	simm.s32 @p0 $0x1B8D  }
0xb8: {  	_ =	swait.eq @p0 [sflag:s17], $0x1  }
0xb9: {  	[sflag:s17] =	ssyncadd.s32 @p0 $0xFFFFFFFF  }
0xba: {  	s18 =	sshll.u32 @!p0 s1, $0xE  }
0xbb: {  	s18 =	sor.u32 @!p0 $0x4000, s18;
	s17 =	simm.s32 @!p0 $0x1B8D  }
0xbc: {  	s16 =	sshll.u32 @!p0 s16, $0x11;
	s18 =	sadd.s32 @!p0 $0x11B8D, s18;
	_ =	swait.eq @!p0 [sflag:s17], $0x1  }
0xbd: {  	s16 =	sor.u32 @!p0 s16, s18;
	[sflag:s17] =	ssyncadd.s32 @!p0 $0xFFFFFFFF  }
0xbe: {  	s25 =	simm.s32 $0x1B8E;
	s24 =	sld [smem:$0x3FFE];
	[sflag:s16] =	ssyncadd.remote.s32 @!p0 $0x1  }
0xbf: {  	s26 =	simm.s32 $execute0_lowered;
	[smem:$0x3FD2] =	sst s25  }
0xc0: {  	s17 =	sshll.u32 s26, $0x1;
	_ =	strace $0x80000049;
	[dreg:$0x1] =	wrdreg $0xFFFFFFFF  }
0xc1: {  	s28 =	simm.s32 $_size_execute0_lowered;
	s15 =	sadd.s32 s15, s17;
	[dreg:$0x0] =	wrdreg $0x0  }
0xc2: {  	s17 =	sshll.u32 s28, $0x1;
	[dreg:$0x2] =	wrdreg s15  }
0xc3: {  	[dreg:$0x3] =	wrdreg s17  }
0xc4: {  	[dreg:$0x4] =	wrdreg $0xC0  }
0xc5: {  	_ =	task [dreg:s22], $0x5FFFF  }
0xc6: {  	[dreg:$0x1] =	wrdreg $0xFFFFFFFF  }
0xc7: {  	[dreg:$0x0] =	wrdreg $0x60  }
0xc8: {  	[dreg:$0x2] =	wrdreg s10  }
0xc9: {  	[dreg:$0x3] =	wrdreg s12  }
0xca: {  	[dreg:$0x4] =	wrdreg s13  }
0xcb: {  	[dreg:$0x5] =	wrdreg s14  }
0xcc: {  	[dreg:$0x6] =	wrdreg s5  }
0xcd: {  	[dreg:$0x7] =	wrdreg s7  }
0xce: {  	[dreg:$0x8] =	wrdreg s9  }
0xcf: {  	[dreg:$0x9] =	wrdreg s11  }
0xd0: {  	[dreg:$0xa] =	wrdreg s2  }
0xd1: {  	[dreg:$0xb] =	wrdreg s4  }
0xd2: {  	[dreg:$0xc] =	wrdreg s6  }
0xd3: {  	[dreg:$0xd] =	wrdreg s8  }
0xd4: {  	[dreg:$0xe] =	wrdreg s24  }
0xd5: {  	[dreg:$0xf] =	wrdreg $0x9  }
0xd6: {  	_ =	task.clear_ibuf [dreg:s22], $0x10FFFF;
	_ =	strace $0x90000049  }
0xd7: {  	s29 =	simm.s32 $0x9;
	_ =	strace $0x8000004B  }
0xd8: {  	_ =	swait.ge [sflag:s29], $0x1  }
0xd9: {  	[sflag:s29] =	ssyncadd.s32 $0xFFFFFFFF  }
0xda: {  	_ =	strace $0x9000004B  }
0xdb: {  	_ =	sfence  }
0xdc: {  	s30 =	sld [smem:$0x0];
	_ =	sdelay $0x2  }
0xdd: {  	s31 =	sshll.u32 s1, $0xD;
	s1 =	sshrl.u32 s1, $0x2  }
0xde: {  	s4 =	sand.u32 $0x4000, s31;
	s1 =	sadd.s32 s1, s30  }
0xdf: {  	s0 =	sor.u32 s4, s0;
	s1 =	sshll.u32 s1, $0x11  }
0xe0: {  	s0 =	sor.u32 s1, s0  }
0xe1: {  	s0 =	sadd.s32 $0x8F2B, s0  }
0xe2: {  	[sflag:s0] =	ssyncadd.remote.s32 $0x1  }
0xe3: {  	_ =	sfence.sel $0xFFFF  }
0xe4: {  	[dreg:$0x0] =	wrdreg $0xFFFFFFFF;
	(pc) =	sbr.abs _section_cstart, $3  }
0xe5: {  	[dreg:$0x1] =	wrdreg $0xFFFFFFFF  }
0xe6: {  	_ =	task.clear_ibuf [dreg:s22], $0x2FFFF;
	_ =	strace $0x9FFFFFFF  }
0xe7: {  	(tm) =	ssettm $0x7FFFFFFF  }
tec
execute0_lowered:
.L_overlay_start_1:
0x0: {  	(tag) =	ssettag $0x1  }
0x1: {  	s6 =	rddreg [dreg:$0x0]  }
0x2: {  	s5 =	rddreg [dreg:$0x1]  }
0x3: {  	s4 =	rddreg [dreg:$0x2]  }
0x4: {  	s2 =	rddreg [dreg:$0x3]  }
0x5: {  	s0 =	rddreg [dreg:$0x4]  }
0x6: {  	s1 =	rddreg [dreg:$0x5]  }
0x7: {  	s10 =	rddreg [dreg:$0x6]  }
0x8: {  	s11 =	rddreg [dreg:$0x7];
	s3 =	srdreg.scid  }
0x9: {  	s12 =	rddreg [dreg:$0x8];
	s19 =	stileid.u32;
	s13 =	sand.u32 $0x1, s3  }
0xa: {  	s9 =	rddreg [dreg:$0x9];
	s24 =	sshll.u32 s19, $0x9;
	s14 =	sshll.u32 s13, $0x8  }
0xb: {  	s7 =	rddreg [dreg:$0xa];
	s14 =	sor.u32 s14, s24  }
0xc: {  	s15 =	rddreg [dreg:$0xc];
	s16 =	sshll.u32 s14, $0x4  }
0xd: {  	s8 =	rddreg [dreg:$0xb];
	s3 =	simm.s32 $0x0;
	s15 =	sadd.s32 s16, s15  }
0xe: {  	[smem:$0x7FF] =	sst s3;
	s16 =	sadd.s32 $0x101800, s15  }
0xf: {  	_ =	strace $0x8000004A;
	s25 =	sadd.s32 $0x102000, s15;
	[dreg:$0xe] =	wrdreg s16  }
0x10: {  	s26 =	sadd.s32 $0x121800, s15;
	[dreg:$0xf] =	wrdreg s25  }
0x11: {  	s17 =	sadd.s32 $0x122000, s15;
	[dreg:$0x10] =	wrdreg s26  }
0x12: {  	s18 =	sadd.s32 $0x141800, s15;
	[dreg:$0x11] =	wrdreg s17  }
0x13: {  	s20 =	sadd.s32 $0x142000, s15;
	[dreg:$0x12] =	wrdreg s18  }
0x14: {  	s21 =	sadd.s32 $0x161800, s15;
	[dreg:$0x13] =	wrdreg s20  }
0x15: {  	s28 =	simm.s32 $0x580;
	s22 =	sadd.s32 $0x162000, s15;
	[dreg:$0x14] =	wrdreg s21  }
0x16: {  	s14 =	sshrl.u32 s14, $0x3;
	s23 =	sadd.s32 $0x181800, s15;
	[dreg:$0x15] =	wrdreg s22  }
0x17: {  	s31 =	sadd.s32 s10, s14;
	s24 =	sadd.s32 $0x182000, s15;
	[dreg:$0x16] =	wrdreg s23  }
0x18: {  	p0 =	por $0x0, $0x0;
	s10 =	sadd.s32 $0x10, s31;
	[dreg:$0x17] =	wrdreg s24  }
0x19: {  	s29 =	sadd.s32 s0, s14;
	s25 =	sadd.s32 $0x1A1800, s15;
	[smem:$0x7F3] =	sst s10  }
0x1a: {  	s30 =	sadd.s32 s1, s14;
	s26 =	sadd.s32 $0x1A2000, s15;
	[dreg:$0x18] =	wrdreg s25  }
0x1b: {  	s0 =	simm.s32 $0x180;
	s16 =	sadd.s32 $0x1C1800, s15;
	[dreg:$0x19] =	wrdreg s26  }
0x1c: {  	s17 =	ssub.s32 $0x2, s13;
	s20 =	sadd.s32 $0x1C2000, s15;
	[dreg:$0x1a] =	wrdreg s16  }
0x1d: {  	s21 =	sadd.s32 $0x1E1800, s15;
	s22 =	sadd.s32 $0x1E2000, s15;
	[dreg:$0x1b] =	wrdreg s20  }
0x1e: {  	s23 =	sadd.s32 $0x10, s29;
	s24 =	sadd.s32 $0x10, s30;
	[dreg:$0x1c] =	wrdreg s21  }
0x1f: {  	s13 =	sadd.s32 s7, s14;
	s10 =	simm.s32 $0xC800;
	[dreg:$0x1d] =	wrdreg s22  }
0x20: {  	s7 =	simm.s32 $0x3;
	s18 =	sshrl.u32 s17, $0x1;
	[dreg:$0x1e] =	wrdreg s23  }
0x21: {  	s25 =	sadd.s32 s11, s14;
	[dreg:$0x1f] =	wrdreg s24;
	s26 =	sadd.s32 s12, s14  }
0x22: {  	s11 =	sadd.s32 s9, s14;
	s16 =	sadd.s32 s8, s14;
	[smem:$0x7FA] =	sst s13  }
0x23: {  	s20 =	sadd.s32 $0x10, s13;
	s8 =	simm.s32 $0x80;
	[smem:$0x7F4] =	sst s25  }
0x24: {  	s13 =	simm.s32 $0x100;
	s24 =	simm.s32 $0x280;
	[smem:$0x7F6] =	sst s26  }
0x25: {  	s14 =	simm.s32 $0x800;
	s9 =	simm.s32 $0x2;
	[smem:$0x7F8] =	sst s11  }
0x26: {  	s1 =	sadd.s32 $0x10, s25;
	s12 =	sadd.s32 $0x10, s26;
	[smem:$0x7FB] =	sst s20  }
0x27: {  	s15 =	sadd.s32 $0x10, s11;
	s21 =	ssub.s32 s17, s18;
	[smem:$0x7FC] =	sst s16  }
0x28: {  	s22 =	sadd.s32 $0x10, s16;
	s16 =	simm.s32 $0x400;
	s23 =	smax.u32 s21, $0x1  }
0x29: {  	s26 =	simm.s32 $0x200;
	[smem:$0x7F5] =	sst s1;
	p1 =	sne.s32 s23, $0x1  }
.Ltmp0:
0x2a: {  	s25 =	simm.s32 $0x600;
	[smem:$0x7F7] =	sst s12;
	(pc) =	sbr.rel @!p1 .LBB2_5-.Ltmp0, $4  }
0x2b: {  	s20 =	simm.s32 $0x380;
	s17 =	simm.s32 $0x1;
	[smem:$0x7F9] =	sst s15  }
0x2c: {  	s11 =	simm.s32 $0x8800;
	[smem:$0x7FD] =	sst s22;
	s15 =	simm.s32 $0x480  }
0x2d: {  	s1 =	simm.s32 $0x500;
	s22 =	simm.s32 $0x300;
	s21 =	simm.s32 $0x700  }
0x2e: {  	s12 =	simm.s32 $0x4800;
	s18 =	sadd.s32 $0xFFFFFFFF, s23;
	s23 =	simm.s32 $0x680  }
0x2f: {  	[tilespmem:s3], [sflag:$0x1] =	stream.linear.gather [hbm4b:s29+s3], $0x80, $0x38;
	[tilespmem:$0x10800] =	vst v63  }
0x30: {  	s19 =	rddreg [dreg:$0x1e]  }
0x31: {  	[tilespmem:s16], [sflag:$0x1] =	stream.linear.gather [hbm4b:s19+s3], $0x80, $0x38;
	[tilespmem:$0x10800] =	vst v63  }
0x32: {  	_ = 	snop  }
0x33: {  	[tilespmem:s8], [sflag:$0x1] =	stream.linear.gather [hbm4b:s30+s3], $0x80, $0x38;
	[tilespmem:$0x10800] =	vst v63  }
0x34: {  	s19 =	rddreg [dreg:$0x1f]  }
0x35: {  	[tilespmem:s15], [sflag:$0x1] =	stream.linear.gather [hbm4b:s19+s3], $0x80, $0x38;
	[tilespmem:$0x10800] =	vst v63  }
0x36: {  	s19 =	sld [smem:$0x7F3]  }
0x37: {  	[tilespmem:s13], [sflag:$0x1] =	stream.linear.gather [hbm4b:s31+s3], $0x80, $0x38;
	[tilespmem:$0x10800] =	vst v63  }
0x38: {  	_ = 	snop  }
0x39: {  	[tilespmem:s1], [sflag:$0x1] =	stream.linear.gather [hbm4b:s19+s3], $0x80, $0x38;
	[tilespmem:$0x10800] =	vst v63  }
0x3a: {  	s19 =	sld [smem:$0x7F4]  }
0x3b: {  	[smem:$0x7F2] =	sst s18  }
0x3c: {  	s18 =	sld [smem:$0x7F5]  }
0x3d: {  	[tilespmem:s0], [sflag:$0x1] =	stream.linear.gather [hbm4b:s19+s3], $0x80, $0x38;
	[tilespmem:$0x10800] =	vst v63  }
0x3e: {  	s19 =	sld [smem:$0x7F6]  }
0x3f: {  	[tilespmem:s28], [sflag:$0x1] =	stream.linear.gather [hbm4b:s18+s3], $0x80, $0x38;
	[tilespmem:$0x10800] =	vst v63  }
0x40: {  	s18 =	sld [smem:$0x7F7]  }
0x41: {  	[tilespmem:s26], [sflag:$0x1] =	stream.linear.gather [hbm4b:s19+s3], $0x80, $0x38;
	[tilespmem:$0x10800] =	vst v63  }
0x42: {  	s19 =	sld [smem:$0x7F8]  }
0x43: {  	[tilespmem:s25], [sflag:$0x1] =	stream.linear.gather [hbm4b:s18+s3], $0x80, $0x38;
	[tilespmem:$0x10800] =	vst v63  }
0x44: {  	s18 =	sld [smem:$0x7F9]  }
0x45: {  	[tilespmem:s24], [sflag:$0x1] =	stream.linear.gather [hbm4b:s19+s3], $0x80, $0x38;
	[tilespmem:$0x10800] =	vst v63  }
0x46: {  	s19 =	sld [smem:$0x7FA]  }
0x47: {  	[tilespmem:s23], [sflag:$0x1] =	stream.linear.gather [hbm4b:s18+s3], $0x80, $0x38;
	[tilespmem:$0x10800] =	vst v63  }
0x48: {  	s18 =	sld [smem:$0x7FB]  }
0x49: {  	[tilespmem:s22], [sflag:$0x1] =	stream.linear.gather [hbm4b:s19+s3], $0x80, $0x38;
	[tilespmem:$0x10800] =	vst v63  }
0x4a: {  	s19 =	sld [smem:$0x7FC]  }
0x4b: {  	[tilespmem:s21], [sflag:$0x1] =	stream.linear.gather [hbm4b:s18+s3], $0x80, $0x38;
	[tilespmem:$0x10800] =	vst v63  }
0x4c: {  	s18 =	sld [smem:$0x7FD]  }
0x4d: {  	[tilespmem:s20], [sflag:$0x1] =	stream.linear.gather [hbm4b:s19+s3], $0x80, $0x38;
	[tilespmem:$0x10800] =	vst v63  }
0x4e: {  	s19 =	simm.s32 $0x780  }
0x4f: {  	[tilespmem:s19], [sflag:$0x1] =	stream.linear.gather [hbm4b:s18+s3], $0x80, $0x38;
	[tilespmem:$0x10800] =	vst v63  }
0x50: {  	_ =	swait.ge [sflag:s17], $0x100  }
0x51: {  	[sflag:s17] =	ssyncset.done $0x0  }
0x52: {  	[sflag:s17] =	ssyncadd.s32 $0xFFFFFF00  }
0x53: {  	_ =	swait.ge [sflag:s17], $0x100  }
0x54: {  	[sflag:s17] =	ssyncset.done $0x0  }
0x55: {  	[sflag:s17] =	ssyncadd.s32 $0xFFFFFF00  }
0x56: {  	_ =	swait.ge [sflag:s17], $0x100  }
0x57: {  	[sflag:s17] =	ssyncset.done $0x0  }
0x58: {  	[sflag:s17] =	ssyncadd.s32 $0xFFFFFF00  }
0x59: {  	_ =	swait.ge [sflag:s17], $0x100  }
0x5a: {  	[sflag:s17] =	ssyncset.done $0x0  }
0x5b: {  	[sflag:s17] =	ssyncadd.s32 $0xFFFFFF00  }
0x5c: {  	_ =	swait.ge [sflag:s17], $0x100  }
0x5d: {  	[sflag:s17] =	ssyncset.done $0x0  }
0x5e: {  	[sflag:s17] =	ssyncadd.s32 $0xFFFFFF00  }
0x5f: {  	_ =	swait.ge [sflag:s17], $0x100  }
0x60: {  	[sflag:s17] =	ssyncset.done $0x0  }
0x61: {  	[sflag:s17] =	ssyncadd.s32 $0xFFFFFF00  }
0x62: {  	_ =	swait.ge [sflag:s17], $0x100  }
0x63: {  	[sflag:s17] =	ssyncset.done $0x0  }
0x64: {  	[sflag:s17] =	ssyncadd.s32 $0xFFFFFF00  }
0x65: {  	_ =	swait.ge [sflag:s17], $0x100  }
0x66: {  	[sflag:s17] =	ssyncset.done $0x0  }
0x67: {  	[sflag:s17] =	ssyncadd.s32 $0xFFFFFF00  }
0x68: {  	[tilespmem:s14], [sflag:$0x2] =	stream.indirect.gather [hbm4b:s6+s8], $0x80, s3, s8, $0xb8;
	[tilespmem:$0x10800] =	vst v63  }
0x69: {  	_ = 	snop  }
0x6a: {  	[tilespmem:s12], [sflag:$0x2] =	stream.indirect.gather [hbm4b:s6+s8], $0x80, s16, s8, $0xb8;
	[tilespmem:$0x10800] =	vst v63  }
0x6b: {  	_ = 	snop  }
0x6c: {  	[tilespmem:s11], [sflag:$0x2] =	stream.indirect.gather [hbm4b:s5+s8], $0x80, s8, s8, $0xb8;
	[tilespmem:$0x10800] =	vst v63  }
0x6d: {  	_ =	swait.ge [sflag:s9], $0x4000  }
0x6e: {  	[sflag:s9] =	ssyncset.done $0x0  }
0x6f: {  	s18 =	rddreg [dreg:$0xe];
	[sflag:s9] =	ssyncadd.s32 $0xFFFFC000  }
0x70: {  	[hbm4b:s18+s3] =	stream.linear.scatter [tilespmem:s14], [sflag:$0x3], $0x4000, $0x38;
	[tilespmem:$0x10800] =	vst v63  }
0x71: {  	_ = 	snop  }
0x72: {  	[tilespmem:s10], [sflag:$0x2] =	stream.indirect.gather [hbm4b:s5+s8], $0x80, s15, s8, $0xb8;
	[tilespmem:$0x10800] =	vst v63  }
0x73: {  	_ =	swait.ge [sflag:s9], $0x4000  }
0x74: {  	[sflag:s9] =	ssyncset.done $0x0  }
0x75: {  	s18 =	rddreg [dreg:$0xf];
	[sflag:s9] =	ssyncadd.s32 $0xFFFFC000  }
0x76: {  	[hbm4b:s18+s3] =	stream.linear.scatter [tilespmem:s12], [sflag:$0x3], $0x4000, $0x38;
	[tilespmem:$0x10800] =	vst v63  }
0x77: {  	_ =	swait.ge [sflag:s7], $0x4000  }
0x78: {  	[sflag:s7] =	ssyncset.done $0x0  }
0x79: {  	[sflag:s7] =	ssyncadd.s32 $0xFFFFC000  }
0x7a: {  	[tilespmem:s14], [sflag:$0x2] =	stream.indirect.gather [hbm4b:s4+s8], $0x80, s13, s8, $0xb8;
	[tilespmem:$0x10800] =	vst v63  }
0x7b: {  	_ =	swait.ge [sflag:s9], $0x4000  }
0x7c: {  	[sflag:s9] =	ssyncset.done $0x0  }
0x7d: {  	s18 =	rddreg [dreg:$0x10];
	[sflag:s9] =	ssyncadd.s32 $0xFFFFC000  }
0x7e: {  	[hbm4b:s18+s3] =	stream.linear.scatter [tilespmem:s11], [sflag:$0x3], $0x4000, $0x38;
	[tilespmem:$0x10800] =	vst v63  }
0x7f: {  	_ =	swait.ge [sflag:s7], $0x4000  }
0x80: {  	[sflag:s7] =	ssyncset.done $0x0  }
0x81: {  	[sflag:s7] =	ssyncadd.s32 $0xFFFFC000  }
0x82: {  	[tilespmem:s12], [sflag:$0x2] =	stream.indirect.gather [hbm4b:s4+s8], $0x80, s1, s8, $0xb8;
	[tilespmem:$0x10800] =	vst v63  }
0x83: {  	_ =	swait.ge [sflag:s9], $0x4000  }
0x84: {  	[sflag:s9] =	ssyncset.done $0x0  }
0x85: {  	s18 =	rddreg [dreg:$0x11];
	[sflag:s9] =	ssyncadd.s32 $0xFFFFC000  }
0x86: {  	[hbm4b:s18+s3] =	stream.linear.scatter [tilespmem:s10], [sflag:$0x3], $0x4000, $0x38;
	[tilespmem:$0x10800] =	vst v63  }
0x87: {  	_ =	swait.ge [sflag:s7], $0x4000  }
0x88: {  	[sflag:s7] =	ssyncset.done $0x0  }
0x89: {  	[sflag:s7] =	ssyncadd.s32 $0xFFFFC000  }
0x8a: {  	[tilespmem:s11], [sflag:$0x2] =	stream.indirect.gather [hbm4b:s2+s8], $0x80, s0, s8, $0xb8;
	[tilespmem:$0x10800] =	vst v63  }
0x8b: {  	_ =	swait.ge [sflag:s9], $0x4000  }
0x8c: {  	[sflag:s9] =	ssyncset.done $0x0  }
0x8d: {  	s18 =	rddreg [dreg:$0x12];
	[sflag:s9] =	ssyncadd.s32 $0xFFFFC000  }
0x8e: {  	[hbm4b:s18+s3] =	stream.linear.scatter [tilespmem:s14], [sflag:$0x3], $0x4000, $0x38;
	[tilespmem:$0x10800] =	vst v63  }
0x8f: {  	_ =	swait.ge [sflag:s7], $0x4000  }
0x90: {  	[sflag:s7] =	ssyncset.done $0x0  }
0x91: {  	[sflag:s7] =	ssyncadd.s32 $0xFFFFC000  }
0x92: {  	[tilespmem:s10], [sflag:$0x2] =	stream.indirect.gather [hbm4b:s2+s8], $0x80, s28, s8, $0xb8;
	[tilespmem:$0x10800] =	vst v63  }
0x93: {  	_ =	swait.ge [sflag:s9], $0x4000  }
0x94: {  	[sflag:s9] =	ssyncset.done $0x0  }
0x95: {  	s18 =	rddreg [dreg:$0x13];
	[sflag:s9] =	ssyncadd.s32 $0xFFFFC000  }
0x96: {  	[hbm4b:s18+s3] =	stream.linear.scatter [tilespmem:s12], [sflag:$0x3], $0x4000, $0x38;
	[tilespmem:$0x10800] =	vst v63  }
0x97: {  	_ =	swait.ge [sflag:s7], $0x4000  }
0x98: {  	[sflag:s7] =	ssyncset.done $0x0  }
0x99: {  	[sflag:s7] =	ssyncadd.s32 $0xFFFFC000  }
0x9a: {  	[tilespmem:s14], [sflag:$0x2] =	stream.indirect.gather [hbm4b:s6+s8], $0x80, s26, s8, $0xb8;
	[tilespmem:$0x10800] =	vst v63  }
0x9b: {  	_ =	swait.ge [sflag:s9], $0x4000  }
0x9c: {  	[sflag:s9] =	ssyncset.done $0x0  }
0x9d: {  	s18 =	rddreg [dreg:$0x14];
	[sflag:s9] =	ssyncadd.s32 $0xFFFFC000  }
0x9e: {  	[hbm4b:s18+s3] =	stream.linear.scatter [tilespmem:s11], [sflag:$0x3], $0x4000, $0x38;
	[tilespmem:$0x10800] =	vst v63  }
0x9f: {  	_ =	swait.ge [sflag:s7], $0x4000  }
0xa0: {  	[sflag:s7] =	ssyncset.done $0x0  }
0xa1: {  	[sflag:s7] =	ssyncadd.s32 $0xFFFFC000  }
0xa2: {  	[tilespmem:s12], [sflag:$0x2] =	stream.indirect.gather [hbm4b:s6+s8], $0x80, s25, s8, $0xb8;
	[tilespmem:$0x10800] =	vst v63  }
0xa3: {  	_ =	swait.ge [sflag:s9], $0x4000  }
0xa4: {  	[sflag:s9] =	ssyncset.done $0x0  }
0xa5: {  	s18 =	rddreg [dreg:$0x15];
	[sflag:s9] =	ssyncadd.s32 $0xFFFFC000  }
0xa6: {  	[hbm4b:s18+s3] =	stream.linear.scatter [tilespmem:s10], [sflag:$0x3], $0x4000, $0x38;
	[tilespmem:$0x10800] =	vst v63  }
0xa7: {  	_ =	swait.ge [sflag:s7], $0x4000  }
0xa8: {  	[sflag:s7] =	ssyncset.done $0x0  }
0xa9: {  	[sflag:s7] =	ssyncadd.s32 $0xFFFFC000  }
0xaa: {  	[tilespmem:s11], [sflag:$0x2] =	stream.indirect.gather [hbm4b:s5+s8], $0x80, s24, s8, $0xb8;
	[tilespmem:$0x10800] =	vst v63  }
0xab: {  	_ =	swait.ge [sflag:s9], $0x4000  }
0xac: {  	[sflag:s9] =	ssyncset.done $0x0  }
0xad: {  	s18 =	rddreg [dreg:$0x16];
	[sflag:s9] =	ssyncadd.s32 $0xFFFFC000  }
0xae: {  	[hbm4b:s18+s3] =	stream.linear.scatter [tilespmem:s14], [sflag:$0x3], $0x4000, $0x38;
	[tilespmem:$0x10800] =	vst v63  }
0xaf: {  	_ =	swait.ge [sflag:s7], $0x4000  }
0xb0: {  	[sflag:s7] =	ssyncset.done $0x0  }
0xb1: {  	[sflag:s7] =	ssyncadd.s32 $0xFFFFC000  }
0xb2: {  	[tilespmem:s10], [sflag:$0x2] =	stream.indirect.gather [hbm4b:s5+s8], $0x80, s23, s8, $0xb8;
	[tilespmem:$0x10800] =	vst v63  }
0xb3: {  	_ =	swait.ge [sflag:s9], $0x4000  }
0xb4: {  	[sflag:s9] =	ssyncset.done $0x0  }
0xb5: {  	s18 =	rddreg [dreg:$0x17];
	[sflag:s9] =	ssyncadd.s32 $0xFFFFC000  }
0xb6: {  	[hbm4b:s18+s3] =	stream.linear.scatter [tilespmem:s12], [sflag:$0x3], $0x4000, $0x38;
	[tilespmem:$0x10800] =	vst v63  }
0xb7: {  	_ =	swait.ge [sflag:s7], $0x4000  }
0xb8: {  	[sflag:s7] =	ssyncset.done $0x0  }
0xb9: {  	[sflag:s7] =	ssyncadd.s32 $0xFFFFC000  }
0xba: {  	[tilespmem:s14], [sflag:$0x2] =	stream.indirect.gather [hbm4b:s4+s8], $0x80, s22, s8, $0xb8;
	[tilespmem:$0x10800] =	vst v63  }
0xbb: {  	_ =	swait.ge [sflag:s9], $0x4000  }
0xbc: {  	[sflag:s9] =	ssyncset.done $0x0  }
0xbd: {  	s18 =	rddreg [dreg:$0x18];
	[sflag:s9] =	ssyncadd.s32 $0xFFFFC000  }
0xbe: {  	[hbm4b:s18+s3] =	stream.linear.scatter [tilespmem:s11], [sflag:$0x3], $0x4000, $0x38;
	[tilespmem:$0x10800] =	vst v63  }
0xbf: {  	_ =	swait.ge [sflag:s7], $0x4000  }
0xc0: {  	[sflag:s7] =	ssyncset.done $0x0  }
0xc1: {  	[sflag:s7] =	ssyncadd.s32 $0xFFFFC000  }
0xc2: {  	[tilespmem:s12], [sflag:$0x2] =	stream.indirect.gather [hbm4b:s4+s8], $0x80, s21, s8, $0xb8;
	[tilespmem:$0x10800] =	vst v63  }
0xc3: {  	_ =	swait.ge [sflag:s9], $0x4000  }
0xc4: {  	[sflag:s9] =	ssyncset.done $0x0  }
0xc5: {  	s18 =	rddreg [dreg:$0x19];
	[sflag:s9] =	ssyncadd.s32 $0xFFFFC000  }
0xc6: {  	[hbm4b:s18+s3] =	stream.linear.scatter [tilespmem:s10], [sflag:$0x3], $0x4000, $0x38;
	[tilespmem:$0x10800] =	vst v63  }
0xc7: {  	_ =	swait.ge [sflag:s7], $0x4000  }
0xc8: {  	[sflag:s7] =	ssyncset.done $0x0  }
0xc9: {  	[sflag:s7] =	ssyncadd.s32 $0xFFFFC000  }
0xca: {  	[tilespmem:s11], [sflag:$0x2] =	stream.indirect.gather [hbm4b:s2+s8], $0x80, s20, s8, $0xb8;
	[tilespmem:$0x10800] =	vst v63  }
0xcb: {  	_ =	swait.ge [sflag:s9], $0x4000  }
0xcc: {  	[sflag:s9] =	ssyncset.done $0x0  }
0xcd: {  	s18 =	rddreg [dreg:$0x1a];
	[sflag:s9] =	ssyncadd.s32 $0xFFFFC000  }
0xce: {  	[hbm4b:s18+s3] =	stream.linear.scatter [tilespmem:s14], [sflag:$0x3], $0x4000, $0x38;
	[tilespmem:$0x10800] =	vst v63  }
0xcf: {  	_ =	swait.ge [sflag:s7], $0x4000  }
0xd0: {  	[sflag:s7] =	ssyncset.done $0x0  }
0xd1: {  	[sflag:s7] =	ssyncadd.s32 $0xFFFFC000  }
0xd2: {  	[tilespmem:s10], [sflag:$0x2] =	stream.indirect.gather [hbm4b:s2+s8], $0x80, s19, s8, $0xb8;
	[tilespmem:$0x10800] =	vst v63  }
0xd3: {  	_ =	swait.ge [sflag:s9], $0x4000  }
0xd4: {  	[sflag:s9] =	ssyncset.done $0x0  }
0xd5: {  	s19 =	rddreg [dreg:$0x1b];
	[sflag:s9] =	ssyncadd.s32 $0xFFFFC000  }
0xd6: {  	[hbm4b:s19+s3] =	stream.linear.scatter [tilespmem:s12], [sflag:$0x3], $0x4000, $0x38;
	[tilespmem:$0x10800] =	vst v63  }
0xd7: {  	_ =	swait.ge [sflag:s9], $0x4000  }
0xd8: {  	[sflag:s9] =	ssyncset.done $0x0  }
0xd9: {  	s19 =	rddreg [dreg:$0x1c];
	[sflag:s9] =	ssyncadd.s32 $0xFFFFC000  }
0xda: {  	[hbm4b:s19+s3] =	stream.linear.scatter [tilespmem:s11], [sflag:$0x3], $0x4000, $0x38;
	[tilespmem:$0x10800] =	vst v63  }
0xdb: {  	_ =	swait.ge [sflag:s9], $0x4000  }
0xdc: {  	[sflag:s9] =	ssyncset.done $0x0  }
0xdd: {  	s19 =	rddreg [dreg:$0x1d];
	[sflag:s9] =	ssyncadd.s32 $0xFFFFC000  }
0xde: {  	[hbm4b:s19+s3] =	stream.linear.scatter [tilespmem:s10], [sflag:$0x3], $0x4000, $0x38;
	[tilespmem:$0x10800] =	vst v63  }
0xdf: {  	_ =	swait.ge [sflag:s7], $0x4000  }
0xe0: {  	[sflag:s7] =	ssyncset.done $0x0  }
0xe1: {  	[sflag:s7] =	ssyncadd.s32 $0xFFFFC000  }
0xe2: {  	_ =	swait.ge [sflag:s7], $0x4000  }
0xe3: {  	[sflag:s7] =	ssyncset.done $0x0  }
0xe4: {  	[sflag:s7] =	ssyncadd.s32 $0xFFFFC000  }
0xe5: {  	_ =	swait.ge [sflag:s7], $0x4000  }
0xe6: {  	s19 =	sld [smem:$0x7F2];
	_ =	sdelay $0x2  }
0xe7: {  	p1 =	sne.s32 s19, $0x1  }
.Ltmp1:
0xe8: {  	_ = 	snop;
	(pc) =	sbr.rel @!p1 .LBB2_2-.Ltmp1, $4  }
0xe9: {  	[sflag:s7] =	ssyncset.done $0x0  }
0xea: {  	[sflag:s7] =	ssyncadd.s32 $0xFFFFC000  }
0xeb: {  	_ =	swait.ge [sflag:s7], $0x4000  }
0xec: {  	p0 =	por $0x1, $0x1;
	s18 =	sadd.s32 $0xFFFFFFFF, s19;
	[sflag:s7] =	ssyncset.done $0x0  }
.LBB2_3:
0xed: {  	[sflag:s7] =	ssyncadd.s32 $0xFFFFC000  }
0xee: {  	[tilespmem:s3], [sflag:$0x1] =	stream.linear.gather [hbm4b:s29+s3], $0x80, $0x38;
	[tilespmem:$0x10800] =	vst v63  }
0xef: {  	s19 =	rddreg [dreg:$0x1e]  }
0xf0: {  	[tilespmem:s16], [sflag:$0x1] =	stream.linear.gather [hbm4b:s19+s3], $0x80, $0x38;
	[tilespmem:$0x10800] =	vst v63  }
0xf1: {  	_ = 	snop  }
0xf2: {  	[tilespmem:s8], [sflag:$0x1] =	stream.linear.gather [hbm4b:s30+s3], $0x80, $0x38;
	[tilespmem:$0x10800] =	vst v63  }
0xf3: {  	s16 =	rddreg [dreg:$0x1f]  }
0xf4: {  	[tilespmem:s15], [sflag:$0x1] =	stream.linear.gather [hbm4b:s16+s3], $0x80, $0x38;
	[tilespmem:$0x10800] =	vst v63  }
0xf5: {  	s10 =	sld [smem:$0x7F3]  }
0xf6: {  	[tilespmem:s13], [sflag:$0x1] =	stream.linear.gather [hbm4b:s31+s3], $0x80, $0x38;
	[tilespmem:$0x10800] =	vst v63  }
0xf7: {  	s16 =	sld [smem:$0x7F4]  }
0xf8: {  	[tilespmem:s1], [sflag:$0x1] =	stream.linear.gather [hbm4b:s10+s3], $0x80, $0x38;
	[tilespmem:$0x10800] =	vst v63  }
0xf9: {  	s15 =	sld [smem:$0x7F5]  }
0xfa: {  	[tilespmem:s0], [sflag:$0x1] =	stream.linear.gather [hbm4b:s16+s3], $0x80, $0x38;
	[tilespmem:$0x10800] =	vst v63  }
0xfb: {  	s13 =	sld [smem:$0x7F6]  }
0xfc: {  	[tilespmem:s28], [sflag:$0x1] =	stream.linear.gather [hbm4b:s15+s3], $0x80, $0x38;
	[tilespmem:$0x10800] =	vst v63  }
0xfd: {  	s10 =	sld [smem:$0x7F7]  }
0xfe: {  	[tilespmem:s26], [sflag:$0x1] =	stream.linear.gather [hbm4b:s13+s3], $0x80, $0x38;
	[tilespmem:$0x10800] =	vst v63  }
0xff: {  	s16 =	sld [smem:$0x7F8]  }
0x100: {  	[tilespmem:s25], [sflag:$0x1] =	stream.linear.gather [hbm4b:s10+s3], $0x80, $0x38;
	[tilespmem:$0x10800] =	vst v63  }
0x101: {  	s15 =	sld [smem:$0x7F9]  }
0x102: {  	[tilespmem:s24], [sflag:$0x1] =	stream.linear.gather [hbm4b:s16+s3], $0x80, $0x38;
	[tilespmem:$0x10800] =	vst v63  }
0x103: {  	s25 =	sld [smem:$0x7FA]  }
0x104: {  	[tilespmem:s23], [sflag:$0x1] =	stream.linear.gather [hbm4b:s15+s3], $0x80, $0x38;
	[tilespmem:$0x10800] =	vst v63  }
0x105: {  	s24 =	sld [smem:$0x7FB]  }
0x106: {  	[tilespmem:s22], [sflag:$0x1] =	stream.linear.gather [hbm4b:s25+s3], $0x80, $0x38;
	[tilespmem:$0x10800] =	vst v63  }
0x107: {  	s26 =	sld [smem:$0x7FC]  }
0x108: {  	[tilespmem:s21], [sflag:$0x1] =	stream.linear.gather [hbm4b:s24+s3], $0x80, $0x38;
	[tilespmem:$0x10800] =	vst v63  }
0x109: {  	s19 =	sld [smem:$0x7FD]  }
0x10a: {  	[tilespmem:s20], [sflag:$0x1] =	stream.linear.gather [hbm4b:s26+s3], $0x80, $0x38;
	[tilespmem:$0x10800] =	vst v63  }
0x10b: {  	s20 =	simm.s32 $0x780  }
0x10c: {  	[tilespmem:s20], [sflag:$0x1] =	stream.linear.gather [hbm4b:s19+s3], $0x80, $0x38;
	[tilespmem:$0x10800] =	vst v63  }
0x10d: {  	_ =	swait.ge [sflag:s17], $0x100  }
0x10e: {  	[sflag:s17] =	ssyncset.done $0x0  }
0x10f: {  	[sflag:s17] =	ssyncadd.s32 $0xFFFFFF00  }
0x110: {  	_ =	swait.ge [sflag:s17], $0x100  }
0x111: {  	[sflag:s17] =	ssyncset.done $0x0  }
0x112: {  	[sflag:s17] =	ssyncadd.s32 $0xFFFFFF00  }
0x113: {  	_ =	swait.ge [sflag:s17], $0x100  }
0x114: {  	[sflag:s17] =	ssyncset.done $0x0  }
0x115: {  	[sflag:s17] =	ssyncadd.s32 $0xFFFFFF00  }
0x116: {  	_ =	swait.ge [sflag:s17], $0x100  }
0x117: {  	[sflag:s17] =	ssyncset.done $0x0  }
0x118: {  	[sflag:s17] =	ssyncadd.s32 $0xFFFFFF00  }
0x119: {  	_ =	swait.ge [sflag:s17], $0x100  }
0x11a: {  	[sflag:s17] =	ssyncset.done $0x0  }
0x11b: {  	[sflag:s17] =	ssyncadd.s32 $0xFFFFFF00  }
0x11c: {  	_ =	swait.ge [sflag:s17], $0x100  }
0x11d: {  	[sflag:s17] =	ssyncset.done $0x0  }
0x11e: {  	[sflag:s17] =	ssyncadd.s32 $0xFFFFFF00  }
0x11f: {  	_ =	swait.ge [sflag:s17], $0x100  }
0x120: {  	[sflag:s17] =	ssyncset.done $0x0  }
0x121: {  	[sflag:s17] =	ssyncadd.s32 $0xFFFFFF00  }
0x122: {  	_ =	swait.ge [sflag:s17], $0x100  }
0x123: {  	[sflag:s17] =	ssyncset.done $0x0  }
0x124: {  	[sflag:s17] =	ssyncadd.s32 $0xFFFFFF00  }
0x125: {  	[tilespmem:s14], [sflag:$0x2] =	stream.indirect.gather [hbm4b:s6+s8], $0x80, s3, s8, $0xb8;
	[tilespmem:$0x10800] =	vst v63  }
0x126: {  	s10 =	simm.s32 $0x400  }
0x127: {  	[tilespmem:s12], [sflag:$0x2] =	stream.indirect.gather [hbm4b:s6+s8], $0x80, s10, s8, $0xb8;
	[tilespmem:$0x10800] =	vst v63  }
0x128: {  	_ = 	snop  }
0x129: {  	[tilespmem:s11], [sflag:$0x2] =	stream.indirect.gather [hbm4b:s5+s8], $0x80, s8, s8, $0xb8;
	[tilespmem:$0x10800] =	vst v63  }
0x12a: {  	_ =	swait.ge [sflag:s9], $0x4000  }
0x12b: {  	[sflag:s9] =	ssyncset.done $0x0  }
0x12c: {  	s19 =	rddreg [dreg:$0xe];
	[sflag:s9] =	ssyncadd.s32 $0xFFFFC000  }
0x12d: {  	[hbm4b:s19+s3] =	stream.linear.scatter [tilespmem:s14], [sflag:$0x3], $0x4000, $0x38;
	[tilespmem:$0x10800] =	vst v63  }
0x12e: {  	s16 =	simm.s32 $0x480;
	s10 =	simm.s32 $0xC800  }
0x12f: {  	[tilespmem:s10], [sflag:$0x2] =	stream.indirect.gather [hbm4b:s5+s8], $0x80, s16, s8, $0xb8;
	[tilespmem:$0x10800] =	vst v63  }
0x130: {  	_ =	swait.ge [sflag:s9], $0x4000  }
0x131: {  	[sflag:s9] =	ssyncset.done $0x0  }
0x132: {  	s19 =	rddreg [dreg:$0xf];
	[sflag:s9] =	ssyncadd.s32 $0xFFFFC000  }
0x133: {  	[hbm4b:s19+s3] =	stream.linear.scatter [tilespmem:s12], [sflag:$0x3], $0x4000, $0x38;
	[tilespmem:$0x10800] =	vst v63  }
0x134: {  	_ =	swait.ge [sflag:s7], $0x4000  }
0x135: {  	[sflag:s7] =	ssyncset.done $0x0  }
0x136: {  	s15 =	simm.s32 $0x100;
	[sflag:s7] =	ssyncadd.s32 $0xFFFFC000  }
0x137: {  	[tilespmem:s14], [sflag:$0x2] =	stream.indirect.gather [hbm4b:s4+s8], $0x80, s15, s8, $0xb8;
	[tilespmem:$0x10800] =	vst v63  }
0x138: {  	_ =	swait.ge [sflag:s9], $0x4000  }
0x139: {  	[sflag:s9] =	ssyncset.done $0x0  }
0x13a: {  	s19 =	rddreg [dreg:$0x10];
	[sflag:s9] =	ssyncadd.s32 $0xFFFFC000  }
0x13b: {  	[hbm4b:s19+s3] =	stream.linear.scatter [tilespmem:s11], [sflag:$0x3], $0x4000, $0x38;
	[tilespmem:$0x10800] =	vst v63  }
0x13c: {  	_ =	swait.ge [sflag:s7], $0x4000  }
0x13d: {  	[sflag:s7] =	ssyncset.done $0x0  }
0x13e: {  	s13 =	simm.s32 $0x500;
	[sflag:s7] =	ssyncadd.s32 $0xFFFFC000  }
0x13f: {  	[tilespmem:s12], [sflag:$0x2] =	stream.indirect.gather [hbm4b:s4+s8], $0x80, s13, s8, $0xb8;
	[tilespmem:$0x10800] =	vst v63  }
0x140: {  	_ =	swait.ge [sflag:s9], $0x4000  }
0x141: {  	[sflag:s9] =	ssyncset.done $0x0  }
0x142: {  	s19 =	rddreg [dreg:$0x11];
	[sflag:s9] =	ssyncadd.s32 $0xFFFFC000  }
0x143: {  	[hbm4b:s19+s3] =	stream.linear.scatter [tilespmem:s10], [sflag:$0x3], $0x4000, $0x38;
	[tilespmem:$0x10800] =	vst v63  }
0x144: {  	_ =	swait.ge [sflag:s7], $0x4000  }
0x145: {  	[sflag:s7] =	ssyncset.done $0x0  }
0x146: {  	s1 =	simm.s32 $0x180;
	[sflag:s7] =	ssyncadd.s32 $0xFFFFC000  }
0x147: {  	[tilespmem:s11], [sflag:$0x2] =	stream.indirect.gather [hbm4b:s2+s8], $0x80, s1, s8, $0xb8;
	[tilespmem:$0x10800] =	vst v63  }
0x148: {  	_ =	swait.ge [sflag:s9], $0x4000  }
0x149: {  	[sflag:s9] =	ssyncset.done $0x0  }
0x14a: {  	s19 =	rddreg [dreg:$0x12];
	[sflag:s9] =	ssyncadd.s32 $0xFFFFC000  }
0x14b: {  	[hbm4b:s19+s3] =	stream.linear.scatter [tilespmem:s14], [sflag:$0x3], $0x4000, $0x38;
	[tilespmem:$0x10800] =	vst v63  }
0x14c: {  	_ =	swait.ge [sflag:s7], $0x4000  }
0x14d: {  	[sflag:s7] =	ssyncset.done $0x0  }
0x14e: {  	s0 =	simm.s32 $0x580;
	[sflag:s7] =	ssyncadd.s32 $0xFFFFC000  }
0x14f: {  	[tilespmem:s10], [sflag:$0x2] =	stream.indirect.gather [hbm4b:s2+s8], $0x80, s0, s8, $0xb8;
	[tilespmem:$0x10800] =	vst v63  }
0x150: {  	_ =	swait.ge [sflag:s9], $0x4000  }
0x151: {  	[sflag:s9] =	ssyncset.done $0x0  }
0x152: {  	s19 =	rddreg [dreg:$0x13];
	[sflag:s9] =	ssyncadd.s32 $0xFFFFC000  }
0x153: {  	[hbm4b:s19+s3] =	stream.linear.scatter [tilespmem:s12], [sflag:$0x3], $0x4000, $0x38;
	[tilespmem:$0x10800] =	vst v63  }
0x154: {  	_ =	swait.ge [sflag:s7], $0x4000  }
0x155: {  	[sflag:s7] =	ssyncset.done $0x0  }
0x156: {  	s28 =	simm.s32 $0x200;
	[sflag:s7] =	ssyncadd.s32 $0xFFFFC000  }
0x157: {  	[tilespmem:s14], [sflag:$0x2] =	stream.indirect.gather [hbm4b:s6+s8], $0x80, s28, s8, $0xb8;
	[tilespmem:$0x10800] =	vst v63  }
0x158: {  	_ =	swait.ge [sflag:s9], $0x4000  }
0x159: {  	[sflag:s9] =	ssyncset.done $0x0  }
0x15a: {  	s19 =	rddreg [dreg:$0x14];
	[sflag:s9] =	ssyncadd.s32 $0xFFFFC000  }
0x15b: {  	[hbm4b:s19+s3] =	stream.linear.scatter [tilespmem:s11], [sflag:$0x3], $0x4000, $0x38;
	[tilespmem:$0x10800] =	vst v63  }
0x15c: {  	_ =	swait.ge [sflag:s7], $0x4000  }
0x15d: {  	[sflag:s7] =	ssyncset.done $0x0  }
0x15e: {  	s26 =	simm.s32 $0x600;
	[sflag:s7] =	ssyncadd.s32 $0xFFFFC000  }
0x15f: {  	[tilespmem:s12], [sflag:$0x2] =	stream.indirect.gather [hbm4b:s6+s8], $0x80, s26, s8, $0xb8;
	[tilespmem:$0x10800] =	vst v63  }
0x160: {  	_ =	swait.ge [sflag:s9], $0x4000  }
0x161: {  	[sflag:s9] =	ssyncset.done $0x0  }
0x162: {  	s19 =	rddreg [dreg:$0x15];
	[sflag:s9] =	ssyncadd.s32 $0xFFFFC000  }
0x163: {  	[hbm4b:s19+s3] =	stream.linear.scatter [tilespmem:s10], [sflag:$0x3], $0x4000, $0x38;
	[tilespmem:$0x10800] =	vst v63  }
0x164: {  	_ =	swait.ge [sflag:s7], $0x4000  }
0x165: {  	[sflag:s7] =	ssyncset.done $0x0  }
0x166: {  	s25 =	simm.s32 $0x280;
	[sflag:s7] =	ssyncadd.s32 $0xFFFFC000  }
0x167: {  	[tilespmem:s11], [sflag:$0x2] =	stream.indirect.gather [hbm4b:s5+s8], $0x80, s25, s8, $0xb8;
	[tilespmem:$0x10800] =	vst v63  }
0x168: {  	_ =	swait.ge [sflag:s9], $0x4000  }
0x169: {  	[sflag:s9] =	ssyncset.done $0x0  }
0x16a: {  	s19 =	rddreg [dreg:$0x16];
	[sflag:s9] =	ssyncadd.s32 $0xFFFFC000  }
0x16b: {  	[hbm4b:s19+s3] =	stream.linear.scatter [tilespmem:s14], [sflag:$0x3], $0x4000, $0x38;
	[tilespmem:$0x10800] =	vst v63  }
0x16c: {  	_ =	swait.ge [sflag:s7], $0x4000  }
0x16d: {  	[sflag:s7] =	ssyncset.done $0x0  }
0x16e: {  	s24 =	simm.s32 $0x680;
	[sflag:s7] =	ssyncadd.s32 $0xFFFFC000  }
0x16f: {  	[tilespmem:s10], [sflag:$0x2] =	stream.indirect.gather [hbm4b:s5+s8], $0x80, s24, s8, $0xb8;
	[tilespmem:$0x10800] =	vst v63  }
0x170: {  	_ =	swait.ge [sflag:s9], $0x4000  }
0x171: {  	[sflag:s9] =	ssyncset.done $0x0  }
0x172: {  	s19 =	rddreg [dreg:$0x17];
	[sflag:s9] =	ssyncadd.s32 $0xFFFFC000  }
0x173: {  	[hbm4b:s19+s3] =	stream.linear.scatter [tilespmem:s12], [sflag:$0x3], $0x4000, $0x38;
	[tilespmem:$0x10800] =	vst v63  }
0x174: {  	_ =	swait.ge [sflag:s7], $0x4000  }
0x175: {  	[sflag:s7] =	ssyncset.done $0x0  }
0x176: {  	s23 =	simm.s32 $0x300;
	[sflag:s7] =	ssyncadd.s32 $0xFFFFC000  }
0x177: {  	[tilespmem:s14], [sflag:$0x2] =	stream.indirect.gather [hbm4b:s4+s8], $0x80, s23, s8, $0xb8;
	[tilespmem:$0x10800] =	vst v63  }
0x178: {  	_ =	swait.ge [sflag:s9], $0x4000  }
0x179: {  	[sflag:s9] =	ssyncset.done $0x0  }
0x17a: {  	s19 =	rddreg [dreg:$0x18];
	[sflag:s9] =	ssyncadd.s32 $0xFFFFC000  }
0x17b: {  	[hbm4b:s19+s3] =	stream.linear.scatter [tilespmem:s11], [sflag:$0x3], $0x4000, $0x38;
	[tilespmem:$0x10800] =	vst v63  }
0x17c: {  	_ =	swait.ge [sflag:s7], $0x4000  }
0x17d: {  	[sflag:s7] =	ssyncset.done $0x0  }
0x17e: {  	s22 =	simm.s32 $0x700;
	[sflag:s7] =	ssyncadd.s32 $0xFFFFC000  }
0x17f: {  	[tilespmem:s12], [sflag:$0x2] =	stream.indirect.gather [hbm4b:s4+s8], $0x80, s22, s8, $0xb8;
	[tilespmem:$0x10800] =	vst v63  }
0x180: {  	_ =	swait.ge [sflag:s9], $0x4000  }
0x181: {  	[sflag:s9] =	ssyncset.done $0x0  }
0x182: {  	s19 =	rddreg [dreg:$0x19];
	[sflag:s9] =	ssyncadd.s32 $0xFFFFC000  }
0x183: {  	[hbm4b:s19+s3] =	stream.linear.scatter [tilespmem:s10], [sflag:$0x3], $0x4000, $0x38;
	[tilespmem:$0x10800] =	vst v63  }
0x184: {  	_ =	swait.ge [sflag:s7], $0x4000  }
0x185: {  	[sflag:s7] =	ssyncset.done $0x0  }
0x186: {  	s21 =	simm.s32 $0x380;
	[sflag:s7] =	ssyncadd.s32 $0xFFFFC000  }
0x187: {  	[tilespmem:s11], [sflag:$0x2] =	stream.indirect.gather [hbm4b:s2+s8], $0x80, s21, s8, $0xb8;
	[tilespmem:$0x10800] =	vst v63  }
0x188: {  	_ =	swait.ge [sflag:s9], $0x4000  }
0x189: {  	[sflag:s9] =	ssyncset.done $0x0  }
0x18a: {  	s19 =	rddreg [dreg:$0x1a];
	[sflag:s9] =	ssyncadd.s32 $0xFFFFC000  }
0x18b: {  	[hbm4b:s19+s3] =	stream.linear.scatter [tilespmem:s14], [sflag:$0x3], $0x4000, $0x38;
	[tilespmem:$0x10800] =	vst v63  }
0x18c: {  	_ =	swait.ge [sflag:s7], $0x4000  }
0x18d: {  	[sflag:s7] =	ssyncset.done $0x0  }
0x18e: {  	[sflag:s7] =	ssyncadd.s32 $0xFFFFC000  }
0x18f: {  	[tilespmem:s10], [sflag:$0x2] =	stream.indirect.gather [hbm4b:s2+s8], $0x80, s20, s8, $0xb8;
	[tilespmem:$0x10800] =	vst v63  }
0x190: {  	_ =	swait.ge [sflag:s9], $0x4000  }
0x191: {  	[sflag:s9] =	ssyncset.done $0x0  }
0x192: {  	s19 =	rddreg [dreg:$0x1b];
	[sflag:s9] =	ssyncadd.s32 $0xFFFFC000  }
0x193: {  	[hbm4b:s19+s3] =	stream.linear.scatter [tilespmem:s12], [sflag:$0x3], $0x4000, $0x38;
	[tilespmem:$0x10800] =	vst v63  }
0x194: {  	_ =	swait.ge [sflag:s9], $0x4000  }
0x195: {  	[sflag:s9] =	ssyncset.done $0x0  }
0x196: {  	s19 =	rddreg [dreg:$0x1c];
	[sflag:s9] =	ssyncadd.s32 $0xFFFFC000  }
0x197: {  	[hbm4b:s19+s3] =	stream.linear.scatter [tilespmem:s11], [sflag:$0x3], $0x4000, $0x38;
	[tilespmem:$0x10800] =	vst v63  }
0x198: {  	_ =	swait.ge [sflag:s9], $0x4000  }
0x199: {  	[sflag:s9] =	ssyncset.done $0x0  }
0x19a: {  	s19 =	rddreg [dreg:$0x1d];
	[sflag:s9] =	ssyncadd.s32 $0xFFFFC000  }
0x19b: {  	[hbm4b:s19+s3] =	stream.linear.scatter [tilespmem:s10], [sflag:$0x3], $0x4000, $0x38;
	[tilespmem:$0x10800] =	vst v63  }
0x19c: {  	_ =	swait.ge [sflag:s7], $0x4000  }
0x19d: {  	[sflag:s7] =	ssyncset.done $0x0  }
0x19e: {  	[sflag:s7] =	ssyncadd.s32 $0xFFFFC000  }
0x19f: {  	p1 =	sne.s32 s18, $0x1;
	s18 =	sadd.s32 $0xFFFFFFFF, s18;
	_ =	swait.ge [sflag:s7], $0x4000  }
0x1a0: {  	s16 =	simm.s32 $0x400;
	s15 =	simm.s32 $0x480;
	[sflag:s7] =	ssyncset.done $0x0  }
0x1a1: {  	s13 =	simm.s32 $0x100;
	s1 =	simm.s32 $0x500;
	[sflag:s7] =	ssyncadd.s32 $0xFFFFC000  }
.Ltmp2:
0x1a2: {  	s0 =	simm.s32 $0x180;
	_ =	swait.ge [sflag:s7], $0x4000;
	(pc) =	sbr.rel @p1 .LBB2_3-.Ltmp2, $4  }
0x1a3: {  	s28 =	simm.s32 $0x580;
	s26 =	simm.s32 $0x200;
	[sflag:s7] =	ssyncset.done $0x0  }
0x1a4: {  	s25 =	simm.s32 $0x600;
	s24 =	simm.s32 $0x280;
	[sflag:s7] =	ssyncadd.s32 $0xFFFFC000  }
0x1a5: {  	s23 =	simm.s32 $0x680;
	s22 =	simm.s32 $0x300;
	_ =	swait.ge [sflag:s7], $0x4000  }
0x1a6: {  	s21 =	simm.s32 $0x700;
	s20 =	simm.s32 $0x380;
	[sflag:s7] =	ssyncset.done $0x0  }
0x1a7: {  	s19 =	stileid.u32  }
.LBB2_5:
0x1a8: {  	[sflag:s7] =	ssyncadd.s32 @p0 $0xFFFFC000  }
0x1a9: {  	[tilespmem:s3], [sflag:$0x1] =	stream.linear.gather [hbm4b:s29+s3], $0x80, $0x38;
	[tilespmem:$0x10800] =	vst v63  }
0x1aa: {  	s18 =	rddreg [dreg:$0x1e]  }
0x1ab: {  	[tilespmem:s16], [sflag:$0x1] =	stream.linear.gather [hbm4b:s18+s3], $0x80, $0x38;
	[tilespmem:$0x10800] =	vst v63  }
0x1ac: {  	_ = 	snop  }
0x1ad: {  	[tilespmem:s8], [sflag:$0x1] =	stream.linear.gather [hbm4b:s30+s3], $0x80, $0x38;
	[tilespmem:$0x10800] =	vst v63  }
0x1ae: {  	s29 =	rddreg [dreg:$0x1f]  }
0x1af: {  	[tilespmem:s15], [sflag:$0x1] =	stream.linear.gather [hbm4b:s29+s3], $0x80, $0x38;
	[tilespmem:$0x10800] =	vst v63  }
0x1b0: {  	s16 =	sld [smem:$0x7F3]  }
0x1b1: {  	[tilespmem:s13], [sflag:$0x1] =	stream.linear.gather [hbm4b:s31+s3], $0x80, $0x38;
	[tilespmem:$0x10800] =	vst v63  }
0x1b2: {  	s30 =	sld [smem:$0x7F4]  }
0x1b3: {  	[tilespmem:s1], [sflag:$0x1] =	stream.linear.gather [hbm4b:s16+s3], $0x80, $0x38;
	[tilespmem:$0x10800] =	vst v63  }
0x1b4: {  	s29 =	sld [smem:$0x7F5]  }
0x1b5: {  	[tilespmem:s0], [sflag:$0x1] =	stream.linear.gather [hbm4b:s30+s3], $0x80, $0x38;
	[tilespmem:$0x10800] =	vst v63  }
0x1b6: {  	s18 =	sld [smem:$0x7F6]  }
0x1b7: {  	[tilespmem:s28], [sflag:$0x1] =	stream.linear.gather [hbm4b:s29+s3], $0x80, $0x38;
	[tilespmem:$0x10800] =	vst v63  }
0x1b8: {  	s31 =	sld [smem:$0x7F7]  }
0x1b9: {  	[tilespmem:s26], [sflag:$0x1] =	stream.linear.gather [hbm4b:s18+s3], $0x80, $0x38;
	[tilespmem:$0x10800] =	vst v63  }
0x1ba: {  	_ = 	snop  }
0x1bb: {  	[tilespmem:s25], [sflag:$0x1] =	stream.linear.gather [hbm4b:s31+s3], $0x80, $0x38;
	[tilespmem:$0x10800] =	vst v63  }
0x1bc: {  	s31 =	sld [smem:$0x7F8];
	_ =	sdelay $0x1  }
0x1bd: {  	s30 =	sld [smem:$0x7F9]  }
0x1be: {  	[tilespmem:s24], [sflag:$0x1] =	stream.linear.gather [hbm4b:s31+s3], $0x80, $0x38;
	[tilespmem:$0x10800] =	vst v63  }
0x1bf: {  	s31 =	sld [smem:$0x7FA]  }
0x1c0: {  	[tilespmem:s23], [sflag:$0x1] =	stream.linear.gather [hbm4b:s30+s3], $0x80, $0x38;
	[tilespmem:$0x10800] =	vst v63  }
0x1c1: {  	s30 =	sld [smem:$0x7FB]  }
0x1c2: {  	[tilespmem:s22], [sflag:$0x1] =	stream.linear.gather [hbm4b:s31+s3], $0x80, $0x38;
	[tilespmem:$0x10800] =	vst v63  }
0x1c3: {  	s31 =	sld [smem:$0x7FC]  }
0x1c4: {  	[tilespmem:s21], [sflag:$0x1] =	stream.linear.gather [hbm4b:s30+s3], $0x80, $0x38;
	[tilespmem:$0x10800] =	vst v63  }
0x1c5: {  	s30 =	sld [smem:$0x7FD]  }
0x1c6: {  	[tilespmem:s20], [sflag:$0x1] =	stream.linear.gather [hbm4b:s31+s3], $0x80, $0x38;
	[tilespmem:$0x10800] =	vst v63  }
0x1c7: {  	s1 =	simm.s32 $0x780  }
0x1c8: {  	[tilespmem:s1], [sflag:$0x1] =	stream.linear.gather [hbm4b:s30+s3], $0x80, $0x38;
	[tilespmem:$0x10800] =	vst v63  }
0x1c9: {  	_ =	swait.ge [sflag:s17], $0x100  }
0x1ca: {  	[sflag:s17] =	ssyncset.done $0x0  }
0x1cb: {  	[sflag:s17] =	ssyncadd.s32 $0xFFFFFF00  }
0x1cc: {  	_ =	swait.ge [sflag:s17], $0x100  }
0x1cd: {  	[sflag:s17] =	ssyncset.done $0x0  }
0x1ce: {  	[sflag:s17] =	ssyncadd.s32 $0xFFFFFF00  }
0x1cf: {  	_ =	swait.ge [sflag:s17], $0x100  }
0x1d0: {  	[sflag:s17] =	ssyncset.done $0x0  }
0x1d1: {  	[sflag:s17] =	ssyncadd.s32 $0xFFFFFF00  }
0x1d2: {  	_ =	swait.ge [sflag:s17], $0x100  }
0x1d3: {  	[sflag:s17] =	ssyncset.done $0x0  }
0x1d4: {  	[sflag:s17] =	ssyncadd.s32 $0xFFFFFF00  }
0x1d5: {  	_ =	swait.ge [sflag:s17], $0x100  }
0x1d6: {  	[sflag:s17] =	ssyncset.done $0x0  }
0x1d7: {  	[sflag:s17] =	ssyncadd.s32 $0xFFFFFF00  }
0x1d8: {  	_ =	swait.ge [sflag:s17], $0x100  }
0x1d9: {  	[sflag:s17] =	ssyncset.done $0x0  }
0x1da: {  	[sflag:s17] =	ssyncadd.s32 $0xFFFFFF00  }
0x1db: {  	_ =	swait.ge [sflag:s17], $0x100  }
0x1dc: {  	[sflag:s17] =	ssyncset.done $0x0  }
0x1dd: {  	[sflag:s17] =	ssyncadd.s32 $0xFFFFFF00  }
0x1de: {  	_ =	swait.ge [sflag:s17], $0x100  }
0x1df: {  	[sflag:s17] =	ssyncset.done $0x0  }
0x1e0: {  	[sflag:s17] =	ssyncadd.s32 $0xFFFFFF00  }
0x1e1: {  	[tilespmem:s14], [sflag:$0x2] =	stream.indirect.gather [hbm4b:s6+s8], $0x80, s3, s8, $0xb8;
	[tilespmem:$0x10800] =	vst v63  }
0x1e2: {  	s29 =	simm.s32 $0x400  }
0x1e3: {  	[tilespmem:s12], [sflag:$0x2] =	stream.indirect.gather [hbm4b:s6+s8], $0x80, s29, s8, $0xb8;
	[tilespmem:$0x10800] =	vst v63  }
0x1e4: {  	_ = 	snop  }
0x1e5: {  	[tilespmem:s11], [sflag:$0x2] =	stream.indirect.gather [hbm4b:s5+s8], $0x80, s8, s8, $0xb8;
	[tilespmem:$0x10800] =	vst v63  }
0x1e6: {  	_ =	swait.ge [sflag:s9], $0x4000  }
0x1e7: {  	[sflag:s9] =	ssyncset.done $0x0  }
0x1e8: {  	s17 =	rddreg [dreg:$0xe];
	[sflag:s9] =	ssyncadd.s32 $0xFFFFC000  }
0x1e9: {  	[hbm4b:s17+s3] =	stream.linear.scatter [tilespmem:s14], [sflag:$0x3], $0x4000, $0x38;
	[tilespmem:$0x10800] =	vst v63  }
0x1ea: {  	s16 =	simm.s32 $0x480  }
0x1eb: {  	[tilespmem:s10], [sflag:$0x2] =	stream.indirect.gather [hbm4b:s5+s8], $0x80, s16, s8, $0xb8;
	[tilespmem:$0x10800] =	vst v63  }
0x1ec: {  	_ =	swait.ge [sflag:s9], $0x4000  }
0x1ed: {  	[sflag:s9] =	ssyncset.done $0x0  }
0x1ee: {  	s29 =	rddreg [dreg:$0xf];
	[sflag:s9] =	ssyncadd.s32 $0xFFFFC000  }
0x1ef: {  	[hbm4b:s29+s3] =	stream.linear.scatter [tilespmem:s12], [sflag:$0x3], $0x4000, $0x38;
	[tilespmem:$0x10800] =	vst v63  }
0x1f0: {  	_ =	swait.ge [sflag:s7], $0x4000  }
0x1f1: {  	[sflag:s7] =	ssyncset.done $0x0  }
0x1f2: {  	s15 =	simm.s32 $0x100;
	[sflag:s7] =	ssyncadd.s32 $0xFFFFC000  }
0x1f3: {  	[tilespmem:s14], [sflag:$0x2] =	stream.indirect.gather [hbm4b:s4+s8], $0x80, s15, s8, $0xb8;
	[tilespmem:$0x10800] =	vst v63  }
0x1f4: {  	_ =	swait.ge [sflag:s9], $0x4000  }
0x1f5: {  	[sflag:s9] =	ssyncset.done $0x0  }
0x1f6: {  	s30 =	rddreg [dreg:$0x10];
	[sflag:s9] =	ssyncadd.s32 $0xFFFFC000  }
0x1f7: {  	[hbm4b:s30+s3] =	stream.linear.scatter [tilespmem:s11], [sflag:$0x3], $0x4000, $0x38;
	[tilespmem:$0x10800] =	vst v63  }
0x1f8: {  	_ =	swait.ge [sflag:s7], $0x4000  }
0x1f9: {  	[sflag:s7] =	ssyncset.done $0x0  }
0x1fa: {  	s13 =	simm.s32 $0x500;
	[sflag:s7] =	ssyncadd.s32 $0xFFFFC000  }
0x1fb: {  	[tilespmem:s12], [sflag:$0x2] =	stream.indirect.gather [hbm4b:s4+s8], $0x80, s13, s8, $0xb8;
	[tilespmem:$0x10800] =	vst v63  }
0x1fc: {  	_ =	swait.ge [sflag:s9], $0x4000  }
0x1fd: {  	[sflag:s9] =	ssyncset.done $0x0  }
0x1fe: {  	s31 =	rddreg [dreg:$0x11];
	[sflag:s9] =	ssyncadd.s32 $0xFFFFC000  }
0x1ff: {  	[hbm4b:s31+s3] =	stream.linear.scatter [tilespmem:s10], [sflag:$0x3], $0x4000, $0x38;
	[tilespmem:$0x10800] =	vst v63  }
0x200: {  	_ =	swait.ge [sflag:s7], $0x4000  }
0x201: {  	[sflag:s7] =	ssyncset.done $0x0  }
0x202: {  	s18 =	simm.s32 $0x180;
	[sflag:s7] =	ssyncadd.s32 $0xFFFFC000  }
0x203: {  	[tilespmem:s11], [sflag:$0x2] =	stream.indirect.gather [hbm4b:s2+s8], $0x80, s18, s8, $0xb8;
	[tilespmem:$0x10800] =	vst v63  }
0x204: {  	_ =	swait.ge [sflag:s9], $0x4000  }
0x205: {  	[sflag:s9] =	ssyncset.done $0x0  }
0x206: {  	s13 =	rddreg [dreg:$0x12];
	[sflag:s9] =	ssyncadd.s32 $0xFFFFC000  }
0x207: {  	[hbm4b:s13+s3] =	stream.linear.scatter [tilespmem:s14], [sflag:$0x3], $0x4000, $0x38;
	[tilespmem:$0x10800] =	vst v63  }
0x208: {  	_ =	swait.ge [sflag:s7], $0x4000  }
0x209: {  	[sflag:s7] =	ssyncset.done $0x0  }
0x20a: {  	[sflag:s7] =	ssyncadd.s32 $0xFFFFC000  }
0x20b: {  	[tilespmem:s10], [sflag:$0x2] =	stream.indirect.gather [hbm4b:s2+s8], $0x80, s28, s8, $0xb8;
	[tilespmem:$0x10800] =	vst v63  }
0x20c: {  	_ =	swait.ge [sflag:s9], $0x4000  }
0x20d: {  	[sflag:s9] =	ssyncset.done $0x0  }
0x20e: {  	s15 =	rddreg [dreg:$0x13];
	[sflag:s9] =	ssyncadd.s32 $0xFFFFC000  }
0x20f: {  	[hbm4b:s15+s3] =	stream.linear.scatter [tilespmem:s12], [sflag:$0x3], $0x4000, $0x38;
	[tilespmem:$0x10800] =	vst v63  }
0x210: {  	_ =	swait.ge [sflag:s7], $0x4000  }
0x211: {  	[sflag:s7] =	ssyncset.done $0x0  }
0x212: {  	[sflag:s7] =	ssyncadd.s32 $0xFFFFC000  }
0x213: {  	[tilespmem:s14], [sflag:$0x2] =	stream.indirect.gather [hbm4b:s6+s8], $0x80, s26, s8, $0xb8;
	[tilespmem:$0x10800] =	vst v63  }
0x214: {  	_ =	swait.ge [sflag:s9], $0x4000  }
0x215: {  	[sflag:s9] =	ssyncset.done $0x0  }
0x216: {  	s16 =	rddreg [dreg:$0x14];
	[sflag:s9] =	ssyncadd.s32 $0xFFFFC000  }
0x217: {  	[hbm4b:s16+s3] =	stream.linear.scatter [tilespmem:s11], [sflag:$0x3], $0x4000, $0x38;
	[tilespmem:$0x10800] =	vst v63  }
0x218: {  	_ =	swait.ge [sflag:s7], $0x4000  }
0x219: {  	[sflag:s7] =	ssyncset.done $0x0  }
0x21a: {  	[sflag:s7] =	ssyncadd.s32 $0xFFFFC000  }
0x21b: {  	[tilespmem:s12], [sflag:$0x2] =	stream.indirect.gather [hbm4b:s6+s8], $0x80, s25, s8, $0xb8;
	[tilespmem:$0x10800] =	vst v63  }
0x21c: {  	_ =	swait.ge [sflag:s9], $0x4000  }
0x21d: {  	[sflag:s9] =	ssyncset.done $0x0  }
0x21e: {  	s17 =	rddreg [dreg:$0x15];
	[sflag:s9] =	ssyncadd.s32 $0xFFFFC000  }
0x21f: {  	[hbm4b:s17+s3] =	stream.linear.scatter [tilespmem:s10], [sflag:$0x3], $0x4000, $0x38;
	[tilespmem:$0x10800] =	vst v63  }
0x220: {  	_ =	swait.ge [sflag:s7], $0x4000  }
0x221: {  	[sflag:s7] =	ssyncset.done $0x0  }
0x222: {  	[sflag:s7] =	ssyncadd.s32 $0xFFFFC000  }
0x223: {  	[tilespmem:s11], [sflag:$0x2] =	stream.indirect.gather [hbm4b:s5+s8], $0x80, s24, s8, $0xb8;
	[tilespmem:$0x10800] =	vst v63  }
0x224: {  	_ =	swait.ge [sflag:s9], $0x4000  }
0x225: {  	[sflag:s9] =	ssyncset.done $0x0  }
0x226: {  	s18 =	rddreg [dreg:$0x16];
	[sflag:s9] =	ssyncadd.s32 $0xFFFFC000  }
0x227: {  	[hbm4b:s18+s3] =	stream.linear.scatter [tilespmem:s14], [sflag:$0x3], $0x4000, $0x38;
	[tilespmem:$0x10800] =	vst v63  }
0x228: {  	_ =	swait.ge [sflag:s7], $0x4000  }
0x229: {  	[sflag:s7] =	ssyncset.done $0x0  }
0x22a: {  	[sflag:s7] =	ssyncadd.s32 $0xFFFFC000  }
0x22b: {  	[tilespmem:s10], [sflag:$0x2] =	stream.indirect.gather [hbm4b:s5+s8], $0x80, s23, s8, $0xb8;
	[tilespmem:$0x10800] =	vst v63  }
0x22c: {  	_ =	swait.ge [sflag:s9], $0x4000  }
0x22d: {  	[sflag:s9] =	ssyncset.done $0x0  }
0x22e: {  	s24 =	rddreg [dreg:$0x17];
	[sflag:s9] =	ssyncadd.s32 $0xFFFFC000  }
0x22f: {  	[hbm4b:s24+s3] =	stream.linear.scatter [tilespmem:s12], [sflag:$0x3], $0x4000, $0x38;
	[tilespmem:$0x10800] =	vst v63  }
0x230: {  	_ =	swait.ge [sflag:s7], $0x4000  }
0x231: {  	[sflag:s7] =	ssyncset.done $0x0  }
0x232: {  	[sflag:s7] =	ssyncadd.s32 $0xFFFFC000  }
0x233: {  	[tilespmem:s14], [sflag:$0x2] =	stream.indirect.gather [hbm4b:s4+s8], $0x80, s22, s8, $0xb8;
	[tilespmem:$0x10800] =	vst v63  }
0x234: {  	_ =	swait.ge [sflag:s9], $0x4000  }
0x235: {  	[sflag:s9] =	ssyncset.done $0x0  }
0x236: {  	s25 =	rddreg [dreg:$0x18];
	[sflag:s9] =	ssyncadd.s32 $0xFFFFC000  }
0x237: {  	[hbm4b:s25+s3] =	stream.linear.scatter [tilespmem:s11], [sflag:$0x3], $0x4000, $0x38;
	[tilespmem:$0x10800] =	vst v63  }
0x238: {  	_ =	swait.ge [sflag:s7], $0x4000  }
0x239: {  	[sflag:s7] =	ssyncset.done $0x0  }
0x23a: {  	[sflag:s7] =	ssyncadd.s32 $0xFFFFC000  }
0x23b: {  	[tilespmem:s12], [sflag:$0x2] =	stream.indirect.gather [hbm4b:s4+s8], $0x80, s21, s8, $0xb8;
	[tilespmem:$0x10800] =	vst v63  }
0x23c: {  	_ =	swait.ge [sflag:s9], $0x4000  }
0x23d: {  	[sflag:s9] =	ssyncset.done $0x0  }
0x23e: {  	s26 =	rddreg [dreg:$0x19];
	[sflag:s9] =	ssyncadd.s32 $0xFFFFC000  }
0x23f: {  	[hbm4b:s26+s3] =	stream.linear.scatter [tilespmem:s10], [sflag:$0x3], $0x4000, $0x38;
	[tilespmem:$0x10800] =	vst v63  }
0x240: {  	_ =	swait.ge [sflag:s7], $0x4000  }
0x241: {  	[sflag:s7] =	ssyncset.done $0x0  }
0x242: {  	[sflag:s7] =	ssyncadd.s32 $0xFFFFC000  }
0x243: {  	[tilespmem:s11], [sflag:$0x2] =	stream.indirect.gather [hbm4b:s2+s8], $0x80, s20, s8, $0xb8;
	[tilespmem:$0x10800] =	vst v63  }
0x244: {  	_ =	swait.ge [sflag:s9], $0x4000  }
0x245: {  	[sflag:s9] =	ssyncset.done $0x0  }
0x246: {  	s28 =	rddreg [dreg:$0x1a];
	[sflag:s9] =	ssyncadd.s32 $0xFFFFC000  }
0x247: {  	[hbm4b:s28+s3] =	stream.linear.scatter [tilespmem:s14], [sflag:$0x3], $0x4000, $0x38;
	[tilespmem:$0x10800] =	vst v63  }
0x248: {  	_ =	swait.ge [sflag:s7], $0x4000  }
0x249: {  	[sflag:s7] =	ssyncset.done $0x0  }
0x24a: {  	[sflag:s7] =	ssyncadd.s32 $0xFFFFC000  }
0x24b: {  	[tilespmem:s10], [sflag:$0x2] =	stream.indirect.gather [hbm4b:s2+s8], $0x80, s1, s8, $0xb8;
	[tilespmem:$0x10800] =	vst v63  }
0x24c: {  	_ =	swait.ge [sflag:s9], $0x4000  }
0x24d: {  	[sflag:s9] =	ssyncset.done $0x0  }
0x24e: {  	s29 =	rddreg [dreg:$0x1b];
	[sflag:s9] =	ssyncadd.s32 $0xFFFFC000  }
0x24f: {  	[hbm4b:s29+s3] =	stream.linear.scatter [tilespmem:s12], [sflag:$0x3], $0x4000, $0x38;
	[tilespmem:$0x10800] =	vst v63  }
0x250: {  	_ =	swait.ge [sflag:s9], $0x4000  }
0x251: {  	[sflag:s9] =	ssyncset.done $0x0  }
0x252: {  	s30 =	rddreg [dreg:$0x1c];
	[sflag:s9] =	ssyncadd.s32 $0xFFFFC000  }
0x253: {  	[hbm4b:s30+s3] =	stream.linear.scatter [tilespmem:s11], [sflag:$0x3], $0x4000, $0x38;
	[tilespmem:$0x10800] =	vst v63  }
0x254: {  	_ =	swait.ge [sflag:s9], $0x4000  }
0x255: {  	[sflag:s9] =	ssyncset.done $0x0  }
0x256: {  	s31 =	rddreg [dreg:$0x1d];
	[sflag:s9] =	ssyncadd.s32 $0xFFFFC000  }
0x257: {  	[hbm4b:s31+s3] =	stream.linear.scatter [tilespmem:s10], [sflag:$0x3], $0x4000, $0x38;
	[tilespmem:$0x10800] =	vst v63  }
0x258: {  	_ =	swait.ge [sflag:s7], $0x4000  }
0x259: {  	[sflag:s7] =	ssyncset.done $0x0  }
0x25a: {  	[sflag:s7] =	ssyncadd.s32 $0xFFFFC000  }
0x25b: {  	_ =	swait.ge [sflag:s7], $0x4000  }
0x25c: {  	[sflag:s7] =	ssyncset.done $0x0  }
0x25d: {  	[sflag:s7] =	ssyncadd.s32 $0xFFFFC000  }
0x25e: {  	_ =	swait.ge [sflag:s7], $0x4000  }
0x25f: {  	[sflag:s7] =	ssyncset.done $0x0  }
0x260: {  	[sflag:s7] =	ssyncadd.s32 $0xFFFFC000  }
0x261: {  	_ =	swait.ge [sflag:s7], $0x4000  }
0x262: {  	[sflag:s7] =	ssyncset.done $0x0  }
0x263: {  	[sflag:s7] =	ssyncadd.s32 $0xFFFFC000  }
0x264: {  	_ =	sfence.sel $0x180000  }
0x265: {  	[bflag:$0x0] =	sbarrier.arrive $0xFFFF  }
0x266: {  	_ =	strace $0x9000004A  }
0x267: {  	[bflag:$0x2] =	sbarrier.arrive $0xFFFF  }
0x268: {  	p0 =	sne.s32 s19, $0x0;
	s0 =	rddreg [dreg:$0xd]  }
0x269: {  	s0 =	sadd.s32 @!p0 $0x100000, s0  }
0x26a: {  	[sflag:s0] =	ssyncadd.tile.s32 @!p0 $0x1;
	_ =	shalt  }
.LBB2_2:
.Ltmp3:
0x26b: {  	(pc) =	sbr.rel .LBB2_5-.Ltmp3, $2  }
0x26c: {  	_ =	sdelay $0x2  }
0x26d: {  	s19 =	stileid.u32  }
.Lfunc_end2:
_tile_overlayer_lowered:
.L_overlay_start_2:
0x26e: {  	(tag) =	ssettag $0x2  }
0x26f: {  	s0 =	rddreg [dreg:$0x0];
	s2 =	stileid.u32  }
0x270: {  	s1 =	rddreg [dreg:$0x1];
	p0 =	sne.s32 s2, $0x0  }
0x271: {  	s3 =	rddreg [dreg:$0x2];
	[bflag:$0x3] =	sbarrier.arrive $0xFFFF;
	s2 =	simm.s32 @!p0 $0x1C04  }
0x272: {  	[timem:s3], [sflag:s2] =	dma.local @!p0 [hbm:s0], s1  }
0x273: {  	s0 =	simm.s32 @!p0 $0x4  }
0x274: {  	_ =	swait.ge @!p0 [sflag:s0], s1  }
0x275: {  	s1 =	ssub.s32 @!p0 $0x0, s1;
	[sflag:s0] =	ssyncset.done @!p0 $0x0  }
0x276: {  	[sflag:s0] =	ssyncadd.s32 @!p0 s1  }
0x277: {  	[bflag:$0x3] =	sbarrier.arrive $0xFFFF  }
0x278: {  	_ =	shalt  }

// kernel: kernel.9.cloned.1.call-start
scs
__scs_entry_jumppad:
0x0: {  	(pc) =	sbr.rel $0x88, $3  }
0x1: {  	(tag) =	ssettag $0x0;
	lr =	simm.s32 $0x1  }
0x2: {  	[smem:$0x3F8F] =	sst lr;
	_ =	strace $0xD0000000  }
0x3: {  	_ = 	snop  }
0x4: {  	_ = 	snop  }
0x5: {  	_ = 	snop  }
0x6: {  	_ = 	snop  }
0x7: {  	_ = 	snop  }
__scs_overlays_trampoline_lowered:
0x8: {  	[smem:$0x3F9E] =	sst s0  }
0x9: {  	[smem:$0x3F9F] =	sst s1  }
0xa: {  	[smem:$0x3FA0] =	sst s2  }
0xb: {  	[smem:$0x3FA1] =	sst s3  }
0xc: {  	[smem:$0x3FA2] =	sst s4  }
0xd: {  	[smem:$0x3FA3] =	sst s5  }
0xe: {  	[smem:$0x3FA4] =	sst s6  }
0xf: {  	[smem:$0x3FA5] =	sst s7  }
0x10: {  	[smem:$0x3FA6] =	sst s8  }
0x11: {  	[smem:$0x3FA7] =	sst s9;
	s0 =	simm.s32 @!p0 $0x0  }
0x12: {  	s1 =	sld [smem:$0x3F8D];
	s0 =	simm.s32 @p0 $0x1  }
0x13: {  	[smem:$0x3FA8] =	sst s0;
	s0 =	simm.s32 @!p1 $0x0  }
0x14: {  	s2 =	sld [smem:$0x3F8C];
	s0 =	simm.s32 @p1 $0x1  }
0x15: {  	[smem:$0x3FA9] =	sst s0;
	s0 =	simm.s32 @!p2 $0x0  }
0x16: {  	s3 =	sld [smem:$0x3FDB];
	s0 =	simm.s32 @p2 $0x1  }
0x17: {  	s4 =	simm.s32 $0x1BF5;
	[smem:$0x3FAB] =	sst s0  }
0x18: {  	s0 =	sld [smem:$0x3F8E];
	_ =	swait.ge [sflag:s4], $0x0  }
0x19: {  	s7 =	sld [smem:$0x3F8F]  }
0x1a: {  	s8 =	sadd.s32 $0xFFFFE003, lr  }
0x1b: {  	s9 =	sadd.s32 $0xFFFFFEF7, lr;
	s5 =	simm.s32 $0xFFFFFFFF;
	p2 =	slt.u32 s8, $0xFFFFF086  }
0x1c: {  	p1 =	slt.u32 s9, $0xF7A;
	s5 =	simm.s32 @!p2 $0x0  }
0x1d: {  	s5 =	simm.s32 @p1 $0x1;
	p0 =	seq.s32 s7, s2  }
0x1e: {  	s7 =	smul.u32 @!p0 $0xF7A, s2;
	p2 =	seq.s32 @!p0 s5, $0x0  }
0x1f: {  	s9 =	smul.u32 $0xF7A, s1;
	s8 =	simm.s32 @!p0 $0x1BF5;
	p2 =	por !p2, p0  }
0x20: {  	[sflag:s8] =	ssyncset.s32 @!p0 $0xFFFFF086;
	s6 =	sadd.s32 @!p0 s3, s7;
	s7 =	simm.s32 @!p0 $0x108  }
0x21: {  	s3 =	sadd.s32 s3, s9;
	s6 =	sadd.s32 @!p0 $0x88, s6;
	s7 =	simm.s32 @p2 $0x1082  }
0x22: {  	[simem:s7], [sflag:s8] =	dma.local @!p0 [hbm:s6], $0xF7A  }
0x23: {  	s9 =	sor.u32 $0xD0000000, s2;
	s6 =	simm.s32 $0x108;
	_ =	swait.ge @!p0 [sflag:s8], $0x0  }
0x24: {  	s3 =	sadd.s32 $0x88, s3;
	s6 =	simm.s32 @!p1 $0x1082;
	[sflag:s4] =	ssyncset.s32 $0xFFFFF086  }
0x25: {  	[simem:s6], [sflag:s4] =	dma.local [hbm:s3], $0xF7A  }
0x26: {  	[smem:$0x3F8F] =	sst s1;
	(tag) =	ssettag s2;
	_ =	strace s9  }
0x27: {  	s1 =	sld [smem:$0x3F9F]  }
0x28: {  	s2 =	sld [smem:$0x3FA0]  }
0x29: {  	s4 =	sld [smem:$0x3FA2]  }
0x2a: {  	p0 =	seq.s32 s5, $0x0;
	s5 =	sld [smem:$0x3FA3]  }
0x2b: {  	s6 =	sld [smem:$0x3FA4]  }
0x2c: {  	s7 =	sld [smem:$0x3FA5]  }
0x2d: {  	s3 =	simm.s32 $0x108;
	s8 =	sld [smem:$0x3FA6]  }
0x2e: {  	s3 =	simm.s32 @!p0 $0x1082;
	s9 =	sld [smem:$0x3FA7]  }
0x2f: {  	lr =	sadd.s32 s0, s3;
	s0 =	sld [smem:$0x3F9E]  }
0x30: {  	s3 =	sld [smem:$0x3FA1]  }
0x31: {  	[smem:$0x3FAA] =	sst s10  }
0x32: {  	s10 =	sld [smem:$0x3FA8];
	_ =	sdelay $0x3  }
0x33: {  	p0 =	seq.s32 s10, $0x1;
	s10 =	sld [smem:$0x3FAA];
	_ =	sdelay $0x3  }
0x34: {  	[smem:$0x3FAA] =	sst s10  }
0x35: {  	s10 =	sld [smem:$0x3FA9];
	_ =	sdelay $0x3  }
0x36: {  	p1 =	seq.s32 s10, $0x1;
	s10 =	sld [smem:$0x3FAA];
	_ =	sdelay $0x3  }
0x37: {  	[smem:$0x3FAA] =	sst s10  }
0x38: {  	s10 =	sld [smem:$0x3FAB]  }
0x39: {  	_ = 	snop;
	(pc) =	sbr.ind lr, $3  }
0x3a: {  	_ = 	snop  }
0x3b: {  	_ = 	snop  }
0x3c: {  	p2 =	seq.s32 s10, $0x1;
	s10 =	sld [smem:$0x3FAA]  }
0x3d: {  	_ =	shalt  }
0x3e: {  	_ =	shalt  }
0x3f: {  	_ =	shalt  }
0x40: {  	_ =	shalt  }
0x41: {  	_ =	shalt  }
0x42: {  	_ =	shalt  }
0x43: {  	_ =	shalt  }
0x44: {  	_ =	shalt  }
0x45: {  	_ =	shalt  }
0x46: {  	_ =	shalt  }
0x47: {  	_ =	shalt  }
0x48: {  	_ =	shalt  }
0x49: {  	_ =	shalt  }
0x4a: {  	_ =	shalt  }
0x4b: {  	_ =	shalt  }
0x4c: {  	_ =	shalt  }
0x4d: {  	_ =	shalt  }
0x4e: {  	_ =	shalt  }
0x4f: {  	_ =	shalt  }
0x50: {  	_ =	shalt  }
0x51: {  	_ =	shalt  }
0x52: {  	_ =	shalt  }
0x53: {  	_ =	shalt  }
0x54: {  	_ =	shalt  }
0x55: {  	_ =	shalt  }
0x56: {  	_ =	shalt  }
0x57: {  	_ =	shalt  }
0x58: {  	_ =	shalt  }
0x59: {  	_ =	shalt  }
0x5a: {  	_ =	shalt  }
0x5b: {  	_ =	shalt  }
0x5c: {  	_ =	shalt  }
0x5d: {  	_ =	shalt  }
0x5e: {  	_ =	shalt  }
0x5f: {  	_ =	shalt  }
0x60: {  	_ =	shalt  }
0x61: {  	_ =	shalt  }
0x62: {  	_ =	shalt  }
0x63: {  	_ =	shalt  }
0x64: {  	_ =	shalt  }
0x65: {  	_ =	shalt  }
0x66: {  	_ =	shalt  }
0x67: {  	_ =	shalt  }
0x68: {  	_ =	shalt  }
0x69: {  	_ =	shalt  }
0x6a: {  	_ =	shalt  }
0x6b: {  	_ =	shalt  }
0x6c: {  	_ =	shalt  }
0x6d: {  	_ =	shalt  }
0x6e: {  	_ =	shalt  }
0x6f: {  	_ =	shalt  }
0x70: {  	_ =	shalt  }
0x71: {  	_ =	shalt  }
0x72: {  	_ =	shalt  }
0x73: {  	_ =	shalt  }
0x74: {  	_ =	shalt  }
0x75: {  	_ =	shalt  }
0x76: {  	_ =	shalt  }
0x77: {  	_ =	shalt  }
0x78: {  	_ =	shalt  }
0x79: {  	_ =	shalt  }
0x7a: {  	_ =	shalt  }
0x7b: {  	_ =	shalt  }
0x7c: {  	_ =	shalt  }
0x7d: {  	_ =	shalt  }
0x7e: {  	_ =	shalt  }
0x7f: {  	_ =	shalt  }
0x80: {  	_ =	shalt  }
0x81: {  	_ =	shalt  }
0x82: {  	_ =	shalt  }
0x83: {  	_ =	shalt  }
0x84: {  	_ =	shalt  }
0x85: {  	_ =	shalt  }
0x86: {  	_ =	shalt  }
0x87: {  	_ =	shalt  }
.Lfunc_end0:
.L_simem_size_0:
called_computation.1_lowered:
.L_overlay_start_0:
0x88: {  	s2 =	sld [smem:$0x3FD9]  }
0x89: {  	s3 =	sld [smem:$0x3FFE];
	_ =	sdelay $0x1  }
0x8a: {  	s1 =	srdreg.scid  }
0x8b: {  	s0 =	sand.u32 $0x1, s1  }
0x8c: {  	s30 =	sshll.u32 s0, $0xA;
	s2 =	sadd.s32 s3, s2  }
0x8d: {  	s2 =	sadd.s32 s2, s30  }
0x8e: {  	[smem:$0x3FB6] =	sst s2  }
0x8f: {  	_ = 	snop  }
0x90: {  	s31 =	sld [smem:$0x3FC9]  }
0x91: {  	s2 =	sld [smem:$0x3FC8]  }
0x92: {  	s4 =	sld [smem:$0x3FC7]  }
0x93: {  	s5 =	sld [smem:$0x3FC6]  }
0x94: {  	s6 =	sld [smem:$0x3FC5]  }
0x95: {  	s7 =	sld [smem:$0x3FC4]  }
0x96: {  	s8 =	sld [smem:$0x3FC3]  }
0x97: {  	s9 =	sld [smem:$0x3FC2]  }
0x98: {  	s10 =	sld [smem:$0x3FC1]  }
0x99: {  	s11 =	sld [smem:$0x3FC0]  }
0x9a: {  	s12 =	sld [smem:$0x3FBF]  }
0x9b: {  	s13 =	sld [smem:$0x3FBE];
	(tm) =	ssettm $0x1  }
0x9c: {  	s14 =	sld [smem:$0x3FFB];
	_ =	sdelay $0x3  }
0x9d: {  	_ =	strace s14  }
0x9e: {  	s14 =	sld [smem:$0x3FFC];
	_ =	sdelay $0x3  }
0x9f: {  	_ =	strace s14  }
0xa0: {  	s14 =	sld [smem:$0x3FFD];
	_ =	sdelay $0x3  }
0xa1: {  	_ =	strace s14  }
0xa2: {  	_ =	strace $0x8FFFFFFF  }
0xa3: {  	s19 =	sld [smem:$0x3FDB];
	_ =	sdelay $0x1  }
0xa4: {  	s15 =	simm.s32 $_scs_section_size  }
0xa5: {  	s16 =	simm.s32 $_size__tile_overlayer_lowered;
	s17 =	simm.s32 $_tile_overlayer_lowered  }
0xa6: {  	s22 =	simm.s32 $0x1BFF;
	s21 =	sshll.u32 s17, $0x1;
	s14 =	sadd.s32 s15, s19  }
0xa7: {  	s18 =	simm.s32 $0x0;
	s20 =	sshll.u32 s16, $0x1;
	s16 =	sadd.s32 s21, s14  }
0xa8: {  	[timem:s18], [sflag:s22] =	dma.local [hbm:s16], s20  }
0xa9: {  	_ =	swait.ge [sflag:s22], s20  }
0xaa: {  	s15 =	ssub.s32 $0x0, s20;
	[sflag:s22] =	ssyncset.done $0x0  }
0xab: {  	[sflag:s22] =	ssyncadd.s32 s15;
	_ =	sdelay $0x1  }
0xac: {  	s23 =	simm.s32 $0x1B8B  }
0xad: {  	_ =	swait.ge [sflag:s23], $0x1  }
0xae: {  	[sflag:s23] =	ssyncset.done $0x0  }
0xaf: {  	s25 =	simm.s32 $0x1B8E;
	s24 =	sld [smem:$0x3FFE];
	[sflag:s23] =	ssyncadd.s32 $0xFFFFFFFF  }
0xb0: {  	s26 =	simm.s32 $execute0_lowered;
	[smem:$0x3FD2] =	sst s25  }
0xb1: {  	s16 =	sshll.u32 s26, $0x1;
	_ =	strace $0x80000046;
	[dreg:$0x1] =	wrdreg $0xFFFFFFFF  }
0xb2: {  	s28 =	simm.s32 $_size_execute0_lowered;
	s14 =	sadd.s32 s14, s16;
	[dreg:$0x0] =	wrdreg $0x0  }
0xb3: {  	s16 =	sshll.u32 s28, $0x1;
	[dreg:$0x2] =	wrdreg s14  }
0xb4: {  	[dreg:$0x3] =	wrdreg s16  }
0xb5: {  	[dreg:$0x4] =	wrdreg $0xC0  }
0xb6: {  	_ =	task [dreg:s18], $0x5FFFF  }
0xb7: {  	[dreg:$0x1] =	wrdreg $0xFFFFFFFF  }
0xb8: {  	[dreg:$0x0] =	wrdreg $0x60  }
0xb9: {  	[dreg:$0x2] =	wrdreg s4  }
0xba: {  	[dreg:$0x3] =	wrdreg s7  }
0xbb: {  	[dreg:$0x4] =	wrdreg s10  }
0xbc: {  	[dreg:$0x5] =	wrdreg s13  }
0xbd: {  	[dreg:$0x6] =	wrdreg s31  }
0xbe: {  	[dreg:$0x7] =	wrdreg s5  }
0xbf: {  	[dreg:$0x8] =	wrdreg s8  }
0xc0: {  	[dreg:$0x9] =	wrdreg s11  }
0xc1: {  	[dreg:$0xa] =	wrdreg s2  }
0xc2: {  	[dreg:$0xb] =	wrdreg s6  }
0xc3: {  	[dreg:$0xc] =	wrdreg s9  }
0xc4: {  	[dreg:$0xd] =	wrdreg s12  }
0xc5: {  	[dreg:$0xe] =	wrdreg s24  }
0xc6: {  	[dreg:$0xf] =	wrdreg $0xA  }
0xc7: {  	_ =	task.clear_ibuf [dreg:s18], $0x10FFFF;
	_ =	strace $0x90000046  }
0xc8: {  	s29 =	simm.s32 $0xA;
	_ =	strace $0x80000048  }
0xc9: {  	_ =	swait.ge [sflag:s29], $0x1  }
0xca: {  	[sflag:s29] =	ssyncadd.s32 $0xFFFFFFFF  }
0xcb: {  	_ =	strace $0x90000048  }
0xcc: {  	_ =	sfence  }
0xcd: {  	s30 =	sld [smem:$0x0];
	_ =	sdelay $0x2  }
0xce: {  	s31 =	sshll.u32 s1, $0xD;
	s1 =	sshrl.u32 s1, $0x2  }
0xcf: {  	s3 =	sand.u32 $0x4000, s31;
	s1 =	sadd.s32 s1, s30  }
0xd0: {  	s0 =	sor.u32 s3, s0;
	s1 =	sshll.u32 s1, $0x11  }
0xd1: {  	s0 =	sor.u32 s1, s0  }
0xd2: {  	s0 =	sadd.s32 $0x8F2B, s0  }
0xd3: {  	[sflag:s0] =	ssyncadd.remote.s32 $0x1  }
0xd4: {  	_ =	sfence.sel $0xFFFF  }
0xd5: {  	[dreg:$0x0] =	wrdreg $0xFFFFFFFF;
	(pc) =	sbr.abs _section_cstart, $3  }
0xd6: {  	[dreg:$0x1] =	wrdreg $0xFFFFFFFF  }
0xd7: {  	_ =	task.clear_ibuf [dreg:s18], $0x2FFFF;
	_ =	strace $0x9FFFFFFF  }
0xd8: {  	(tm) =	ssettm $0x7FFFFFFF  }
0xd9: {  	_ =	shalt  }
tec
execute0_lowered:
.L_overlay_start_1:
0x0: {  	(tag) =	ssettag $0x1  }
0x1: {  	s6 =	rddreg [dreg:$0x0]  }
0x2: {  	s5 =	rddreg [dreg:$0x1]  }
0x3: {  	s4 =	rddreg [dreg:$0x2]  }
0x4: {  	s2 =	rddreg [dreg:$0x3]  }
0x5: {  	s0 =	rddreg [dreg:$0x4]  }
0x6: {  	s1 =	rddreg [dreg:$0x5]  }
0x7: {  	s10 =	rddreg [dreg:$0x6]  }
0x8: {  	s11 =	rddreg [dreg:$0x7];
	s3 =	srdreg.scid  }
0x9: {  	s12 =	rddreg [dreg:$0x8];
	s19 =	stileid.u32;
	s13 =	sand.u32 $0x1, s3  }
0xa: {  	s9 =	rddreg [dreg:$0x9];
	s24 =	sshll.u32 s19, $0x9;
	s14 =	sshll.u32 s13, $0x8  }
0xb: {  	s7 =	rddreg [dreg:$0xa];
	s14 =	sor.u32 s14, s24  }
0xc: {  	s15 =	rddreg [dreg:$0xc];
	s16 =	sshll.u32 s14, $0x4  }
0xd: {  	s8 =	rddreg [dreg:$0xb];
	s3 =	simm.s32 $0x0;
	s15 =	sadd.s32 s16, s15  }
0xe: {  	[smem:$0x7FF] =	sst s3;
	s16 =	sadd.s32 $0x1800, s15  }
0xf: {  	_ =	strace $0x80000047;
	s25 =	sadd.s32 $0x2000, s15;
	[dreg:$0xe] =	wrdreg s16  }
0x10: {  	s26 =	sadd.s32 $0x21800, s15;
	[dreg:$0xf] =	wrdreg s25  }
0x11: {  	s17 =	sadd.s32 $0x22000, s15;
	[dreg:$0x10] =	wrdreg s26  }
0x12: {  	s18 =	sadd.s32 $0x41800, s15;
	[dreg:$0x11] =	wrdreg s17  }
0x13: {  	s20 =	sadd.s32 $0x42000, s15;
	[dreg:$0x12] =	wrdreg s18  }
0x14: {  	s28 =	simm.s32 $0x580;
	s21 =	sadd.s32 $0x61800, s15;
	[dreg:$0x13] =	wrdreg s20  }
0x15: {  	p0 =	por $0x0, $0x0;
	s22 =	sadd.s32 $0x62000, s15;
	[dreg:$0x14] =	wrdreg s21  }
0x16: {  	s14 =	sshrl.u32 s14, $0x3;
	s23 =	sadd.s32 $0x81800, s15;
	[dreg:$0x15] =	wrdreg s22  }
0x17: {  	s14 =	sor.u32 $0x400, s14;
	s24 =	sadd.s32 $0x82000, s15;
	[dreg:$0x16] =	wrdreg s23  }
0x18: {  	s29 =	sadd.s32 s0, s14;
	[dreg:$0x17] =	wrdreg s24;
	s25 =	sadd.s32 $0xA1800, s15  }
0x19: {  	s30 =	sadd.s32 s1, s14;
	s26 =	sadd.s32 $0xA2000, s15;
	[dreg:$0x18] =	wrdreg s25  }
0x1a: {  	s31 =	sadd.s32 s10, s14;
	s16 =	sadd.s32 $0xC1800, s15;
	[dreg:$0x19] =	wrdreg s26  }
0x1b: {  	s0 =	simm.s32 $0x180;
	s20 =	sadd.s32 $0xC2000, s15;
	[dreg:$0x1a] =	wrdreg s16  }
0x1c: {  	s17 =	ssub.s32 $0x2, s13;
	s21 =	sadd.s32 $0xE1800, s15;
	[dreg:$0x1b] =	wrdreg s20  }
0x1d: {  	s22 =	sadd.s32 $0xE2000, s15;
	s23 =	sadd.s32 $0x10, s29;
	[dreg:$0x1c] =	wrdreg s21  }
0x1e: {  	s24 =	sadd.s32 $0x10, s30;
	s10 =	sadd.s32 $0x10, s31;
	[dreg:$0x1d] =	wrdreg s22  }
0x1f: {  	s13 =	sadd.s32 s7, s14;
	s7 =	simm.s32 $0x3;
	[dreg:$0x1e] =	wrdreg s23  }
0x20: {  	s18 =	sshrl.u32 s17, $0x1;
	s25 =	sadd.s32 s11, s14;
	[dreg:$0x1f] =	wrdreg s24  }
0x21: {  	s26 =	sadd.s32 s12, s14;
	[smem:$0x7F3] =	sst s10;
	s11 =	sadd.s32 s9, s14  }
0x22: {  	s16 =	sadd.s32 s8, s14;
	[smem:$0x7FA] =	sst s13;
	s20 =	sadd.s32 $0x10, s13  }
0x23: {  	s8 =	simm.s32 $0x80;
	s13 =	simm.s32 $0x100;
	[smem:$0x7F4] =	sst s25  }
0x24: {  	s24 =	simm.s32 $0x280;
	s14 =	simm.s32 $0x800;
	[smem:$0x7F6] =	sst s26  }
0x25: {  	s9 =	simm.s32 $0x2;
	s10 =	simm.s32 $0xC800;
	[smem:$0x7F8] =	sst s11  }
0x26: {  	s1 =	sadd.s32 $0x10, s25;
	s12 =	sadd.s32 $0x10, s26;
	[smem:$0x7FB] =	sst s20  }
0x27: {  	s15 =	sadd.s32 $0x10, s11;
	s21 =	ssub.s32 s17, s18;
	[smem:$0x7FC] =	sst s16  }
0x28: {  	s22 =	sadd.s32 $0x10, s16;
	s16 =	simm.s32 $0x400;
	s23 =	smax.u32 s21, $0x1  }
0x29: {  	s26 =	simm.s32 $0x200;
	[smem:$0x7F5] =	sst s1;
	p1 =	sne.s32 s23, $0x1  }
.Ltmp0:
0x2a: {  	s25 =	simm.s32 $0x600;
	[smem:$0x7F7] =	sst s12;
	(pc) =	sbr.rel @!p1 .LBB2_5-.Ltmp0, $4  }
0x2b: {  	s20 =	simm.s32 $0x380;
	s17 =	simm.s32 $0x1;
	[smem:$0x7F9] =	sst s15  }
0x2c: {  	s11 =	simm.s32 $0x8800;
	[smem:$0x7FD] =	sst s22;
	s15 =	simm.s32 $0x480  }
0x2d: {  	s1 =	simm.s32 $0x500;
	s22 =	simm.s32 $0x300;
	s21 =	simm.s32 $0x700  }
0x2e: {  	s12 =	simm.s32 $0x4800;
	s18 =	sadd.s32 $0xFFFFFFFF, s23;
	s23 =	simm.s32 $0x680  }
0x2f: {  	[tilespmem:s3], [sflag:$0x1] =	stream.linear.gather [hbm4b:s29+s3], $0x80, $0x38;
	[tilespmem:$0x10800] =	vst v63  }
0x30: {  	s19 =	rddreg [dreg:$0x1e]  }
0x31: {  	[tilespmem:s16], [sflag:$0x1] =	stream.linear.gather [hbm4b:s19+s3], $0x80, $0x38;
	[tilespmem:$0x10800] =	vst v63  }
0x32: {  	_ = 	snop  }
0x33: {  	[tilespmem:s8], [sflag:$0x1] =	stream.linear.gather [hbm4b:s30+s3], $0x80, $0x38;
	[tilespmem:$0x10800] =	vst v63  }
0x34: {  	s19 =	rddreg [dreg:$0x1f]  }
0x35: {  	[tilespmem:s15], [sflag:$0x1] =	stream.linear.gather [hbm4b:s19+s3], $0x80, $0x38;
	[tilespmem:$0x10800] =	vst v63  }
0x36: {  	s19 =	sld [smem:$0x7F3]  }
0x37: {  	[tilespmem:s13], [sflag:$0x1] =	stream.linear.gather [hbm4b:s31+s3], $0x80, $0x38;
	[tilespmem:$0x10800] =	vst v63  }
0x38: {  	_ = 	snop  }
0x39: {  	[tilespmem:s1], [sflag:$0x1] =	stream.linear.gather [hbm4b:s19+s3], $0x80, $0x38;
	[tilespmem:$0x10800] =	vst v63  }
0x3a: {  	s19 =	sld [smem:$0x7F4]  }
0x3b: {  	[smem:$0x7F2] =	sst s18  }
0x3c: {  	s18 =	sld [smem:$0x7F5]  }
0x3d: {  	[tilespmem:s0], [sflag:$0x1] =	stream.linear.gather [hbm4b:s19+s3], $0x80, $0x38;
	[tilespmem:$0x10800] =	vst v63  }
0x3e: {  	s19 =	sld [smem:$0x7F6]  }
0x3f: {  	[tilespmem:s28], [sflag:$0x1] =	stream.linear.gather [hbm4b:s18+s3], $0x80, $0x38;
	[tilespmem:$0x10800] =	vst v63  }
0x40: {  	s18 =	sld [smem:$0x7F7]  }
0x41: {  	[tilespmem:s26], [sflag:$0x1] =	stream.linear.gather [hbm4b:s19+s3], $0x80, $0x38;
	[tilespmem:$0x10800] =	vst v63  }
0x42: {  	s19 =	sld [smem:$0x7F8]  }
0x43: {  	[tilespmem:s25], [sflag:$0x1] =	stream.linear.gather [hbm4b:s18+s3], $0x80, $0x38;
	[tilespmem:$0x10800] =	vst v63  }
0x44: {  	s18 =	sld [smem:$0x7F9]  }
0x45: {  	[tilespmem:s24], [sflag:$0x1] =	stream.linear.gather [hbm4b:s19+s3], $0x80, $0x38;
	[tilespmem:$0x10800] =	vst v63  }
0x46: {  	s19 =	sld [smem:$0x7FA]  }
0x47: {  	[tilespmem:s23], [sflag:$0x1] =	stream.linear.gather [hbm4b:s18+s3], $0x80, $0x38;
	[tilespmem:$0x10800] =	vst v63  }
0x48: {  	s18 =	sld [smem:$0x7FB]  }
0x49: {  	[tilespmem:s22], [sflag:$0x1] =	stream.linear.gather [hbm4b:s19+s3], $0x80, $0x38;
	[tilespmem:$0x10800] =	vst v63  }
0x4a: {  	s19 =	sld [smem:$0x7FC]  }
0x4b: {  	[tilespmem:s21], [sflag:$0x1] =	stream.linear.gather [hbm4b:s18+s3], $0x80, $0x38;
	[tilespmem:$0x10800] =	vst v63  }
0x4c: {  	s18 =	sld [smem:$0x7FD]  }
0x4d: {  	[tilespmem:s20], [sflag:$0x1] =	stream.linear.gather [hbm4b:s19+s3], $0x80, $0x38;
	[tilespmem:$0x10800] =	vst v63  }
0x4e: {  	s19 =	simm.s32 $0x780  }
0x4f: {  	[tilespmem:s19], [sflag:$0x1] =	stream.linear.gather [hbm4b:s18+s3], $0x80, $0x38;
	[tilespmem:$0x10800] =	vst v63  }
0x50: {  	_ =	swait.ge [sflag:s17], $0x100  }
0x51: {  	[sflag:s17] =	ssyncset.done $0x0  }
0x52: {  	[sflag:s17] =	ssyncadd.s32 $0xFFFFFF00  }
0x53: {  	_ =	swait.ge [sflag:s17], $0x100  }
0x54: {  	[sflag:s17] =	ssyncset.done $0x0  }
0x55: {  	[sflag:s17] =	ssyncadd.s32 $0xFFFFFF00  }
0x56: {  	_ =	swait.ge [sflag:s17], $0x100  }
0x57: {  	[sflag:s17] =	ssyncset.done $0x0  }
0x58: {  	[sflag:s17] =	ssyncadd.s32 $0xFFFFFF00  }
0x59: {  	_ =	swait.ge [sflag:s17], $0x100  }
0x5a: {  	[sflag:s17] =	ssyncset.done $0x0  }
0x5b: {  	[sflag:s17] =	ssyncadd.s32 $0xFFFFFF00  }
0x5c: {  	_ =	swait.ge [sflag:s17], $0x100  }
0x5d: {  	[sflag:s17] =	ssyncset.done $0x0  }
0x5e: {  	[sflag:s17] =	ssyncadd.s32 $0xFFFFFF00  }
0x5f: {  	_ =	swait.ge [sflag:s17], $0x100  }
0x60: {  	[sflag:s17] =	ssyncset.done $0x0  }
0x61: {  	[sflag:s17] =	ssyncadd.s32 $0xFFFFFF00  }
0x62: {  	_ =	swait.ge [sflag:s17], $0x100  }
0x63: {  	[sflag:s17] =	ssyncset.done $0x0  }
0x64: {  	[sflag:s17] =	ssyncadd.s32 $0xFFFFFF00  }
0x65: {  	_ =	swait.ge [sflag:s17], $0x100  }
0x66: {  	[sflag:s17] =	ssyncset.done $0x0  }
0x67: {  	[sflag:s17] =	ssyncadd.s32 $0xFFFFFF00  }
0x68: {  	[tilespmem:s14], [sflag:$0x2] =	stream.indirect.gather [hbm4b:s6+s8], $0x80, s3, s8, $0xb8;
	[tilespmem:$0x10800] =	vst v63  }
0x69: {  	_ = 	snop  }
0x6a: {  	[tilespmem:s12], [sflag:$0x2] =	stream.indirect.gather [hbm4b:s6+s8], $0x80, s16, s8, $0xb8;
	[tilespmem:$0x10800] =	vst v63  }
0x6b: {  	_ = 	snop  }
0x6c: {  	[tilespmem:s11], [sflag:$0x2] =	stream.indirect.gather [hbm4b:s5+s8], $0x80, s8, s8, $0xb8;
	[tilespmem:$0x10800] =	vst v63  }
0x6d: {  	_ =	swait.ge [sflag:s9], $0x4000  }
0x6e: {  	[sflag:s9] =	ssyncset.done $0x0  }
0x6f: {  	s18 =	rddreg [dreg:$0xe];
	[sflag:s9] =	ssyncadd.s32 $0xFFFFC000  }
0x70: {  	[hbm4b:s18+s3] =	stream.linear.scatter [tilespmem:s14], [sflag:$0x3], $0x4000, $0x38;
	[tilespmem:$0x10800] =	vst v63  }
0x71: {  	_ = 	snop  }
0x72: {  	[tilespmem:s10], [sflag:$0x2] =	stream.indirect.gather [hbm4b:s5+s8], $0x80, s15, s8, $0xb8;
	[tilespmem:$0x10800] =	vst v63  }
0x73: {  	_ =	swait.ge [sflag:s9], $0x4000  }
0x74: {  	[sflag:s9] =	ssyncset.done $0x0  }
0x75: {  	s18 =	rddreg [dreg:$0xf];
	[sflag:s9] =	ssyncadd.s32 $0xFFFFC000  }
0x76: {  	[hbm4b:s18+s3] =	stream.linear.scatter [tilespmem:s12], [sflag:$0x3], $0x4000, $0x38;
	[tilespmem:$0x10800] =	vst v63  }
0x77: {  	_ =	swait.ge [sflag:s7], $0x4000  }
0x78: {  	[sflag:s7] =	ssyncset.done $0x0  }
0x79: {  	[sflag:s7] =	ssyncadd.s32 $0xFFFFC000  }
0x7a: {  	[tilespmem:s14], [sflag:$0x2] =	stream.indirect.gather [hbm4b:s4+s8], $0x80, s13, s8, $0xb8;
	[tilespmem:$0x10800] =	vst v63  }
0x7b: {  	_ =	swait.ge [sflag:s9], $0x4000  }
0x7c: {  	[sflag:s9] =	ssyncset.done $0x0  }
0x7d: {  	s18 =	rddreg [dreg:$0x10];
	[sflag:s9] =	ssyncadd.s32 $0xFFFFC000  }
0x7e: {  	[hbm4b:s18+s3] =	stream.linear.scatter [tilespmem:s11], [sflag:$0x3], $0x4000, $0x38;
	[tilespmem:$0x10800] =	vst v63  }
0x7f: {  	_ =	swait.ge [sflag:s7], $0x4000  }
0x80: {  	[sflag:s7] =	ssyncset.done $0x0  }
0x81: {  	[sflag:s7] =	ssyncadd.s32 $0xFFFFC000  }
0x82: {  	[tilespmem:s12], [sflag:$0x2] =	stream.indirect.gather [hbm4b:s4+s8], $0x80, s1, s8, $0xb8;
	[tilespmem:$0x10800] =	vst v63  }
0x83: {  	_ =	swait.ge [sflag:s9], $0x4000  }
0x84: {  	[sflag:s9] =	ssyncset.done $0x0  }
0x85: {  	s18 =	rddreg [dreg:$0x11];
	[sflag:s9] =	ssyncadd.s32 $0xFFFFC000  }
0x86: {  	[hbm4b:s18+s3] =	stream.linear.scatter [tilespmem:s10], [sflag:$0x3], $0x4000, $0x38;
	[tilespmem:$0x10800] =	vst v63  }
0x87: {  	_ =	swait.ge [sflag:s7], $0x4000  }
0x88: {  	[sflag:s7] =	ssyncset.done $0x0  }
0x89: {  	[sflag:s7] =	ssyncadd.s32 $0xFFFFC000  }
0x8a: {  	[tilespmem:s11], [sflag:$0x2] =	stream.indirect.gather [hbm4b:s2+s8], $0x80, s0, s8, $0xb8;
	[tilespmem:$0x10800] =	vst v63  }
0x8b: {  	_ =	swait.ge [sflag:s9], $0x4000  }
0x8c: {  	[sflag:s9] =	ssyncset.done $0x0  }
0x8d: {  	s18 =	rddreg [dreg:$0x12];
	[sflag:s9] =	ssyncadd.s32 $0xFFFFC000  }
0x8e: {  	[hbm4b:s18+s3] =	stream.linear.scatter [tilespmem:s14], [sflag:$0x3], $0x4000, $0x38;
	[tilespmem:$0x10800] =	vst v63  }
0x8f: {  	_ =	swait.ge [sflag:s7], $0x4000  }
0x90: {  	[sflag:s7] =	ssyncset.done $0x0  }
0x91: {  	[sflag:s7] =	ssyncadd.s32 $0xFFFFC000  }
0x92: {  	[tilespmem:s10], [sflag:$0x2] =	stream.indirect.gather [hbm4b:s2+s8], $0x80, s28, s8, $0xb8;
	[tilespmem:$0x10800] =	vst v63  }
0x93: {  	_ =	swait.ge [sflag:s9], $0x4000  }
0x94: {  	[sflag:s9] =	ssyncset.done $0x0  }
0x95: {  	s18 =	rddreg [dreg:$0x13];
	[sflag:s9] =	ssyncadd.s32 $0xFFFFC000  }
0x96: {  	[hbm4b:s18+s3] =	stream.linear.scatter [tilespmem:s12], [sflag:$0x3], $0x4000, $0x38;
	[tilespmem:$0x10800] =	vst v63  }
0x97: {  	_ =	swait.ge [sflag:s7], $0x4000  }
0x98: {  	[sflag:s7] =	ssyncset.done $0x0  }
0x99: {  	[sflag:s7] =	ssyncadd.s32 $0xFFFFC000  }
0x9a: {  	[tilespmem:s14], [sflag:$0x2] =	stream.indirect.gather [hbm4b:s6+s8], $0x80, s26, s8, $0xb8;
	[tilespmem:$0x10800] =	vst v63  }
0x9b: {  	_ =	swait.ge [sflag:s9], $0x4000  }
0x9c: {  	[sflag:s9] =	ssyncset.done $0x0  }
0x9d: {  	s18 =	rddreg [dreg:$0x14];
	[sflag:s9] =	ssyncadd.s32 $0xFFFFC000  }
0x9e: {  	[hbm4b:s18+s3] =	stream.linear.scatter [tilespmem:s11], [sflag:$0x3], $0x4000, $0x38;
	[tilespmem:$0x10800] =	vst v63  }
0x9f: {  	_ =	swait.ge [sflag:s7], $0x4000  }
0xa0: {  	[sflag:s7] =	ssyncset.done $0x0  }
0xa1: {  	[sflag:s7] =	ssyncadd.s32 $0xFFFFC000  }
0xa2: {  	[tilespmem:s12], [sflag:$0x2] =	stream.indirect.gather [hbm4b:s6+s8], $0x80, s25, s8, $0xb8;
	[tilespmem:$0x10800] =	vst v63  }
0xa3: {  	_ =	swait.ge [sflag:s9], $0x4000  }
0xa4: {  	[sflag:s9] =	ssyncset.done $0x0  }
0xa5: {  	s18 =	rddreg [dreg:$0x15];
	[sflag:s9] =	ssyncadd.s32 $0xFFFFC000  }
0xa6: {  	[hbm4b:s18+s3] =	stream.linear.scatter [tilespmem:s10], [sflag:$0x3], $0x4000, $0x38;
	[tilespmem:$0x10800] =	vst v63  }
0xa7: {  	_ =	swait.ge [sflag:s7], $0x4000  }
0xa8: {  	[sflag:s7] =	ssyncset.done $0x0  }
0xa9: {  	[sflag:s7] =	ssyncadd.s32 $0xFFFFC000  }
0xaa: {  	[tilespmem:s11], [sflag:$0x2] =	stream.indirect.gather [hbm4b:s5+s8], $0x80, s24, s8, $0xb8;
	[tilespmem:$0x10800] =	vst v63  }
0xab: {  	_ =	swait.ge [sflag:s9], $0x4000  }
0xac: {  	[sflag:s9] =	ssyncset.done $0x0  }
0xad: {  	s18 =	rddreg [dreg:$0x16];
	[sflag:s9] =	ssyncadd.s32 $0xFFFFC000  }
0xae: {  	[hbm4b:s18+s3] =	stream.linear.scatter [tilespmem:s14], [sflag:$0x3], $0x4000, $0x38;
	[tilespmem:$0x10800] =	vst v63  }
0xaf: {  	_ =	swait.ge [sflag:s7], $0x4000  }
0xb0: {  	[sflag:s7] =	ssyncset.done $0x0  }
0xb1: {  	[sflag:s7] =	ssyncadd.s32 $0xFFFFC000  }
0xb2: {  	[tilespmem:s10], [sflag:$0x2] =	stream.indirect.gather [hbm4b:s5+s8], $0x80, s23, s8, $0xb8;
	[tilespmem:$0x10800] =	vst v63  }
0xb3: {  	_ =	swait.ge [sflag:s9], $0x4000  }
0xb4: {  	[sflag:s9] =	ssyncset.done $0x0  }
0xb5: {  	s18 =	rddreg [dreg:$0x17];
	[sflag:s9] =	ssyncadd.s32 $0xFFFFC000  }
0xb6: {  	[hbm4b:s18+s3] =	stream.linear.scatter [tilespmem:s12], [sflag:$0x3], $0x4000, $0x38;
	[tilespmem:$0x10800] =	vst v63  }
0xb7: {  	_ =	swait.ge [sflag:s7], $0x4000  }
0xb8: {  	[sflag:s7] =	ssyncset.done $0x0  }
0xb9: {  	[sflag:s7] =	ssyncadd.s32 $0xFFFFC000  }
0xba: {  	[tilespmem:s14], [sflag:$0x2] =	stream.indirect.gather [hbm4b:s4+s8], $0x80, s22, s8, $0xb8;
	[tilespmem:$0x10800] =	vst v63  }
0xbb: {  	_ =	swait.ge [sflag:s9], $0x4000  }
0xbc: {  	[sflag:s9] =	ssyncset.done $0x0  }
0xbd: {  	s18 =	rddreg [dreg:$0x18];
	[sflag:s9] =	ssyncadd.s32 $0xFFFFC000  }
0xbe: {  	[hbm4b:s18+s3] =	stream.linear.scatter [tilespmem:s11], [sflag:$0x3], $0x4000, $0x38;
	[tilespmem:$0x10800] =	vst v63  }
0xbf: {  	_ =	swait.ge [sflag:s7], $0x4000  }
0xc0: {  	[sflag:s7] =	ssyncset.done $0x0  }
0xc1: {  	[sflag:s7] =	ssyncadd.s32 $0xFFFFC000  }
0xc2: {  	[tilespmem:s12], [sflag:$0x2] =	stream.indirect.gather [hbm4b:s4+s8], $0x80, s21, s8, $0xb8;
	[tilespmem:$0x10800] =	vst v63  }
0xc3: {  	_ =	swait.ge [sflag:s9], $0x4000  }
0xc4: {  	[sflag:s9] =	ssyncset.done $0x0  }
0xc5: {  	s18 =	rddreg [dreg:$0x19];
	[sflag:s9] =	ssyncadd.s32 $0xFFFFC000  }
0xc6: {  	[hbm4b:s18+s3] =	stream.linear.scatter [tilespmem:s10], [sflag:$0x3], $0x4000, $0x38;
	[tilespmem:$0x10800] =	vst v63  }
0xc7: {  	_ =	swait.ge [sflag:s7], $0x4000  }
0xc8: {  	[sflag:s7] =	ssyncset.done $0x0  }
0xc9: {  	[sflag:s7] =	ssyncadd.s32 $0xFFFFC000  }
0xca: {  	[tilespmem:s11], [sflag:$0x2] =	stream.indirect.gather [hbm4b:s2+s8], $0x80, s20, s8, $0xb8;
	[tilespmem:$0x10800] =	vst v63  }
0xcb: {  	_ =	swait.ge [sflag:s9], $0x4000  }
0xcc: {  	[sflag:s9] =	ssyncset.done $0x0  }
0xcd: {  	s18 =	rddreg [dreg:$0x1a];
	[sflag:s9] =	ssyncadd.s32 $0xFFFFC000  }
0xce: {  	[hbm4b:s18+s3] =	stream.linear.scatter [tilespmem:s14], [sflag:$0x3], $0x4000, $0x38;
	[tilespmem:$0x10800] =	vst v63  }
0xcf: {  	_ =	swait.ge [sflag:s7], $0x4000  }
0xd0: {  	[sflag:s7] =	ssyncset.done $0x0  }
0xd1: {  	[sflag:s7] =	ssyncadd.s32 $0xFFFFC000  }
0xd2: {  	[tilespmem:s10], [sflag:$0x2] =	stream.indirect.gather [hbm4b:s2+s8], $0x80, s19, s8, $0xb8;
	[tilespmem:$0x10800] =	vst v63  }
0xd3: {  	_ =	swait.ge [sflag:s9], $0x4000  }
0xd4: {  	[sflag:s9] =	ssyncset.done $0x0  }
0xd5: {  	s19 =	rddreg [dreg:$0x1b];
	[sflag:s9] =	ssyncadd.s32 $0xFFFFC000  }
0xd6: {  	[hbm4b:s19+s3] =	stream.linear.scatter [tilespmem:s12], [sflag:$0x3], $0x4000, $0x38;
	[tilespmem:$0x10800] =	vst v63  }
0xd7: {  	_ =	swait.ge [sflag:s9], $0x4000  }
0xd8: {  	[sflag:s9] =	ssyncset.done $0x0  }
0xd9: {  	s19 =	rddreg [dreg:$0x1c];
	[sflag:s9] =	ssyncadd.s32 $0xFFFFC000  }
0xda: {  	[hbm4b:s19+s3] =	stream.linear.scatter [tilespmem:s11], [sflag:$0x3], $0x4000, $0x38;
	[tilespmem:$0x10800] =	vst v63  }
0xdb: {  	_ =	swait.ge [sflag:s9], $0x4000  }
0xdc: {  	[sflag:s9] =	ssyncset.done $0x0  }
0xdd: {  	s19 =	rddreg [dreg:$0x1d];
	[sflag:s9] =	ssyncadd.s32 $0xFFFFC000  }
0xde: {  	[hbm4b:s19+s3] =	stream.linear.scatter [tilespmem:s10], [sflag:$0x3], $0x4000, $0x38;
	[tilespmem:$0x10800] =	vst v63  }
0xdf: {  	_ =	swait.ge [sflag:s7], $0x4000  }
0xe0: {  	[sflag:s7] =	ssyncset.done $0x0  }
0xe1: {  	[sflag:s7] =	ssyncadd.s32 $0xFFFFC000  }
0xe2: {  	_ =	swait.ge [sflag:s7], $0x4000  }
0xe3: {  	[sflag:s7] =	ssyncset.done $0x0  }
0xe4: {  	[sflag:s7] =	ssyncadd.s32 $0xFFFFC000  }
0xe5: {  	_ =	swait.ge [sflag:s7], $0x4000  }
0xe6: {  	s19 =	sld [smem:$0x7F2];
	_ =	sdelay $0x2  }
0xe7: {  	p1 =	sne.s32 s19, $0x1  }
.Ltmp1:
0xe8: {  	_ = 	snop;
	(pc) =	sbr.rel @!p1 .LBB2_2-.Ltmp1, $4  }
0xe9: {  	[sflag:s7] =	ssyncset.done $0x0  }
0xea: {  	[sflag:s7] =	ssyncadd.s32 $0xFFFFC000  }
0xeb: {  	_ =	swait.ge [sflag:s7], $0x4000  }
0xec: {  	p0 =	por $0x1, $0x1;
	s18 =	sadd.s32 $0xFFFFFFFF, s19;
	[sflag:s7] =	ssyncset.done $0x0  }
.LBB2_3:
0xed: {  	[sflag:s7] =	ssyncadd.s32 $0xFFFFC000  }
0xee: {  	[tilespmem:s3], [sflag:$0x1] =	stream.linear.gather [hbm4b:s29+s3], $0x80, $0x38;
	[tilespmem:$0x10800] =	vst v63  }
0xef: {  	s19 =	rddreg [dreg:$0x1e]  }
0xf0: {  	[tilespmem:s16], [sflag:$0x1] =	stream.linear.gather [hbm4b:s19+s3], $0x80, $0x38;
	[tilespmem:$0x10800] =	vst v63  }
0xf1: {  	_ = 	snop  }
0xf2: {  	[tilespmem:s8], [sflag:$0x1] =	stream.linear.gather [hbm4b:s30+s3], $0x80, $0x38;
	[tilespmem:$0x10800] =	vst v63  }
0xf3: {  	s16 =	rddreg [dreg:$0x1f]  }
0xf4: {  	[tilespmem:s15], [sflag:$0x1] =	stream.linear.gather [hbm4b:s16+s3], $0x80, $0x38;
	[tilespmem:$0x10800] =	vst v63  }
0xf5: {  	s10 =	sld [smem:$0x7F3]  }
0xf6: {  	[tilespmem:s13], [sflag:$0x1] =	stream.linear.gather [hbm4b:s31+s3], $0x80, $0x38;
	[tilespmem:$0x10800] =	vst v63  }
0xf7: {  	s16 =	sld [smem:$0x7F4]  }
0xf8: {  	[tilespmem:s1], [sflag:$0x1] =	stream.linear.gather [hbm4b:s10+s3], $0x80, $0x38;
	[tilespmem:$0x10800] =	vst v63  }
0xf9: {  	s15 =	sld [smem:$0x7F5]  }
0xfa: {  	[tilespmem:s0], [sflag:$0x1] =	stream.linear.gather [hbm4b:s16+s3], $0x80, $0x38;
	[tilespmem:$0x10800] =	vst v63  }
0xfb: {  	s13 =	sld [smem:$0x7F6]  }
0xfc: {  	[tilespmem:s28], [sflag:$0x1] =	stream.linear.gather [hbm4b:s15+s3], $0x80, $0x38;
	[tilespmem:$0x10800] =	vst v63  }
0xfd: {  	s10 =	sld [smem:$0x7F7]  }
0xfe: {  	[tilespmem:s26], [sflag:$0x1] =	stream.linear.gather [hbm4b:s13+s3], $0x80, $0x38;
	[tilespmem:$0x10800] =	vst v63  }
0xff: {  	s16 =	sld [smem:$0x7F8]  }
0x100: {  	[tilespmem:s25], [sflag:$0x1] =	stream.linear.gather [hbm4b:s10+s3], $0x80, $0x38;
	[tilespmem:$0x10800] =	vst v63  }
0x101: {  	s15 =	sld [smem:$0x7F9]  }
0x102: {  	[tilespmem:s24], [sflag:$0x1] =	stream.linear.gather [hbm4b:s16+s3], $0x80, $0x38;
	[tilespmem:$0x10800] =	vst v63  }
0x103: {  	s25 =	sld [smem:$0x7FA]  }
0x104: {  	[tilespmem:s23], [sflag:$0x1] =	stream.linear.gather [hbm4b:s15+s3], $0x80, $0x38;
	[tilespmem:$0x10800] =	vst v63  }
0x105: {  	s24 =	sld [smem:$0x7FB]  }
0x106: {  	[tilespmem:s22], [sflag:$0x1] =	stream.linear.gather [hbm4b:s25+s3], $0x80, $0x38;
	[tilespmem:$0x10800] =	vst v63  }
0x107: {  	s26 =	sld [smem:$0x7FC]  }
0x108: {  	[tilespmem:s21], [sflag:$0x1] =	stream.linear.gather [hbm4b:s24+s3], $0x80, $0x38;
	[tilespmem:$0x10800] =	vst v63  }
0x109: {  	s19 =	sld [smem:$0x7FD]  }
0x10a: {  	[tilespmem:s20], [sflag:$0x1] =	stream.linear.gather [hbm4b:s26+s3], $0x80, $0x38;
	[tilespmem:$0x10800] =	vst v63  }
0x10b: {  	s20 =	simm.s32 $0x780  }
0x10c: {  	[tilespmem:s20], [sflag:$0x1] =	stream.linear.gather [hbm4b:s19+s3], $0x80, $0x38;
	[tilespmem:$0x10800] =	vst v63  }
0x10d: {  	_ =	swait.ge [sflag:s17], $0x100  }
0x10e: {  	[sflag:s17] =	ssyncset.done $0x0  }
0x10f: {  	[sflag:s17] =	ssyncadd.s32 $0xFFFFFF00  }
0x110: {  	_ =	swait.ge [sflag:s17], $0x100  }
0x111: {  	[sflag:s17] =	ssyncset.done $0x0  }
0x112: {  	[sflag:s17] =	ssyncadd.s32 $0xFFFFFF00  }
0x113: {  	_ =	swait.ge [sflag:s17], $0x100  }
0x114: {  	[sflag:s17] =	ssyncset.done $0x0  }
0x115: {  	[sflag:s17] =	ssyncadd.s32 $0xFFFFFF00  }
0x116: {  	_ =	swait.ge [sflag:s17], $0x100  }
0x117: {  	[sflag:s17] =	ssyncset.done $0x0  }
0x118: {  	[sflag:s17] =	ssyncadd.s32 $0xFFFFFF00  }
0x119: {  	_ =	swait.ge [sflag:s17], $0x100  }
0x11a: {  	[sflag:s17] =	ssyncset.done $0x0  }
0x11b: {  	[sflag:s17] =	ssyncadd.s32 $0xFFFFFF00  }
0x11c: {  	_ =	swait.ge [sflag:s17], $0x100  }
0x11d: {  	[sflag:s17] =	ssyncset.done $0x0  }
0x11e: {  	[sflag:s17] =	ssyncadd.s32 $0xFFFFFF00  }
0x11f: {  	_ =	swait.ge [sflag:s17], $0x100  }
0x120: {  	[sflag:s17] =	ssyncset.done $0x0  }
0x121: {  	[sflag:s17] =	ssyncadd.s32 $0xFFFFFF00  }
0x122: {  	_ =	swait.ge [sflag:s17], $0x100  }
0x123: {  	[sflag:s17] =	ssyncset.done $0x0  }
0x124: {  	[sflag:s17] =	ssyncadd.s32 $0xFFFFFF00  }
0x125: {  	[tilespmem:s14], [sflag:$0x2] =	stream.indirect.gather [hbm4b:s6+s8], $0x80, s3, s8, $0xb8;
	[tilespmem:$0x10800] =	vst v63  }
0x126: {  	s10 =	simm.s32 $0x400  }
0x127: {  	[tilespmem:s12], [sflag:$0x2] =	stream.indirect.gather [hbm4b:s6+s8], $0x80, s10, s8, $0xb8;
	[tilespmem:$0x10800] =	vst v63  }
0x128: {  	_ = 	snop  }
0x129: {  	[tilespmem:s11], [sflag:$0x2] =	stream.indirect.gather [hbm4b:s5+s8], $0x80, s8, s8, $0xb8;
	[tilespmem:$0x10800] =	vst v63  }
0x12a: {  	_ =	swait.ge [sflag:s9], $0x4000  }
0x12b: {  	[sflag:s9] =	ssyncset.done $0x0  }
0x12c: {  	s19 =	rddreg [dreg:$0xe];
	[sflag:s9] =	ssyncadd.s32 $0xFFFFC000  }
0x12d: {  	[hbm4b:s19+s3] =	stream.linear.scatter [tilespmem:s14], [sflag:$0x3], $0x4000, $0x38;
	[tilespmem:$0x10800] =	vst v63  }
0x12e: {  	s16 =	simm.s32 $0x480;
	s10 =	simm.s32 $0xC800  }
0x12f: {  	[tilespmem:s10], [sflag:$0x2] =	stream.indirect.gather [hbm4b:s5+s8], $0x80, s16, s8, $0xb8;
	[tilespmem:$0x10800] =	vst v63  }
0x130: {  	_ =	swait.ge [sflag:s9], $0x4000  }
0x131: {  	[sflag:s9] =	ssyncset.done $0x0  }
0x132: {  	s19 =	rddreg [dreg:$0xf];
	[sflag:s9] =	ssyncadd.s32 $0xFFFFC000  }
0x133: {  	[hbm4b:s19+s3] =	stream.linear.scatter [tilespmem:s12], [sflag:$0x3], $0x4000, $0x38;
	[tilespmem:$0x10800] =	vst v63  }
0x134: {  	_ =	swait.ge [sflag:s7], $0x4000  }
0x135: {  	[sflag:s7] =	ssyncset.done $0x0  }
0x136: {  	s15 =	simm.s32 $0x100;
	[sflag:s7] =	ssyncadd.s32 $0xFFFFC000  }
0x137: {  	[tilespmem:s14], [sflag:$0x2] =	stream.indirect.gather [hbm4b:s4+s8], $0x80, s15, s8, $0xb8;
	[tilespmem:$0x10800] =	vst v63  }
0x138: {  	_ =	swait.ge [sflag:s9], $0x4000  }
0x139: {  	[sflag:s9] =	ssyncset.done $0x0  }
0x13a: {  	s19 =	rddreg [dreg:$0x10];
	[sflag:s9] =	ssyncadd.s32 $0xFFFFC000  }
0x13b: {  	[hbm4b:s19+s3] =	stream.linear.scatter [tilespmem:s11], [sflag:$0x3], $0x4000, $0x38;
	[tilespmem:$0x10800] =	vst v63  }
0x13c: {  	_ =	swait.ge [sflag:s7], $0x4000  }
0x13d: {  	[sflag:s7] =	ssyncset.done $0x0  }
0x13e: {  	s13 =	simm.s32 $0x500;
	[sflag:s7] =	ssyncadd.s32 $0xFFFFC000  }
0x13f: {  	[tilespmem:s12], [sflag:$0x2] =	stream.indirect.gather [hbm4b:s4+s8], $0x80, s13, s8, $0xb8;
	[tilespmem:$0x10800] =	vst v63  }
0x140: {  	_ =	swait.ge [sflag:s9], $0x4000  }
0x141: {  	[sflag:s9] =	ssyncset.done $0x0  }
0x142: {  	s19 =	rddreg [dreg:$0x11];
	[sflag:s9] =	ssyncadd.s32 $0xFFFFC000  }
0x143: {  	[hbm4b:s19+s3] =	stream.linear.scatter [tilespmem:s10], [sflag:$0x3], $0x4000, $0x38;
	[tilespmem:$0x10800] =	vst v63  }
0x144: {  	_ =	swait.ge [sflag:s7], $0x4000  }
0x145: {  	[sflag:s7] =	ssyncset.done $0x0  }
0x146: {  	s1 =	simm.s32 $0x180;
	[sflag:s7] =	ssyncadd.s32 $0xFFFFC000  }
0x147: {  	[tilespmem:s11], [sflag:$0x2] =	stream.indirect.gather [hbm4b:s2+s8], $0x80, s1, s8, $0xb8;
	[tilespmem:$0x10800] =	vst v63  }
0x148: {  	_ =	swait.ge [sflag:s9], $0x4000  }
0x149: {  	[sflag:s9] =	ssyncset.done $0x0  }
0x14a: {  	s19 =	rddreg [dreg:$0x12];
	[sflag:s9] =	ssyncadd.s32 $0xFFFFC000  }
0x14b: {  	[hbm4b:s19+s3] =	stream.linear.scatter [tilespmem:s14], [sflag:$0x3], $0x4000, $0x38;
	[tilespmem:$0x10800] =	vst v63  }
0x14c: {  	_ =	swait.ge [sflag:s7], $0x4000  }
0x14d: {  	[sflag:s7] =	ssyncset.done $0x0  }
0x14e: {  	s0 =	simm.s32 $0x580;
	[sflag:s7] =	ssyncadd.s32 $0xFFFFC000  }
0x14f: {  	[tilespmem:s10], [sflag:$0x2] =	stream.indirect.gather [hbm4b:s2+s8], $0x80, s0, s8, $0xb8;
	[tilespmem:$0x10800] =	vst v63  }
0x150: {  	_ =	swait.ge [sflag:s9], $0x4000  }
0x151: {  	[sflag:s9] =	ssyncset.done $0x0  }
0x152: {  	s19 =	rddreg [dreg:$0x13];
	[sflag:s9] =	ssyncadd.s32 $0xFFFFC000  }
0x153: {  	[hbm4b:s19+s3] =	stream.linear.scatter [tilespmem:s12], [sflag:$0x3], $0x4000, $0x38;
	[tilespmem:$0x10800] =	vst v63  }
0x154: {  	_ =	swait.ge [sflag:s7], $0x4000  }
0x155: {  	[sflag:s7] =	ssyncset.done $0x0  }
0x156: {  	s28 =	simm.s32 $0x200;
	[sflag:s7] =	ssyncadd.s32 $0xFFFFC000  }
0x157: {  	[tilespmem:s14], [sflag:$0x2] =	stream.indirect.gather [hbm4b:s6+s8], $0x80, s28, s8, $0xb8;
	[tilespmem:$0x10800] =	vst v63  }
0x158: {  	_ =	swait.ge [sflag:s9], $0x4000  }
0x159: {  	[sflag:s9] =	ssyncset.done $0x0  }
0x15a: {  	s19 =	rddreg [dreg:$0x14];
	[sflag:s9] =	ssyncadd.s32 $0xFFFFC000  }
0x15b: {  	[hbm4b:s19+s3] =	stream.linear.scatter [tilespmem:s11], [sflag:$0x3], $0x4000, $0x38;
	[tilespmem:$0x10800] =	vst v63  }
0x15c: {  	_ =	swait.ge [sflag:s7], $0x4000  }
0x15d: {  	[sflag:s7] =	ssyncset.done $0x0  }
0x15e: {  	s26 =	simm.s32 $0x600;
	[sflag:s7] =	ssyncadd.s32 $0xFFFFC000  }
0x15f: {  	[tilespmem:s12], [sflag:$0x2] =	stream.indirect.gather [hbm4b:s6+s8], $0x80, s26, s8, $0xb8;
	[tilespmem:$0x10800] =	vst v63  }
0x160: {  	_ =	swait.ge [sflag:s9], $0x4000  }
0x161: {  	[sflag:s9] =	ssyncset.done $0x0  }
0x162: {  	s19 =	rddreg [dreg:$0x15];
	[sflag:s9] =	ssyncadd.s32 $0xFFFFC000  }
0x163: {  	[hbm4b:s19+s3] =	stream.linear.scatter [tilespmem:s10], [sflag:$0x3], $0x4000, $0x38;
	[tilespmem:$0x10800] =	vst v63  }
0x164: {  	_ =	swait.ge [sflag:s7], $0x4000  }
0x165: {  	[sflag:s7] =	ssyncset.done $0x0  }
0x166: {  	s25 =	simm.s32 $0x280;
	[sflag:s7] =	ssyncadd.s32 $0xFFFFC000  }
0x167: {  	[tilespmem:s11], [sflag:$0x2] =	stream.indirect.gather [hbm4b:s5+s8], $0x80, s25, s8, $0xb8;
	[tilespmem:$0x10800] =	vst v63  }
0x168: {  	_ =	swait.ge [sflag:s9], $0x4000  }
0x169: {  	[sflag:s9] =	ssyncset.done $0x0  }
0x16a: {  	s19 =	rddreg [dreg:$0x16];
	[sflag:s9] =	ssyncadd.s32 $0xFFFFC000  }
0x16b: {  	[hbm4b:s19+s3] =	stream.linear.scatter [tilespmem:s14], [sflag:$0x3], $0x4000, $0x38;
	[tilespmem:$0x10800] =	vst v63  }
0x16c: {  	_ =	swait.ge [sflag:s7], $0x4000  }
0x16d: {  	[sflag:s7] =	ssyncset.done $0x0  }
0x16e: {  	s24 =	simm.s32 $0x680;
	[sflag:s7] =	ssyncadd.s32 $0xFFFFC000  }
0x16f: {  	[tilespmem:s10], [sflag:$0x2] =	stream.indirect.gather [hbm4b:s5+s8], $0x80, s24, s8, $0xb8;
	[tilespmem:$0x10800] =	vst v63  }
0x170: {  	_ =	swait.ge [sflag:s9], $0x4000  }
0x171: {  	[sflag:s9] =	ssyncset.done $0x0  }
0x172: {  	s19 =	rddreg [dreg:$0x17];
	[sflag:s9] =	ssyncadd.s32 $0xFFFFC000  }
0x173: {  	[hbm4b:s19+s3] =	stream.linear.scatter [tilespmem:s12], [sflag:$0x3], $0x4000, $0x38;
	[tilespmem:$0x10800] =	vst v63  }
0x174: {  	_ =	swait.ge [sflag:s7], $0x4000  }
0x175: {  	[sflag:s7] =	ssyncset.done $0x0  }
0x176: {  	s23 =	simm.s32 $0x300;
	[sflag:s7] =	ssyncadd.s32 $0xFFFFC000  }
0x177: {  	[tilespmem:s14], [sflag:$0x2] =	stream.indirect.gather [hbm4b:s4+s8], $0x80, s23, s8, $0xb8;
	[tilespmem:$0x10800] =	vst v63  }
0x178: {  	_ =	swait.ge [sflag:s9], $0x4000  }
0x179: {  	[sflag:s9] =	ssyncset.done $0x0  }
0x17a: {  	s19 =	rddreg [dreg:$0x18];
	[sflag:s9] =	ssyncadd.s32 $0xFFFFC000  }
0x17b: {  	[hbm4b:s19+s3] =	stream.linear.scatter [tilespmem:s11], [sflag:$0x3], $0x4000, $0x38;
	[tilespmem:$0x10800] =	vst v63  }
0x17c: {  	_ =	swait.ge [sflag:s7], $0x4000  }
0x17d: {  	[sflag:s7] =	ssyncset.done $0x0  }
0x17e: {  	s22 =	simm.s32 $0x700;
	[sflag:s7] =	ssyncadd.s32 $0xFFFFC000  }
0x17f: {  	[tilespmem:s12], [sflag:$0x2] =	stream.indirect.gather [hbm4b:s4+s8], $0x80, s22, s8, $0xb8;
	[tilespmem:$0x10800] =	vst v63  }
0x180: {  	_ =	swait.ge [sflag:s9], $0x4000  }
0x181: {  	[sflag:s9] =	ssyncset.done $0x0  }
0x182: {  	s19 =	rddreg [dreg:$0x19];
	[sflag:s9] =	ssyncadd.s32 $0xFFFFC000  }
0x183: {  	[hbm4b:s19+s3] =	stream.linear.scatter [tilespmem:s10], [sflag:$0x3], $0x4000, $0x38;
	[tilespmem:$0x10800] =	vst v63  }
0x184: {  	_ =	swait.ge [sflag:s7], $0x4000  }
0x185: {  	[sflag:s7] =	ssyncset.done $0x0  }
0x186: {  	s21 =	simm.s32 $0x380;
	[sflag:s7] =	ssyncadd.s32 $0xFFFFC000  }
0x187: {  	[tilespmem:s11], [sflag:$0x2] =	stream.indirect.gather [hbm4b:s2+s8], $0x80, s21, s8, $0xb8;
	[tilespmem:$0x10800] =	vst v63  }
0x188: {  	_ =	swait.ge [sflag:s9], $0x4000  }
0x189: {  	[sflag:s9] =	ssyncset.done $0x0  }
0x18a: {  	s19 =	rddreg [dreg:$0x1a];
	[sflag:s9] =	ssyncadd.s32 $0xFFFFC000  }
0x18b: {  	[hbm4b:s19+s3] =	stream.linear.scatter [tilespmem:s14], [sflag:$0x3], $0x4000, $0x38;
	[tilespmem:$0x10800] =	vst v63  }
0x18c: {  	_ =	swait.ge [sflag:s7], $0x4000  }
0x18d: {  	[sflag:s7] =	ssyncset.done $0x0  }
0x18e: {  	[sflag:s7] =	ssyncadd.s32 $0xFFFFC000  }
0x18f: {  	[tilespmem:s10], [sflag:$0x2] =	stream.indirect.gather [hbm4b:s2+s8], $0x80, s20, s8, $0xb8;
	[tilespmem:$0x10800] =	vst v63  }
0x190: {  	_ =	swait.ge [sflag:s9], $0x4000  }
0x191: {  	[sflag:s9] =	ssyncset.done $0x0  }
0x192: {  	s19 =	rddreg [dreg:$0x1b];
	[sflag:s9] =	ssyncadd.s32 $0xFFFFC000  }
0x193: {  	[hbm4b:s19+s3] =	stream.linear.scatter [tilespmem:s12], [sflag:$0x3], $0x4000, $0x38;
	[tilespmem:$0x10800] =	vst v63  }
0x194: {  	_ =	swait.ge [sflag:s9], $0x4000  }
0x195: {  	[sflag:s9] =	ssyncset.done $0x0  }
0x196: {  	s19 =	rddreg [dreg:$0x1c];
	[sflag:s9] =	ssyncadd.s32 $0xFFFFC000  }
0x197: {  	[hbm4b:s19+s3] =	stream.linear.scatter [tilespmem:s11], [sflag:$0x3], $0x4000, $0x38;
	[tilespmem:$0x10800] =	vst v63  }
0x198: {  	_ =	swait.ge [sflag:s9], $0x4000  }
0x199: {  	[sflag:s9] =	ssyncset.done $0x0  }
0x19a: {  	s19 =	rddreg [dreg:$0x1d];
	[sflag:s9] =	ssyncadd.s32 $0xFFFFC000  }
0x19b: {  	[hbm4b:s19+s3] =	stream.linear.scatter [tilespmem:s10], [sflag:$0x3], $0x4000, $0x38;
	[tilespmem:$0x10800] =	vst v63  }
0x19c: {  	_ =	swait.ge [sflag:s7], $0x4000  }
0x19d: {  	[sflag:s7] =	ssyncset.done $0x0  }
0x19e: {  	[sflag:s7] =	ssyncadd.s32 $0xFFFFC000  }
0x19f: {  	p1 =	sne.s32 s18, $0x1;
	s18 =	sadd.s32 $0xFFFFFFFF, s18;
	_ =	swait.ge [sflag:s7], $0x4000  }
0x1a0: {  	s16 =	simm.s32 $0x400;
	s15 =	simm.s32 $0x480;
	[sflag:s7] =	ssyncset.done $0x0  }
0x1a1: {  	s13 =	simm.s32 $0x100;
	s1 =	simm.s32 $0x500;
	[sflag:s7] =	ssyncadd.s32 $0xFFFFC000  }
.Ltmp2:
0x1a2: {  	s0 =	simm.s32 $0x180;
	_ =	swait.ge [sflag:s7], $0x4000;
	(pc) =	sbr.rel @p1 .LBB2_3-.Ltmp2, $4  }
0x1a3: {  	s28 =	simm.s32 $0x580;
	s26 =	simm.s32 $0x200;
	[sflag:s7] =	ssyncset.done $0x0  }
0x1a4: {  	s25 =	simm.s32 $0x600;
	s24 =	simm.s32 $0x280;
	[sflag:s7] =	ssyncadd.s32 $0xFFFFC000  }
0x1a5: {  	s23 =	simm.s32 $0x680;
	s22 =	simm.s32 $0x300;
	_ =	swait.ge [sflag:s7], $0x4000  }
0x1a6: {  	s21 =	simm.s32 $0x700;
	s20 =	simm.s32 $0x380;
	[sflag:s7] =	ssyncset.done $0x0  }
0x1a7: {  	s19 =	stileid.u32  }
.LBB2_5:
0x1a8: {  	[sflag:s7] =	ssyncadd.s32 @p0 $0xFFFFC000  }
0x1a9: {  	[tilespmem:s3], [sflag:$0x1] =	stream.linear.gather [hbm4b:s29+s3], $0x80, $0x38;
	[tilespmem:$0x10800] =	vst v63  }
0x1aa: {  	s18 =	rddreg [dreg:$0x1e]  }
0x1ab: {  	[tilespmem:s16], [sflag:$0x1] =	stream.linear.gather [hbm4b:s18+s3], $0x80, $0x38;
	[tilespmem:$0x10800] =	vst v63  }
0x1ac: {  	_ = 	snop  }
0x1ad: {  	[tilespmem:s8], [sflag:$0x1] =	stream.linear.gather [hbm4b:s30+s3], $0x80, $0x38;
	[tilespmem:$0x10800] =	vst v63  }
0x1ae: {  	s29 =	rddreg [dreg:$0x1f]  }
0x1af: {  	[tilespmem:s15], [sflag:$0x1] =	stream.linear.gather [hbm4b:s29+s3], $0x80, $0x38;
	[tilespmem:$0x10800] =	vst v63  }
0x1b0: {  	s16 =	sld [smem:$0x7F3]  }
0x1b1: {  	[tilespmem:s13], [sflag:$0x1] =	stream.linear.gather [hbm4b:s31+s3], $0x80, $0x38;
	[tilespmem:$0x10800] =	vst v63  }
0x1b2: {  	s30 =	sld [smem:$0x7F4]  }
0x1b3: {  	[tilespmem:s1], [sflag:$0x1] =	stream.linear.gather [hbm4b:s16+s3], $0x80, $0x38;
	[tilespmem:$0x10800] =	vst v63  }
0x1b4: {  	s29 =	sld [smem:$0x7F5]  }
0x1b5: {  	[tilespmem:s0], [sflag:$0x1] =	stream.linear.gather [hbm4b:s30+s3], $0x80, $0x38;
	[tilespmem:$0x10800] =	vst v63  }
0x1b6: {  	s18 =	sld [smem:$0x7F6]  }
0x1b7: {  	[tilespmem:s28], [sflag:$0x1] =	stream.linear.gather [hbm4b:s29+s3], $0x80, $0x38;
	[tilespmem:$0x10800] =	vst v63  }
0x1b8: {  	s31 =	sld [smem:$0x7F7]  }
0x1b9: {  	[tilespmem:s26], [sflag:$0x1] =	stream.linear.gather [hbm4b:s18+s3], $0x80, $0x38;
	[tilespmem:$0x10800] =	vst v63  }
0x1ba: {  	_ = 	snop  }
0x1bb: {  	[tilespmem:s25], [sflag:$0x1] =	stream.linear.gather [hbm4b:s31+s3], $0x80, $0x38;
	[tilespmem:$0x10800] =	vst v63  }
0x1bc: {  	s31 =	sld [smem:$0x7F8];
	_ =	sdelay $0x1  }
0x1bd: {  	s30 =	sld [smem:$0x7F9]  }
0x1be: {  	[tilespmem:s24], [sflag:$0x1] =	stream.linear.gather [hbm4b:s31+s3], $0x80, $0x38;
	[tilespmem:$0x10800] =	vst v63  }
0x1bf: {  	s31 =	sld [smem:$0x7FA]  }
0x1c0: {  	[tilespmem:s23], [sflag:$0x1] =	stream.linear.gather [hbm4b:s30+s3], $0x80, $0x38;
	[tilespmem:$0x10800] =	vst v63  }
0x1c1: {  	s30 =	sld [smem:$0x7FB]  }
0x1c2: {  	[tilespmem:s22], [sflag:$0x1] =	stream.linear.gather [hbm4b:s31+s3], $0x80, $0x38;
	[tilespmem:$0x10800] =	vst v63  }
0x1c3: {  	s31 =	sld [smem:$0x7FC]  }
0x1c4: {  	[tilespmem:s21], [sflag:$0x1] =	stream.linear.gather [hbm4b:s30+s3], $0x80, $0x38;
	[tilespmem:$0x10800] =	vst v63  }
0x1c5: {  	s30 =	sld [smem:$0x7FD]  }
0x1c6: {  	[tilespmem:s20], [sflag:$0x1] =	stream.linear.gather [hbm4b:s31+s3], $0x80, $0x38;
	[tilespmem:$0x10800] =	vst v63  }
0x1c7: {  	s1 =	simm.s32 $0x780  }
0x1c8: {  	[tilespmem:s1], [sflag:$0x1] =	stream.linear.gather [hbm4b:s30+s3], $0x80, $0x38;
	[tilespmem:$0x10800] =	vst v63  }
0x1c9: {  	_ =	swait.ge [sflag:s17], $0x100  }
0x1ca: {  	[sflag:s17] =	ssyncset.done $0x0  }
0x1cb: {  	[sflag:s17] =	ssyncadd.s32 $0xFFFFFF00  }
0x1cc: {  	_ =	swait.ge [sflag:s17], $0x100  }
0x1cd: {  	[sflag:s17] =	ssyncset.done $0x0  }
0x1ce: {  	[sflag:s17] =	ssyncadd.s32 $0xFFFFFF00  }
0x1cf: {  	_ =	swait.ge [sflag:s17], $0x100  }
0x1d0: {  	[sflag:s17] =	ssyncset.done $0x0  }
0x1d1: {  	[sflag:s17] =	ssyncadd.s32 $0xFFFFFF00  }
0x1d2: {  	_ =	swait.ge [sflag:s17], $0x100  }
0x1d3: {  	[sflag:s17] =	ssyncset.done $0x0  }
0x1d4: {  	[sflag:s17] =	ssyncadd.s32 $0xFFFFFF00  }
0x1d5: {  	_ =	swait.ge [sflag:s17], $0x100  }
0x1d6: {  	[sflag:s17] =	ssyncset.done $0x0  }
0x1d7: {  	[sflag:s17] =	ssyncadd.s32 $0xFFFFFF00  }
0x1d8: {  	_ =	swait.ge [sflag:s17], $0x100  }
0x1d9: {  	[sflag:s17] =	ssyncset.done $0x0  }
0x1da: {  	[sflag:s17] =	ssyncadd.s32 $0xFFFFFF00  }
0x1db: {  	_ =	swait.ge [sflag:s17], $0x100  }
0x1dc: {  	[sflag:s17] =	ssyncset.done $0x0  }
0x1dd: {  	[sflag:s17] =	ssyncadd.s32 $0xFFFFFF00  }
0x1de: {  	_ =	swait.ge [sflag:s17], $0x100  }
0x1df: {  	[sflag:s17] =	ssyncset.done $0x0  }
0x1e0: {  	[sflag:s17] =	ssyncadd.s32 $0xFFFFFF00  }
0x1e1: {  	[tilespmem:s14], [sflag:$0x2] =	stream.indirect.gather [hbm4b:s6+s8], $0x80, s3, s8, $0xb8;
	[tilespmem:$0x10800] =	vst v63  }
0x1e2: {  	s29 =	simm.s32 $0x400  }
0x1e3: {  	[tilespmem:s12], [sflag:$0x2] =	stream.indirect.gather [hbm4b:s6+s8], $0x80, s29, s8, $0xb8;
	[tilespmem:$0x10800] =	vst v63  }
0x1e4: {  	_ = 	snop  }
0x1e5: {  	[tilespmem:s11], [sflag:$0x2] =	stream.indirect.gather [hbm4b:s5+s8], $0x80, s8, s8, $0xb8;
	[tilespmem:$0x10800] =	vst v63  }
0x1e6: {  	_ =	swait.ge [sflag:s9], $0x4000  }
0x1e7: {  	[sflag:s9] =	ssyncset.done $0x0  }
0x1e8: {  	s17 =	rddreg [dreg:$0xe];
	[sflag:s9] =	ssyncadd.s32 $0xFFFFC000  }
0x1e9: {  	[hbm4b:s17+s3] =	stream.linear.scatter [tilespmem:s14], [sflag:$0x3], $0x4000, $0x38;
	[tilespmem:$0x10800] =	vst v63  }
0x1ea: {  	s16 =	simm.s32 $0x480  }
0x1eb: {  	[tilespmem:s10], [sflag:$0x2] =	stream.indirect.gather [hbm4b:s5+s8], $0x80, s16, s8, $0xb8;
	[tilespmem:$0x10800] =	vst v63  }
0x1ec: {  	_ =	swait.ge [sflag:s9], $0x4000  }
0x1ed: {  	[sflag:s9] =	ssyncset.done $0x0  }
0x1ee: {  	s29 =	rddreg [dreg:$0xf];
	[sflag:s9] =	ssyncadd.s32 $0xFFFFC000  }
0x1ef: {  	[hbm4b:s29+s3] =	stream.linear.scatter [tilespmem:s12], [sflag:$0x3], $0x4000, $0x38;
	[tilespmem:$0x10800] =	vst v63  }
0x1f0: {  	_ =	swait.ge [sflag:s7], $0x4000  }
0x1f1: {  	[sflag:s7] =	ssyncset.done $0x0  }
0x1f2: {  	s15 =	simm.s32 $0x100;
	[sflag:s7] =	ssyncadd.s32 $0xFFFFC000  }
0x1f3: {  	[tilespmem:s14], [sflag:$0x2] =	stream.indirect.gather [hbm4b:s4+s8], $0x80, s15, s8, $0xb8;
	[tilespmem:$0x10800] =	vst v63  }
0x1f4: {  	_ =	swait.ge [sflag:s9], $0x4000  }
0x1f5: {  	[sflag:s9] =	ssyncset.done $0x0  }
0x1f6: {  	s30 =	rddreg [dreg:$0x10];
	[sflag:s9] =	ssyncadd.s32 $0xFFFFC000  }
0x1f7: {  	[hbm4b:s30+s3] =	stream.linear.scatter [tilespmem:s11], [sflag:$0x3], $0x4000, $0x38;
	[tilespmem:$0x10800] =	vst v63  }
0x1f8: {  	_ =	swait.ge [sflag:s7], $0x4000  }
0x1f9: {  	[sflag:s7] =	ssyncset.done $0x0  }
0x1fa: {  	s13 =	simm.s32 $0x500;
	[sflag:s7] =	ssyncadd.s32 $0xFFFFC000  }
0x1fb: {  	[tilespmem:s12], [sflag:$0x2] =	stream.indirect.gather [hbm4b:s4+s8], $0x80, s13, s8, $0xb8;
	[tilespmem:$0x10800] =	vst v63  }
0x1fc: {  	_ =	swait.ge [sflag:s9], $0x4000  }
0x1fd: {  	[sflag:s9] =	ssyncset.done $0x0  }
0x1fe: {  	s31 =	rddreg [dreg:$0x11];
	[sflag:s9] =	ssyncadd.s32 $0xFFFFC000  }
0x1ff: {  	[hbm4b:s31+s3] =	stream.linear.scatter [tilespmem:s10], [sflag:$0x3], $0x4000, $0x38;
	[tilespmem:$0x10800] =	vst v63  }
0x200: {  	_ =	swait.ge [sflag:s7], $0x4000  }
0x201: {  	[sflag:s7] =	ssyncset.done $0x0  }
0x202: {  	s18 =	simm.s32 $0x180;
	[sflag:s7] =	ssyncadd.s32 $0xFFFFC000  }
0x203: {  	[tilespmem:s11], [sflag:$0x2] =	stream.indirect.gather [hbm4b:s2+s8], $0x80, s18, s8, $0xb8;
	[tilespmem:$0x10800] =	vst v63  }
0x204: {  	_ =	swait.ge [sflag:s9], $0x4000  }
0x205: {  	[sflag:s9] =	ssyncset.done $0x0  }
0x206: {  	s13 =	rddreg [dreg:$0x12];
	[sflag:s9] =	ssyncadd.s32 $0xFFFFC000  }
0x207: {  	[hbm4b:s13+s3] =	stream.linear.scatter [tilespmem:s14], [sflag:$0x3], $0x4000, $0x38;
	[tilespmem:$0x10800] =	vst v63  }
0x208: {  	_ =	swait.ge [sflag:s7], $0x4000  }
0x209: {  	[sflag:s7] =	ssyncset.done $0x0  }
0x20a: {  	[sflag:s7] =	ssyncadd.s32 $0xFFFFC000  }
0x20b: {  	[tilespmem:s10], [sflag:$0x2] =	stream.indirect.gather [hbm4b:s2+s8], $0x80, s28, s8, $0xb8;
	[tilespmem:$0x10800] =	vst v63  }
0x20c: {  	_ =	swait.ge [sflag:s9], $0x4000  }
0x20d: {  	[sflag:s9] =	ssyncset.done $0x0  }
0x20e: {  	s15 =	rddreg [dreg:$0x13];
	[sflag:s9] =	ssyncadd.s32 $0xFFFFC000  }
0x20f: {  	[hbm4b:s15+s3] =	stream.linear.scatter [tilespmem:s12], [sflag:$0x3], $0x4000, $0x38;
	[tilespmem:$0x10800] =	vst v63  }
0x210: {  	_ =	swait.ge [sflag:s7], $0x4000  }
0x211: {  	[sflag:s7] =	ssyncset.done $0x0  }
0x212: {  	[sflag:s7] =	ssyncadd.s32 $0xFFFFC000  }
0x213: {  	[tilespmem:s14], [sflag:$0x2] =	stream.indirect.gather [hbm4b:s6+s8], $0x80, s26, s8, $0xb8;
	[tilespmem:$0x10800] =	vst v63  }
0x214: {  	_ =	swait.ge [sflag:s9], $0x4000  }
0x215: {  	[sflag:s9] =	ssyncset.done $0x0  }
0x216: {  	s16 =	rddreg [dreg:$0x14];
	[sflag:s9] =	ssyncadd.s32 $0xFFFFC000  }
0x217: {  	[hbm4b:s16+s3] =	stream.linear.scatter [tilespmem:s11], [sflag:$0x3], $0x4000, $0x38;
	[tilespmem:$0x10800] =	vst v63  }
0x218: {  	_ =	swait.ge [sflag:s7], $0x4000  }
0x219: {  	[sflag:s7] =	ssyncset.done $0x0  }
0x21a: {  	[sflag:s7] =	ssyncadd.s32 $0xFFFFC000  }
0x21b: {  	[tilespmem:s12], [sflag:$0x2] =	stream.indirect.gather [hbm4b:s6+s8], $0x80, s25, s8, $0xb8;
	[tilespmem:$0x10800] =	vst v63  }
0x21c: {  	_ =	swait.ge [sflag:s9], $0x4000  }
0x21d: {  	[sflag:s9] =	ssyncset.done $0x0  }
0x21e: {  	s17 =	rddreg [dreg:$0x15];
	[sflag:s9] =	ssyncadd.s32 $0xFFFFC000  }
0x21f: {  	[hbm4b:s17+s3] =	stream.linear.scatter [tilespmem:s10], [sflag:$0x3], $0x4000, $0x38;
	[tilespmem:$0x10800] =	vst v63  }
0x220: {  	_ =	swait.ge [sflag:s7], $0x4000  }
0x221: {  	[sflag:s7] =	ssyncset.done $0x0  }
0x222: {  	[sflag:s7] =	ssyncadd.s32 $0xFFFFC000  }
0x223: {  	[tilespmem:s11], [sflag:$0x2] =	stream.indirect.gather [hbm4b:s5+s8], $0x80, s24, s8, $0xb8;
	[tilespmem:$0x10800] =	vst v63  }
0x224: {  	_ =	swait.ge [sflag:s9], $0x4000  }
0x225: {  	[sflag:s9] =	ssyncset.done $0x0  }
0x226: {  	s18 =	rddreg [dreg:$0x16];
	[sflag:s9] =	ssyncadd.s32 $0xFFFFC000  }
0x227: {  	[hbm4b:s18+s3] =	stream.linear.scatter [tilespmem:s14], [sflag:$0x3], $0x4000, $0x38;
	[tilespmem:$0x10800] =	vst v63  }
0x228: {  	_ =	swait.ge [sflag:s7], $0x4000  }
0x229: {  	[sflag:s7] =	ssyncset.done $0x0  }
0x22a: {  	[sflag:s7] =	ssyncadd.s32 $0xFFFFC000  }
0x22b: {  	[tilespmem:s10], [sflag:$0x2] =	stream.indirect.gather [hbm4b:s5+s8], $0x80, s23, s8, $0xb8;
	[tilespmem:$0x10800] =	vst v63  }
0x22c: {  	_ =	swait.ge [sflag:s9], $0x4000  }
0x22d: {  	[sflag:s9] =	ssyncset.done $0x0  }
0x22e: {  	s24 =	rddreg [dreg:$0x17];
	[sflag:s9] =	ssyncadd.s32 $0xFFFFC000  }
0x22f: {  	[hbm4b:s24+s3] =	stream.linear.scatter [tilespmem:s12], [sflag:$0x3], $0x4000, $0x38;
	[tilespmem:$0x10800] =	vst v63  }
0x230: {  	_ =	swait.ge [sflag:s7], $0x4000  }
0x231: {  	[sflag:s7] =	ssyncset.done $0x0  }
0x232: {  	[sflag:s7] =	ssyncadd.s32 $0xFFFFC000  }
0x233: {  	[tilespmem:s14], [sflag:$0x2] =	stream.indirect.gather [hbm4b:s4+s8], $0x80, s22, s8, $0xb8;
	[tilespmem:$0x10800] =	vst v63  }
0x234: {  	_ =	swait.ge [sflag:s9], $0x4000  }
0x235: {  	[sflag:s9] =	ssyncset.done $0x0  }
0x236: {  	s25 =	rddreg [dreg:$0x18];
	[sflag:s9] =	ssyncadd.s32 $0xFFFFC000  }
0x237: {  	[hbm4b:s25+s3] =	stream.linear.scatter [tilespmem:s11], [sflag:$0x3], $0x4000, $0x38;
	[tilespmem:$0x10800] =	vst v63  }
0x238: {  	_ =	swait.ge [sflag:s7], $0x4000  }
0x239: {  	[sflag:s7] =	ssyncset.done $0x0  }
0x23a: {  	[sflag:s7] =	ssyncadd.s32 $0xFFFFC000  }
0x23b: {  	[tilespmem:s12], [sflag:$0x2] =	stream.indirect.gather [hbm4b:s4+s8], $0x80, s21, s8, $0xb8;
	[tilespmem:$0x10800] =	vst v63  }
0x23c: {  	_ =	swait.ge [sflag:s9], $0x4000  }
0x23d: {  	[sflag:s9] =	ssyncset.done $0x0  }
0x23e: {  	s26 =	rddreg [dreg:$0x19];
	[sflag:s9] =	ssyncadd.s32 $0xFFFFC000  }
0x23f: {  	[hbm4b:s26+s3] =	stream.linear.scatter [tilespmem:s10], [sflag:$0x3], $0x4000, $0x38;
	[tilespmem:$0x10800] =	vst v63  }
0x240: {  	_ =	swait.ge [sflag:s7], $0x4000  }
0x241: {  	[sflag:s7] =	ssyncset.done $0x0  }
0x242: {  	[sflag:s7] =	ssyncadd.s32 $0xFFFFC000  }
0x243: {  	[tilespmem:s11], [sflag:$0x2] =	stream.indirect.gather [hbm4b:s2+s8], $0x80, s20, s8, $0xb8;
	[tilespmem:$0x10800] =	vst v63  }
0x244: {  	_ =	swait.ge [sflag:s9], $0x4000  }
0x245: {  	[sflag:s9] =	ssyncset.done $0x0  }
0x246: {  	s28 =	rddreg [dreg:$0x1a];
	[sflag:s9] =	ssyncadd.s32 $0xFFFFC000  }
0x247: {  	[hbm4b:s28+s3] =	stream.linear.scatter [tilespmem:s14], [sflag:$0x3], $0x4000, $0x38;
	[tilespmem:$0x10800] =	vst v63  }
0x248: {  	_ =	swait.ge [sflag:s7], $0x4000  }
0x249: {  	[sflag:s7] =	ssyncset.done $0x0  }
0x24a: {  	[sflag:s7] =	ssyncadd.s32 $0xFFFFC000  }
0x24b: {  	[tilespmem:s10], [sflag:$0x2] =	stream.indirect.gather [hbm4b:s2+s8], $0x80, s1, s8, $0xb8;
	[tilespmem:$0x10800] =	vst v63  }
0x24c: {  	_ =	swait.ge [sflag:s9], $0x4000  }
0x24d: {  	[sflag:s9] =	ssyncset.done $0x0  }
0x24e: {  	s29 =	rddreg [dreg:$0x1b];
	[sflag:s9] =	ssyncadd.s32 $0xFFFFC000  }
0x24f: {  	[hbm4b:s29+s3] =	stream.linear.scatter [tilespmem:s12], [sflag:$0x3], $0x4000, $0x38;
	[tilespmem:$0x10800] =	vst v63  }
0x250: {  	_ =	swait.ge [sflag:s9], $0x4000  }
0x251: {  	[sflag:s9] =	ssyncset.done $0x0  }
0x252: {  	s30 =	rddreg [dreg:$0x1c];
	[sflag:s9] =	ssyncadd.s32 $0xFFFFC000  }
0x253: {  	[hbm4b:s30+s3] =	stream.linear.scatter [tilespmem:s11], [sflag:$0x3], $0x4000, $0x38;
	[tilespmem:$0x10800] =	vst v63  }
0x254: {  	_ =	swait.ge [sflag:s9], $0x4000  }
0x255: {  	[sflag:s9] =	ssyncset.done $0x0  }
0x256: {  	s31 =	rddreg [dreg:$0x1d];
	[sflag:s9] =	ssyncadd.s32 $0xFFFFC000  }
0x257: {  	[hbm4b:s31+s3] =	stream.linear.scatter [tilespmem:s10], [sflag:$0x3], $0x4000, $0x38;
	[tilespmem:$0x10800] =	vst v63  }
0x258: {  	_ =	swait.ge [sflag:s7], $0x4000  }
0x259: {  	[sflag:s7] =	ssyncset.done $0x0  }
0x25a: {  	[sflag:s7] =	ssyncadd.s32 $0xFFFFC000  }
0x25b: {  	_ =	swait.ge [sflag:s7], $0x4000  }
0x25c: {  	[sflag:s7] =	ssyncset.done $0x0  }
0x25d: {  	[sflag:s7] =	ssyncadd.s32 $0xFFFFC000  }
0x25e: {  	_ =	swait.ge [sflag:s7], $0x4000  }
0x25f: {  	[sflag:s7] =	ssyncset.done $0x0  }
0x260: {  	[sflag:s7] =	ssyncadd.s32 $0xFFFFC000  }
0x261: {  	_ =	swait.ge [sflag:s7], $0x4000  }
0x262: {  	[sflag:s7] =	ssyncset.done $0x0  }
0x263: {  	[sflag:s7] =	ssyncadd.s32 $0xFFFFC000  }
0x264: {  	_ =	sfence.sel $0x180000  }
0x265: {  	[bflag:$0x0] =	sbarrier.arrive $0xFFFF  }
0x266: {  	_ =	strace $0x90000047  }
0x267: {  	[bflag:$0x2] =	sbarrier.arrive $0xFFFF  }
0x268: {  	p0 =	sne.s32 s19, $0x0;
	s0 =	rddreg [dreg:$0xd]  }
0x269: {  	s0 =	sadd.s32 @!p0 $0x100000, s0  }
0x26a: {  	[sflag:s0] =	ssyncadd.tile.s32 @!p0 $0x1;
	_ =	shalt  }
.LBB2_2:
.Ltmp3:
0x26b: {  	(pc) =	sbr.rel .LBB2_5-.Ltmp3, $2  }
0x26c: {  	_ =	sdelay $0x2  }
0x26d: {  	s19 =	stileid.u32  }
.Lfunc_end2:
_tile_overlayer_lowered:
.L_overlay_start_2:
0x26e: {  	(tag) =	ssettag $0x2  }
0x26f: {  	s0 =	rddreg [dreg:$0x0];
	s2 =	stileid.u32  }
0x270: {  	s1 =	rddreg [dreg:$0x1];
	p0 =	sne.s32 s2, $0x0  }
0x271: {  	s3 =	rddreg [dreg:$0x2];
	[bflag:$0x3] =	sbarrier.arrive $0xFFFF;
	s2 =	simm.s32 @!p0 $0x1C04  }
0x272: {  	[timem:s3], [sflag:s2] =	dma.local @!p0 [hbm:s0], s1  }
0x273: {  	s0 =	simm.s32 @!p0 $0x4  }
0x274: {  	_ =	swait.ge @!p0 [sflag:s0], s1  }
0x275: {  	s1 =	ssub.s32 @!p0 $0x0, s1;
	[sflag:s0] =	ssyncset.done @!p0 $0x0  }
0x276: {  	[sflag:s0] =	ssyncadd.s32 @!p0 s1  }
0x277: {  	[bflag:$0x3] =	sbarrier.arrive $0xFFFF  }
0x278: {  	_ =	shalt  }

</sc_bundles>
